<compile_context>
chip_gen: v7x
topology: tpu7x:2x2x1
jax: 0.10.2.dev20260603
libtpu: 0.0.44.dev20260713+nightly
codegen_flags: <defaults>
</compile_context>

<pallas_src>
import functools

import jax
import jax.numpy as jnp
from jax import lax
from jax.experimental import pallas as pl
from jax.experimental.pallas import tpu as pltpu
from jax.experimental.pallas import tpu_sc as plsc

N_NODES = 10000
N_EDGES = 320000
D_IN = 128
H1 = 64
H2 = 32
C_OUT = 2

NC = 2
NS = 16
NW = NC * NS
CHUNK = 128
TOTAL_CHUNKS = N_EDGES // CHUNK
NBUF = 4
GROUPS = TOTAL_CHUNKS // NBUF
G0 = 312
NCMAX = NBUF * (max(G0, GROUPS - G0) // NS + 1)
NPAD = 10112
ROWS_PER_TILE = NPAD // NS


def _tile_groups(c, s):
    g1 = GROUPS - G0
    q0, r0 = divmod(G0, NS)
    q1, r1 = divmod(g1, NS)
    n = jnp.where(c == 0, q0 + (s < r0).astype(jnp.int32),
                  q1 + (s < r1).astype(jnp.int32))
    start = jnp.where(
        c == 0,
        s * q0 + jnp.minimum(s, r0),
        G0 + s * q1 + jnp.minimum(s, r1),
    )
    return start, n


def _copy_spmem_slice_to_hbm(acc, out_c, vbuf, base):
    done = 0
    while done < ROWS_PER_TILE:
        n = min(CHUNK, ROWS_PER_TILE - done)
        off = base + done
        pltpu.sync_copy(acc.at[pl.ds(off, n)], vbuf.at[pl.ds(0, n)])
        pltpu.sync_copy(vbuf.at[pl.ds(0, n)], out_c.at[pl.ds(off, n)])
        done += n


def _zero_spmem_slice(zeros_hbm, acc, vbuf, base):
    pltpu.sync_copy(zeros_hbm, vbuf)
    done = 0
    while done < ROWS_PER_TILE:
        n = min(CHUNK, ROWS_PER_TILE - done)
        pltpu.sync_copy(vbuf.at[pl.ds(0, n)], acc.at[pl.ds(base + done, n)])
        done += n


def _make_agg(H):
    mesh = plsc.VectorSubcoreMesh(core_axis_name="c", subcore_axis_name="s",
                                  num_cores=NC, num_subcores=NS)

    @functools.partial(
        pl.kernel,
        out_type=jax.ShapeDtypeStruct((NC, NPAD, H), jnp.float32),
        mesh=mesh,
        scratch_types=[
            pltpu.VMEM((NCMAX, 2, CHUNK), jnp.int32),
            [pltpu.VMEM((CHUNK, H), jnp.float32) for _ in range(NBUF)],
            pltpu.VMEM_SHARED((NPAD, H), jnp.float32),
            [pltpu.SemaphoreType.DMA for _ in range(NBUF)],
        ],
        compiler_params=pltpu.CompilerParams(use_tc_tiling_on_sc=False),
    )
    def agg(table, edge_i, zeros_hbm, out, eidx, bufs, acc, sems):
        c = lax.axis_index("c")
        s = lax.axis_index("s")
        base = s * ROWS_PER_TILE
        with jax.named_scope("agg_init"):
            _zero_spmem_slice(zeros_hbm, acc, bufs[0], base)
            gstart, gn = _tile_groups(c, s)
            n = gn * NBUF
            start = jnp.minimum(gstart * NBUF, TOTAL_CHUNKS - NCMAX)
            o = gstart * NBUF - start
            pltpu.sync_copy(edge_i.at[pl.ds(start, NCMAX)], eidx)
            plsc.subcore_barrier()

        with jax.named_scope("agg_loop"):
            for k in range(NBUF):
                pltpu.async_copy(table.at[eidx.at[o + k, 0]], bufs[k], sems[k])

            def body(g, carry):
                j = o + g * NBUF
                for k in range(NBUF):
                    pltpu.make_async_copy(table.at[eidx.at[j + k, 0]], bufs[k],
                                          sems[k]).wait()
                    pltpu.sync_copy(bufs[k], acc.at[eidx.at[j + k, 1]],
                                    add=True)

                    @pl.when(g * NBUF + k + NBUF < n)
                    def _():
                        pltpu.async_copy(table.at[eidx.at[j + k + NBUF, 0]],
                                         bufs[k], sems[k])

                return carry

            lax.fori_loop(0, gn, body, 0)
            plsc.subcore_barrier()
        with jax.named_scope("agg_out"):
            _copy_spmem_slice_to_hbm(acc, out.at[c], bufs[0], base)

    return agg


DEGW = 8


def _make_deg():
    mesh = plsc.VectorSubcoreMesh(core_axis_name="c", subcore_axis_name="s",
                                  num_cores=NC, num_subcores=NS)

    @functools.partial(
        pl.kernel,
        out_type=jax.ShapeDtypeStruct((NC, NPAD, DEGW), jnp.float32),
        mesh=mesh,
        scratch_types=[
            pltpu.VMEM((NCMAX, 2, CHUNK), jnp.int32),
            pltpu.VMEM((CHUNK, DEGW), jnp.float32),
            pltpu.VMEM((CHUNK, DEGW), jnp.float32),
            pltpu.VMEM_SHARED((NPAD, DEGW), jnp.float32),
        ],
        compiler_params=pltpu.CompilerParams(use_tc_tiling_on_sc=False),
    )
    def deg(edge_i, ones_hbm, zeros_hbm, out, eidx, ones_v, vbuf, acc):
        c = lax.axis_index("c")
        s = lax.axis_index("s")
        base = s * ROWS_PER_TILE
        _zero_spmem_slice(zeros_hbm, acc, vbuf, base)
        pltpu.sync_copy(ones_hbm, ones_v)
        gstart, gn = _tile_groups(c, s)
        start = jnp.minimum(gstart * NBUF, TOTAL_CHUNKS - NCMAX)
        o = gstart * NBUF - start
        pltpu.sync_copy(edge_i.at[pl.ds(start, NCMAX)], eidx)
        plsc.subcore_barrier()

        def body(j, carry):
            pltpu.sync_copy(ones_v, acc.at[eidx.at[o + j, 1]], add=True)
            return carry

        lax.fori_loop(0, gn * NBUF, body, 0)
        plsc.subcore_barrier()
        _copy_spmem_slice_to_hbm(acc, out.at[c], vbuf, base)

    return deg


_ROW2 = lambda shape: lax.broadcasted_iota(jnp.int32, shape, 0)


def _tc1_body(x_ref, w1_ref, degp_ref, hn1_ref, dinv_ref):
    deg = degp_ref[0, :, 0:1] + degp_ref[1, :, 0:1] + 1.0
    valid = _ROW2((NPAD, 1)) < N_NODES
    dinv = jnp.where(valid, lax.rsqrt(jnp.maximum(deg, 1e-12)), 0.0)
    h = jnp.dot(x_ref[...], w1_ref[...], preferred_element_type=jnp.float32)
    hn1_ref[...] = h * dinv
    dinv_ref[...] = dinv


def _bn_relu(conv, gamma, beta):
    valid = _ROW2(conv.shape) < N_NODES
    convm = jnp.where(valid, conv, 0.0)
    mean = jnp.sum(convm, axis=0, keepdims=True) / N_NODES
    dev = jnp.where(valid, conv - mean, 0.0)
    var = jnp.sum(dev * dev, axis=0, keepdims=True) / N_NODES
    y = (conv - mean) * lax.rsqrt(var + 1e-5) * gamma + beta
    return jnp.where(valid, jnp.maximum(y, 0.0), 0.0)


def _tc2_body(agg_ref, hn1_ref, dinv_ref, b1_ref, g1_ref, be1_ref, w2_ref,
              hn2_ref):
    dinv = dinv_ref[...]
    conv = (agg_ref[0] + agg_ref[1] + hn1_ref[...]) * dinv + b1_ref[...]
    y = _bn_relu(conv, g1_ref[...], be1_ref[...])
    h2 = jnp.dot(y, w2_ref[...], preferred_element_type=jnp.float32)
    hn2_ref[...] = h2 * dinv


def _tc3_body(agg_ref, hn2_ref, dinv_ref, b2_ref, g2_ref, be2_ref, wc_ref,
              bc_ref, out_ref):
    dinv = dinv_ref[...]
    conv = (agg_ref[0] + agg_ref[1] + hn2_ref[...]) * dinv + b2_ref[...]
    y = _bn_relu(conv, g2_ref[...], be2_ref[...])
    logits = jnp.dot(y, wc_ref[...], preferred_element_type=jnp.float32)
    logits = logits + bc_ref[...]
    m = jnp.max(logits, axis=1, keepdims=True)
    lse = jnp.log(jnp.sum(jnp.exp(logits - m), axis=1, keepdims=True)) + m
    out_ref[...] = logits - lse


_deg_call = _make_deg()
_agg64_call = _make_agg(H1)
_agg32_call = _make_agg(H2)

_tc1_call = pl.pallas_call(
    _tc1_body,
    out_shape=(
        jax.ShapeDtypeStruct((NPAD, H1), jnp.float32),
        jax.ShapeDtypeStruct((NPAD, 1), jnp.float32),
    ),
)

_tc2_call = pl.pallas_call(
    _tc2_body,
    out_shape=jax.ShapeDtypeStruct((NPAD, H2), jnp.float32),
)

_tc3_call = pl.pallas_call(
    _tc3_body,
    out_shape=jax.ShapeDtypeStruct((NPAD, C_OUT), jnp.float32),
)


def kernel(x, edge_index, W1, b1, gamma1, beta1, W2, b2, gamma2, beta2, Wc,
           bc):
    ei = jnp.transpose(edge_index.reshape(2, TOTAL_CHUNKS, CHUNK), (1, 0, 2))

    ones1 = jnp.ones((CHUNK, DEGW), jnp.float32)
    zeros1 = jnp.zeros((CHUNK, DEGW), jnp.float32)
    zeros64 = jnp.zeros((CHUNK, H1), jnp.float32)
    zeros32 = jnp.zeros((CHUNK, H2), jnp.float32)

    degp = _deg_call(ei, ones1, zeros1)

    xpad = jnp.pad(x, ((0, NPAD - N_NODES), (0, 0)))
    hn1, dinv = _tc1_call(xpad, W1, degp)

    agg1 = _agg64_call(hn1, ei, zeros64)
    hn2 = _tc2_call(agg1, hn1, dinv, b1.reshape(1, H1), gamma1.reshape(1, H1),
                    beta1.reshape(1, H1), W2)

    agg2 = _agg32_call(hn2, ei, zeros32)
    out = _tc3_call(agg2, hn2, dinv, b2.reshape(1, H2), gamma2.reshape(1, H2),
                    beta2.reshape(1, H2), Wc, bc.reshape(1, C_OUT))
    return out[:N_NODES]

# --- scband reference (transcript-rebuilt; emitter-appended) ---
"""Pipeline reference for scband-gcndetector-7172595384607 (READ-ONLY COPY).

The authoritative reference and input builder live on the scoring server;
editing this copy changes nothing except your own understanding.
"""

import jax, jax.numpy as jnp
import numpy as np

N = 10000
E = 320000
D = 128
H = 64
H2 = 32
C = 2


def setup_inputs(seed: int = 0):
    key = jax.random.key(seed)
    ks = jax.random.split(key, 8)
    x = jax.random.normal(ks[0], (N, D), dtype=jnp.float32)
    edge_index = jax.random.randint(ks[1], (2, E), 0, N, dtype=jnp.int32)
    W1 = jax.random.normal(ks[2], (D, H), dtype=jnp.float32) * (1.0 / np.sqrt(D))
    b1 = jax.random.normal(ks[3], (H,), dtype=jnp.float32) * 0.05
    gamma1 = jnp.ones((H,), dtype=jnp.float32)
    beta1 = jnp.zeros((H,), dtype=jnp.float32)
    W2 = jax.random.normal(ks[4], (H, H2), dtype=jnp.float32) * (1.0 / np.sqrt(H))
    b2 = jax.random.normal(ks[5], (H2,), dtype=jnp.float32) * 0.05
    gamma2 = jnp.ones((H2,), dtype=jnp.float32)
    beta2 = jnp.zeros((H2,), dtype=jnp.float32)
    Wc = jax.random.normal(ks[6], (H2, C), dtype=jnp.float32) * (1.0 / np.sqrt(H2))
    bc = jax.random.normal(ks[7], (C,), dtype=jnp.float32) * 0.05
    return {"x": x, "edge_index": edge_index, "W1": W1, "b1": b1, "gamma1": gamma1, "beta1": beta1, "W2": W2, "b2": b2, "gamma2": gamma2, "beta2": beta2, "Wc": Wc, "bc": bc}


def gcn_conv(x, edge_index, W, b):
    # PyG GCNConv: x' = D^{-1/2} (A + I) D^{-1/2} X W + b  (self-loops added)
    num_nodes = x.shape[0]
    src = edge_index[0]
    dst = edge_index[1]
    loop = jnp.arange(num_nodes, dtype=src.dtype)
    src = jnp.concatenate([src, loop])
    dst = jnp.concatenate([dst, loop])
    h = x @ W
    deg = jnp.zeros((num_nodes,), dtype=h.dtype).at[dst].add(1.0)
    deg_inv_sqrt = jnp.where(deg > 0, jax.lax.rsqrt(jnp.maximum(deg, 1e-12)), 0.0)
    norm = deg_inv_sqrt[src] * deg_inv_sqrt[dst]
    msg = h[src] * norm[:, None]
    out = jnp.zeros_like(h).at[dst].add(msg)
    return out + b


def batchnorm(x, gamma, beta, eps=1e-5):
    mean = jnp.mean(x, axis=0)
    var = jnp.mean((x - mean) ** 2, axis=0)
    return (x - mean) * jax.lax.rsqrt(var + eps) * gamma + beta


def reference(x, edge_index, W1, b1, gamma1, beta1, W2, b2, gamma2, beta2, Wc, bc):
    h = jax.nn.relu(batchnorm(gcn_conv(x, edge_index, W1, b1), gamma1, beta1))
    # dropout treated as identity (deterministic / eval behavior)
    h = jax.nn.relu(batchnorm(gcn_conv(h, edge_index, W2, b2), gamma2, beta2))
    logits = h @ Wc + bc
    return jax.nn.log_softmax(logits, axis=1)

if __name__ == "__main__":
    import jax
    _d = setup_inputs()
    print(jax.jit(kernel)(*tuple(_d.values())))

</pallas_src>

<mosaic_0001>
#map = affine_map<(d0, d1) -> (0, 0, 0)>
#map1 = affine_map<(d0, d1) -> (0, 0)>
module attributes {stable_mosaic.version = 14 : i64} {
  func.func @deg(%arg0: i32, %arg1: i32, %arg2: memref<2500x2x128xi32, #tpu.memory_space<hbm>>, %arg3: memref<128x8xf32, #tpu.memory_space<hbm>>, %arg4: memref<128x8xf32, #tpu.memory_space<hbm>>, %arg5: memref<2x10112x8xf32, #tpu.memory_space<hbm>>, %arg6: memref<80x2x128xi32, #tpu.memory_space<vmem>>, %arg7: memref<128x8xf32, #tpu.memory_space<vmem>>, %arg8: memref<128x8xf32, #tpu.memory_space<vmem>>, %arg9: memref<10112x8xf32, #tpu.memory_space<vmem_shared>>) attributes {dimension_semantics = [#tpu.dimension_semantics<core_parallel>, #tpu.dimension_semantics<subcore_parallel>], iteration_bounds = array<i64: 2, 16>, scalar_prefetch = 0 : i64, scratch_operands = 4 : i64, tpu.core_type = #tpu.core_type<sc_vector_subcore>, window_params = [{transform_indices = #map}, {transform_indices = #map1}, {transform_indices = #map1}, {transform_indices = #map}]} {
    %mul3A = arith.constant 632 : i32
    %mul3A_0 = arith.muli %arg1, %mul3A : i32
    "tpu.region"() ({
      %run_scoped3A = tpu.sem_alloc : memref<!tpu.dma_semaphore, #tpu.memory_space<semaphore_mem>>
      tpu.enqueue_dma source(%arg4 : memref<128x8xf32, #tpu.memory_space<hbm>>) target(%arg8 : memref<128x8xf32, #tpu.memory_space<vmem>>) target_semaphore(%run_scoped3A : memref<!tpu.dma_semaphore, #tpu.memory_space<semaphore_mem>>)
      tpu.wait_dma2 semaphore(%run_scoped3A : memref<!tpu.dma_semaphore, #tpu.memory_space<semaphore_mem>>) src(%arg4 : memref<128x8xf32, #tpu.memory_space<hbm>>) dst(%arg8 : memref<128x8xf32, #tpu.memory_space<vmem>>)
      tpu.yield
    }) : () -> ()
    %add3A = arith.constant 0 : i32
    %add3A_1 = arith.addi %mul3A_0, %add3A : i32
    "tpu.region"() ({
      %run_scoped3A = tpu.sem_alloc : memref<!tpu.dma_semaphore, #tpu.memory_space<semaphore_mem>>
      %dma_start3A = arith.constant 0 : i32
      %dma_start3A_61 = arith.constant 0 : i32
      %dma_start3A_62 = tpu.memref_slice %arg8[%dma_start3A, %dma_start3A_61] : memref<128x8xf32, #tpu.memory_space<vmem>> -> memref<128x8xf32, #tpu.memory_space<vmem>>
      %dma_start3A_63 = arith.constant 0 : i32
      %dma_start3A_64 = tpu.memref_slice %arg9[%add3A_1, %dma_start3A_63] : memref<10112x8xf32, #tpu.memory_space<vmem_shared>> -> memref<128x8xf32, #tpu.memory_space<vmem_shared>>
      %dma_start3A_65 = arith.constant 0 : i32
      %dma_start3A_66 = tpu.memref_slice %arg9[%add3A_1, %dma_start3A_65] : memref<10112x8xf32, #tpu.memory_space<vmem_shared>> -> memref<128x8xf32, #tpu.memory_space<vmem_shared>>
      %dma_start3A_67 = arith.constant 0 : i32
      %dma_start3A_68 = arith.constant 0 : i32
      %dma_start3A_69 = tpu.memref_slice %arg8[%dma_start3A_67, %dma_start3A_68] : memref<128x8xf32, #tpu.memory_space<vmem>> -> memref<128x8xf32, #tpu.memory_space<vmem>>
      tpu.enqueue_dma source(%dma_start3A_69 : memref<128x8xf32, #tpu.memory_space<vmem>>) target(%dma_start3A_66 : memref<128x8xf32, #tpu.memory_space<vmem_shared>>) target_semaphore(%run_scoped3A : memref<!tpu.dma_semaphore, #tpu.memory_space<semaphore_mem>>)
      %dma_wait3A = arith.constant 0 : i32
      %dma_wait3A_70 = arith.constant 0 : i32
      %dma_wait3A_71 = tpu.memref_slice %arg8[%dma_wait3A, %dma_wait3A_70] : memref<128x8xf32, #tpu.memory_space<vmem>> -> memref<128x8xf32, #tpu.memory_space<vmem>>
      %dma_wait3A_72 = arith.constant 0 : i32
      %dma_wait3A_73 = tpu.memref_slice %arg9[%add3A_1, %dma_wait3A_72] : memref<10112x8xf32, #tpu.memory_space<vmem_shared>> -> memref<128x8xf32, #tpu.memory_space<vmem_shared>>
      %dma_wait3A_74 = arith.constant 0 : i32
      %dma_wait3A_75 = tpu.memref_slice %arg9[%add3A_1, %dma_wait3A_74] : memref<10112x8xf32, #tpu.memory_space<vmem_shared>> -> memref<128x8xf32, #tpu.memory_space<vmem_shared>>
      %dma_wait3A_76 = arith.constant 0 : i32
      %dma_wait3A_77 = arith.constant 0 : i32
      %dma_wait3A_78 = tpu.memref_slice %arg8[%dma_wait3A_76, %dma_wait3A_77] : memref<128x8xf32, #tpu.memory_space<vmem>> -> memref<128x8xf32, #tpu.memory_space<vmem>>
      tpu.wait_dma2 semaphore(%run_scoped3A : memref<!tpu.dma_semaphore, #tpu.memory_space<semaphore_mem>>) src(%dma_wait3A_78 : memref<128x8xf32, #tpu.memory_space<vmem>>) dst(%dma_wait3A_75 : memref<128x8xf32, #tpu.memory_space<vmem_shared>>)
      tpu.yield
    }) : () -> ()
    %add3A_2 = arith.constant 128 : i32
    %add3A_3 = arith.addi %mul3A_0, %add3A_2 : i32
    "tpu.region"() ({
      %run_scoped3A = tpu.sem_alloc : memref<!tpu.dma_semaphore, #tpu.memory_space<semaphore_mem>>
      %dma_start3A = arith.constant 0 : i32
      %dma_start3A_61 = arith.constant 0 : i32
      %dma_start3A_62 = tpu.memref_slice %arg8[%dma_start3A, %dma_start3A_61] : memref<128x8xf32, #tpu.memory_space<vmem>> -> memref<128x8xf32, #tpu.memory_space<vmem>>
      %dma_start3A_63 = arith.constant 0 : i32
      %dma_start3A_64 = tpu.memref_slice %arg9[%add3A_3, %dma_start3A_63] : memref<10112x8xf32, #tpu.memory_space<vmem_shared>> -> memref<128x8xf32, #tpu.memory_space<vmem_shared>>
      %dma_start3A_65 = arith.constant 0 : i32
      %dma_start3A_66 = tpu.memref_slice %arg9[%add3A_3, %dma_start3A_65] : memref<10112x8xf32, #tpu.memory_space<vmem_shared>> -> memref<128x8xf32, #tpu.memory_space<vmem_shared>>
      %dma_start3A_67 = arith.constant 0 : i32
      %dma_start3A_68 = arith.constant 0 : i32
      %dma_start3A_69 = tpu.memref_slice %arg8[%dma_start3A_67, %dma_start3A_68] : memref<128x8xf32, #tpu.memory_space<vmem>> -> memref<128x8xf32, #tpu.memory_space<vmem>>
      tpu.enqueue_dma source(%dma_start3A_69 : memref<128x8xf32, #tpu.memory_space<vmem>>) target(%dma_start3A_66 : memref<128x8xf32, #tpu.memory_space<vmem_shared>>) target_semaphore(%run_scoped3A : memref<!tpu.dma_semaphore, #tpu.memory_space<semaphore_mem>>)
      %dma_wait3A = arith.constant 0 : i32
      %dma_wait3A_70 = arith.constant 0 : i32
      %dma_wait3A_71 = tpu.memref_slice %arg8[%dma_wait3A, %dma_wait3A_70] : memref<128x8xf32, #tpu.memory_space<vmem>> -> memref<128x8xf32, #tpu.memory_space<vmem>>
      %dma_wait3A_72 = arith.constant 0 : i32
      %dma_wait3A_73 = tpu.memref_slice %arg9[%add3A_3, %dma_wait3A_72] : memref<10112x8xf32, #tpu.memory_space<vmem_shared>> -> memref<128x8xf32, #tpu.memory_space<vmem_shared>>
      %dma_wait3A_74 = arith.constant 0 : i32
      %dma_wait3A_75 = tpu.memref_slice %arg9[%add3A_3, %dma_wait3A_74] : memref<10112x8xf32, #tpu.memory_space<vmem_shared>> -> memref<128x8xf32, #tpu.memory_space<vmem_shared>>
      %dma_wait3A_76 = arith.constant 0 : i32
      %dma_wait3A_77 = arith.constant 0 : i32
      %dma_wait3A_78 = tpu.memref_slice %arg8[%dma_wait3A_76, %dma_wait3A_77] : memref<128x8xf32, #tpu.memory_space<vmem>> -> memref<128x8xf32, #tpu.memory_space<vmem>>
      tpu.wait_dma2 semaphore(%run_scoped3A : memref<!tpu.dma_semaphore, #tpu.memory_space<semaphore_mem>>) src(%dma_wait3A_78 : memref<128x8xf32, #tpu.memory_space<vmem>>) dst(%dma_wait3A_75 : memref<128x8xf32, #tpu.memory_space<vmem_shared>>)
      tpu.yield
    }) : () -> ()
    %add3A_4 = arith.constant 256 : i32
    %add3A_5 = arith.addi %mul3A_0, %add3A_4 : i32
    "tpu.region"() ({
      %run_scoped3A = tpu.sem_alloc : memref<!tpu.dma_semaphore, #tpu.memory_space<semaphore_mem>>
      %dma_start3A = arith.constant 0 : i32
      %dma_start3A_61 = arith.constant 0 : i32
      %dma_start3A_62 = tpu.memref_slice %arg8[%dma_start3A, %dma_start3A_61] : memref<128x8xf32, #tpu.memory_space<vmem>> -> memref<128x8xf32, #tpu.memory_space<vmem>>
      %dma_start3A_63 = arith.constant 0 : i32
      %dma_start3A_64 = tpu.memref_slice %arg9[%add3A_5, %dma_start3A_63] : memref<10112x8xf32, #tpu.memory_space<vmem_shared>> -> memref<128x8xf32, #tpu.memory_space<vmem_shared>>
      %dma_start3A_65 = arith.constant 0 : i32
      %dma_start3A_66 = tpu.memref_slice %arg9[%add3A_5, %dma_start3A_65] : memref<10112x8xf32, #tpu.memory_space<vmem_shared>> -> memref<128x8xf32, #tpu.memory_space<vmem_shared>>
      %dma_start3A_67 = arith.constant 0 : i32
      %dma_start3A_68 = arith.constant 0 : i32
      %dma_start3A_69 = tpu.memref_slice %arg8[%dma_start3A_67, %dma_start3A_68] : memref<128x8xf32, #tpu.memory_space<vmem>> -> memref<128x8xf32, #tpu.memory_space<vmem>>
      tpu.enqueue_dma source(%dma_start3A_69 : memref<128x8xf32, #tpu.memory_space<vmem>>) target(%dma_start3A_66 : memref<128x8xf32, #tpu.memory_space<vmem_shared>>) target_semaphore(%run_scoped3A : memref<!tpu.dma_semaphore, #tpu.memory_space<semaphore_mem>>)
      %dma_wait3A = arith.constant 0 : i32
      %dma_wait3A_70 = arith.constant 0 : i32
      %dma_wait3A_71 = tpu.memref_slice %arg8[%dma_wait3A, %dma_wait3A_70] : memref<128x8xf32, #tpu.memory_space<vmem>> -> memref<128x8xf32, #tpu.memory_space<vmem>>
      %dma_wait3A_72 = arith.constant 0 : i32
      %dma_wait3A_73 = tpu.memref_slice %arg9[%add3A_5, %dma_wait3A_72] : memref<10112x8xf32, #tpu.memory_space<vmem_shared>> -> memref<128x8xf32, #tpu.memory_space<vmem_shared>>
      %dma_wait3A_74 = arith.constant 0 : i32
      %dma_wait3A_75 = tpu.memref_slice %arg9[%add3A_5, %dma_wait3A_74] : memref<10112x8xf32, #tpu.memory_space<vmem_shared>> -> memref<128x8xf32, #tpu.memory_space<vmem_shared>>
      %dma_wait3A_76 = arith.constant 0 : i32
      %dma_wait3A_77 = arith.constant 0 : i32
      %dma_wait3A_78 = tpu.memref_slice %arg8[%dma_wait3A_76, %dma_wait3A_77] : memref<128x8xf32, #tpu.memory_space<vmem>> -> memref<128x8xf32, #tpu.memory_space<vmem>>
      tpu.wait_dma2 semaphore(%run_scoped3A : memref<!tpu.dma_semaphore, #tpu.memory_space<semaphore_mem>>) src(%dma_wait3A_78 : memref<128x8xf32, #tpu.memory_space<vmem>>) dst(%dma_wait3A_75 : memref<128x8xf32, #tpu.memory_space<vmem_shared>>)
      tpu.yield
    }) : () -> ()
    %add3A_6 = arith.constant 384 : i32
    %add3A_7 = arith.addi %mul3A_0, %add3A_6 : i32
    "tpu.region"() ({
      %run_scoped3A = tpu.sem_alloc : memref<!tpu.dma_semaphore, #tpu.memory_space<semaphore_mem>>
      %dma_start3A = arith.constant 0 : i32
      %dma_start3A_61 = arith.constant 0 : i32
      %dma_start3A_62 = tpu.memref_slice %arg8[%dma_start3A, %dma_start3A_61] : memref<128x8xf32, #tpu.memory_space<vmem>> -> memref<128x8xf32, #tpu.memory_space<vmem>>
      %dma_start3A_63 = arith.constant 0 : i32
      %dma_start3A_64 = tpu.memref_slice %arg9[%add3A_7, %dma_start3A_63] : memref<10112x8xf32, #tpu.memory_space<vmem_shared>> -> memref<128x8xf32, #tpu.memory_space<vmem_shared>>
      %dma_start3A_65 = arith.constant 0 : i32
      %dma_start3A_66 = tpu.memref_slice %arg9[%add3A_7, %dma_start3A_65] : memref<10112x8xf32, #tpu.memory_space<vmem_shared>> -> memref<128x8xf32, #tpu.memory_space<vmem_shared>>
      %dma_start3A_67 = arith.constant 0 : i32
      %dma_start3A_68 = arith.constant 0 : i32
      %dma_start3A_69 = tpu.memref_slice %arg8[%dma_start3A_67, %dma_start3A_68] : memref<128x8xf32, #tpu.memory_space<vmem>> -> memref<128x8xf32, #tpu.memory_space<vmem>>
      tpu.enqueue_dma source(%dma_start3A_69 : memref<128x8xf32, #tpu.memory_space<vmem>>) target(%dma_start3A_66 : memref<128x8xf32, #tpu.memory_space<vmem_shared>>) target_semaphore(%run_scoped3A : memref<!tpu.dma_semaphore, #tpu.memory_space<semaphore_mem>>)
      %dma_wait3A = arith.constant 0 : i32
      %dma_wait3A_70 = arith.constant 0 : i32
      %dma_wait3A_71 = tpu.memref_slice %arg8[%dma_wait3A, %dma_wait3A_70] : memref<128x8xf32, #tpu.memory_space<vmem>> -> memref<128x8xf32, #tpu.memory_space<vmem>>
      %dma_wait3A_72 = arith.constant 0 : i32
      %dma_wait3A_73 = tpu.memref_slice %arg9[%add3A_7, %dma_wait3A_72] : memref<10112x8xf32, #tpu.memory_space<vmem_shared>> -> memref<128x8xf32, #tpu.memory_space<vmem_shared>>
      %dma_wait3A_74 = arith.constant 0 : i32
      %dma_wait3A_75 = tpu.memref_slice %arg9[%add3A_7, %dma_wait3A_74] : memref<10112x8xf32, #tpu.memory_space<vmem_shared>> -> memref<128x8xf32, #tpu.memory_space<vmem_shared>>
      %dma_wait3A_76 = arith.constant 0 : i32
      %dma_wait3A_77 = arith.constant 0 : i32
      %dma_wait3A_78 = tpu.memref_slice %arg8[%dma_wait3A_76, %dma_wait3A_77] : memref<128x8xf32, #tpu.memory_space<vmem>> -> memref<128x8xf32, #tpu.memory_space<vmem>>
      tpu.wait_dma2 semaphore(%run_scoped3A : memref<!tpu.dma_semaphore, #tpu.memory_space<semaphore_mem>>) src(%dma_wait3A_78 : memref<128x8xf32, #tpu.memory_space<vmem>>) dst(%dma_wait3A_75 : memref<128x8xf32, #tpu.memory_space<vmem_shared>>)
      tpu.yield
    }) : () -> ()
    %add3A_8 = arith.constant 512 : i32
    %add3A_9 = arith.addi %mul3A_0, %add3A_8 : i32
    "tpu.region"() ({
      %run_scoped3A = tpu.sem_alloc : memref<!tpu.dma_semaphore, #tpu.memory_space<semaphore_mem>>
      %dma_start3A = arith.constant 0 : i32
      %dma_start3A_61 = arith.constant 0 : i32
      %dma_start3A_62 = tpu.memref_slice %arg8[%dma_start3A, %dma_start3A_61] : memref<128x8xf32, #tpu.memory_space<vmem>> -> memref<120x8xf32, #tpu.memory_space<vmem>>
      %dma_start3A_63 = arith.constant 0 : i32
      %dma_start3A_64 = tpu.memref_slice %arg9[%add3A_9, %dma_start3A_63] : memref<10112x8xf32, #tpu.memory_space<vmem_shared>> -> memref<120x8xf32, #tpu.memory_space<vmem_shared>>
      %dma_start3A_65 = arith.constant 0 : i32
      %dma_start3A_66 = tpu.memref_slice %arg9[%add3A_9, %dma_start3A_65] : memref<10112x8xf32, #tpu.memory_space<vmem_shared>> -> memref<120x8xf32, #tpu.memory_space<vmem_shared>>
      %dma_start3A_67 = arith.constant 0 : i32
      %dma_start3A_68 = arith.constant 0 : i32
      %dma_start3A_69 = tpu.memref_slice %arg8[%dma_start3A_67, %dma_start3A_68] : memref<128x8xf32, #tpu.memory_space<vmem>> -> memref<120x8xf32, #tpu.memory_space<vmem>>
      tpu.enqueue_dma source(%dma_start3A_69 : memref<120x8xf32, #tpu.memory_space<vmem>>) target(%dma_start3A_66 : memref<120x8xf32, #tpu.memory_space<vmem_shared>>) target_semaphore(%run_scoped3A : memref<!tpu.dma_semaphore, #tpu.memory_space<semaphore_mem>>)
      %dma_wait3A = arith.constant 0 : i32
      %dma_wait3A_70 = arith.constant 0 : i32
      %dma_wait3A_71 = tpu.memref_slice %arg8[%dma_wait3A, %dma_wait3A_70] : memref<128x8xf32, #tpu.memory_space<vmem>> -> memref<120x8xf32, #tpu.memory_space<vmem>>
      %dma_wait3A_72 = arith.constant 0 : i32
      %dma_wait3A_73 = tpu.memref_slice %arg9[%add3A_9, %dma_wait3A_72] : memref<10112x8xf32, #tpu.memory_space<vmem_shared>> -> memref<120x8xf32, #tpu.memory_space<vmem_shared>>
      %dma_wait3A_74 = arith.constant 0 : i32
      %dma_wait3A_75 = tpu.memref_slice %arg9[%add3A_9, %dma_wait3A_74] : memref<10112x8xf32, #tpu.memory_space<vmem_shared>> -> memref<120x8xf32, #tpu.memory_space<vmem_shared>>
      %dma_wait3A_76 = arith.constant 0 : i32
      %dma_wait3A_77 = arith.constant 0 : i32
      %dma_wait3A_78 = tpu.memref_slice %arg8[%dma_wait3A_76, %dma_wait3A_77] : memref<128x8xf32, #tpu.memory_space<vmem>> -> memref<120x8xf32, #tpu.memory_space<vmem>>
      tpu.wait_dma2 semaphore(%run_scoped3A : memref<!tpu.dma_semaphore, #tpu.memory_space<semaphore_mem>>) src(%dma_wait3A_78 : memref<120x8xf32, #tpu.memory_space<vmem>>) dst(%dma_wait3A_75 : memref<120x8xf32, #tpu.memory_space<vmem_shared>>)
      tpu.yield
    }) : () -> ()
    "tpu.region"() ({
      %run_scoped3A = tpu.sem_alloc : memref<!tpu.dma_semaphore, #tpu.memory_space<semaphore_mem>>
      tpu.enqueue_dma source(%arg3 : memref<128x8xf32, #tpu.memory_space<hbm>>) target(%arg7 : memref<128x8xf32, #tpu.memory_space<vmem>>) target_semaphore(%run_scoped3A : memref<!tpu.dma_semaphore, #tpu.memory_space<semaphore_mem>>)
      tpu.wait_dma2 semaphore(%run_scoped3A : memref<!tpu.dma_semaphore, #tpu.memory_space<semaphore_mem>>) src(%arg3 : memref<128x8xf32, #tpu.memory_space<hbm>>) dst(%arg7 : memref<128x8xf32, #tpu.memory_space<vmem>>)
      tpu.yield
    }) : () -> ()
    %eq3A = arith.constant 0 : i32
    %eq3A_10 = arith.cmpi eq, %arg0, %eq3A : i32
    %lt3A = arith.constant 8 : i32
    %lt3A_11 = arith.cmpi slt, %arg1, %lt3A : i32
    %convert_element_type3A = arith.extui %lt3A_11 : i1 to i32
    %add3A_12 = arith.constant 19 : i32
    %add3A_13 = arith.addi %add3A_12, %convert_element_type3A : i32
    %lt3A_14 = arith.constant 9 : i32
    %lt3A_15 = arith.cmpi slt, %arg1, %lt3A_14 : i32
    %convert_element_type3A_16 = arith.extui %lt3A_15 : i1 to i32
    %add3A_17 = arith.constant 19 : i32
    %add3A_18 = arith.addi %add3A_17, %convert_element_type3A_16 : i32
    %select_n3A = arith.select %eq3A_10, %add3A_13, %add3A_18 : i32
    %eq3A_19 = arith.constant 0 : i32
    %eq3A_20 = arith.cmpi eq, %arg0, %eq3A_19 : i32
    %mul3A_21 = arith.constant 19 : i32
    %mul3A_22 = arith.muli %arg1, %mul3A_21 : i32
    %min3A = arith.constant 8 : i32
    %min3A_23 = arith.minsi %arg1, %min3A : i32
    %add3A_24 = arith.addi %mul3A_22, %min3A_23 : i32
    %mul3A_25 = arith.constant 19 : i32
    %mul3A_26 = arith.muli %arg1, %mul3A_25 : i32
    %add3A_27 = arith.constant 312 : i32
    %add3A_28 = arith.addi %add3A_27, %mul3A_26 : i32
    %min3A_29 = arith.constant 9 : i32
    %min3A_30 = arith.minsi %arg1, %min3A_29 : i32
    %add3A_31 = arith.addi %add3A_28, %min3A_30 : i32
    %select_n3A_32 = arith.select %eq3A_20, %add3A_24, %add3A_31 : i32
    %mul3A_33 = arith.constant 4 : i32
    %mul3A_34 = arith.muli %select_n3A_32, %mul3A_33 : i32
    %min3A_35 = arith.constant 2420 : i32
    %min3A_36 = arith.minsi %mul3A_34, %min3A_35 : i32
    %mul3A_37 = arith.constant 4 : i32
    %mul3A_38 = arith.muli %select_n3A_32, %mul3A_37 : i32
    %sub3A = arith.subi %mul3A_38, %min3A_36 : i32
    "tpu.region"() ({
      %run_scoped3A = tpu.sem_alloc : memref<!tpu.dma_semaphore, #tpu.memory_space<semaphore_mem>>
      %dma_start3A = arith.constant 0 : i32
      %dma_start3A_61 = arith.constant 0 : i32
      %dma_start3A_62 = tpu.memref_slice %arg2[%min3A_36, %dma_start3A, %dma_start3A_61] : memref<2500x2x128xi32, #tpu.memory_space<hbm>> -> memref<80x2x128xi32, #tpu.memory_space<hbm>>
      %dma_start3A_63 = arith.constant 0 : i32
      %dma_start3A_64 = arith.constant 0 : i32
      %dma_start3A_65 = tpu.memref_slice %arg2[%min3A_36, %dma_start3A_63, %dma_start3A_64] : memref<2500x2x128xi32, #tpu.memory_space<hbm>> -> memref<80x2x128xi32, #tpu.memory_space<hbm>>
      tpu.enqueue_dma source(%dma_start3A_65 : memref<80x2x128xi32, #tpu.memory_space<hbm>>) target(%arg6 : memref<80x2x128xi32, #tpu.memory_space<vmem>>) target_semaphore(%run_scoped3A : memref<!tpu.dma_semaphore, #tpu.memory_space<semaphore_mem>>)
      %dma_wait3A = arith.constant 0 : i32
      %dma_wait3A_66 = arith.constant 0 : i32
      %dma_wait3A_67 = tpu.memref_slice %arg2[%min3A_36, %dma_wait3A, %dma_wait3A_66] : memref<2500x2x128xi32, #tpu.memory_space<hbm>> -> memref<80x2x128xi32, #tpu.memory_space<hbm>>
      %dma_wait3A_68 = arith.constant 0 : i32
      %dma_wait3A_69 = arith.constant 0 : i32
      %dma_wait3A_70 = tpu.memref_slice %arg2[%min3A_36, %dma_wait3A_68, %dma_wait3A_69] : memref<2500x2x128xi32, #tpu.memory_space<hbm>> -> memref<80x2x128xi32, #tpu.memory_space<hbm>>
      tpu.wait_dma2 semaphore(%run_scoped3A : memref<!tpu.dma_semaphore, #tpu.memory_space<semaphore_mem>>) src(%dma_wait3A_70 : memref<80x2x128xi32, #tpu.memory_space<hbm>>) dst(%arg6 : memref<80x2x128xi32, #tpu.memory_space<vmem>>)
      tpu.yield
    }) : () -> ()
    %barrier3A = arith.constant 0 : index
    tpu.barrier barrier_id(%barrier3A)
    %mul3A_39 = arith.constant 4 : i32
    %mul3A_40 = arith.muli %select_n3A, %mul3A_39 : i32
    %while3A = arith.constant 0 : i32
    %while3A_41 = arith.constant 0 : i32
    %while3A_42 = arith.subi %mul3A_40, %while3A_41 : i32
    %while3A_43 = arith.addi %while3A_41, %while3A_42 : i32
    %while3A_44 = arith.constant 1 : i32
    %while3A_45 = arith.divsi %while3A_42, %while3A_44 : i32
    %while3A_46 = arith.muli %while3A_45, %while3A_44 : i32
    %while3A_47 = arith.addi %while3A_41, %while3A_46 : i32
    %while3A_48 = arith.constant 1 : i32
    scf.for %while3A_61 = %while3A_41 to %while3A_47 step %while3A_48  : i32 {
      %add3A_62 = arith.addi %sub3A, %while3A_61 : i32
      %run_scoped3A = arith.constant 1 : i32
      "tpu.region"() ({
        %run_scoped3A_63 = tpu.sem_alloc : memref<!tpu.dma_semaphore, #tpu.memory_space<semaphore_mem>>
        %dma_start3A = arith.constant 0 : i32
        %dma_start3A_64 = tpu.memref_slice %arg6[%add3A_62, %run_scoped3A, %dma_start3A] : memref<80x2x128xi32, #tpu.memory_space<vmem>> -> memref<1x1x128xi32, #tpu.memory_space<vmem>>
        %dma_start3A_65 = tpu.memref_squeeze %dma_start3A_64 : memref<1x1x128xi32, #tpu.memory_space<vmem>> -> memref<128xi32, #tpu.memory_space<vmem>>
        %dma_start3A_66 = arith.constant 0 : i32
        %dma_start3A_67 = arith.constant 0 : i32
        %dma_start3A_68 = tpu.memref_slice %arg9[%dma_start3A_66, %dma_start3A_67] : memref<10112x8xf32, #tpu.memory_space<vmem_shared>> -> memref<10112x8xf32, #tpu.memory_space<vmem_shared>>
        tpu.enqueue_indirect_dma source(%arg7 : memref<128x8xf32, #tpu.memory_space<vmem>>) target(%dma_start3A_68 : memref<10112x8xf32, #tpu.memory_space<vmem_shared>>) offsets(%dma_start3A_65 : memref<128xi32, #tpu.memory_space<vmem>>) semaphore(%run_scoped3A_63 : memref<!tpu.dma_semaphore, #tpu.memory_space<semaphore_mem>>) {add = true}
        %dma_wait3A = arith.constant 0 : i32
        %dma_wait3A_69 = tpu.memref_slice %arg6[%add3A_62, %run_scoped3A, %dma_wait3A] : memref<80x2x128xi32, #tpu.memory_space<vmem>> -> memref<1x1x128xi32, #tpu.memory_space<vmem>>
        %dma_wait3A_70 = tpu.memref_squeeze %dma_wait3A_69 : memref<1x1x128xi32, #tpu.memory_space<vmem>> -> memref<128xi32, #tpu.memory_space<vmem>>
        %dma_wait3A_71 = arith.constant 0 : i32
        %dma_wait3A_72 = arith.constant 0 : i32
        %dma_wait3A_73 = tpu.memref_slice %arg9[%dma_wait3A_71, %dma_wait3A_72] : memref<10112x8xf32, #tpu.memory_space<vmem_shared>> -> memref<10112x8xf32, #tpu.memory_space<vmem_shared>>
        tpu.wait_indirect_dma semaphore(%run_scoped3A_63 : memref<!tpu.dma_semaphore, #tpu.memory_space<semaphore_mem>>) src(%arg7 : memref<128x8xf32, #tpu.memory_space<vmem>>) dst(%dma_wait3A_73 : memref<10112x8xf32, #tpu.memory_space<vmem_shared>>)
        tpu.yield
      }) : () -> ()
    }
    %while3A_49 = arith.constant 1 : i32
    scf.for %while3A_61 = %while3A_47 to %while3A_43 step %while3A_49  : i32 {
      %add3A_62 = arith.addi %sub3A, %while3A_61 : i32
      %run_scoped3A = arith.constant 1 : i32
      "tpu.region"() ({
        %run_scoped3A_63 = tpu.sem_alloc : memref<!tpu.dma_semaphore, #tpu.memory_space<semaphore_mem>>
        %dma_start3A = arith.constant 0 : i32
        %dma_start3A_64 = tpu.memref_slice %arg6[%add3A_62, %run_scoped3A, %dma_start3A] : memref<80x2x128xi32, #tpu.memory_space<vmem>> -> memref<1x1x128xi32, #tpu.memory_space<vmem>>
        %dma_start3A_65 = tpu.memref_squeeze %dma_start3A_64 : memref<1x1x128xi32, #tpu.memory_space<vmem>> -> memref<128xi32, #tpu.memory_space<vmem>>
        %dma_start3A_66 = arith.constant 0 : i32
        %dma_start3A_67 = arith.constant 0 : i32
        %dma_start3A_68 = tpu.memref_slice %arg9[%dma_start3A_66, %dma_start3A_67] : memref<10112x8xf32, #tpu.memory_space<vmem_shared>> -> memref<10112x8xf32, #tpu.memory_space<vmem_shared>>
        tpu.enqueue_indirect_dma source(%arg7 : memref<128x8xf32, #tpu.memory_space<vmem>>) target(%dma_start3A_68 : memref<10112x8xf32, #tpu.memory_space<vmem_shared>>) offsets(%dma_start3A_65 : memref<128xi32, #tpu.memory_space<vmem>>) semaphore(%run_scoped3A_63 : memref<!tpu.dma_semaphore, #tpu.memory_space<semaphore_mem>>) {add = true}
        %dma_wait3A = arith.constant 0 : i32
        %dma_wait3A_69 = tpu.memref_slice %arg6[%add3A_62, %run_scoped3A, %dma_wait3A] : memref<80x2x128xi32, #tpu.memory_space<vmem>> -> memref<1x1x128xi32, #tpu.memory_space<vmem>>
        %dma_wait3A_70 = tpu.memref_squeeze %dma_wait3A_69 : memref<1x1x128xi32, #tpu.memory_space<vmem>> -> memref<128xi32, #tpu.memory_space<vmem>>
        %dma_wait3A_71 = arith.constant 0 : i32
        %dma_wait3A_72 = arith.constant 0 : i32
        %dma_wait3A_73 = tpu.memref_slice %arg9[%dma_wait3A_71, %dma_wait3A_72] : memref<10112x8xf32, #tpu.memory_space<vmem_shared>> -> memref<10112x8xf32, #tpu.memory_space<vmem_shared>>
        tpu.wait_indirect_dma semaphore(%run_scoped3A_63 : memref<!tpu.dma_semaphore, #tpu.memory_space<semaphore_mem>>) src(%arg7 : memref<128x8xf32, #tpu.memory_space<vmem>>) dst(%dma_wait3A_73 : memref<10112x8xf32, #tpu.memory_space<vmem_shared>>)
        tpu.yield
      }) : () -> ()
    }
    %barrier3A_50 = arith.constant 0 : index
    tpu.barrier barrier_id(%barrier3A_50)
    %add3A_51 = arith.constant 0 : i32
    %add3A_52 = arith.addi %mul3A_0, %add3A_51 : i32
    "tpu.region"() ({
      %run_scoped3A = tpu.sem_alloc : memref<!tpu.dma_semaphore, #tpu.memory_space<semaphore_mem>>
      %dma_start3A = arith.constant 0 : i32
      %dma_start3A_61 = arith.constant 0 : i32
      %dma_start3A_62 = tpu.memref_slice %arg8[%dma_start3A, %dma_start3A_61] : memref<128x8xf32, #tpu.memory_space<vmem>> -> memref<128x8xf32, #tpu.memory_space<vmem>>
      %dma_start3A_63 = arith.constant 0 : i32
      %dma_start3A_64 = tpu.memref_slice %arg9[%add3A_52, %dma_start3A_63] : memref<10112x8xf32, #tpu.memory_space<vmem_shared>> -> memref<128x8xf32, #tpu.memory_space<vmem_shared>>
      %dma_start3A_65 = arith.constant 0 : i32
      %dma_start3A_66 = arith.constant 0 : i32
      %dma_start3A_67 = tpu.memref_slice %arg8[%dma_start3A_65, %dma_start3A_66] : memref<128x8xf32, #tpu.memory_space<vmem>> -> memref<128x8xf32, #tpu.memory_space<vmem>>
      %dma_start3A_68 = arith.constant 0 : i32
      %dma_start3A_69 = tpu.memref_slice %arg9[%add3A_52, %dma_start3A_68] : memref<10112x8xf32, #tpu.memory_space<vmem_shared>> -> memref<128x8xf32, #tpu.memory_space<vmem_shared>>
      tpu.enqueue_dma source(%dma_start3A_69 : memref<128x8xf32, #tpu.memory_space<vmem_shared>>) target(%dma_start3A_67 : memref<128x8xf32, #tpu.memory_space<vmem>>) target_semaphore(%run_scoped3A : memref<!tpu.dma_semaphore, #tpu.memory_space<semaphore_mem>>)
      %dma_wait3A = arith.constant 0 : i32
      %dma_wait3A_70 = arith.constant 0 : i32
      %dma_wait3A_71 = tpu.memref_slice %arg8[%dma_wait3A, %dma_wait3A_70] : memref<128x8xf32, #tpu.memory_space<vmem>> -> memref<128x8xf32, #tpu.memory_space<vmem>>
      %dma_wait3A_72 = arith.constant 0 : i32
      %dma_wait3A_73 = tpu.memref_slice %arg9[%add3A_52, %dma_wait3A_72] : memref<10112x8xf32, #tpu.memory_space<vmem_shared>> -> memref<128x8xf32, #tpu.memory_space<vmem_shared>>
      %dma_wait3A_74 = arith.constant 0 : i32
      %dma_wait3A_75 = arith.constant 0 : i32
      %dma_wait3A_76 = tpu.memref_slice %arg8[%dma_wait3A_74, %dma_wait3A_75] : memref<128x8xf32, #tpu.memory_space<vmem>> -> memref<128x8xf32, #tpu.memory_space<vmem>>
      %dma_wait3A_77 = arith.constant 0 : i32
      %dma_wait3A_78 = tpu.memref_slice %arg9[%add3A_52, %dma_wait3A_77] : memref<10112x8xf32, #tpu.memory_space<vmem_shared>> -> memref<128x8xf32, #tpu.memory_space<vmem_shared>>
      tpu.wait_dma2 semaphore(%run_scoped3A : memref<!tpu.dma_semaphore, #tpu.memory_space<semaphore_mem>>) src(%dma_wait3A_78 : memref<128x8xf32, #tpu.memory_space<vmem_shared>>) dst(%dma_wait3A_76 : memref<128x8xf32, #tpu.memory_space<vmem>>)
      tpu.yield
    }) : () -> ()
    "tpu.region"() ({
      %run_scoped3A = tpu.sem_alloc : memref<!tpu.dma_semaphore, #tpu.memory_space<semaphore_mem>>
      %dma_start3A = arith.constant 0 : i32
      %dma_start3A_61 = arith.constant 0 : i32
      %dma_start3A_62 = tpu.memref_slice %arg8[%dma_start3A, %dma_start3A_61] : memref<128x8xf32, #tpu.memory_space<vmem>> -> memref<128x8xf32, #tpu.memory_space<vmem>>
      %dma_start3A_63 = arith.constant 0 : i32
      %dma_start3A_64 = arith.constant 0 : i32
      %dma_start3A_65 = tpu.memref_slice %arg5[%arg0, %dma_start3A_63, %dma_start3A_64] : memref<2x10112x8xf32, #tpu.memory_space<hbm>> -> memref<1x10112x8xf32, #tpu.memory_space<hbm>>
      %dma_start3A_66 = tpu.memref_squeeze %dma_start3A_65 : memref<1x10112x8xf32, #tpu.memory_space<hbm>> -> memref<10112x8xf32, #tpu.memory_space<hbm>>
      %dma_start3A_67 = arith.constant 0 : i32
      %dma_start3A_68 = tpu.memref_slice %dma_start3A_66[%add3A_52, %dma_start3A_67] : memref<10112x8xf32, #tpu.memory_space<hbm>> -> memref<128x8xf32, #tpu.memory_space<hbm>>
      %dma_start3A_69 = arith.constant 0 : i32
      %dma_start3A_70 = arith.constant 0 : i32
      %dma_start3A_71 = tpu.memref_slice %arg5[%arg0, %dma_start3A_69, %dma_start3A_70] : memref<2x10112x8xf32, #tpu.memory_space<hbm>> -> memref<1x10112x8xf32, #tpu.memory_space<hbm>>
      %dma_start3A_72 = tpu.memref_squeeze %dma_start3A_71 : memref<1x10112x8xf32, #tpu.memory_space<hbm>> -> memref<10112x8xf32, #tpu.memory_space<hbm>>
      %dma_start3A_73 = arith.constant 0 : i32
      %dma_start3A_74 = tpu.memref_slice %dma_start3A_72[%add3A_52, %dma_start3A_73] : memref<10112x8xf32, #tpu.memory_space<hbm>> -> memref<128x8xf32, #tpu.memory_space<hbm>>
      %dma_start3A_75 = arith.constant 0 : i32
      %dma_start3A_76 = arith.constant 0 : i32
      %dma_start3A_77 = tpu.memref_slice %arg8[%dma_start3A_75, %dma_start3A_76] : memref<128x8xf32, #tpu.memory_space<vmem>> -> memref<128x8xf32, #tpu.memory_space<vmem>>
      tpu.enqueue_dma source(%dma_start3A_77 : memref<128x8xf32, #tpu.memory_space<vmem>>) target(%dma_start3A_74 : memref<128x8xf32, #tpu.memory_space<hbm>>) target_semaphore(%run_scoped3A : memref<!tpu.dma_semaphore, #tpu.memory_space<semaphore_mem>>)
      %dma_wait3A = arith.constant 0 : i32
      %dma_wait3A_78 = arith.constant 0 : i32
      %dma_wait3A_79 = tpu.memref_slice %arg8[%dma_wait3A, %dma_wait3A_78] : memref<128x8xf32, #tpu.memory_space<vmem>> -> memref<128x8xf32, #tpu.memory_space<vmem>>
      %dma_wait3A_80 = arith.constant 0 : i32
      %dma_wait3A_81 = arith.constant 0 : i32
      %dma_wait3A_82 = tpu.memref_slice %arg5[%arg0, %dma_wait3A_80, %dma_wait3A_81] : memref<2x10112x8xf32, #tpu.memory_space<hbm>> -> memref<1x10112x8xf32, #tpu.memory_space<hbm>>
      %dma_wait3A_83 = tpu.memref_squeeze %dma_wait3A_82 : memref<1x10112x8xf32, #tpu.memory_space<hbm>> -> memref<10112x8xf32, #tpu.memory_space<hbm>>
      %dma_wait3A_84 = arith.constant 0 : i32
      %dma_wait3A_85 = tpu.memref_slice %dma_wait3A_83[%add3A_52, %dma_wait3A_84] : memref<10112x8xf32, #tpu.memory_space<hbm>> -> memref<128x8xf32, #tpu.memory_space<hbm>>
      %dma_wait3A_86 = arith.constant 0 : i32
      %dma_wait3A_87 = arith.constant 0 : i32
      %dma_wait3A_88 = tpu.memref_slice %arg5[%arg0, %dma_wait3A_86, %dma_wait3A_87] : memref<2x10112x8xf32, #tpu.memory_space<hbm>> -> memref<1x10112x8xf32, #tpu.memory_space<hbm>>
      %dma_wait3A_89 = tpu.memref_squeeze %dma_wait3A_88 : memref<1x10112x8xf32, #tpu.memory_space<hbm>> -> memref<10112x8xf32, #tpu.memory_space<hbm>>
      %dma_wait3A_90 = arith.constant 0 : i32
      %dma_wait3A_91 = tpu.memref_slice %dma_wait3A_89[%add3A_52, %dma_wait3A_90] : memref<10112x8xf32, #tpu.memory_space<hbm>> -> memref<128x8xf32, #tpu.memory_space<hbm>>
      %dma_wait3A_92 = arith.constant 0 : i32
      %dma_wait3A_93 = arith.constant 0 : i32
      %dma_wait3A_94 = tpu.memref_slice %arg8[%dma_wait3A_92, %dma_wait3A_93] : memref<128x8xf32, #tpu.memory_space<vmem>> -> memref<128x8xf32, #tpu.memory_space<vmem>>
      tpu.wait_dma2 semaphore(%run_scoped3A : memref<!tpu.dma_semaphore, #tpu.memory_space<semaphore_mem>>) src(%dma_wait3A_94 : memref<128x8xf32, #tpu.memory_space<vmem>>) dst(%dma_wait3A_91 : memref<128x8xf32, #tpu.memory_space<hbm>>)
      tpu.yield
    }) : () -> ()
    %add3A_53 = arith.constant 128 : i32
    %add3A_54 = arith.addi %mul3A_0, %add3A_53 : i32
    "tpu.region"() ({
      %run_scoped3A = tpu.sem_alloc : memref<!tpu.dma_semaphore, #tpu.memory_space<semaphore_mem>>
      %dma_start3A = arith.constant 0 : i32
      %dma_start3A_61 = arith.constant 0 : i32
      %dma_start3A_62 = tpu.memref_slice %arg8[%dma_start3A, %dma_start3A_61] : memref<128x8xf32, #tpu.memory_space<vmem>> -> memref<128x8xf32, #tpu.memory_space<vmem>>
      %dma_start3A_63 = arith.constant 0 : i32
      %dma_start3A_64 = tpu.memref_slice %arg9[%add3A_54, %dma_start3A_63] : memref<10112x8xf32, #tpu.memory_space<vmem_shared>> -> memref<128x8xf32, #tpu.memory_space<vmem_shared>>
      %dma_start3A_65 = arith.constant 0 : i32
      %dma_start3A_66 = arith.constant 0 : i32
      %dma_start3A_67 = tpu.memref_slice %arg8[%dma_start3A_65, %dma_start3A_66] : memref<128x8xf32, #tpu.memory_space<vmem>> -> memref<128x8xf32, #tpu.memory_space<vmem>>
      %dma_start3A_68 = arith.constant 0 : i32
      %dma_start3A_69 = tpu.memref_slice %arg9[%add3A_54, %dma_start3A_68] : memref<10112x8xf32, #tpu.memory_space<vmem_shared>> -> memref<128x8xf32, #tpu.memory_space<vmem_shared>>
      tpu.enqueue_dma source(%dma_start3A_69 : memref<128x8xf32, #tpu.memory_space<vmem_shared>>) target(%dma_start3A_67 : memref<128x8xf32, #tpu.memory_space<vmem>>) target_semaphore(%run_scoped3A : memref<!tpu.dma_semaphore, #tpu.memory_space<semaphore_mem>>)
      %dma_wait3A = arith.constant 0 : i32
      %dma_wait3A_70 = arith.constant 0 : i32
      %dma_wait3A_71 = tpu.memref_slice %arg8[%dma_wait3A, %dma_wait3A_70] : memref<128x8xf32, #tpu.memory_space<vmem>> -> memref<128x8xf32, #tpu.memory_space<vmem>>
      %dma_wait3A_72 = arith.constant 0 : i32
      %dma_wait3A_73 = tpu.memref_slice %arg9[%add3A_54, %dma_wait3A_72] : memref<10112x8xf32, #tpu.memory_space<vmem_shared>> -> memref<128x8xf32, #tpu.memory_space<vmem_shared>>
      %dma_wait3A_74 = arith.constant 0 : i32
      %dma_wait3A_75 = arith.constant 0 : i32
      %dma_wait3A_76 = tpu.memref_slice %arg8[%dma_wait3A_74, %dma_wait3A_75] : memref<128x8xf32, #tpu.memory_space<vmem>> -> memref<128x8xf32, #tpu.memory_space<vmem>>
      %dma_wait3A_77 = arith.constant 0 : i32
      %dma_wait3A_78 = tpu.memref_slice %arg9[%add3A_54, %dma_wait3A_77] : memref<10112x8xf32, #tpu.memory_space<vmem_shared>> -> memref<128x8xf32, #tpu.memory_space<vmem_shared>>
      tpu.wait_dma2 semaphore(%run_scoped3A : memref<!tpu.dma_semaphore, #tpu.memory_space<semaphore_mem>>) src(%dma_wait3A_78 : memref<128x8xf32, #tpu.memory_space<vmem_shared>>) dst(%dma_wait3A_76 : memref<128x8xf32, #tpu.memory_space<vmem>>)
      tpu.yield
    }) : () -> ()
    "tpu.region"() ({
      %run_scoped3A = tpu.sem_alloc : memref<!tpu.dma_semaphore, #tpu.memory_space<semaphore_mem>>
      %dma_start3A = arith.constant 0 : i32
      %dma_start3A_61 = arith.constant 0 : i32
      %dma_start3A_62 = tpu.memref_slice %arg8[%dma_start3A, %dma_start3A_61] : memref<128x8xf32, #tpu.memory_space<vmem>> -> memref<128x8xf32, #tpu.memory_space<vmem>>
      %dma_start3A_63 = arith.constant 0 : i32
      %dma_start3A_64 = arith.constant 0 : i32
      %dma_start3A_65 = tpu.memref_slice %arg5[%arg0, %dma_start3A_63, %dma_start3A_64] : memref<2x10112x8xf32, #tpu.memory_space<hbm>> -> memref<1x10112x8xf32, #tpu.memory_space<hbm>>
      %dma_start3A_66 = tpu.memref_squeeze %dma_start3A_65 : memref<1x10112x8xf32, #tpu.memory_space<hbm>> -> memref<10112x8xf32, #tpu.memory_space<hbm>>
      %dma_start3A_67 = arith.constant 0 : i32
      %dma_start3A_68 = tpu.memref_slice %dma_start3A_66[%add3A_54, %dma_start3A_67] : memref<10112x8xf32, #tpu.memory_space<hbm>> -> memref<128x8xf32, #tpu.memory_space<hbm>>
      %dma_start3A_69 = arith.constant 0 : i32
      %dma_start3A_70 = arith.constant 0 : i32
      %dma_start3A_71 = tpu.memref_slice %arg5[%arg0, %dma_start3A_69, %dma_start3A_70] : memref<2x10112x8xf32, #tpu.memory_space<hbm>> -> memref<1x10112x8xf32, #tpu.memory_space<hbm>>
      %dma_start3A_72 = tpu.memref_squeeze %dma_start3A_71 : memref<1x10112x8xf32, #tpu.memory_space<hbm>> -> memref<10112x8xf32, #tpu.memory_space<hbm>>
      %dma_start3A_73 = arith.constant 0 : i32
      %dma_start3A_74 = tpu.memref_slice %dma_start3A_72[%add3A_54, %dma_start3A_73] : memref<10112x8xf32, #tpu.memory_space<hbm>> -> memref<128x8xf32, #tpu.memory_space<hbm>>
      %dma_start3A_75 = arith.constant 0 : i32
      %dma_start3A_76 = arith.constant 0 : i32
      %dma_start3A_77 = tpu.memref_slice %arg8[%dma_start3A_75, %dma_start3A_76] : memref<128x8xf32, #tpu.memory_space<vmem>> -> memref<128x8xf32, #tpu.memory_space<vmem>>
      tpu.enqueue_dma source(%dma_start3A_77 : memref<128x8xf32, #tpu.memory_space<vmem>>) target(%dma_start3A_74 : memref<128x8xf32, #tpu.memory_space<hbm>>) target_semaphore(%run_scoped3A : memref<!tpu.dma_semaphore, #tpu.memory_space<semaphore_mem>>)
      %dma_wait3A = arith.constant 0 : i32
      %dma_wait3A_78 = arith.constant 0 : i32
      %dma_wait3A_79 = tpu.memref_slice %arg8[%dma_wait3A, %dma_wait3A_78] : memref<128x8xf32, #tpu.memory_space<vmem>> -> memref<128x8xf32, #tpu.memory_space<vmem>>
      %dma_wait3A_80 = arith.constant 0 : i32
      %dma_wait3A_81 = arith.constant 0 : i32
      %dma_wait3A_82 = tpu.memref_slice %arg5[%arg0, %dma_wait3A_80, %dma_wait3A_81] : memref<2x10112x8xf32, #tpu.memory_space<hbm>> -> memref<1x10112x8xf32, #tpu.memory_space<hbm>>
      %dma_wait3A_83 = tpu.memref_squeeze %dma_wait3A_82 : memref<1x10112x8xf32, #tpu.memory_space<hbm>> -> memref<10112x8xf32, #tpu.memory_space<hbm>>
      %dma_wait3A_84 = arith.constant 0 : i32
      %dma_wait3A_85 = tpu.memref_slice %dma_wait3A_83[%add3A_54, %dma_wait3A_84] : memref<10112x8xf32, #tpu.memory_space<hbm>> -> memref<128x8xf32, #tpu.memory_space<hbm>>
      %dma_wait3A_86 = arith.constant 0 : i32
      %dma_wait3A_87 = arith.constant 0 : i32
      %dma_wait3A_88 = tpu.memref_slice %arg5[%arg0, %dma_wait3A_86, %dma_wait3A_87] : memref<2x10112x8xf32, #tpu.memory_space<hbm>> -> memref<1x10112x8xf32, #tpu.memory_space<hbm>>
      %dma_wait3A_89 = tpu.memref_squeeze %dma_wait3A_88 : memref<1x10112x8xf32, #tpu.memory_space<hbm>> -> memref<10112x8xf32, #tpu.memory_space<hbm>>
      %dma_wait3A_90 = arith.constant 0 : i32
      %dma_wait3A_91 = tpu.memref_slice %dma_wait3A_89[%add3A_54, %dma_wait3A_90] : memref<10112x8xf32, #tpu.memory_space<hbm>> -> memref<128x8xf32, #tpu.memory_space<hbm>>
      %dma_wait3A_92 = arith.constant 0 : i32
      %dma_wait3A_93 = arith.constant 0 : i32
      %dma_wait3A_94 = tpu.memref_slice %arg8[%dma_wait3A_92, %dma_wait3A_93] : memref<128x8xf32, #tpu.memory_space<vmem>> -> memref<128x8xf32, #tpu.memory_space<vmem>>
      tpu.wait_dma2 semaphore(%run_scoped3A : memref<!tpu.dma_semaphore, #tpu.memory_space<semaphore_mem>>) src(%dma_wait3A_94 : memref<128x8xf32, #tpu.memory_space<vmem>>) dst(%dma_wait3A_91 : memref<128x8xf32, #tpu.memory_space<hbm>>)
      tpu.yield
    }) : () -> ()
    %add3A_55 = arith.constant 256 : i32
    %add3A_56 = arith.addi %mul3A_0, %add3A_55 : i32
    "tpu.region"() ({
      %run_scoped3A = tpu.sem_alloc : memref<!tpu.dma_semaphore, #tpu.memory_space<semaphore_mem>>
      %dma_start3A = arith.constant 0 : i32
      %dma_start3A_61 = arith.constant 0 : i32
      %dma_start3A_62 = tpu.memref_slice %arg8[%dma_start3A, %dma_start3A_61] : memref<128x8xf32, #tpu.memory_space<vmem>> -> memref<128x8xf32, #tpu.memory_space<vmem>>
      %dma_start3A_63 = arith.constant 0 : i32
      %dma_start3A_64 = tpu.memref_slice %arg9[%add3A_56, %dma_start3A_63] : memref<10112x8xf32, #tpu.memory_space<vmem_shared>> -> memref<128x8xf32, #tpu.memory_space<vmem_shared>>
      %dma_start3A_65 = arith.constant 0 : i32
      %dma_start3A_66 = arith.constant 0 : i32
      %dma_start3A_67 = tpu.memref_slice %arg8[%dma_start3A_65, %dma_start3A_66] : memref<128x8xf32, #tpu.memory_space<vmem>> -> memref<128x8xf32, #tpu.memory_space<vmem>>
      %dma_start3A_68 = arith.constant 0 : i32
      %dma_start3A_69 = tpu.memref_slice %arg9[%add3A_56, %dma_start3A_68] : memref<10112x8xf32, #tpu.memory_space<vmem_shared>> -> memref<128x8xf32, #tpu.memory_space<vmem_shared>>
      tpu.enqueue_dma source(%dma_start3A_69 : memref<128x8xf32, #tpu.memory_space<vmem_shared>>) target(%dma_start3A_67 : memref<128x8xf32, #tpu.memory_space<vmem>>) target_semaphore(%run_scoped3A : memref<!tpu.dma_semaphore, #tpu.memory_space<semaphore_mem>>)
      %dma_wait3A = arith.constant 0 : i32
      %dma_wait3A_70 = arith.constant 0 : i32
      %dma_wait3A_71 = tpu.memref_slice %arg8[%dma_wait3A, %dma_wait3A_70] : memref<128x8xf32, #tpu.memory_space<vmem>> -> memref<128x8xf32, #tpu.memory_space<vmem>>
      %dma_wait3A_72 = arith.constant 0 : i32
      %dma_wait3A_73 = tpu.memref_slice %arg9[%add3A_56, %dma_wait3A_72] : memref<10112x8xf32, #tpu.memory_space<vmem_shared>> -> memref<128x8xf32, #tpu.memory_space<vmem_shared>>
      %dma_wait3A_74 = arith.constant 0 : i32
      %dma_wait3A_75 = arith.constant 0 : i32
      %dma_wait3A_76 = tpu.memref_slice %arg8[%dma_wait3A_74, %dma_wait3A_75] : memref<128x8xf32, #tpu.memory_space<vmem>> -> memref<128x8xf32, #tpu.memory_space<vmem>>
      %dma_wait3A_77 = arith.constant 0 : i32
      %dma_wait3A_78 = tpu.memref_slice %arg9[%add3A_56, %dma_wait3A_77] : memref<10112x8xf32, #tpu.memory_space<vmem_shared>> -> memref<128x8xf32, #tpu.memory_space<vmem_shared>>
      tpu.wait_dma2 semaphore(%run_scoped3A : memref<!tpu.dma_semaphore, #tpu.memory_space<semaphore_mem>>) src(%dma_wait3A_78 : memref<128x8xf32, #tpu.memory_space<vmem_shared>>) dst(%dma_wait3A_76 : memref<128x8xf32, #tpu.memory_space<vmem>>)
      tpu.yield
    }) : () -> ()
    "tpu.region"() ({
      %run_scoped3A = tpu.sem_alloc : memref<!tpu.dma_semaphore, #tpu.memory_space<semaphore_mem>>
      %dma_start3A = arith.constant 0 : i32
      %dma_start3A_61 = arith.constant 0 : i32
      %dma_start3A_62 = tpu.memref_slice %arg8[%dma_start3A, %dma_start3A_61] : memref<128x8xf32, #tpu.memory_space<vmem>> -> memref<128x8xf32, #tpu.memory_space<vmem>>
      %dma_start3A_63 = arith.constant 0 : i32
      %dma_start3A_64 = arith.constant 0 : i32
      %dma_start3A_65 = tpu.memref_slice %arg5[%arg0, %dma_start3A_63, %dma_start3A_64] : memref<2x10112x8xf32, #tpu.memory_space<hbm>> -> memref<1x10112x8xf32, #tpu.memory_space<hbm>>
      %dma_start3A_66 = tpu.memref_squeeze %dma_start3A_65 : memref<1x10112x8xf32, #tpu.memory_space<hbm>> -> memref<10112x8xf32, #tpu.memory_space<hbm>>
      %dma_start3A_67 = arith.constant 0 : i32
      %dma_start3A_68 = tpu.memref_slice %dma_start3A_66[%add3A_56, %dma_start3A_67] : memref<10112x8xf32, #tpu.memory_space<hbm>> -> memref<128x8xf32, #tpu.memory_space<hbm>>
      %dma_start3A_69 = arith.constant 0 : i32
      %dma_start3A_70 = arith.constant 0 : i32
      %dma_start3A_71 = tpu.memref_slice %arg5[%arg0, %dma_start3A_69, %dma_start3A_70] : memref<2x10112x8xf32, #tpu.memory_space<hbm>> -> memref<1x10112x8xf32, #tpu.memory_space<hbm>>
      %dma_start3A_72 = tpu.memref_squeeze %dma_start3A_71 : memref<1x10112x8xf32, #tpu.memory_space<hbm>> -> memref<10112x8xf32, #tpu.memory_space<hbm>>
      %dma_start3A_73 = arith.constant 0 : i32
      %dma_start3A_74 = tpu.memref_slice %dma_start3A_72[%add3A_56, %dma_start3A_73] : memref<10112x8xf32, #tpu.memory_space<hbm>> -> memref<128x8xf32, #tpu.memory_space<hbm>>
      %dma_start3A_75 = arith.constant 0 : i32
      %dma_start3A_76 = arith.constant 0 : i32
      %dma_start3A_77 = tpu.memref_slice %arg8[%dma_start3A_75, %dma_start3A_76] : memref<128x8xf32, #tpu.memory_space<vmem>> -> memref<128x8xf32, #tpu.memory_space<vmem>>
      tpu.enqueue_dma source(%dma_start3A_77 : memref<128x8xf32, #tpu.memory_space<vmem>>) target(%dma_start3A_74 : memref<128x8xf32, #tpu.memory_space<hbm>>) target_semaphore(%run_scoped3A : memref<!tpu.dma_semaphore, #tpu.memory_space<semaphore_mem>>)
      %dma_wait3A = arith.constant 0 : i32
      %dma_wait3A_78 = arith.constant 0 : i32
      %dma_wait3A_79 = tpu.memref_slice %arg8[%dma_wait3A, %dma_wait3A_78] : memref<128x8xf32, #tpu.memory_space<vmem>> -> memref<128x8xf32, #tpu.memory_space<vmem>>
      %dma_wait3A_80 = arith.constant 0 : i32
      %dma_wait3A_81 = arith.constant 0 : i32
      %dma_wait3A_82 = tpu.memref_slice %arg5[%arg0, %dma_wait3A_80, %dma_wait3A_81] : memref<2x10112x8xf32, #tpu.memory_space<hbm>> -> memref<1x10112x8xf32, #tpu.memory_space<hbm>>
      %dma_wait3A_83 = tpu.memref_squeeze %dma_wait3A_82 : memref<1x10112x8xf32, #tpu.memory_space<hbm>> -> memref<10112x8xf32, #tpu.memory_space<hbm>>
      %dma_wait3A_84 = arith.constant 0 : i32
      %dma_wait3A_85 = tpu.memref_slice %dma_wait3A_83[%add3A_56, %dma_wait3A_84] : memref<10112x8xf32, #tpu.memory_space<hbm>> -> memref<128x8xf32, #tpu.memory_space<hbm>>
      %dma_wait3A_86 = arith.constant 0 : i32
      %dma_wait3A_87 = arith.constant 0 : i32
      %dma_wait3A_88 = tpu.memref_slice %arg5[%arg0, %dma_wait3A_86, %dma_wait3A_87] : memref<2x10112x8xf32, #tpu.memory_space<hbm>> -> memref<1x10112x8xf32, #tpu.memory_space<hbm>>
      %dma_wait3A_89 = tpu.memref_squeeze %dma_wait3A_88 : memref<1x10112x8xf32, #tpu.memory_space<hbm>> -> memref<10112x8xf32, #tpu.memory_space<hbm>>
      %dma_wait3A_90 = arith.constant 0 : i32
      %dma_wait3A_91 = tpu.memref_slice %dma_wait3A_89[%add3A_56, %dma_wait3A_90] : memref<10112x8xf32, #tpu.memory_space<hbm>> -> memref<128x8xf32, #tpu.memory_space<hbm>>
      %dma_wait3A_92 = arith.constant 0 : i32
      %dma_wait3A_93 = arith.constant 0 : i32
      %dma_wait3A_94 = tpu.memref_slice %arg8[%dma_wait3A_92, %dma_wait3A_93] : memref<128x8xf32, #tpu.memory_space<vmem>> -> memref<128x8xf32, #tpu.memory_space<vmem>>
      tpu.wait_dma2 semaphore(%run_scoped3A : memref<!tpu.dma_semaphore, #tpu.memory_space<semaphore_mem>>) src(%dma_wait3A_94 : memref<128x8xf32, #tpu.memory_space<vmem>>) dst(%dma_wait3A_91 : memref<128x8xf32, #tpu.memory_space<hbm>>)
      tpu.yield
    }) : () -> ()
    %add3A_57 = arith.constant 384 : i32
    %add3A_58 = arith.addi %mul3A_0, %add3A_57 : i32
    "tpu.region"() ({
      %run_scoped3A = tpu.sem_alloc : memref<!tpu.dma_semaphore, #tpu.memory_space<semaphore_mem>>
      %dma_start3A = arith.constant 0 : i32
      %dma_start3A_61 = arith.constant 0 : i32
      %dma_start3A_62 = tpu.memref_slice %arg8[%dma_start3A, %dma_start3A_61] : memref<128x8xf32, #tpu.memory_space<vmem>> -> memref<128x8xf32, #tpu.memory_space<vmem>>
      %dma_start3A_63 = arith.constant 0 : i32
      %dma_start3A_64 = tpu.memref_slice %arg9[%add3A_58, %dma_start3A_63] : memref<10112x8xf32, #tpu.memory_space<vmem_shared>> -> memref<128x8xf32, #tpu.memory_space<vmem_shared>>
      %dma_start3A_65 = arith.constant 0 : i32
      %dma_start3A_66 = arith.constant 0 : i32
      %dma_start3A_67 = tpu.memref_slice %arg8[%dma_start3A_65, %dma_start3A_66] : memref<128x8xf32, #tpu.memory_space<vmem>> -> memref<128x8xf32, #tpu.memory_space<vmem>>
      %dma_start3A_68 = arith.constant 0 : i32
      %dma_start3A_69 = tpu.memref_slice %arg9[%add3A_58, %dma_start3A_68] : memref<10112x8xf32, #tpu.memory_space<vmem_shared>> -> memref<128x8xf32, #tpu.memory_space<vmem_shared>>
      tpu.enqueue_dma source(%dma_start3A_69 : memref<128x8xf32, #tpu.memory_space<vmem_shared>>) target(%dma_start3A_67 : memref<128x8xf32, #tpu.memory_space<vmem>>) target_semaphore(%run_scoped3A : memref<!tpu.dma_semaphore, #tpu.memory_space<semaphore_mem>>)
      %dma_wait3A = arith.constant 0 : i32
      %dma_wait3A_70 = arith.constant 0 : i32
      %dma_wait3A_71 = tpu.memref_slice %arg8[%dma_wait3A, %dma_wait3A_70] : memref<128x8xf32, #tpu.memory_space<vmem>> -> memref<128x8xf32, #tpu.memory_space<vmem>>
      %dma_wait3A_72 = arith.constant 0 : i32
      %dma_wait3A_73 = tpu.memref_slice %arg9[%add3A_58, %dma_wait3A_72] : memref<10112x8xf32, #tpu.memory_space<vmem_shared>> -> memref<128x8xf32, #tpu.memory_space<vmem_shared>>
      %dma_wait3A_74 = arith.constant 0 : i32
      %dma_wait3A_75 = arith.constant 0 : i32
      %dma_wait3A_76 = tpu.memref_slice %arg8[%dma_wait3A_74, %dma_wait3A_75] : memref<128x8xf32, #tpu.memory_space<vmem>> -> memref<128x8xf32, #tpu.memory_space<vmem>>
      %dma_wait3A_77 = arith.constant 0 : i32
      %dma_wait3A_78 = tpu.memref_slice %arg9[%add3A_58, %dma_wait3A_77] : memref<10112x8xf32, #tpu.memory_space<vmem_shared>> -> memref<128x8xf32, #tpu.memory_space<vmem_shared>>
      tpu.wait_dma2 semaphore(%run_scoped3A : memref<!tpu.dma_semaphore, #tpu.memory_space<semaphore_mem>>) src(%dma_wait3A_78 : memref<128x8xf32, #tpu.memory_space<vmem_shared>>) dst(%dma_wait3A_76 : memref<128x8xf32, #tpu.memory_space<vmem>>)
      tpu.yield
    }) : () -> ()
    "tpu.region"() ({
      %run_scoped3A = tpu.sem_alloc : memref<!tpu.dma_semaphore, #tpu.memory_space<semaphore_mem>>
      %dma_start3A = arith.constant 0 : i32
      %dma_start3A_61 = arith.constant 0 : i32
      %dma_start3A_62 = tpu.memref_slice %arg8[%dma_start3A, %dma_start3A_61] : memref<128x8xf32, #tpu.memory_space<vmem>> -> memref<128x8xf32, #tpu.memory_space<vmem>>
      %dma_start3A_63 = arith.constant 0 : i32
      %dma_start3A_64 = arith.constant 0 : i32
      %dma_start3A_65 = tpu.memref_slice %arg5[%arg0, %dma_start3A_63, %dma_start3A_64] : memref<2x10112x8xf32, #tpu.memory_space<hbm>> -> memref<1x10112x8xf32, #tpu.memory_space<hbm>>
      %dma_start3A_66 = tpu.memref_squeeze %dma_start3A_65 : memref<1x10112x8xf32, #tpu.memory_space<hbm>> -> memref<10112x8xf32, #tpu.memory_space<hbm>>
      %dma_start3A_67 = arith.constant 0 : i32
      %dma_start3A_68 = tpu.memref_slice %dma_start3A_66[%add3A_58, %dma_start3A_67] : memref<10112x8xf32, #tpu.memory_space<hbm>> -> memref<128x8xf32, #tpu.memory_space<hbm>>
      %dma_start3A_69 = arith.constant 0 : i32
      %dma_start3A_70 = arith.constant 0 : i32
      %dma_start3A_71 = tpu.memref_slice %arg5[%arg0, %dma_start3A_69, %dma_start3A_70] : memref<2x10112x8xf32, #tpu.memory_space<hbm>> -> memref<1x10112x8xf32, #tpu.memory_space<hbm>>
      %dma_start3A_72 = tpu.memref_squeeze %dma_start3A_71 : memref<1x10112x8xf32, #tpu.memory_space<hbm>> -> memref<10112x8xf32, #tpu.memory_space<hbm>>
      %dma_start3A_73 = arith.constant 0 : i32
      %dma_start3A_74 = tpu.memref_slice %dma_start3A_72[%add3A_58, %dma_start3A_73] : memref<10112x8xf32, #tpu.memory_space<hbm>> -> memref<128x8xf32, #tpu.memory_space<hbm>>
      %dma_start3A_75 = arith.constant 0 : i32
      %dma_start3A_76 = arith.constant 0 : i32
      %dma_start3A_77 = tpu.memref_slice %arg8[%dma_start3A_75, %dma_start3A_76] : memref<128x8xf32, #tpu.memory_space<vmem>> -> memref<128x8xf32, #tpu.memory_space<vmem>>
      tpu.enqueue_dma source(%dma_start3A_77 : memref<128x8xf32, #tpu.memory_space<vmem>>) target(%dma_start3A_74 : memref<128x8xf32, #tpu.memory_space<hbm>>) target_semaphore(%run_scoped3A : memref<!tpu.dma_semaphore, #tpu.memory_space<semaphore_mem>>)
      %dma_wait3A = arith.constant 0 : i32
      %dma_wait3A_78 = arith.constant 0 : i32
      %dma_wait3A_79 = tpu.memref_slice %arg8[%dma_wait3A, %dma_wait3A_78] : memref<128x8xf32, #tpu.memory_space<vmem>> -> memref<128x8xf32, #tpu.memory_space<vmem>>
      %dma_wait3A_80 = arith.constant 0 : i32
      %dma_wait3A_81 = arith.constant 0 : i32
      %dma_wait3A_82 = tpu.memref_slice %arg5[%arg0, %dma_wait3A_80, %dma_wait3A_81] : memref<2x10112x8xf32, #tpu.memory_space<hbm>> -> memref<1x10112x8xf32, #tpu.memory_space<hbm>>
      %dma_wait3A_83 = tpu.memref_squeeze %dma_wait3A_82 : memref<1x10112x8xf32, #tpu.memory_space<hbm>> -> memref<10112x8xf32, #tpu.memory_space<hbm>>
      %dma_wait3A_84 = arith.constant 0 : i32
      %dma_wait3A_85 = tpu.memref_slice %dma_wait3A_83[%add3A_58, %dma_wait3A_84] : memref<10112x8xf32, #tpu.memory_space<hbm>> -> memref<128x8xf32, #tpu.memory_space<hbm>>
      %dma_wait3A_86 = arith.constant 0 : i32
      %dma_wait3A_87 = arith.constant 0 : i32
      %dma_wait3A_88 = tpu.memref_slice %arg5[%arg0, %dma_wait3A_86, %dma_wait3A_87] : memref<2x10112x8xf32, #tpu.memory_space<hbm>> -> memref<1x10112x8xf32, #tpu.memory_space<hbm>>
      %dma_wait3A_89 = tpu.memref_squeeze %dma_wait3A_88 : memref<1x10112x8xf32, #tpu.memory_space<hbm>> -> memref<10112x8xf32, #tpu.memory_space<hbm>>
      %dma_wait3A_90 = arith.constant 0 : i32
      %dma_wait3A_91 = tpu.memref_slice %dma_wait3A_89[%add3A_58, %dma_wait3A_90] : memref<10112x8xf32, #tpu.memory_space<hbm>> -> memref<128x8xf32, #tpu.memory_space<hbm>>
      %dma_wait3A_92 = arith.constant 0 : i32
      %dma_wait3A_93 = arith.constant 0 : i32
      %dma_wait3A_94 = tpu.memref_slice %arg8[%dma_wait3A_92, %dma_wait3A_93] : memref<128x8xf32, #tpu.memory_space<vmem>> -> memref<128x8xf32, #tpu.memory_space<vmem>>
      tpu.wait_dma2 semaphore(%run_scoped3A : memref<!tpu.dma_semaphore, #tpu.memory_space<semaphore_mem>>) src(%dma_wait3A_94 : memref<128x8xf32, #tpu.memory_space<vmem>>) dst(%dma_wait3A_91 : memref<128x8xf32, #tpu.memory_space<hbm>>)
      tpu.yield
    }) : () -> ()
    %add3A_59 = arith.constant 512 : i32
    %add3A_60 = arith.addi %mul3A_0, %add3A_59 : i32
    "tpu.region"() ({
      %run_scoped3A = tpu.sem_alloc : memref<!tpu.dma_semaphore, #tpu.memory_space<semaphore_mem>>
      %dma_start3A = arith.constant 0 : i32
      %dma_start3A_61 = arith.constant 0 : i32
      %dma_start3A_62 = tpu.memref_slice %arg8[%dma_start3A, %dma_start3A_61] : memref<128x8xf32, #tpu.memory_space<vmem>> -> memref<120x8xf32, #tpu.memory_space<vmem>>
      %dma_start3A_63 = arith.constant 0 : i32
      %dma_start3A_64 = tpu.memref_slice %arg9[%add3A_60, %dma_start3A_63] : memref<10112x8xf32, #tpu.memory_space<vmem_shared>> -> memref<120x8xf32, #tpu.memory_space<vmem_shared>>
      %dma_start3A_65 = arith.constant 0 : i32
      %dma_start3A_66 = arith.constant 0 : i32
      %dma_start3A_67 = tpu.memref_slice %arg8[%dma_start3A_65, %dma_start3A_66] : memref<128x8xf32, #tpu.memory_space<vmem>> -> memref<120x8xf32, #tpu.memory_space<vmem>>
      %dma_start3A_68 = arith.constant 0 : i32
      %dma_start3A_69 = tpu.memref_slice %arg9[%add3A_60, %dma_start3A_68] : memref<10112x8xf32, #tpu.memory_space<vmem_shared>> -> memref<120x8xf32, #tpu.memory_space<vmem_shared>>
      tpu.enqueue_dma source(%dma_start3A_69 : memref<120x8xf32, #tpu.memory_space<vmem_shared>>) target(%dma_start3A_67 : memref<120x8xf32, #tpu.memory_space<vmem>>) target_semaphore(%run_scoped3A : memref<!tpu.dma_semaphore, #tpu.memory_space<semaphore_mem>>)
      %dma_wait3A = arith.constant 0 : i32
      %dma_wait3A_70 = arith.constant 0 : i32
      %dma_wait3A_71 = tpu.memref_slice %arg8[%dma_wait3A, %dma_wait3A_70] : memref<128x8xf32, #tpu.memory_space<vmem>> -> memref<120x8xf32, #tpu.memory_space<vmem>>
      %dma_wait3A_72 = arith.constant 0 : i32
      %dma_wait3A_73 = tpu.memref_slice %arg9[%add3A_60, %dma_wait3A_72] : memref<10112x8xf32, #tpu.memory_space<vmem_shared>> -> memref<120x8xf32, #tpu.memory_space<vmem_shared>>
      %dma_wait3A_74 = arith.constant 0 : i32
      %dma_wait3A_75 = arith.constant 0 : i32
      %dma_wait3A_76 = tpu.memref_slice %arg8[%dma_wait3A_74, %dma_wait3A_75] : memref<128x8xf32, #tpu.memory_space<vmem>> -> memref<120x8xf32, #tpu.memory_space<vmem>>
      %dma_wait3A_77 = arith.constant 0 : i32
      %dma_wait3A_78 = tpu.memref_slice %arg9[%add3A_60, %dma_wait3A_77] : memref<10112x8xf32, #tpu.memory_space<vmem_shared>> -> memref<120x8xf32, #tpu.memory_space<vmem_shared>>
      tpu.wait_dma2 semaphore(%run_scoped3A : memref<!tpu.dma_semaphore, #tpu.memory_space<semaphore_mem>>) src(%dma_wait3A_78 : memref<120x8xf32, #tpu.memory_space<vmem_shared>>) dst(%dma_wait3A_76 : memref<120x8xf32, #tpu.memory_space<vmem>>)
      tpu.yield
    }) : () -> ()
    "tpu.region"() ({
      %run_scoped3A = tpu.sem_alloc : memref<!tpu.dma_semaphore, #tpu.memory_space<semaphore_mem>>
      %dma_start3A = arith.constant 0 : i32
      %dma_start3A_61 = arith.constant 0 : i32
      %dma_start3A_62 = tpu.memref_slice %arg8[%dma_start3A, %dma_start3A_61] : memref<128x8xf32, #tpu.memory_space<vmem>> -> memref<120x8xf32, #tpu.memory_space<vmem>>
      %dma_start3A_63 = arith.constant 0 : i32
      %dma_start3A_64 = arith.constant 0 : i32
      %dma_start3A_65 = tpu.memref_slice %arg5[%arg0, %dma_start3A_63, %dma_start3A_64] : memref<2x10112x8xf32, #tpu.memory_space<hbm>> -> memref<1x10112x8xf32, #tpu.memory_space<hbm>>
      %dma_start3A_66 = tpu.memref_squeeze %dma_start3A_65 : memref<1x10112x8xf32, #tpu.memory_space<hbm>> -> memref<10112x8xf32, #tpu.memory_space<hbm>>
      %dma_start3A_67 = arith.constant 0 : i32
      %dma_start3A_68 = tpu.memref_slice %dma_start3A_66[%add3A_60, %dma_start3A_67] : memref<10112x8xf32, #tpu.memory_space<hbm>> -> memref<120x8xf32, #tpu.memory_space<hbm>>
      %dma_start3A_69 = arith.constant 0 : i32
      %dma_start3A_70 = arith.constant 0 : i32
      %dma_start3A_71 = tpu.memref_slice %arg5[%arg0, %dma_start3A_69, %dma_start3A_70] : memref<2x10112x8xf32, #tpu.memory_space<hbm>> -> memref<1x10112x8xf32, #tpu.memory_space<hbm>>
      %dma_start3A_72 = tpu.memref_squeeze %dma_start3A_71 : memref<1x10112x8xf32, #tpu.memory_space<hbm>> -> memref<10112x8xf32, #tpu.memory_space<hbm>>
      %dma_start3A_73 = arith.constant 0 : i32
      %dma_start3A_74 = tpu.memref_slice %dma_start3A_72[%add3A_60, %dma_start3A_73] : memref<10112x8xf32, #tpu.memory_space<hbm>> -> memref<120x8xf32, #tpu.memory_space<hbm>>
      %dma_start3A_75 = arith.constant 0 : i32
      %dma_start3A_76 = arith.constant 0 : i32
      %dma_start3A_77 = tpu.memref_slice %arg8[%dma_start3A_75, %dma_start3A_76] : memref<128x8xf32, #tpu.memory_space<vmem>> -> memref<120x8xf32, #tpu.memory_space<vmem>>
      tpu.enqueue_dma source(%dma_start3A_77 : memref<120x8xf32, #tpu.memory_space<vmem>>) target(%dma_start3A_74 : memref<120x8xf32, #tpu.memory_space<hbm>>) target_semaphore(%run_scoped3A : memref<!tpu.dma_semaphore, #tpu.memory_space<semaphore_mem>>)
      %dma_wait3A = arith.constant 0 : i32
      %dma_wait3A_78 = arith.constant 0 : i32
      %dma_wait3A_79 = tpu.memref_slice %arg8[%dma_wait3A, %dma_wait3A_78] : memref<128x8xf32, #tpu.memory_space<vmem>> -> memref<120x8xf32, #tpu.memory_space<vmem>>
      %dma_wait3A_80 = arith.constant 0 : i32
      %dma_wait3A_81 = arith.constant 0 : i32
      %dma_wait3A_82 = tpu.memref_slice %arg5[%arg0, %dma_wait3A_80, %dma_wait3A_81] : memref<2x10112x8xf32, #tpu.memory_space<hbm>> -> memref<1x10112x8xf32, #tpu.memory_space<hbm>>
      %dma_wait3A_83 = tpu.memref_squeeze %dma_wait3A_82 : memref<1x10112x8xf32, #tpu.memory_space<hbm>> -> memref<10112x8xf32, #tpu.memory_space<hbm>>
      %dma_wait3A_84 = arith.constant 0 : i32
      %dma_wait3A_85 = tpu.memref_slice %dma_wait3A_83[%add3A_60, %dma_wait3A_84] : memref<10112x8xf32, #tpu.memory_space<hbm>> -> memref<120x8xf32, #tpu.memory_space<hbm>>
      %dma_wait3A_86 = arith.constant 0 : i32
      %dma_wait3A_87 = arith.constant 0 : i32
      %dma_wait3A_88 = tpu.memref_slice %arg5[%arg0, %dma_wait3A_86, %dma_wait3A_87] : memref<2x10112x8xf32, #tpu.memory_space<hbm>> -> memref<1x10112x8xf32, #tpu.memory_space<hbm>>
      %dma_wait3A_89 = tpu.memref_squeeze %dma_wait3A_88 : memref<1x10112x8xf32, #tpu.memory_space<hbm>> -> memref<10112x8xf32, #tpu.memory_space<hbm>>
      %dma_wait3A_90 = arith.constant 0 : i32
      %dma_wait3A_91 = tpu.memref_slice %dma_wait3A_89[%add3A_60, %dma_wait3A_90] : memref<10112x8xf32, #tpu.memory_space<hbm>> -> memref<120x8xf32, #tpu.memory_space<hbm>>
      %dma_wait3A_92 = arith.constant 0 : i32
      %dma_wait3A_93 = arith.constant 0 : i32
      %dma_wait3A_94 = tpu.memref_slice %arg8[%dma_wait3A_92, %dma_wait3A_93] : memref<128x8xf32, #tpu.memory_space<vmem>> -> memref<120x8xf32, #tpu.memory_space<vmem>>
      tpu.wait_dma2 semaphore(%run_scoped3A : memref<!tpu.dma_semaphore, #tpu.memory_space<semaphore_mem>>) src(%dma_wait3A_94 : memref<120x8xf32, #tpu.memory_space<vmem>>) dst(%dma_wait3A_91 : memref<120x8xf32, #tpu.memory_space<hbm>>)
      tpu.yield
    }) : () -> ()
    return
  }
}

#map = affine_map<(d0, d1) -> (0, 0)>
#map1 = affine_map<(d0, d1) -> (0, 0, 0)>
module attributes {stable_mosaic.version = 14 : i64} {
  func.func @agg(%arg0: i32, %arg1: i32, %arg2: memref<10112x64xf32, #tpu.memory_space<hbm>>, %arg3: memref<2500x2x128xi32, #tpu.memory_space<hbm>>, %arg4: memref<128x64xf32, #tpu.memory_space<hbm>>, %arg5: memref<2x10112x64xf32, #tpu.memory_space<hbm>>, %arg6: memref<80x2x128xi32, #tpu.memory_space<vmem>>, %arg7: memref<128x64xf32, #tpu.memory_space<vmem>>, %arg8: memref<128x64xf32, #tpu.memory_space<vmem>>, %arg9: memref<128x64xf32, #tpu.memory_space<vmem>>, %arg10: memref<128x64xf32, #tpu.memory_space<vmem>>, %arg11: memref<10112x64xf32, #tpu.memory_space<vmem_shared>>, %arg12: memref<!tpu.dma_semaphore, #tpu.memory_space<semaphore_mem>>, %arg13: memref<!tpu.dma_semaphore, #tpu.memory_space<semaphore_mem>>, %arg14: memref<!tpu.dma_semaphore, #tpu.memory_space<semaphore_mem>>, %arg15: memref<!tpu.dma_semaphore, #tpu.memory_space<semaphore_mem>>) attributes {dimension_semantics = [#tpu.dimension_semantics<core_parallel>, #tpu.dimension_semantics<subcore_parallel>], iteration_bounds = array<i64: 2, 16>, scalar_prefetch = 0 : i64, scratch_operands = 10 : i64, tpu.core_type = #tpu.core_type<sc_vector_subcore>, window_params = [{transform_indices = #map}, {transform_indices = #map1}, {transform_indices = #map}, {transform_indices = #map1}]} {
    %mul3A = arith.constant 632 : i32
    %mul3A_0 = arith.muli %arg1, %mul3A : i32
    "tpu.trace_start"() <{level = 10 : i32, message = "agg_init"}> : () -> ()
    "tpu.region"() ({
      %run_scoped3A = tpu.sem_alloc : memref<!tpu.dma_semaphore, #tpu.memory_space<semaphore_mem>>
      tpu.enqueue_dma source(%arg4 : memref<128x64xf32, #tpu.memory_space<hbm>>) target(%arg7 : memref<128x64xf32, #tpu.memory_space<vmem>>) target_semaphore(%run_scoped3A : memref<!tpu.dma_semaphore, #tpu.memory_space<semaphore_mem>>)
      tpu.wait_dma2 semaphore(%run_scoped3A : memref<!tpu.dma_semaphore, #tpu.memory_space<semaphore_mem>>) src(%arg4 : memref<128x64xf32, #tpu.memory_space<hbm>>) dst(%arg7 : memref<128x64xf32, #tpu.memory_space<vmem>>)
      tpu.yield
    }) : () -> ()
    %add3A = arith.constant 0 : i32
    %add3A_1 = arith.addi %mul3A_0, %add3A : i32
    "tpu.region"() ({
      %run_scoped3A = tpu.sem_alloc : memref<!tpu.dma_semaphore, #tpu.memory_space<semaphore_mem>>
      %dma_start3A_96 = arith.constant 0 : i32
      %dma_start3A_97 = arith.constant 0 : i32
      %dma_start3A_98 = tpu.memref_slice %arg7[%dma_start3A_96, %dma_start3A_97] : memref<128x64xf32, #tpu.memory_space<vmem>> -> memref<128x64xf32, #tpu.memory_space<vmem>>
      %dma_start3A_99 = arith.constant 0 : i32
      %dma_start3A_100 = tpu.memref_slice %arg11[%add3A_1, %dma_start3A_99] : memref<10112x64xf32, #tpu.memory_space<vmem_shared>> -> memref<128x64xf32, #tpu.memory_space<vmem_shared>>
      %dma_start3A_101 = arith.constant 0 : i32
      %dma_start3A_102 = tpu.memref_slice %arg11[%add3A_1, %dma_start3A_101] : memref<10112x64xf32, #tpu.memory_space<vmem_shared>> -> memref<128x64xf32, #tpu.memory_space<vmem_shared>>
      %dma_start3A_103 = arith.constant 0 : i32
      %dma_start3A_104 = arith.constant 0 : i32
      %dma_start3A_105 = tpu.memref_slice %arg7[%dma_start3A_103, %dma_start3A_104] : memref<128x64xf32, #tpu.memory_space<vmem>> -> memref<128x64xf32, #tpu.memory_space<vmem>>
      tpu.enqueue_dma source(%dma_start3A_105 : memref<128x64xf32, #tpu.memory_space<vmem>>) target(%dma_start3A_102 : memref<128x64xf32, #tpu.memory_space<vmem_shared>>) target_semaphore(%run_scoped3A : memref<!tpu.dma_semaphore, #tpu.memory_space<semaphore_mem>>)
      %dma_wait3A = arith.constant 0 : i32
      %dma_wait3A_106 = arith.constant 0 : i32
      %dma_wait3A_107 = tpu.memref_slice %arg7[%dma_wait3A, %dma_wait3A_106] : memref<128x64xf32, #tpu.memory_space<vmem>> -> memref<128x64xf32, #tpu.memory_space<vmem>>
      %dma_wait3A_108 = arith.constant 0 : i32
      %dma_wait3A_109 = tpu.memref_slice %arg11[%add3A_1, %dma_wait3A_108] : memref<10112x64xf32, #tpu.memory_space<vmem_shared>> -> memref<128x64xf32, #tpu.memory_space<vmem_shared>>
      %dma_wait3A_110 = arith.constant 0 : i32
      %dma_wait3A_111 = tpu.memref_slice %arg11[%add3A_1, %dma_wait3A_110] : memref<10112x64xf32, #tpu.memory_space<vmem_shared>> -> memref<128x64xf32, #tpu.memory_space<vmem_shared>>
      %dma_wait3A_112 = arith.constant 0 : i32
      %dma_wait3A_113 = arith.constant 0 : i32
      %dma_wait3A_114 = tpu.memref_slice %arg7[%dma_wait3A_112, %dma_wait3A_113] : memref<128x64xf32, #tpu.memory_space<vmem>> -> memref<128x64xf32, #tpu.memory_space<vmem>>
      tpu.wait_dma2 semaphore(%run_scoped3A : memref<!tpu.dma_semaphore, #tpu.memory_space<semaphore_mem>>) src(%dma_wait3A_114 : memref<128x64xf32, #tpu.memory_space<vmem>>) dst(%dma_wait3A_111 : memref<128x64xf32, #tpu.memory_space<vmem_shared>>)
      tpu.yield
    }) : () -> ()
    %add3A_2 = arith.constant 128 : i32
    %add3A_3 = arith.addi %mul3A_0, %add3A_2 : i32
    "tpu.region"() ({
      %run_scoped3A = tpu.sem_alloc : memref<!tpu.dma_semaphore, #tpu.memory_space<semaphore_mem>>
      %dma_start3A_96 = arith.constant 0 : i32
      %dma_start3A_97 = arith.constant 0 : i32
      %dma_start3A_98 = tpu.memref_slice %arg7[%dma_start3A_96, %dma_start3A_97] : memref<128x64xf32, #tpu.memory_space<vmem>> -> memref<128x64xf32, #tpu.memory_space<vmem>>
      %dma_start3A_99 = arith.constant 0 : i32
      %dma_start3A_100 = tpu.memref_slice %arg11[%add3A_3, %dma_start3A_99] : memref<10112x64xf32, #tpu.memory_space<vmem_shared>> -> memref<128x64xf32, #tpu.memory_space<vmem_shared>>
      %dma_start3A_101 = arith.constant 0 : i32
      %dma_start3A_102 = tpu.memref_slice %arg11[%add3A_3, %dma_start3A_101] : memref<10112x64xf32, #tpu.memory_space<vmem_shared>> -> memref<128x64xf32, #tpu.memory_space<vmem_shared>>
      %dma_start3A_103 = arith.constant 0 : i32
      %dma_start3A_104 = arith.constant 0 : i32
      %dma_start3A_105 = tpu.memref_slice %arg7[%dma_start3A_103, %dma_start3A_104] : memref<128x64xf32, #tpu.memory_space<vmem>> -> memref<128x64xf32, #tpu.memory_space<vmem>>
      tpu.enqueue_dma source(%dma_start3A_105 : memref<128x64xf32, #tpu.memory_space<vmem>>) target(%dma_start3A_102 : memref<128x64xf32, #tpu.memory_space<vmem_shared>>) target_semaphore(%run_scoped3A : memref<!tpu.dma_semaphore, #tpu.memory_space<semaphore_mem>>)
      %dma_wait3A = arith.constant 0 : i32
      %dma_wait3A_106 = arith.constant 0 : i32
      %dma_wait3A_107 = tpu.memref_slice %arg7[%dma_wait3A, %dma_wait3A_106] : memref<128x64xf32, #tpu.memory_space<vmem>> -> memref<128x64xf32, #tpu.memory_space<vmem>>
      %dma_wait3A_108 = arith.constant 0 : i32
      %dma_wait3A_109 = tpu.memref_slice %arg11[%add3A_3, %dma_wait3A_108] : memref<10112x64xf32, #tpu.memory_space<vmem_shared>> -> memref<128x64xf32, #tpu.memory_space<vmem_shared>>
      %dma_wait3A_110 = arith.constant 0 : i32
      %dma_wait3A_111 = tpu.memref_slice %arg11[%add3A_3, %dma_wait3A_110] : memref<10112x64xf32, #tpu.memory_space<vmem_shared>> -> memref<128x64xf32, #tpu.memory_space<vmem_shared>>
      %dma_wait3A_112 = arith.constant 0 : i32
      %dma_wait3A_113 = arith.constant 0 : i32
      %dma_wait3A_114 = tpu.memref_slice %arg7[%dma_wait3A_112, %dma_wait3A_113] : memref<128x64xf32, #tpu.memory_space<vmem>> -> memref<128x64xf32, #tpu.memory_space<vmem>>
      tpu.wait_dma2 semaphore(%run_scoped3A : memref<!tpu.dma_semaphore, #tpu.memory_space<semaphore_mem>>) src(%dma_wait3A_114 : memref<128x64xf32, #tpu.memory_space<vmem>>) dst(%dma_wait3A_111 : memref<128x64xf32, #tpu.memory_space<vmem_shared>>)
      tpu.yield
    }) : () -> ()
    %add3A_4 = arith.constant 256 : i32
    %add3A_5 = arith.addi %mul3A_0, %add3A_4 : i32
    "tpu.region"() ({
      %run_scoped3A = tpu.sem_alloc : memref<!tpu.dma_semaphore, #tpu.memory_space<semaphore_mem>>
      %dma_start3A_96 = arith.constant 0 : i32
      %dma_start3A_97 = arith.constant 0 : i32
      %dma_start3A_98 = tpu.memref_slice %arg7[%dma_start3A_96, %dma_start3A_97] : memref<128x64xf32, #tpu.memory_space<vmem>> -> memref<128x64xf32, #tpu.memory_space<vmem>>
      %dma_start3A_99 = arith.constant 0 : i32
      %dma_start3A_100 = tpu.memref_slice %arg11[%add3A_5, %dma_start3A_99] : memref<10112x64xf32, #tpu.memory_space<vmem_shared>> -> memref<128x64xf32, #tpu.memory_space<vmem_shared>>
      %dma_start3A_101 = arith.constant 0 : i32
      %dma_start3A_102 = tpu.memref_slice %arg11[%add3A_5, %dma_start3A_101] : memref<10112x64xf32, #tpu.memory_space<vmem_shared>> -> memref<128x64xf32, #tpu.memory_space<vmem_shared>>
      %dma_start3A_103 = arith.constant 0 : i32
      %dma_start3A_104 = arith.constant 0 : i32
      %dma_start3A_105 = tpu.memref_slice %arg7[%dma_start3A_103, %dma_start3A_104] : memref<128x64xf32, #tpu.memory_space<vmem>> -> memref<128x64xf32, #tpu.memory_space<vmem>>
      tpu.enqueue_dma source(%dma_start3A_105 : memref<128x64xf32, #tpu.memory_space<vmem>>) target(%dma_start3A_102 : memref<128x64xf32, #tpu.memory_space<vmem_shared>>) target_semaphore(%run_scoped3A : memref<!tpu.dma_semaphore, #tpu.memory_space<semaphore_mem>>)
      %dma_wait3A = arith.constant 0 : i32
      %dma_wait3A_106 = arith.constant 0 : i32
      %dma_wait3A_107 = tpu.memref_slice %arg7[%dma_wait3A, %dma_wait3A_106] : memref<128x64xf32, #tpu.memory_space<vmem>> -> memref<128x64xf32, #tpu.memory_space<vmem>>
      %dma_wait3A_108 = arith.constant 0 : i32
      %dma_wait3A_109 = tpu.memref_slice %arg11[%add3A_5, %dma_wait3A_108] : memref<10112x64xf32, #tpu.memory_space<vmem_shared>> -> memref<128x64xf32, #tpu.memory_space<vmem_shared>>
      %dma_wait3A_110 = arith.constant 0 : i32
      %dma_wait3A_111 = tpu.memref_slice %arg11[%add3A_5, %dma_wait3A_110] : memref<10112x64xf32, #tpu.memory_space<vmem_shared>> -> memref<128x64xf32, #tpu.memory_space<vmem_shared>>
      %dma_wait3A_112 = arith.constant 0 : i32
      %dma_wait3A_113 = arith.constant 0 : i32
      %dma_wait3A_114 = tpu.memref_slice %arg7[%dma_wait3A_112, %dma_wait3A_113] : memref<128x64xf32, #tpu.memory_space<vmem>> -> memref<128x64xf32, #tpu.memory_space<vmem>>
      tpu.wait_dma2 semaphore(%run_scoped3A : memref<!tpu.dma_semaphore, #tpu.memory_space<semaphore_mem>>) src(%dma_wait3A_114 : memref<128x64xf32, #tpu.memory_space<vmem>>) dst(%dma_wait3A_111 : memref<128x64xf32, #tpu.memory_space<vmem_shared>>)
      tpu.yield
    }) : () -> ()
    %add3A_6 = arith.constant 384 : i32
    %add3A_7 = arith.addi %mul3A_0, %add3A_6 : i32
    "tpu.region"() ({
      %run_scoped3A = tpu.sem_alloc : memref<!tpu.dma_semaphore, #tpu.memory_space<semaphore_mem>>
      %dma_start3A_96 = arith.constant 0 : i32
      %dma_start3A_97 = arith.constant 0 : i32
      %dma_start3A_98 = tpu.memref_slice %arg7[%dma_start3A_96, %dma_start3A_97] : memref<128x64xf32, #tpu.memory_space<vmem>> -> memref<128x64xf32, #tpu.memory_space<vmem>>
      %dma_start3A_99 = arith.constant 0 : i32
      %dma_start3A_100 = tpu.memref_slice %arg11[%add3A_7, %dma_start3A_99] : memref<10112x64xf32, #tpu.memory_space<vmem_shared>> -> memref<128x64xf32, #tpu.memory_space<vmem_shared>>
      %dma_start3A_101 = arith.constant 0 : i32
      %dma_start3A_102 = tpu.memref_slice %arg11[%add3A_7, %dma_start3A_101] : memref<10112x64xf32, #tpu.memory_space<vmem_shared>> -> memref<128x64xf32, #tpu.memory_space<vmem_shared>>
      %dma_start3A_103 = arith.constant 0 : i32
      %dma_start3A_104 = arith.constant 0 : i32
      %dma_start3A_105 = tpu.memref_slice %arg7[%dma_start3A_103, %dma_start3A_104] : memref<128x64xf32, #tpu.memory_space<vmem>> -> memref<128x64xf32, #tpu.memory_space<vmem>>
      tpu.enqueue_dma source(%dma_start3A_105 : memref<128x64xf32, #tpu.memory_space<vmem>>) target(%dma_start3A_102 : memref<128x64xf32, #tpu.memory_space<vmem_shared>>) target_semaphore(%run_scoped3A : memref<!tpu.dma_semaphore, #tpu.memory_space<semaphore_mem>>)
      %dma_wait3A = arith.constant 0 : i32
      %dma_wait3A_106 = arith.constant 0 : i32
      %dma_wait3A_107 = tpu.memref_slice %arg7[%dma_wait3A, %dma_wait3A_106] : memref<128x64xf32, #tpu.memory_space<vmem>> -> memref<128x64xf32, #tpu.memory_space<vmem>>
      %dma_wait3A_108 = arith.constant 0 : i32
      %dma_wait3A_109 = tpu.memref_slice %arg11[%add3A_7, %dma_wait3A_108] : memref<10112x64xf32, #tpu.memory_space<vmem_shared>> -> memref<128x64xf32, #tpu.memory_space<vmem_shared>>
      %dma_wait3A_110 = arith.constant 0 : i32
      %dma_wait3A_111 = tpu.memref_slice %arg11[%add3A_7, %dma_wait3A_110] : memref<10112x64xf32, #tpu.memory_space<vmem_shared>> -> memref<128x64xf32, #tpu.memory_space<vmem_shared>>
      %dma_wait3A_112 = arith.constant 0 : i32
      %dma_wait3A_113 = arith.constant 0 : i32
      %dma_wait3A_114 = tpu.memref_slice %arg7[%dma_wait3A_112, %dma_wait3A_113] : memref<128x64xf32, #tpu.memory_space<vmem>> -> memref<128x64xf32, #tpu.memory_space<vmem>>
      tpu.wait_dma2 semaphore(%run_scoped3A : memref<!tpu.dma_semaphore, #tpu.memory_space<semaphore_mem>>) src(%dma_wait3A_114 : memref<128x64xf32, #tpu.memory_space<vmem>>) dst(%dma_wait3A_111 : memref<128x64xf32, #tpu.memory_space<vmem_shared>>)
      tpu.yield
    }) : () -> ()
    %add3A_8 = arith.constant 512 : i32
    %add3A_9 = arith.addi %mul3A_0, %add3A_8 : i32
    "tpu.region"() ({
      %run_scoped3A = tpu.sem_alloc : memref<!tpu.dma_semaphore, #tpu.memory_space<semaphore_mem>>
      %dma_start3A_96 = arith.constant 0 : i32
      %dma_start3A_97 = arith.constant 0 : i32
      %dma_start3A_98 = tpu.memref_slice %arg7[%dma_start3A_96, %dma_start3A_97] : memref<128x64xf32, #tpu.memory_space<vmem>> -> memref<120x64xf32, #tpu.memory_space<vmem>>
      %dma_start3A_99 = arith.constant 0 : i32
      %dma_start3A_100 = tpu.memref_slice %arg11[%add3A_9, %dma_start3A_99] : memref<10112x64xf32, #tpu.memory_space<vmem_shared>> -> memref<120x64xf32, #tpu.memory_space<vmem_shared>>
      %dma_start3A_101 = arith.constant 0 : i32
      %dma_start3A_102 = tpu.memref_slice %arg11[%add3A_9, %dma_start3A_101] : memref<10112x64xf32, #tpu.memory_space<vmem_shared>> -> memref<120x64xf32, #tpu.memory_space<vmem_shared>>
      %dma_start3A_103 = arith.constant 0 : i32
      %dma_start3A_104 = arith.constant 0 : i32
      %dma_start3A_105 = tpu.memref_slice %arg7[%dma_start3A_103, %dma_start3A_104] : memref<128x64xf32, #tpu.memory_space<vmem>> -> memref<120x64xf32, #tpu.memory_space<vmem>>
      tpu.enqueue_dma source(%dma_start3A_105 : memref<120x64xf32, #tpu.memory_space<vmem>>) target(%dma_start3A_102 : memref<120x64xf32, #tpu.memory_space<vmem_shared>>) target_semaphore(%run_scoped3A : memref<!tpu.dma_semaphore, #tpu.memory_space<semaphore_mem>>)
      %dma_wait3A = arith.constant 0 : i32
      %dma_wait3A_106 = arith.constant 0 : i32
      %dma_wait3A_107 = tpu.memref_slice %arg7[%dma_wait3A, %dma_wait3A_106] : memref<128x64xf32, #tpu.memory_space<vmem>> -> memref<120x64xf32, #tpu.memory_space<vmem>>
      %dma_wait3A_108 = arith.constant 0 : i32
      %dma_wait3A_109 = tpu.memref_slice %arg11[%add3A_9, %dma_wait3A_108] : memref<10112x64xf32, #tpu.memory_space<vmem_shared>> -> memref<120x64xf32, #tpu.memory_space<vmem_shared>>
      %dma_wait3A_110 = arith.constant 0 : i32
      %dma_wait3A_111 = tpu.memref_slice %arg11[%add3A_9, %dma_wait3A_110] : memref<10112x64xf32, #tpu.memory_space<vmem_shared>> -> memref<120x64xf32, #tpu.memory_space<vmem_shared>>
      %dma_wait3A_112 = arith.constant 0 : i32
      %dma_wait3A_113 = arith.constant 0 : i32
      %dma_wait3A_114 = tpu.memref_slice %arg7[%dma_wait3A_112, %dma_wait3A_113] : memref<128x64xf32, #tpu.memory_space<vmem>> -> memref<120x64xf32, #tpu.memory_space<vmem>>
      tpu.wait_dma2 semaphore(%run_scoped3A : memref<!tpu.dma_semaphore, #tpu.memory_space<semaphore_mem>>) src(%dma_wait3A_114 : memref<120x64xf32, #tpu.memory_space<vmem>>) dst(%dma_wait3A_111 : memref<120x64xf32, #tpu.memory_space<vmem_shared>>)
      tpu.yield
    }) : () -> ()
    %eq3A = arith.constant 0 : i32
    %eq3A_10 = arith.cmpi eq, %arg0, %eq3A : i32
    %lt3A = arith.constant 8 : i32
    %lt3A_11 = arith.cmpi slt, %arg1, %lt3A : i32
    %convert_element_type3A = arith.extui %lt3A_11 : i1 to i32
    %add3A_12 = arith.constant 19 : i32
    %add3A_13 = arith.addi %add3A_12, %convert_element_type3A : i32
    %lt3A_14 = arith.constant 9 : i32
    %lt3A_15 = arith.cmpi slt, %arg1, %lt3A_14 : i32
    %convert_element_type3A_16 = arith.extui %lt3A_15 : i1 to i32
    %add3A_17 = arith.constant 19 : i32
    %add3A_18 = arith.addi %add3A_17, %convert_element_type3A_16 : i32
    %select_n3A = arith.select %eq3A_10, %add3A_13, %add3A_18 : i32
    %eq3A_19 = arith.constant 0 : i32
    %eq3A_20 = arith.cmpi eq, %arg0, %eq3A_19 : i32
    %mul3A_21 = arith.constant 19 : i32
    %mul3A_22 = arith.muli %arg1, %mul3A_21 : i32
    %min3A = arith.constant 8 : i32
    %min3A_23 = arith.minsi %arg1, %min3A : i32
    %add3A_24 = arith.addi %mul3A_22, %min3A_23 : i32
    %mul3A_25 = arith.constant 19 : i32
    %mul3A_26 = arith.muli %arg1, %mul3A_25 : i32
    %add3A_27 = arith.constant 312 : i32
    %add3A_28 = arith.addi %add3A_27, %mul3A_26 : i32
    %min3A_29 = arith.constant 9 : i32
    %min3A_30 = arith.minsi %arg1, %min3A_29 : i32
    %add3A_31 = arith.addi %add3A_28, %min3A_30 : i32
    %select_n3A_32 = arith.select %eq3A_20, %add3A_24, %add3A_31 : i32
    %mul3A_33 = arith.constant 4 : i32
    %mul3A_34 = arith.muli %select_n3A, %mul3A_33 : i32
    %mul3A_35 = arith.constant 4 : i32
    %mul3A_36 = arith.muli %select_n3A_32, %mul3A_35 : i32
    %min3A_37 = arith.constant 2420 : i32
    %min3A_38 = arith.minsi %mul3A_36, %min3A_37 : i32
    %mul3A_39 = arith.constant 4 : i32
    %mul3A_40 = arith.muli %select_n3A_32, %mul3A_39 : i32
    %sub3A = arith.subi %mul3A_40, %min3A_38 : i32
    "tpu.region"() ({
      %run_scoped3A = tpu.sem_alloc : memref<!tpu.dma_semaphore, #tpu.memory_space<semaphore_mem>>
      %dma_start3A_96 = arith.constant 0 : i32
      %dma_start3A_97 = arith.constant 0 : i32
      %dma_start3A_98 = tpu.memref_slice %arg3[%min3A_38, %dma_start3A_96, %dma_start3A_97] : memref<2500x2x128xi32, #tpu.memory_space<hbm>> -> memref<80x2x128xi32, #tpu.memory_space<hbm>>
      %dma_start3A_99 = arith.constant 0 : i32
      %dma_start3A_100 = arith.constant 0 : i32
      %dma_start3A_101 = tpu.memref_slice %arg3[%min3A_38, %dma_start3A_99, %dma_start3A_100] : memref<2500x2x128xi32, #tpu.memory_space<hbm>> -> memref<80x2x128xi32, #tpu.memory_space<hbm>>
      tpu.enqueue_dma source(%dma_start3A_101 : memref<80x2x128xi32, #tpu.memory_space<hbm>>) target(%arg6 : memref<80x2x128xi32, #tpu.memory_space<vmem>>) target_semaphore(%run_scoped3A : memref<!tpu.dma_semaphore, #tpu.memory_space<semaphore_mem>>)
      %dma_wait3A = arith.constant 0 : i32
      %dma_wait3A_102 = arith.constant 0 : i32
      %dma_wait3A_103 = tpu.memref_slice %arg3[%min3A_38, %dma_wait3A, %dma_wait3A_102] : memref<2500x2x128xi32, #tpu.memory_space<hbm>> -> memref<80x2x128xi32, #tpu.memory_space<hbm>>
      %dma_wait3A_104 = arith.constant 0 : i32
      %dma_wait3A_105 = arith.constant 0 : i32
      %dma_wait3A_106 = tpu.memref_slice %arg3[%min3A_38, %dma_wait3A_104, %dma_wait3A_105] : memref<2500x2x128xi32, #tpu.memory_space<hbm>> -> memref<80x2x128xi32, #tpu.memory_space<hbm>>
      tpu.wait_dma2 semaphore(%run_scoped3A : memref<!tpu.dma_semaphore, #tpu.memory_space<semaphore_mem>>) src(%dma_wait3A_106 : memref<80x2x128xi32, #tpu.memory_space<hbm>>) dst(%arg6 : memref<80x2x128xi32, #tpu.memory_space<vmem>>)
      tpu.yield
    }) : () -> ()
    %barrier3A = arith.constant 0 : index
    tpu.barrier barrier_id(%barrier3A)
    "tpu.trace_stop"() : () -> ()
    "tpu.trace_start"() <{level = 10 : i32, message = "agg_loop"}> : () -> ()
    %add3A_41 = arith.constant 0 : i32
    %add3A_42 = arith.addi %sub3A, %add3A_41 : i32
    %dma_start3A = arith.constant 0 : i32
    %dma_start3A_43 = arith.constant 0 : i32
    %dma_start3A_44 = tpu.memref_slice %arg6[%add3A_42, %dma_start3A, %dma_start3A_43] : memref<80x2x128xi32, #tpu.memory_space<vmem>> -> memref<1x1x128xi32, #tpu.memory_space<vmem>>
    %dma_start3A_45 = tpu.memref_squeeze %dma_start3A_44 : memref<1x1x128xi32, #tpu.memory_space<vmem>> -> memref<128xi32, #tpu.memory_space<vmem>>
    %dma_start3A_46 = arith.constant 0 : i32
    %dma_start3A_47 = arith.constant 0 : i32
    %dma_start3A_48 = tpu.memref_slice %arg2[%dma_start3A_46, %dma_start3A_47] : memref<10112x64xf32, #tpu.memory_space<hbm>> -> memref<10112x64xf32, #tpu.memory_space<hbm>>
    tpu.enqueue_indirect_dma source(%dma_start3A_48 : memref<10112x64xf32, #tpu.memory_space<hbm>>) target(%arg7 : memref<128x64xf32, #tpu.memory_space<vmem>>) offsets(%dma_start3A_45 : memref<128xi32, #tpu.memory_space<vmem>>) semaphore(%arg12 : memref<!tpu.dma_semaphore, #tpu.memory_space<semaphore_mem>>)
    %add3A_49 = arith.constant 1 : i32
    %add3A_50 = arith.addi %sub3A, %add3A_49 : i32
    %dma_start3A_51 = arith.constant 0 : i32
    %dma_start3A_52 = arith.constant 0 : i32
    %dma_start3A_53 = tpu.memref_slice %arg6[%add3A_50, %dma_start3A_51, %dma_start3A_52] : memref<80x2x128xi32, #tpu.memory_space<vmem>> -> memref<1x1x128xi32, #tpu.memory_space<vmem>>
    %dma_start3A_54 = tpu.memref_squeeze %dma_start3A_53 : memref<1x1x128xi32, #tpu.memory_space<vmem>> -> memref<128xi32, #tpu.memory_space<vmem>>
    %dma_start3A_55 = arith.constant 0 : i32
    %dma_start3A_56 = arith.constant 0 : i32
    %dma_start3A_57 = tpu.memref_slice %arg2[%dma_start3A_55, %dma_start3A_56] : memref<10112x64xf32, #tpu.memory_space<hbm>> -> memref<10112x64xf32, #tpu.memory_space<hbm>>
    tpu.enqueue_indirect_dma source(%dma_start3A_57 : memref<10112x64xf32, #tpu.memory_space<hbm>>) target(%arg8 : memref<128x64xf32, #tpu.memory_space<vmem>>) offsets(%dma_start3A_54 : memref<128xi32, #tpu.memory_space<vmem>>) semaphore(%arg13 : memref<!tpu.dma_semaphore, #tpu.memory_space<semaphore_mem>>)
    %add3A_58 = arith.constant 2 : i32
    %add3A_59 = arith.addi %sub3A, %add3A_58 : i32
    %dma_start3A_60 = arith.constant 0 : i32
    %dma_start3A_61 = arith.constant 0 : i32
    %dma_start3A_62 = tpu.memref_slice %arg6[%add3A_59, %dma_start3A_60, %dma_start3A_61] : memref<80x2x128xi32, #tpu.memory_space<vmem>> -> memref<1x1x128xi32, #tpu.memory_space<vmem>>
    %dma_start3A_63 = tpu.memref_squeeze %dma_start3A_62 : memref<1x1x128xi32, #tpu.memory_space<vmem>> -> memref<128xi32, #tpu.memory_space<vmem>>
    %dma_start3A_64 = arith.constant 0 : i32
    %dma_start3A_65 = arith.constant 0 : i32
    %dma_start3A_66 = tpu.memref_slice %arg2[%dma_start3A_64, %dma_start3A_65] : memref<10112x64xf32, #tpu.memory_space<hbm>> -> memref<10112x64xf32, #tpu.memory_space<hbm>>
    tpu.enqueue_indirect_dma source(%dma_start3A_66 : memref<10112x64xf32, #tpu.memory_space<hbm>>) target(%arg9 : memref<128x64xf32, #tpu.memory_space<vmem>>) offsets(%dma_start3A_63 : memref<128xi32, #tpu.memory_space<vmem>>) semaphore(%arg14 : memref<!tpu.dma_semaphore, #tpu.memory_space<semaphore_mem>>)
    %add3A_67 = arith.constant 3 : i32
    %add3A_68 = arith.addi %sub3A, %add3A_67 : i32
    %dma_start3A_69 = arith.constant 0 : i32
    %dma_start3A_70 = arith.constant 0 : i32
    %dma_start3A_71 = tpu.memref_slice %arg6[%add3A_68, %dma_start3A_69, %dma_start3A_70] : memref<80x2x128xi32, #tpu.memory_space<vmem>> -> memref<1x1x128xi32, #tpu.memory_space<vmem>>
    %dma_start3A_72 = tpu.memref_squeeze %dma_start3A_71 : memref<1x1x128xi32, #tpu.memory_space<vmem>> -> memref<128xi32, #tpu.memory_space<vmem>>
    %dma_start3A_73 = arith.constant 0 : i32
    %dma_start3A_74 = arith.constant 0 : i32
    %dma_start3A_75 = tpu.memref_slice %arg2[%dma_start3A_73, %dma_start3A_74] : memref<10112x64xf32, #tpu.memory_space<hbm>> -> memref<10112x64xf32, #tpu.memory_space<hbm>>
    tpu.enqueue_indirect_dma source(%dma_start3A_75 : memref<10112x64xf32, #tpu.memory_space<hbm>>) target(%arg10 : memref<128x64xf32, #tpu.memory_space<vmem>>) offsets(%dma_start3A_72 : memref<128xi32, #tpu.memory_space<vmem>>) semaphore(%arg15 : memref<!tpu.dma_semaphore, #tpu.memory_space<semaphore_mem>>)
    %while3A = arith.constant 0 : i32
    %while3A_76 = arith.constant 0 : i32
    %while3A_77 = arith.subi %select_n3A, %while3A_76 : i32
    %while3A_78 = arith.addi %while3A_76, %while3A_77 : i32
    %while3A_79 = arith.constant 1 : i32
    %while3A_80 = arith.divsi %while3A_77, %while3A_79 : i32
    %while3A_81 = arith.muli %while3A_80, %while3A_79 : i32
    %while3A_82 = arith.addi %while3A_76, %while3A_81 : i32
    %while3A_83 = arith.constant 1 : i32
    scf.for %while3A_96 = %while3A_76 to %while3A_82 step %while3A_83  : i32 {
      %mul3A_97 = arith.constant 4 : i32
      %mul3A_98 = arith.muli %while3A_96, %mul3A_97 : i32
      %add3A_99 = arith.addi %sub3A, %mul3A_98 : i32
      %add3A_100 = arith.constant 0 : i32
      %add3A_101 = arith.addi %add3A_99, %add3A_100 : i32
      %dma_wait3A = arith.constant 0 : i32
      %dma_wait3A_102 = arith.constant 0 : i32
      %dma_wait3A_103 = tpu.memref_slice %arg6[%add3A_101, %dma_wait3A, %dma_wait3A_102] : memref<80x2x128xi32, #tpu.memory_space<vmem>> -> memref<1x1x128xi32, #tpu.memory_space<vmem>>
      %dma_wait3A_104 = tpu.memref_squeeze %dma_wait3A_103 : memref<1x1x128xi32, #tpu.memory_space<vmem>> -> memref<128xi32, #tpu.memory_space<vmem>>
      %dma_wait3A_105 = arith.constant 0 : i32
      %dma_wait3A_106 = arith.constant 0 : i32
      %dma_wait3A_107 = tpu.memref_slice %arg2[%dma_wait3A_105, %dma_wait3A_106] : memref<10112x64xf32, #tpu.memory_space<hbm>> -> memref<10112x64xf32, #tpu.memory_space<hbm>>
      tpu.wait_indirect_dma semaphore(%arg12 : memref<!tpu.dma_semaphore, #tpu.memory_space<semaphore_mem>>) src(%dma_wait3A_107 : memref<10112x64xf32, #tpu.memory_space<hbm>>) dst(%arg7 : memref<128x64xf32, #tpu.memory_space<vmem>>)
      %add3A_108 = arith.constant 0 : i32
      %add3A_109 = arith.addi %add3A_99, %add3A_108 : i32
      %run_scoped3A = arith.constant 1 : i32
      "tpu.region"() ({
        %run_scoped3A_185 = tpu.sem_alloc : memref<!tpu.dma_semaphore, #tpu.memory_space<semaphore_mem>>
        %dma_start3A_186 = arith.constant 0 : i32
        %dma_start3A_187 = tpu.memref_slice %arg6[%add3A_109, %run_scoped3A, %dma_start3A_186] : memref<80x2x128xi32, #tpu.memory_space<vmem>> -> memref<1x1x128xi32, #tpu.memory_space<vmem>>
        %dma_start3A_188 = tpu.memref_squeeze %dma_start3A_187 : memref<1x1x128xi32, #tpu.memory_space<vmem>> -> memref<128xi32, #tpu.memory_space<vmem>>
        %dma_start3A_189 = arith.constant 0 : i32
        %dma_start3A_190 = arith.constant 0 : i32
        %dma_start3A_191 = tpu.memref_slice %arg11[%dma_start3A_189, %dma_start3A_190] : memref<10112x64xf32, #tpu.memory_space<vmem_shared>> -> memref<10112x64xf32, #tpu.memory_space<vmem_shared>>
        tpu.enqueue_indirect_dma source(%arg7 : memref<128x64xf32, #tpu.memory_space<vmem>>) target(%dma_start3A_191 : memref<10112x64xf32, #tpu.memory_space<vmem_shared>>) offsets(%dma_start3A_188 : memref<128xi32, #tpu.memory_space<vmem>>) semaphore(%run_scoped3A_185 : memref<!tpu.dma_semaphore, #tpu.memory_space<semaphore_mem>>) {add = true}
        %dma_wait3A_192 = arith.constant 0 : i32
        %dma_wait3A_193 = tpu.memref_slice %arg6[%add3A_109, %run_scoped3A, %dma_wait3A_192] : memref<80x2x128xi32, #tpu.memory_space<vmem>> -> memref<1x1x128xi32, #tpu.memory_space<vmem>>
        %dma_wait3A_194 = tpu.memref_squeeze %dma_wait3A_193 : memref<1x1x128xi32, #tpu.memory_space<vmem>> -> memref<128xi32, #tpu.memory_space<vmem>>
        %dma_wait3A_195 = arith.constant 0 : i32
        %dma_wait3A_196 = arith.constant 0 : i32
        %dma_wait3A_197 = tpu.memref_slice %arg11[%dma_wait3A_195, %dma_wait3A_196] : memref<10112x64xf32, #tpu.memory_space<vmem_shared>> -> memref<10112x64xf32, #tpu.memory_space<vmem_shared>>
        tpu.wait_indirect_dma semaphore(%run_scoped3A_185 : memref<!tpu.dma_semaphore, #tpu.memory_space<semaphore_mem>>) src(%arg7 : memref<128x64xf32, #tpu.memory_space<vmem>>) dst(%dma_wait3A_197 : memref<10112x64xf32, #tpu.memory_space<vmem_shared>>)
        tpu.yield
      }) : () -> ()
      %mul3A_110 = arith.constant 4 : i32
      %mul3A_111 = arith.muli %while3A_96, %mul3A_110 : i32
      %add3A_112 = arith.constant 0 : i32
      %add3A_113 = arith.addi %mul3A_111, %add3A_112 : i32
      %add3A_114 = arith.constant 4 : i32
      %add3A_115 = arith.addi %add3A_113, %add3A_114 : i32
      %lt3A_116 = arith.cmpi slt, %add3A_115, %mul3A_34 : i32
      %convert_element_type3A_117 = arith.extui %lt3A_116 : i1 to i32
      %cond3A = arith.constant 0 : i32
      %cond3A_118 = arith.cmpi ne, %convert_element_type3A_117, %cond3A : i32
      scf.if %cond3A_118 {
        %add3A_185 = arith.constant 0 : i32
        %add3A_186 = arith.addi %add3A_99, %add3A_185 : i32
        %add3A_187 = arith.constant 4 : i32
        %add3A_188 = arith.addi %add3A_186, %add3A_187 : i32
        %dma_start3A_189 = arith.constant 0 : i32
        %dma_start3A_190 = arith.constant 0 : i32
        %dma_start3A_191 = tpu.memref_slice %arg6[%add3A_188, %dma_start3A_189, %dma_start3A_190] : memref<80x2x128xi32, #tpu.memory_space<vmem>> -> memref<1x1x128xi32, #tpu.memory_space<vmem>>
        %dma_start3A_192 = tpu.memref_squeeze %dma_start3A_191 : memref<1x1x128xi32, #tpu.memory_space<vmem>> -> memref<128xi32, #tpu.memory_space<vmem>>
        %dma_start3A_193 = arith.constant 0 : i32
        %dma_start3A_194 = arith.constant 0 : i32
        %dma_start3A_195 = tpu.memref_slice %arg2[%dma_start3A_193, %dma_start3A_194] : memref<10112x64xf32, #tpu.memory_space<hbm>> -> memref<10112x64xf32, #tpu.memory_space<hbm>>
        tpu.enqueue_indirect_dma source(%dma_start3A_195 : memref<10112x64xf32, #tpu.memory_space<hbm>>) target(%arg7 : memref<128x64xf32, #tpu.memory_space<vmem>>) offsets(%dma_start3A_192 : memref<128xi32, #tpu.memory_space<vmem>>) semaphore(%arg12 : memref<!tpu.dma_semaphore, #tpu.memory_space<semaphore_mem>>)
      } else {
      }
      %add3A_119 = arith.constant 1 : i32
      %add3A_120 = arith.addi %add3A_99, %add3A_119 : i32
      %dma_wait3A_121 = arith.constant 0 : i32
      %dma_wait3A_122 = arith.constant 0 : i32
      %dma_wait3A_123 = tpu.memref_slice %arg6[%add3A_120, %dma_wait3A_121, %dma_wait3A_122] : memref<80x2x128xi32, #tpu.memory_space<vmem>> -> memref<1x1x128xi32, #tpu.memory_space<vmem>>
      %dma_wait3A_124 = tpu.memref_squeeze %dma_wait3A_123 : memref<1x1x128xi32, #tpu.memory_space<vmem>> -> memref<128xi32, #tpu.memory_space<vmem>>
      %dma_wait3A_125 = arith.constant 0 : i32
      %dma_wait3A_126 = arith.constant 0 : i32
      %dma_wait3A_127 = tpu.memref_slice %arg2[%dma_wait3A_125, %dma_wait3A_126] : memref<10112x64xf32, #tpu.memory_space<hbm>> -> memref<10112x64xf32, #tpu.memory_space<hbm>>
      tpu.wait_indirect_dma semaphore(%arg13 : memref<!tpu.dma_semaphore, #tpu.memory_space<semaphore_mem>>) src(%dma_wait3A_127 : memref<10112x64xf32, #tpu.memory_space<hbm>>) dst(%arg8 : memref<128x64xf32, #tpu.memory_space<vmem>>)
      %add3A_128 = arith.constant 1 : i32
      %add3A_129 = arith.addi %add3A_99, %add3A_128 : i32
      %run_scoped3A_130 = arith.constant 1 : i32
      "tpu.region"() ({
        %run_scoped3A_185 = tpu.sem_alloc : memref<!tpu.dma_semaphore, #tpu.memory_space<semaphore_mem>>
        %dma_start3A_186 = arith.constant 0 : i32
        %dma_start3A_187 = tpu.memref_slice %arg6[%add3A_129, %run_scoped3A_130, %dma_start3A_186] : memref<80x2x128xi32, #tpu.memory_space<vmem>> -> memref<1x1x128xi32, #tpu.memory_space<vmem>>
        %dma_start3A_188 = tpu.memref_squeeze %dma_start3A_187 : memref<1x1x128xi32, #tpu.memory_space<vmem>> -> memref<128xi32, #tpu.memory_space<vmem>>
        %dma_start3A_189 = arith.constant 0 : i32
        %dma_start3A_190 = arith.constant 0 : i32
        %dma_start3A_191 = tpu.memref_slice %arg11[%dma_start3A_189, %dma_start3A_190] : memref<10112x64xf32, #tpu.memory_space<vmem_shared>> -> memref<10112x64xf32, #tpu.memory_space<vmem_shared>>
        tpu.enqueue_indirect_dma source(%arg8 : memref<128x64xf32, #tpu.memory_space<vmem>>) target(%dma_start3A_191 : memref<10112x64xf32, #tpu.memory_space<vmem_shared>>) offsets(%dma_start3A_188 : memref<128xi32, #tpu.memory_space<vmem>>) semaphore(%run_scoped3A_185 : memref<!tpu.dma_semaphore, #tpu.memory_space<semaphore_mem>>) {add = true}
        %dma_wait3A_192 = arith.constant 0 : i32
        %dma_wait3A_193 = tpu.memref_slice %arg6[%add3A_129, %run_scoped3A_130, %dma_wait3A_192] : memref<80x2x128xi32, #tpu.memory_space<vmem>> -> memref<1x1x128xi32, #tpu.memory_space<vmem>>
        %dma_wait3A_194 = tpu.memref_squeeze %dma_wait3A_193 : memref<1x1x128xi32, #tpu.memory_space<vmem>> -> memref<128xi32, #tpu.memory_space<vmem>>
        %dma_wait3A_195 = arith.constant 0 : i32
        %dma_wait3A_196 = arith.constant 0 : i32
        %dma_wait3A_197 = tpu.memref_slice %arg11[%dma_wait3A_195, %dma_wait3A_196] : memref<10112x64xf32, #tpu.memory_space<vmem_shared>> -> memref<10112x64xf32, #tpu.memory_space<vmem_shared>>
        tpu.wait_indirect_dma semaphore(%run_scoped3A_185 : memref<!tpu.dma_semaphore, #tpu.memory_space<semaphore_mem>>) src(%arg8 : memref<128x64xf32, #tpu.memory_space<vmem>>) dst(%dma_wait3A_197 : memref<10112x64xf32, #tpu.memory_space<vmem_shared>>)
        tpu.yield
      }) : () -> ()
      %mul3A_131 = arith.constant 4 : i32
      %mul3A_132 = arith.muli %while3A_96, %mul3A_131 : i32
      %add3A_133 = arith.constant 1 : i32
      %add3A_134 = arith.addi %mul3A_132, %add3A_133 : i32
      %add3A_135 = arith.constant 4 : i32
      %add3A_136 = arith.addi %add3A_134, %add3A_135 : i32
      %lt3A_137 = arith.cmpi slt, %add3A_136, %mul3A_34 : i32
      %convert_element_type3A_138 = arith.extui %lt3A_137 : i1 to i32
      %cond3A_139 = arith.constant 0 : i32
      %cond3A_140 = arith.cmpi ne, %convert_element_type3A_138, %cond3A_139 : i32
      scf.if %cond3A_140 {
        %add3A_185 = arith.constant 1 : i32
        %add3A_186 = arith.addi %add3A_99, %add3A_185 : i32
        %add3A_187 = arith.constant 4 : i32
        %add3A_188 = arith.addi %add3A_186, %add3A_187 : i32
        %dma_start3A_189 = arith.constant 0 : i32
        %dma_start3A_190 = arith.constant 0 : i32
        %dma_start3A_191 = tpu.memref_slice %arg6[%add3A_188, %dma_start3A_189, %dma_start3A_190] : memref<80x2x128xi32, #tpu.memory_space<vmem>> -> memref<1x1x128xi32, #tpu.memory_space<vmem>>
        %dma_start3A_192 = tpu.memref_squeeze %dma_start3A_191 : memref<1x1x128xi32, #tpu.memory_space<vmem>> -> memref<128xi32, #tpu.memory_space<vmem>>
        %dma_start3A_193 = arith.constant 0 : i32
        %dma_start3A_194 = arith.constant 0 : i32
        %dma_start3A_195 = tpu.memref_slice %arg2[%dma_start3A_193, %dma_start3A_194] : memref<10112x64xf32, #tpu.memory_space<hbm>> -> memref<10112x64xf32, #tpu.memory_space<hbm>>
        tpu.enqueue_indirect_dma source(%dma_start3A_195 : memref<10112x64xf32, #tpu.memory_space<hbm>>) target(%arg8 : memref<128x64xf32, #tpu.memory_space<vmem>>) offsets(%dma_start3A_192 : memref<128xi32, #tpu.memory_space<vmem>>) semaphore(%arg13 : memref<!tpu.dma_semaphore, #tpu.memory_space<semaphore_mem>>)
      } else {
      }
      %add3A_141 = arith.constant 2 : i32
      %add3A_142 = arith.addi %add3A_99, %add3A_141 : i32
      %dma_wait3A_143 = arith.constant 0 : i32
      %dma_wait3A_144 = arith.constant 0 : i32
      %dma_wait3A_145 = tpu.memref_slice %arg6[%add3A_142, %dma_wait3A_143, %dma_wait3A_144] : memref<80x2x128xi32, #tpu.memory_space<vmem>> -> memref<1x1x128xi32, #tpu.memory_space<vmem>>
      %dma_wait3A_146 = tpu.memref_squeeze %dma_wait3A_145 : memref<1x1x128xi32, #tpu.memory_space<vmem>> -> memref<128xi32, #tpu.memory_space<vmem>>
      %dma_wait3A_147 = arith.constant 0 : i32
      %dma_wait3A_148 = arith.constant 0 : i32
      %dma_wait3A_149 = tpu.memref_slice %arg2[%dma_wait3A_147, %dma_wait3A_148] : memref<10112x64xf32, #tpu.memory_space<hbm>> -> memref<10112x64xf32, #tpu.memory_space<hbm>>
      tpu.wait_indirect_dma semaphore(%arg14 : memref<!tpu.dma_semaphore, #tpu.memory_space<semaphore_mem>>) src(%dma_wait3A_149 : memref<10112x64xf32, #tpu.memory_space<hbm>>) dst(%arg9 : memref<128x64xf32, #tpu.memory_space<vmem>>)
      %add3A_150 = arith.constant 2 : i32
      %add3A_151 = arith.addi %add3A_99, %add3A_150 : i32
      %run_scoped3A_152 = arith.constant 1 : i32
      "tpu.region"() ({
        %run_scoped3A_185 = tpu.sem_alloc : memref<!tpu.dma_semaphore, #tpu.memory_space<semaphore_mem>>
        %dma_start3A_186 = arith.constant 0 : i32
        %dma_start3A_187 = tpu.memref_slice %arg6[%add3A_151, %run_scoped3A_152, %dma_start3A_186] : memref<80x2x128xi32, #tpu.memory_space<vmem>> -> memref<1x1x128xi32, #tpu.memory_space<vmem>>
        %dma_start3A_188 = tpu.memref_squeeze %dma_start3A_187 : memref<1x1x128xi32, #tpu.memory_space<vmem>> -> memref<128xi32, #tpu.memory_space<vmem>>
        %dma_start3A_189 = arith.constant 0 : i32
        %dma_start3A_190 = arith.constant 0 : i32
        %dma_start3A_191 = tpu.memref_slice %arg11[%dma_start3A_189, %dma_start3A_190] : memref<10112x64xf32, #tpu.memory_space<vmem_shared>> -> memref<10112x64xf32, #tpu.memory_space<vmem_shared>>
        tpu.enqueue_indirect_dma source(%arg9 : memref<128x64xf32, #tpu.memory_space<vmem>>) target(%dma_start3A_191 : memref<10112x64xf32, #tpu.memory_space<vmem_shared>>) offsets(%dma_start3A_188 : memref<128xi32, #tpu.memory_space<vmem>>) semaphore(%run_scoped3A_185 : memref<!tpu.dma_semaphore, #tpu.memory_space<semaphore_mem>>) {add = true}
        %dma_wait3A_192 = arith.constant 0 : i32
        %dma_wait3A_193 = tpu.memref_slice %arg6[%add3A_151, %run_scoped3A_152, %dma_wait3A_192] : memref<80x2x128xi32, #tpu.memory_space<vmem>> -> memref<1x1x128xi32, #tpu.memory_space<vmem>>
        %dma_wait3A_194 = tpu.memref_squeeze %dma_wait3A_193 : memref<1x1x128xi32, #tpu.memory_space<vmem>> -> memref<128xi32, #tpu.memory_space<vmem>>
        %dma_wait3A_195 = arith.constant 0 : i32
        %dma_wait3A_196 = arith.constant 0 : i32
        %dma_wait3A_197 = tpu.memref_slice %arg11[%dma_wait3A_195, %dma_wait3A_196] : memref<10112x64xf32, #tpu.memory_space<vmem_shared>> -> memref<10112x64xf32, #tpu.memory_space<vmem_shared>>
        tpu.wait_indirect_dma semaphore(%run_scoped3A_185 : memref<!tpu.dma_semaphore, #tpu.memory_space<semaphore_mem>>) src(%arg9 : memref<128x64xf32, #tpu.memory_space<vmem>>) dst(%dma_wait3A_197 : memref<10112x64xf32, #tpu.memory_space<vmem_shared>>)
        tpu.yield
      }) : () -> ()
      %mul3A_153 = arith.constant 4 : i32
      %mul3A_154 = arith.muli %while3A_96, %mul3A_153 : i32
      %add3A_155 = arith.constant 2 : i32
      %add3A_156 = arith.addi %mul3A_154, %add3A_155 : i32
      %add3A_157 = arith.constant 4 : i32
      %add3A_158 = arith.addi %add3A_156, %add3A_157 : i32
      %lt3A_159 = arith.cmpi slt, %add3A_158, %mul3A_34 : i32
      %convert_element_type3A_160 = arith.extui %lt3A_159 : i1 to i32
      %cond3A_161 = arith.constant 0 : i32
      %cond3A_162 = arith.cmpi ne, %convert_element_type3A_160, %cond3A_161 : i32
      scf.if %cond3A_162 {
        %add3A_185 = arith.constant 2 : i32
        %add3A_186 = arith.addi %add3A_99, %add3A_185 : i32
        %add3A_187 = arith.constant 4 : i32
        %add3A_188 = arith.addi %add3A_186, %add3A_187 : i32
        %dma_start3A_189 = arith.constant 0 : i32
        %dma_start3A_190 = arith.constant 0 : i32
        %dma_start3A_191 = tpu.memref_slice %arg6[%add3A_188, %dma_start3A_189, %dma_start3A_190] : memref<80x2x128xi32, #tpu.memory_space<vmem>> -> memref<1x1x128xi32, #tpu.memory_space<vmem>>
        %dma_start3A_192 = tpu.memref_squeeze %dma_start3A_191 : memref<1x1x128xi32, #tpu.memory_space<vmem>> -> memref<128xi32, #tpu.memory_space<vmem>>
        %dma_start3A_193 = arith.constant 0 : i32
        %dma_start3A_194 = arith.constant 0 : i32
        %dma_start3A_195 = tpu.memref_slice %arg2[%dma_start3A_193, %dma_start3A_194] : memref<10112x64xf32, #tpu.memory_space<hbm>> -> memref<10112x64xf32, #tpu.memory_space<hbm>>
        tpu.enqueue_indirect_dma source(%dma_start3A_195 : memref<10112x64xf32, #tpu.memory_space<hbm>>) target(%arg9 : memref<128x64xf32, #tpu.memory_space<vmem>>) offsets(%dma_start3A_192 : memref<128xi32, #tpu.memory_space<vmem>>) semaphore(%arg14 : memref<!tpu.dma_semaphore, #tpu.memory_space<semaphore_mem>>)
      } else {
      }
      %add3A_163 = arith.constant 3 : i32
      %add3A_164 = arith.addi %add3A_99, %add3A_163 : i32
      %dma_wait3A_165 = arith.constant 0 : i32
      %dma_wait3A_166 = arith.constant 0 : i32
      %dma_wait3A_167 = tpu.memref_slice %arg6[%add3A_164, %dma_wait3A_165, %dma_wait3A_166] : memref<80x2x128xi32, #tpu.memory_space<vmem>> -> memref<1x1x128xi32, #tpu.memory_space<vmem>>
      %dma_wait3A_168 = tpu.memref_squeeze %dma_wait3A_167 : memref<1x1x128xi32, #tpu.memory_space<vmem>> -> memref<128xi32, #tpu.memory_space<vmem>>
      %dma_wait3A_169 = arith.constant 0 : i32
      %dma_wait3A_170 = arith.constant 0 : i32
      %dma_wait3A_171 = tpu.memref_slice %arg2[%dma_wait3A_169, %dma_wait3A_170] : memref<10112x64xf32, #tpu.memory_space<hbm>> -> memref<10112x64xf32, #tpu.memory_space<hbm>>
      tpu.wait_indirect_dma semaphore(%arg15 : memref<!tpu.dma_semaphore, #tpu.memory_space<semaphore_mem>>) src(%dma_wait3A_171 : memref<10112x64xf32, #tpu.memory_space<hbm>>) dst(%arg10 : memref<128x64xf32, #tpu.memory_space<vmem>>)
      %add3A_172 = arith.constant 3 : i32
      %add3A_173 = arith.addi %add3A_99, %add3A_172 : i32
      %run_scoped3A_174 = arith.constant 1 : i32
      "tpu.region"() ({
        %run_scoped3A_185 = tpu.sem_alloc : memref<!tpu.dma_semaphore, #tpu.memory_space<semaphore_mem>>
        %dma_start3A_186 = arith.constant 0 : i32
        %dma_start3A_187 = tpu.memref_slice %arg6[%add3A_173, %run_scoped3A_174, %dma_start3A_186] : memref<80x2x128xi32, #tpu.memory_space<vmem>> -> memref<1x1x128xi32, #tpu.memory_space<vmem>>
        %dma_start3A_188 = tpu.memref_squeeze %dma_start3A_187 : memref<1x1x128xi32, #tpu.memory_space<vmem>> -> memref<128xi32, #tpu.memory_space<vmem>>
        %dma_start3A_189 = arith.constant 0 : i32
        %dma_start3A_190 = arith.constant 0 : i32
        %dma_start3A_191 = tpu.memref_slice %arg11[%dma_start3A_189, %dma_start3A_190] : memref<10112x64xf32, #tpu.memory_space<vmem_shared>> -> memref<10112x64xf32, #tpu.memory_space<vmem_shared>>
        tpu.enqueue_indirect_dma source(%arg10 : memref<128x64xf32, #tpu.memory_space<vmem>>) target(%dma_start3A_191 : memref<10112x64xf32, #tpu.memory_space<vmem_shared>>) offsets(%dma_start3A_188 : memref<128xi32, #tpu.memory_space<vmem>>) semaphore(%run_scoped3A_185 : memref<!tpu.dma_semaphore, #tpu.memory_space<semaphore_mem>>) {add = true}
        %dma_wait3A_192 = arith.constant 0 : i32
        %dma_wait3A_193 = tpu.memref_slice %arg6[%add3A_173, %run_scoped3A_174, %dma_wait3A_192] : memref<80x2x128xi32, #tpu.memory_space<vmem>> -> memref<1x1x128xi32, #tpu.memory_space<vmem>>
        %dma_wait3A_194 = tpu.memref_squeeze %dma_wait3A_193 : memref<1x1x128xi32, #tpu.memory_space<vmem>> -> memref<128xi32, #tpu.memory_space<vmem>>
        %dma_wait3A_195 = arith.constant 0 : i32
        %dma_wait3A_196 = arith.constant 0 : i32
        %dma_wait3A_197 = tpu.memref_slice %arg11[%dma_wait3A_195, %dma_wait3A_196] : memref<10112x64xf32, #tpu.memory_space<vmem_shared>> -> memref<10112x64xf32, #tpu.memory_space<vmem_shared>>
        tpu.wait_indirect_dma semaphore(%run_scoped3A_185 : memref<!tpu.dma_semaphore, #tpu.memory_space<semaphore_mem>>) src(%arg10 : memref<128x64xf32, #tpu.memory_space<vmem>>) dst(%dma_wait3A_197 : memref<10112x64xf32, #tpu.memory_space<vmem_shared>>)
        tpu.yield
      }) : () -> ()
      %mul3A_175 = arith.constant 4 : i32
      %mul3A_176 = arith.muli %while3A_96, %mul3A_175 : i32
      %add3A_177 = arith.constant 3 : i32
      %add3A_178 = arith.addi %mul3A_176, %add3A_177 : i32
      %add3A_179 = arith.constant 4 : i32
      %add3A_180 = arith.addi %add3A_178, %add3A_179 : i32
      %lt3A_181 = arith.cmpi slt, %add3A_180, %mul3A_34 : i32
      %convert_element_type3A_182 = arith.extui %lt3A_181 : i1 to i32
      %cond3A_183 = arith.constant 0 : i32
      %cond3A_184 = arith.cmpi ne, %convert_element_type3A_182, %cond3A_183 : i32
      scf.if %cond3A_184 {
        %add3A_185 = arith.constant 3 : i32
        %add3A_186 = arith.addi %add3A_99, %add3A_185 : i32
        %add3A_187 = arith.constant 4 : i32
        %add3A_188 = arith.addi %add3A_186, %add3A_187 : i32
        %dma_start3A_189 = arith.constant 0 : i32
        %dma_start3A_190 = arith.constant 0 : i32
        %dma_start3A_191 = tpu.memref_slice %arg6[%add3A_188, %dma_start3A_189, %dma_start3A_190] : memref<80x2x128xi32, #tpu.memory_space<vmem>> -> memref<1x1x128xi32, #tpu.memory_space<vmem>>
        %dma_start3A_192 = tpu.memref_squeeze %dma_start3A_191 : memref<1x1x128xi32, #tpu.memory_space<vmem>> -> memref<128xi32, #tpu.memory_space<vmem>>
        %dma_start3A_193 = arith.constant 0 : i32
        %dma_start3A_194 = arith.constant 0 : i32
        %dma_start3A_195 = tpu.memref_slice %arg2[%dma_start3A_193, %dma_start3A_194] : memref<10112x64xf32, #tpu.memory_space<hbm>> -> memref<10112x64xf32, #tpu.memory_space<hbm>>
        tpu.enqueue_indirect_dma source(%dma_start3A_195 : memref<10112x64xf32, #tpu.memory_space<hbm>>) target(%arg10 : memref<128x64xf32, #tpu.memory_space<vmem>>) offsets(%dma_start3A_192 : memref<128xi32, #tpu.memory_space<vmem>>) semaphore(%arg15 : memref<!tpu.dma_semaphore, #tpu.memory_space<semaphore_mem>>)
      } else {
      }
    }
    %while3A_84 = arith.constant 1 : i32
    scf.for %while3A_96 = %while3A_82 to %while3A_78 step %while3A_84  : i32 {
      %mul3A_97 = arith.constant 4 : i32
      %mul3A_98 = arith.muli %while3A_96, %mul3A_97 : i32
      %add3A_99 = arith.addi %sub3A, %mul3A_98 : i32
      %add3A_100 = arith.constant 0 : i32
      %add3A_101 = arith.addi %add3A_99, %add3A_100 : i32
      %dma_wait3A = arith.constant 0 : i32
      %dma_wait3A_102 = arith.constant 0 : i32
      %dma_wait3A_103 = tpu.memref_slice %arg6[%add3A_101, %dma_wait3A, %dma_wait3A_102] : memref<80x2x128xi32, #tpu.memory_space<vmem>> -> memref<1x1x128xi32, #tpu.memory_space<vmem>>
      %dma_wait3A_104 = tpu.memref_squeeze %dma_wait3A_103 : memref<1x1x128xi32, #tpu.memory_space<vmem>> -> memref<128xi32, #tpu.memory_space<vmem>>
      %dma_wait3A_105 = arith.constant 0 : i32
      %dma_wait3A_106 = arith.constant 0 : i32
      %dma_wait3A_107 = tpu.memref_slice %arg2[%dma_wait3A_105, %dma_wait3A_106] : memref<10112x64xf32, #tpu.memory_space<hbm>> -> memref<10112x64xf32, #tpu.memory_space<hbm>>
      tpu.wait_indirect_dma semaphore(%arg12 : memref<!tpu.dma_semaphore, #tpu.memory_space<semaphore_mem>>) src(%dma_wait3A_107 : memref<10112x64xf32, #tpu.memory_space<hbm>>) dst(%arg7 : memref<128x64xf32, #tpu.memory_space<vmem>>)
      %add3A_108 = arith.constant 0 : i32
      %add3A_109 = arith.addi %add3A_99, %add3A_108 : i32
      %run_scoped3A = arith.constant 1 : i32
      "tpu.region"() ({
        %run_scoped3A_185 = tpu.sem_alloc : memref<!tpu.dma_semaphore, #tpu.memory_space<semaphore_mem>>
        %dma_start3A_186 = arith.constant 0 : i32
        %dma_start3A_187 = tpu.memref_slice %arg6[%add3A_109, %run_scoped3A, %dma_start3A_186] : memref<80x2x128xi32, #tpu.memory_space<vmem>> -> memref<1x1x128xi32, #tpu.memory_space<vmem>>
        %dma_start3A_188 = tpu.memref_squeeze %dma_start3A_187 : memref<1x1x128xi32, #tpu.memory_space<vmem>> -> memref<128xi32, #tpu.memory_space<vmem>>
        %dma_start3A_189 = arith.constant 0 : i32
        %dma_start3A_190 = arith.constant 0 : i32
        %dma_start3A_191 = tpu.memref_slice %arg11[%dma_start3A_189, %dma_start3A_190] : memref<10112x64xf32, #tpu.memory_space<vmem_shared>> -> memref<10112x64xf32, #tpu.memory_space<vmem_shared>>
        tpu.enqueue_indirect_dma source(%arg7 : memref<128x64xf32, #tpu.memory_space<vmem>>) target(%dma_start3A_191 : memref<10112x64xf32, #tpu.memory_space<vmem_shared>>) offsets(%dma_start3A_188 : memref<128xi32, #tpu.memory_space<vmem>>) semaphore(%run_scoped3A_185 : memref<!tpu.dma_semaphore, #tpu.memory_space<semaphore_mem>>) {add = true}
        %dma_wait3A_192 = arith.constant 0 : i32
        %dma_wait3A_193 = tpu.memref_slice %arg6[%add3A_109, %run_scoped3A, %dma_wait3A_192] : memref<80x2x128xi32, #tpu.memory_space<vmem>> -> memref<1x1x128xi32, #tpu.memory_space<vmem>>
        %dma_wait3A_194 = tpu.memref_squeeze %dma_wait3A_193 : memref<1x1x128xi32, #tpu.memory_space<vmem>> -> memref<128xi32, #tpu.memory_space<vmem>>
        %dma_wait3A_195 = arith.constant 0 : i32
        %dma_wait3A_196 = arith.constant 0 : i32
        %dma_wait3A_197 = tpu.memref_slice %arg11[%dma_wait3A_195, %dma_wait3A_196] : memref<10112x64xf32, #tpu.memory_space<vmem_shared>> -> memref<10112x64xf32, #tpu.memory_space<vmem_shared>>
        tpu.wait_indirect_dma semaphore(%run_scoped3A_185 : memref<!tpu.dma_semaphore, #tpu.memory_space<semaphore_mem>>) src(%arg7 : memref<128x64xf32, #tpu.memory_space<vmem>>) dst(%dma_wait3A_197 : memref<10112x64xf32, #tpu.memory_space<vmem_shared>>)
        tpu.yield
      }) : () -> ()
      %mul3A_110 = arith.constant 4 : i32
      %mul3A_111 = arith.muli %while3A_96, %mul3A_110 : i32
      %add3A_112 = arith.constant 0 : i32
      %add3A_113 = arith.addi %mul3A_111, %add3A_112 : i32
      %add3A_114 = arith.constant 4 : i32
      %add3A_115 = arith.addi %add3A_113, %add3A_114 : i32
      %lt3A_116 = arith.cmpi slt, %add3A_115, %mul3A_34 : i32
      %convert_element_type3A_117 = arith.extui %lt3A_116 : i1 to i32
      %cond3A = arith.constant 0 : i32
      %cond3A_118 = arith.cmpi ne, %convert_element_type3A_117, %cond3A : i32
      scf.if %cond3A_118 {
        %add3A_185 = arith.constant 0 : i32
        %add3A_186 = arith.addi %add3A_99, %add3A_185 : i32
        %add3A_187 = arith.constant 4 : i32
        %add3A_188 = arith.addi %add3A_186, %add3A_187 : i32
        %dma_start3A_189 = arith.constant 0 : i32
        %dma_start3A_190 = arith.constant 0 : i32
        %dma_start3A_191 = tpu.memref_slice %arg6[%add3A_188, %dma_start3A_189, %dma_start3A_190] : memref<80x2x128xi32, #tpu.memory_space<vmem>> -> memref<1x1x128xi32, #tpu.memory_space<vmem>>
        %dma_start3A_192 = tpu.memref_squeeze %dma_start3A_191 : memref<1x1x128xi32, #tpu.memory_space<vmem>> -> memref<128xi32, #tpu.memory_space<vmem>>
        %dma_start3A_193 = arith.constant 0 : i32
        %dma_start3A_194 = arith.constant 0 : i32
        %dma_start3A_195 = tpu.memref_slice %arg2[%dma_start3A_193, %dma_start3A_194] : memref<10112x64xf32, #tpu.memory_space<hbm>> -> memref<10112x64xf32, #tpu.memory_space<hbm>>
        tpu.enqueue_indirect_dma source(%dma_start3A_195 : memref<10112x64xf32, #tpu.memory_space<hbm>>) target(%arg7 : memref<128x64xf32, #tpu.memory_space<vmem>>) offsets(%dma_start3A_192 : memref<128xi32, #tpu.memory_space<vmem>>) semaphore(%arg12 : memref<!tpu.dma_semaphore, #tpu.memory_space<semaphore_mem>>)
      } else {
      }
      %add3A_119 = arith.constant 1 : i32
      %add3A_120 = arith.addi %add3A_99, %add3A_119 : i32
      %dma_wait3A_121 = arith.constant 0 : i32
      %dma_wait3A_122 = arith.constant 0 : i32
      %dma_wait3A_123 = tpu.memref_slice %arg6[%add3A_120, %dma_wait3A_121, %dma_wait3A_122] : memref<80x2x128xi32, #tpu.memory_space<vmem>> -> memref<1x1x128xi32, #tpu.memory_space<vmem>>
      %dma_wait3A_124 = tpu.memref_squeeze %dma_wait3A_123 : memref<1x1x128xi32, #tpu.memory_space<vmem>> -> memref<128xi32, #tpu.memory_space<vmem>>
      %dma_wait3A_125 = arith.constant 0 : i32
      %dma_wait3A_126 = arith.constant 0 : i32
      %dma_wait3A_127 = tpu.memref_slice %arg2[%dma_wait3A_125, %dma_wait3A_126] : memref<10112x64xf32, #tpu.memory_space<hbm>> -> memref<10112x64xf32, #tpu.memory_space<hbm>>
      tpu.wait_indirect_dma semaphore(%arg13 : memref<!tpu.dma_semaphore, #tpu.memory_space<semaphore_mem>>) src(%dma_wait3A_127 : memref<10112x64xf32, #tpu.memory_space<hbm>>) dst(%arg8 : memref<128x64xf32, #tpu.memory_space<vmem>>)
      %add3A_128 = arith.constant 1 : i32
      %add3A_129 = arith.addi %add3A_99, %add3A_128 : i32
      %run_scoped3A_130 = arith.constant 1 : i32
      "tpu.region"() ({
        %run_scoped3A_185 = tpu.sem_alloc : memref<!tpu.dma_semaphore, #tpu.memory_space<semaphore_mem>>
        %dma_start3A_186 = arith.constant 0 : i32
        %dma_start3A_187 = tpu.memref_slice %arg6[%add3A_129, %run_scoped3A_130, %dma_start3A_186] : memref<80x2x128xi32, #tpu.memory_space<vmem>> -> memref<1x1x128xi32, #tpu.memory_space<vmem>>
        %dma_start3A_188 = tpu.memref_squeeze %dma_start3A_187 : memref<1x1x128xi32, #tpu.memory_space<vmem>> -> memref<128xi32, #tpu.memory_space<vmem>>
        %dma_start3A_189 = arith.constant 0 : i32
        %dma_start3A_190 = arith.constant 0 : i32
        %dma_start3A_191 = tpu.memref_slice %arg11[%dma_start3A_189, %dma_start3A_190] : memref<10112x64xf32, #tpu.memory_space<vmem_shared>> -> memref<10112x64xf32, #tpu.memory_space<vmem_shared>>
        tpu.enqueue_indirect_dma source(%arg8 : memref<128x64xf32, #tpu.memory_space<vmem>>) target(%dma_start3A_191 : memref<10112x64xf32, #tpu.memory_space<vmem_shared>>) offsets(%dma_start3A_188 : memref<128xi32, #tpu.memory_space<vmem>>) semaphore(%run_scoped3A_185 : memref<!tpu.dma_semaphore, #tpu.memory_space<semaphore_mem>>) {add = true}
        %dma_wait3A_192 = arith.constant 0 : i32
        %dma_wait3A_193 = tpu.memref_slice %arg6[%add3A_129, %run_scoped3A_130, %dma_wait3A_192] : memref<80x2x128xi32, #tpu.memory_space<vmem>> -> memref<1x1x128xi32, #tpu.memory_space<vmem>>
        %dma_wait3A_194 = tpu.memref_squeeze %dma_wait3A_193 : memref<1x1x128xi32, #tpu.memory_space<vmem>> -> memref<128xi32, #tpu.memory_space<vmem>>
        %dma_wait3A_195 = arith.constant 0 : i32
        %dma_wait3A_196 = arith.constant 0 : i32
        %dma_wait3A_197 = tpu.memref_slice %arg11[%dma_wait3A_195, %dma_wait3A_196] : memref<10112x64xf32, #tpu.memory_space<vmem_shared>> -> memref<10112x64xf32, #tpu.memory_space<vmem_shared>>
        tpu.wait_indirect_dma semaphore(%run_scoped3A_185 : memref<!tpu.dma_semaphore, #tpu.memory_space<semaphore_mem>>) src(%arg8 : memref<128x64xf32, #tpu.memory_space<vmem>>) dst(%dma_wait3A_197 : memref<10112x64xf32, #tpu.memory_space<vmem_shared>>)
        tpu.yield
      }) : () -> ()
      %mul3A_131 = arith.constant 4 : i32
      %mul3A_132 = arith.muli %while3A_96, %mul3A_131 : i32
      %add3A_133 = arith.constant 1 : i32
      %add3A_134 = arith.addi %mul3A_132, %add3A_133 : i32
      %add3A_135 = arith.constant 4 : i32
      %add3A_136 = arith.addi %add3A_134, %add3A_135 : i32
      %lt3A_137 = arith.cmpi slt, %add3A_136, %mul3A_34 : i32
      %convert_element_type3A_138 = arith.extui %lt3A_137 : i1 to i32
      %cond3A_139 = arith.constant 0 : i32
      %cond3A_140 = arith.cmpi ne, %convert_element_type3A_138, %cond3A_139 : i32
      scf.if %cond3A_140 {
        %add3A_185 = arith.constant 1 : i32
        %add3A_186 = arith.addi %add3A_99, %add3A_185 : i32
        %add3A_187 = arith.constant 4 : i32
        %add3A_188 = arith.addi %add3A_186, %add3A_187 : i32
        %dma_start3A_189 = arith.constant 0 : i32
        %dma_start3A_190 = arith.constant 0 : i32
        %dma_start3A_191 = tpu.memref_slice %arg6[%add3A_188, %dma_start3A_189, %dma_start3A_190] : memref<80x2x128xi32, #tpu.memory_space<vmem>> -> memref<1x1x128xi32, #tpu.memory_space<vmem>>
        %dma_start3A_192 = tpu.memref_squeeze %dma_start3A_191 : memref<1x1x128xi32, #tpu.memory_space<vmem>> -> memref<128xi32, #tpu.memory_space<vmem>>
        %dma_start3A_193 = arith.constant 0 : i32
        %dma_start3A_194 = arith.constant 0 : i32
        %dma_start3A_195 = tpu.memref_slice %arg2[%dma_start3A_193, %dma_start3A_194] : memref<10112x64xf32, #tpu.memory_space<hbm>> -> memref<10112x64xf32, #tpu.memory_space<hbm>>
        tpu.enqueue_indirect_dma source(%dma_start3A_195 : memref<10112x64xf32, #tpu.memory_space<hbm>>) target(%arg8 : memref<128x64xf32, #tpu.memory_space<vmem>>) offsets(%dma_start3A_192 : memref<128xi32, #tpu.memory_space<vmem>>) semaphore(%arg13 : memref<!tpu.dma_semaphore, #tpu.memory_space<semaphore_mem>>)
      } else {
      }
      %add3A_141 = arith.constant 2 : i32
      %add3A_142 = arith.addi %add3A_99, %add3A_141 : i32
      %dma_wait3A_143 = arith.constant 0 : i32
      %dma_wait3A_144 = arith.constant 0 : i32
      %dma_wait3A_145 = tpu.memref_slice %arg6[%add3A_142, %dma_wait3A_143, %dma_wait3A_144] : memref<80x2x128xi32, #tpu.memory_space<vmem>> -> memref<1x1x128xi32, #tpu.memory_space<vmem>>
      %dma_wait3A_146 = tpu.memref_squeeze %dma_wait3A_145 : memref<1x1x128xi32, #tpu.memory_space<vmem>> -> memref<128xi32, #tpu.memory_space<vmem>>
      %dma_wait3A_147 = arith.constant 0 : i32
      %dma_wait3A_148 = arith.constant 0 : i32
      %dma_wait3A_149 = tpu.memref_slice %arg2[%dma_wait3A_147, %dma_wait3A_148] : memref<10112x64xf32, #tpu.memory_space<hbm>> -> memref<10112x64xf32, #tpu.memory_space<hbm>>
      tpu.wait_indirect_dma semaphore(%arg14 : memref<!tpu.dma_semaphore, #tpu.memory_space<semaphore_mem>>) src(%dma_wait3A_149 : memref<10112x64xf32, #tpu.memory_space<hbm>>) dst(%arg9 : memref<128x64xf32, #tpu.memory_space<vmem>>)
      %add3A_150 = arith.constant 2 : i32
      %add3A_151 = arith.addi %add3A_99, %add3A_150 : i32
      %run_scoped3A_152 = arith.constant 1 : i32
      "tpu.region"() ({
        %run_scoped3A_185 = tpu.sem_alloc : memref<!tpu.dma_semaphore, #tpu.memory_space<semaphore_mem>>
        %dma_start3A_186 = arith.constant 0 : i32
        %dma_start3A_187 = tpu.memref_slice %arg6[%add3A_151, %run_scoped3A_152, %dma_start3A_186] : memref<80x2x128xi32, #tpu.memory_space<vmem>> -> memref<1x1x128xi32, #tpu.memory_space<vmem>>
        %dma_start3A_188 = tpu.memref_squeeze %dma_start3A_187 : memref<1x1x128xi32, #tpu.memory_space<vmem>> -> memref<128xi32, #tpu.memory_space<vmem>>
        %dma_start3A_189 = arith.constant 0 : i32
        %dma_start3A_190 = arith.constant 0 : i32
        %dma_start3A_191 = tpu.memref_slice %arg11[%dma_start3A_189, %dma_start3A_190] : memref<10112x64xf32, #tpu.memory_space<vmem_shared>> -> memref<10112x64xf32, #tpu.memory_space<vmem_shared>>
        tpu.enqueue_indirect_dma source(%arg9 : memref<128x64xf32, #tpu.memory_space<vmem>>) target(%dma_start3A_191 : memref<10112x64xf32, #tpu.memory_space<vmem_shared>>) offsets(%dma_start3A_188 : memref<128xi32, #tpu.memory_space<vmem>>) semaphore(%run_scoped3A_185 : memref<!tpu.dma_semaphore, #tpu.memory_space<semaphore_mem>>) {add = true}
        %dma_wait3A_192 = arith.constant 0 : i32
        %dma_wait3A_193 = tpu.memref_slice %arg6[%add3A_151, %run_scoped3A_152, %dma_wait3A_192] : memref<80x2x128xi32, #tpu.memory_space<vmem>> -> memref<1x1x128xi32, #tpu.memory_space<vmem>>
        %dma_wait3A_194 = tpu.memref_squeeze %dma_wait3A_193 : memref<1x1x128xi32, #tpu.memory_space<vmem>> -> memref<128xi32, #tpu.memory_space<vmem>>
        %dma_wait3A_195 = arith.constant 0 : i32
        %dma_wait3A_196 = arith.constant 0 : i32
        %dma_wait3A_197 = tpu.memref_slice %arg11[%dma_wait3A_195, %dma_wait3A_196] : memref<10112x64xf32, #tpu.memory_space<vmem_shared>> -> memref<10112x64xf32, #tpu.memory_space<vmem_shared>>
        tpu.wait_indirect_dma semaphore(%run_scoped3A_185 : memref<!tpu.dma_semaphore, #tpu.memory_space<semaphore_mem>>) src(%arg9 : memref<128x64xf32, #tpu.memory_space<vmem>>) dst(%dma_wait3A_197 : memref<10112x64xf32, #tpu.memory_space<vmem_shared>>)
        tpu.yield
      }) : () -> ()
      %mul3A_153 = arith.constant 4 : i32
      %mul3A_154 = arith.muli %while3A_96, %mul3A_153 : i32
      %add3A_155 = arith.constant 2 : i32
      %add3A_156 = arith.addi %mul3A_154, %add3A_155 : i32
      %add3A_157 = arith.constant 4 : i32
      %add3A_158 = arith.addi %add3A_156, %add3A_157 : i32
      %lt3A_159 = arith.cmpi slt, %add3A_158, %mul3A_34 : i32
      %convert_element_type3A_160 = arith.extui %lt3A_159 : i1 to i32
      %cond3A_161 = arith.constant 0 : i32
      %cond3A_162 = arith.cmpi ne, %convert_element_type3A_160, %cond3A_161 : i32
      scf.if %cond3A_162 {
        %add3A_185 = arith.constant 2 : i32
        %add3A_186 = arith.addi %add3A_99, %add3A_185 : i32
        %add3A_187 = arith.constant 4 : i32
        %add3A_188 = arith.addi %add3A_186, %add3A_187 : i32
        %dma_start3A_189 = arith.constant 0 : i32
        %dma_start3A_190 = arith.constant 0 : i32
        %dma_start3A_191 = tpu.memref_slice %arg6[%add3A_188, %dma_start3A_189, %dma_start3A_190] : memref<80x2x128xi32, #tpu.memory_space<vmem>> -> memref<1x1x128xi32, #tpu.memory_space<vmem>>
        %dma_start3A_192 = tpu.memref_squeeze %dma_start3A_191 : memref<1x1x128xi32, #tpu.memory_space<vmem>> -> memref<128xi32, #tpu.memory_space<vmem>>
        %dma_start3A_193 = arith.constant 0 : i32
        %dma_start3A_194 = arith.constant 0 : i32
        %dma_start3A_195 = tpu.memref_slice %arg2[%dma_start3A_193, %dma_start3A_194] : memref<10112x64xf32, #tpu.memory_space<hbm>> -> memref<10112x64xf32, #tpu.memory_space<hbm>>
        tpu.enqueue_indirect_dma source(%dma_start3A_195 : memref<10112x64xf32, #tpu.memory_space<hbm>>) target(%arg9 : memref<128x64xf32, #tpu.memory_space<vmem>>) offsets(%dma_start3A_192 : memref<128xi32, #tpu.memory_space<vmem>>) semaphore(%arg14 : memref<!tpu.dma_semaphore, #tpu.memory_space<semaphore_mem>>)
      } else {
      }
      %add3A_163 = arith.constant 3 : i32
      %add3A_164 = arith.addi %add3A_99, %add3A_163 : i32
      %dma_wait3A_165 = arith.constant 0 : i32
      %dma_wait3A_166 = arith.constant 0 : i32
      %dma_wait3A_167 = tpu.memref_slice %arg6[%add3A_164, %dma_wait3A_165, %dma_wait3A_166] : memref<80x2x128xi32, #tpu.memory_space<vmem>> -> memref<1x1x128xi32, #tpu.memory_space<vmem>>
      %dma_wait3A_168 = tpu.memref_squeeze %dma_wait3A_167 : memref<1x1x128xi32, #tpu.memory_space<vmem>> -> memref<128xi32, #tpu.memory_space<vmem>>
      %dma_wait3A_169 = arith.constant 0 : i32
      %dma_wait3A_170 = arith.constant 0 : i32
      %dma_wait3A_171 = tpu.memref_slice %arg2[%dma_wait3A_169, %dma_wait3A_170] : memref<10112x64xf32, #tpu.memory_space<hbm>> -> memref<10112x64xf32, #tpu.memory_space<hbm>>
      tpu.wait_indirect_dma semaphore(%arg15 : memref<!tpu.dma_semaphore, #tpu.memory_space<semaphore_mem>>) src(%dma_wait3A_171 : memref<10112x64xf32, #tpu.memory_space<hbm>>) dst(%arg10 : memref<128x64xf32, #tpu.memory_space<vmem>>)
      %add3A_172 = arith.constant 3 : i32
      %add3A_173 = arith.addi %add3A_99, %add3A_172 : i32
      %run_scoped3A_174 = arith.constant 1 : i32
      "tpu.region"() ({
        %run_scoped3A_185 = tpu.sem_alloc : memref<!tpu.dma_semaphore, #tpu.memory_space<semaphore_mem>>
        %dma_start3A_186 = arith.constant 0 : i32
        %dma_start3A_187 = tpu.memref_slice %arg6[%add3A_173, %run_scoped3A_174, %dma_start3A_186] : memref<80x2x128xi32, #tpu.memory_space<vmem>> -> memref<1x1x128xi32, #tpu.memory_space<vmem>>
        %dma_start3A_188 = tpu.memref_squeeze %dma_start3A_187 : memref<1x1x128xi32, #tpu.memory_space<vmem>> -> memref<128xi32, #tpu.memory_space<vmem>>
        %dma_start3A_189 = arith.constant 0 : i32
        %dma_start3A_190 = arith.constant 0 : i32
        %dma_start3A_191 = tpu.memref_slice %arg11[%dma_start3A_189, %dma_start3A_190] : memref<10112x64xf32, #tpu.memory_space<vmem_shared>> -> memref<10112x64xf32, #tpu.memory_space<vmem_shared>>
        tpu.enqueue_indirect_dma source(%arg10 : memref<128x64xf32, #tpu.memory_space<vmem>>) target(%dma_start3A_191 : memref<10112x64xf32, #tpu.memory_space<vmem_shared>>) offsets(%dma_start3A_188 : memref<128xi32, #tpu.memory_space<vmem>>) semaphore(%run_scoped3A_185 : memref<!tpu.dma_semaphore, #tpu.memory_space<semaphore_mem>>) {add = true}
        %dma_wait3A_192 = arith.constant 0 : i32
        %dma_wait3A_193 = tpu.memref_slice %arg6[%add3A_173, %run_scoped3A_174, %dma_wait3A_192] : memref<80x2x128xi32, #tpu.memory_space<vmem>> -> memref<1x1x128xi32, #tpu.memory_space<vmem>>
        %dma_wait3A_194 = tpu.memref_squeeze %dma_wait3A_193 : memref<1x1x128xi32, #tpu.memory_space<vmem>> -> memref<128xi32, #tpu.memory_space<vmem>>
        %dma_wait3A_195 = arith.constant 0 : i32
        %dma_wait3A_196 = arith.constant 0 : i32
        %dma_wait3A_197 = tpu.memref_slice %arg11[%dma_wait3A_195, %dma_wait3A_196] : memref<10112x64xf32, #tpu.memory_space<vmem_shared>> -> memref<10112x64xf32, #tpu.memory_space<vmem_shared>>
        tpu.wait_indirect_dma semaphore(%run_scoped3A_185 : memref<!tpu.dma_semaphore, #tpu.memory_space<semaphore_mem>>) src(%arg10 : memref<128x64xf32, #tpu.memory_space<vmem>>) dst(%dma_wait3A_197 : memref<10112x64xf32, #tpu.memory_space<vmem_shared>>)
        tpu.yield
      }) : () -> ()
      %mul3A_175 = arith.constant 4 : i32
      %mul3A_176 = arith.muli %while3A_96, %mul3A_175 : i32
      %add3A_177 = arith.constant 3 : i32
      %add3A_178 = arith.addi %mul3A_176, %add3A_177 : i32
      %add3A_179 = arith.constant 4 : i32
      %add3A_180 = arith.addi %add3A_178, %add3A_179 : i32
      %lt3A_181 = arith.cmpi slt, %add3A_180, %mul3A_34 : i32
      %convert_element_type3A_182 = arith.extui %lt3A_181 : i1 to i32
      %cond3A_183 = arith.constant 0 : i32
      %cond3A_184 = arith.cmpi ne, %convert_element_type3A_182, %cond3A_183 : i32
      scf.if %cond3A_184 {
        %add3A_185 = arith.constant 3 : i32
        %add3A_186 = arith.addi %add3A_99, %add3A_185 : i32
        %add3A_187 = arith.constant 4 : i32
        %add3A_188 = arith.addi %add3A_186, %add3A_187 : i32
        %dma_start3A_189 = arith.constant 0 : i32
        %dma_start3A_190 = arith.constant 0 : i32
        %dma_start3A_191 = tpu.memref_slice %arg6[%add3A_188, %dma_start3A_189, %dma_start3A_190] : memref<80x2x128xi32, #tpu.memory_space<vmem>> -> memref<1x1x128xi32, #tpu.memory_space<vmem>>
        %dma_start3A_192 = tpu.memref_squeeze %dma_start3A_191 : memref<1x1x128xi32, #tpu.memory_space<vmem>> -> memref<128xi32, #tpu.memory_space<vmem>>
        %dma_start3A_193 = arith.constant 0 : i32
        %dma_start3A_194 = arith.constant 0 : i32
        %dma_start3A_195 = tpu.memref_slice %arg2[%dma_start3A_193, %dma_start3A_194] : memref<10112x64xf32, #tpu.memory_space<hbm>> -> memref<10112x64xf32, #tpu.memory_space<hbm>>
        tpu.enqueue_indirect_dma source(%dma_start3A_195 : memref<10112x64xf32, #tpu.memory_space<hbm>>) target(%arg10 : memref<128x64xf32, #tpu.memory_space<vmem>>) offsets(%dma_start3A_192 : memref<128xi32, #tpu.memory_space<vmem>>) semaphore(%arg15 : memref<!tpu.dma_semaphore, #tpu.memory_space<semaphore_mem>>)
      } else {
      }
    }
    %barrier3A_85 = arith.constant 0 : index
    tpu.barrier barrier_id(%barrier3A_85)
    "tpu.trace_stop"() : () -> ()
    "tpu.trace_start"() <{level = 10 : i32, message = "agg_out"}> : () -> ()
    %add3A_86 = arith.constant 0 : i32
    %add3A_87 = arith.addi %mul3A_0, %add3A_86 : i32
    "tpu.region"() ({
      %run_scoped3A = tpu.sem_alloc : memref<!tpu.dma_semaphore, #tpu.memory_space<semaphore_mem>>
      %dma_start3A_96 = arith.constant 0 : i32
      %dma_start3A_97 = arith.constant 0 : i32
      %dma_start3A_98 = tpu.memref_slice %arg7[%dma_start3A_96, %dma_start3A_97] : memref<128x64xf32, #tpu.memory_space<vmem>> -> memref<128x64xf32, #tpu.memory_space<vmem>>
      %dma_start3A_99 = arith.constant 0 : i32
      %dma_start3A_100 = tpu.memref_slice %arg11[%add3A_87, %dma_start3A_99] : memref<10112x64xf32, #tpu.memory_space<vmem_shared>> -> memref<128x64xf32, #tpu.memory_space<vmem_shared>>
      %dma_start3A_101 = arith.constant 0 : i32
      %dma_start3A_102 = arith.constant 0 : i32
      %dma_start3A_103 = tpu.memref_slice %arg7[%dma_start3A_101, %dma_start3A_102] : memref<128x64xf32, #tpu.memory_space<vmem>> -> memref<128x64xf32, #tpu.memory_space<vmem>>
      %dma_start3A_104 = arith.constant 0 : i32
      %dma_start3A_105 = tpu.memref_slice %arg11[%add3A_87, %dma_start3A_104] : memref<10112x64xf32, #tpu.memory_space<vmem_shared>> -> memref<128x64xf32, #tpu.memory_space<vmem_shared>>
      tpu.enqueue_dma source(%dma_start3A_105 : memref<128x64xf32, #tpu.memory_space<vmem_shared>>) target(%dma_start3A_103 : memref<128x64xf32, #tpu.memory_space<vmem>>) target_semaphore(%run_scoped3A : memref<!tpu.dma_semaphore, #tpu.memory_space<semaphore_mem>>)
      %dma_wait3A = arith.constant 0 : i32
      %dma_wait3A_106 = arith.constant 0 : i32
      %dma_wait3A_107 = tpu.memref_slice %arg7[%dma_wait3A, %dma_wait3A_106] : memref<128x64xf32, #tpu.memory_space<vmem>> -> memref<128x64xf32, #tpu.memory_space<vmem>>
      %dma_wait3A_108 = arith.constant 0 : i32
      %dma_wait3A_109 = tpu.memref_slice %arg11[%add3A_87, %dma_wait3A_108] : memref<10112x64xf32, #tpu.memory_space<vmem_shared>> -> memref<128x64xf32, #tpu.memory_space<vmem_shared>>
      %dma_wait3A_110 = arith.constant 0 : i32
      %dma_wait3A_111 = arith.constant 0 : i32
      %dma_wait3A_112 = tpu.memref_slice %arg7[%dma_wait3A_110, %dma_wait3A_111] : memref<128x64xf32, #tpu.memory_space<vmem>> -> memref<128x64xf32, #tpu.memory_space<vmem>>
      %dma_wait3A_113 = arith.constant 0 : i32
      %dma_wait3A_114 = tpu.memref_slice %arg11[%add3A_87, %dma_wait3A_113] : memref<10112x64xf32, #tpu.memory_space<vmem_shared>> -> memref<128x64xf32, #tpu.memory_space<vmem_shared>>
      tpu.wait_dma2 semaphore(%run_scoped3A : memref<!tpu.dma_semaphore, #tpu.memory_space<semaphore_mem>>) src(%dma_wait3A_114 : memref<128x64xf32, #tpu.memory_space<vmem_shared>>) dst(%dma_wait3A_112 : memref<128x64xf32, #tpu.memory_space<vmem>>)
      tpu.yield
    }) : () -> ()
    "tpu.region"() ({
      %run_scoped3A = tpu.sem_alloc : memref<!tpu.dma_semaphore, #tpu.memory_space<semaphore_mem>>
      %dma_start3A_96 = arith.constant 0 : i32
      %dma_start3A_97 = arith.constant 0 : i32
      %dma_start3A_98 = tpu.memref_slice %arg7[%dma_start3A_96, %dma_start3A_97] : memref<128x64xf32, #tpu.memory_space<vmem>> -> memref<128x64xf32, #tpu.memory_space<vmem>>
      %dma_start3A_99 = arith.constant 0 : i32
      %dma_start3A_100 = arith.constant 0 : i32
      %dma_start3A_101 = tpu.memref_slice %arg5[%arg0, %dma_start3A_99, %dma_start3A_100] : memref<2x10112x64xf32, #tpu.memory_space<hbm>> -> memref<1x10112x64xf32, #tpu.memory_space<hbm>>
      %dma_start3A_102 = tpu.memref_squeeze %dma_start3A_101 : memref<1x10112x64xf32, #tpu.memory_space<hbm>> -> memref<10112x64xf32, #tpu.memory_space<hbm>>
      %dma_start3A_103 = arith.constant 0 : i32
      %dma_start3A_104 = tpu.memref_slice %dma_start3A_102[%add3A_87, %dma_start3A_103] : memref<10112x64xf32, #tpu.memory_space<hbm>> -> memref<128x64xf32, #tpu.memory_space<hbm>>
      %dma_start3A_105 = arith.constant 0 : i32
      %dma_start3A_106 = arith.constant 0 : i32
      %dma_start3A_107 = tpu.memref_slice %arg5[%arg0, %dma_start3A_105, %dma_start3A_106] : memref<2x10112x64xf32, #tpu.memory_space<hbm>> -> memref<1x10112x64xf32, #tpu.memory_space<hbm>>
      %dma_start3A_108 = tpu.memref_squeeze %dma_start3A_107 : memref<1x10112x64xf32, #tpu.memory_space<hbm>> -> memref<10112x64xf32, #tpu.memory_space<hbm>>
      %dma_start3A_109 = arith.constant 0 : i32
      %dma_start3A_110 = tpu.memref_slice %dma_start3A_108[%add3A_87, %dma_start3A_109] : memref<10112x64xf32, #tpu.memory_space<hbm>> -> memref<128x64xf32, #tpu.memory_space<hbm>>
      %dma_start3A_111 = arith.constant 0 : i32
      %dma_start3A_112 = arith.constant 0 : i32
      %dma_start3A_113 = tpu.memref_slice %arg7[%dma_start3A_111, %dma_start3A_112] : memref<128x64xf32, #tpu.memory_space<vmem>> -> memref<128x64xf32, #tpu.memory_space<vmem>>
      tpu.enqueue_dma source(%dma_start3A_113 : memref<128x64xf32, #tpu.memory_space<vmem>>) target(%dma_start3A_110 : memref<128x64xf32, #tpu.memory_space<hbm>>) target_semaphore(%run_scoped3A : memref<!tpu.dma_semaphore, #tpu.memory_space<semaphore_mem>>)
      %dma_wait3A = arith.constant 0 : i32
      %dma_wait3A_114 = arith.constant 0 : i32
      %dma_wait3A_115 = tpu.memref_slice %arg7[%dma_wait3A, %dma_wait3A_114] : memref<128x64xf32, #tpu.memory_space<vmem>> -> memref<128x64xf32, #tpu.memory_space<vmem>>
      %dma_wait3A_116 = arith.constant 0 : i32
      %dma_wait3A_117 = arith.constant 0 : i32
      %dma_wait3A_118 = tpu.memref_slice %arg5[%arg0, %dma_wait3A_116, %dma_wait3A_117] : memref<2x10112x64xf32, #tpu.memory_space<hbm>> -> memref<1x10112x64xf32, #tpu.memory_space<hbm>>
      %dma_wait3A_119 = tpu.memref_squeeze %dma_wait3A_118 : memref<1x10112x64xf32, #tpu.memory_space<hbm>> -> memref<10112x64xf32, #tpu.memory_space<hbm>>
      %dma_wait3A_120 = arith.constant 0 : i32
      %dma_wait3A_121 = tpu.memref_slice %dma_wait3A_119[%add3A_87, %dma_wait3A_120] : memref<10112x64xf32, #tpu.memory_space<hbm>> -> memref<128x64xf32, #tpu.memory_space<hbm>>
      %dma_wait3A_122 = arith.constant 0 : i32
      %dma_wait3A_123 = arith.constant 0 : i32
      %dma_wait3A_124 = tpu.memref_slice %arg5[%arg0, %dma_wait3A_122, %dma_wait3A_123] : memref<2x10112x64xf32, #tpu.memory_space<hbm>> -> memref<1x10112x64xf32, #tpu.memory_space<hbm>>
      %dma_wait3A_125 = tpu.memref_squeeze %dma_wait3A_124 : memref<1x10112x64xf32, #tpu.memory_space<hbm>> -> memref<10112x64xf32, #tpu.memory_space<hbm>>
      %dma_wait3A_126 = arith.constant 0 : i32
      %dma_wait3A_127 = tpu.memref_slice %dma_wait3A_125[%add3A_87, %dma_wait3A_126] : memref<10112x64xf32, #tpu.memory_space<hbm>> -> memref<128x64xf32, #tpu.memory_space<hbm>>
      %dma_wait3A_128 = arith.constant 0 : i32
      %dma_wait3A_129 = arith.constant 0 : i32
      %dma_wait3A_130 = tpu.memref_slice %arg7[%dma_wait3A_128, %dma_wait3A_129] : memref<128x64xf32, #tpu.memory_space<vmem>> -> memref<128x64xf32, #tpu.memory_space<vmem>>
      tpu.wait_dma2 semaphore(%run_scoped3A : memref<!tpu.dma_semaphore, #tpu.memory_space<semaphore_mem>>) src(%dma_wait3A_130 : memref<128x64xf32, #tpu.memory_space<vmem>>) dst(%dma_wait3A_127 : memref<128x64xf32, #tpu.memory_space<hbm>>)
      tpu.yield
    }) : () -> ()
    %add3A_88 = arith.constant 128 : i32
    %add3A_89 = arith.addi %mul3A_0, %add3A_88 : i32
    "tpu.region"() ({
      %run_scoped3A = tpu.sem_alloc : memref<!tpu.dma_semaphore, #tpu.memory_space<semaphore_mem>>
      %dma_start3A_96 = arith.constant 0 : i32
      %dma_start3A_97 = arith.constant 0 : i32
      %dma_start3A_98 = tpu.memref_slice %arg7[%dma_start3A_96, %dma_start3A_97] : memref<128x64xf32, #tpu.memory_space<vmem>> -> memref<128x64xf32, #tpu.memory_space<vmem>>
      %dma_start3A_99 = arith.constant 0 : i32
      %dma_start3A_100 = tpu.memref_slice %arg11[%add3A_89, %dma_start3A_99] : memref<10112x64xf32, #tpu.memory_space<vmem_shared>> -> memref<128x64xf32, #tpu.memory_space<vmem_shared>>
      %dma_start3A_101 = arith.constant 0 : i32
      %dma_start3A_102 = arith.constant 0 : i32
      %dma_start3A_103 = tpu.memref_slice %arg7[%dma_start3A_101, %dma_start3A_102] : memref<128x64xf32, #tpu.memory_space<vmem>> -> memref<128x64xf32, #tpu.memory_space<vmem>>
      %dma_start3A_104 = arith.constant 0 : i32
      %dma_start3A_105 = tpu.memref_slice %arg11[%add3A_89, %dma_start3A_104] : memref<10112x64xf32, #tpu.memory_space<vmem_shared>> -> memref<128x64xf32, #tpu.memory_space<vmem_shared>>
      tpu.enqueue_dma source(%dma_start3A_105 : memref<128x64xf32, #tpu.memory_space<vmem_shared>>) target(%dma_start3A_103 : memref<128x64xf32, #tpu.memory_space<vmem>>) target_semaphore(%run_scoped3A : memref<!tpu.dma_semaphore, #tpu.memory_space<semaphore_mem>>)
      %dma_wait3A = arith.constant 0 : i32
      %dma_wait3A_106 = arith.constant 0 : i32
      %dma_wait3A_107 = tpu.memref_slice %arg7[%dma_wait3A, %dma_wait3A_106] : memref<128x64xf32, #tpu.memory_space<vmem>> -> memref<128x64xf32, #tpu.memory_space<vmem>>
      %dma_wait3A_108 = arith.constant 0 : i32
      %dma_wait3A_109 = tpu.memref_slice %arg11[%add3A_89, %dma_wait3A_108] : memref<10112x64xf32, #tpu.memory_space<vmem_shared>> -> memref<128x64xf32, #tpu.memory_space<vmem_shared>>
      %dma_wait3A_110 = arith.constant 0 : i32
      %dma_wait3A_111 = arith.constant 0 : i32
      %dma_wait3A_112 = tpu.memref_slice %arg7[%dma_wait3A_110, %dma_wait3A_111] : memref<128x64xf32, #tpu.memory_space<vmem>> -> memref<128x64xf32, #tpu.memory_space<vmem>>
      %dma_wait3A_113 = arith.constant 0 : i32
      %dma_wait3A_114 = tpu.memref_slice %arg11[%add3A_89, %dma_wait3A_113] : memref<10112x64xf32, #tpu.memory_space<vmem_shared>> -> memref<128x64xf32, #tpu.memory_space<vmem_shared>>
      tpu.wait_dma2 semaphore(%run_scoped3A : memref<!tpu.dma_semaphore, #tpu.memory_space<semaphore_mem>>) src(%dma_wait3A_114 : memref<128x64xf32, #tpu.memory_space<vmem_shared>>) dst(%dma_wait3A_112 : memref<128x64xf32, #tpu.memory_space<vmem>>)
      tpu.yield
    }) : () -> ()
    "tpu.region"() ({
      %run_scoped3A = tpu.sem_alloc : memref<!tpu.dma_semaphore, #tpu.memory_space<semaphore_mem>>
      %dma_start3A_96 = arith.constant 0 : i32
      %dma_start3A_97 = arith.constant 0 : i32
      %dma_start3A_98 = tpu.memref_slice %arg7[%dma_start3A_96, %dma_start3A_97] : memref<128x64xf32, #tpu.memory_space<vmem>> -> memref<128x64xf32, #tpu.memory_space<vmem>>
      %dma_start3A_99 = arith.constant 0 : i32
      %dma_start3A_100 = arith.constant 0 : i32
      %dma_start3A_101 = tpu.memref_slice %arg5[%arg0, %dma_start3A_99, %dma_start3A_100] : memref<2x10112x64xf32, #tpu.memory_space<hbm>> -> memref<1x10112x64xf32, #tpu.memory_space<hbm>>
      %dma_start3A_102 = tpu.memref_squeeze %dma_start3A_101 : memref<1x10112x64xf32, #tpu.memory_space<hbm>> -> memref<10112x64xf32, #tpu.memory_space<hbm>>
      %dma_start3A_103 = arith.constant 0 : i32
      %dma_start3A_104 = tpu.memref_slice %dma_start3A_102[%add3A_89, %dma_start3A_103] : memref<10112x64xf32, #tpu.memory_space<hbm>> -> memref<128x64xf32, #tpu.memory_space<hbm>>
      %dma_start3A_105 = arith.constant 0 : i32
      %dma_start3A_106 = arith.constant 0 : i32
      %dma_start3A_107 = tpu.memref_slice %arg5[%arg0, %dma_start3A_105, %dma_start3A_106] : memref<2x10112x64xf32, #tpu.memory_space<hbm>> -> memref<1x10112x64xf32, #tpu.memory_space<hbm>>
      %dma_start3A_108 = tpu.memref_squeeze %dma_start3A_107 : memref<1x10112x64xf32, #tpu.memory_space<hbm>> -> memref<10112x64xf32, #tpu.memory_space<hbm>>
      %dma_start3A_109 = arith.constant 0 : i32
      %dma_start3A_110 = tpu.memref_slice %dma_start3A_108[%add3A_89, %dma_start3A_109] : memref<10112x64xf32, #tpu.memory_space<hbm>> -> memref<128x64xf32, #tpu.memory_space<hbm>>
      %dma_start3A_111 = arith.constant 0 : i32
      %dma_start3A_112 = arith.constant 0 : i32
      %dma_start3A_113 = tpu.memref_slice %arg7[%dma_start3A_111, %dma_start3A_112] : memref<128x64xf32, #tpu.memory_space<vmem>> -> memref<128x64xf32, #tpu.memory_space<vmem>>
      tpu.enqueue_dma source(%dma_start3A_113 : memref<128x64xf32, #tpu.memory_space<vmem>>) target(%dma_start3A_110 : memref<128x64xf32, #tpu.memory_space<hbm>>) target_semaphore(%run_scoped3A : memref<!tpu.dma_semaphore, #tpu.memory_space<semaphore_mem>>)
      %dma_wait3A = arith.constant 0 : i32
      %dma_wait3A_114 = arith.constant 0 : i32
      %dma_wait3A_115 = tpu.memref_slice %arg7[%dma_wait3A, %dma_wait3A_114] : memref<128x64xf32, #tpu.memory_space<vmem>> -> memref<128x64xf32, #tpu.memory_space<vmem>>
      %dma_wait3A_116 = arith.constant 0 : i32
      %dma_wait3A_117 = arith.constant 0 : i32
      %dma_wait3A_118 = tpu.memref_slice %arg5[%arg0, %dma_wait3A_116, %dma_wait3A_117] : memref<2x10112x64xf32, #tpu.memory_space<hbm>> -> memref<1x10112x64xf32, #tpu.memory_space<hbm>>
      %dma_wait3A_119 = tpu.memref_squeeze %dma_wait3A_118 : memref<1x10112x64xf32, #tpu.memory_space<hbm>> -> memref<10112x64xf32, #tpu.memory_space<hbm>>
      %dma_wait3A_120 = arith.constant 0 : i32
      %dma_wait3A_121 = tpu.memref_slice %dma_wait3A_119[%add3A_89, %dma_wait3A_120] : memref<10112x64xf32, #tpu.memory_space<hbm>> -> memref<128x64xf32, #tpu.memory_space<hbm>>
      %dma_wait3A_122 = arith.constant 0 : i32
      %dma_wait3A_123 = arith.constant 0 : i32
      %dma_wait3A_124 = tpu.memref_slice %arg5[%arg0, %dma_wait3A_122, %dma_wait3A_123] : memref<2x10112x64xf32, #tpu.memory_space<hbm>> -> memref<1x10112x64xf32, #tpu.memory_space<hbm>>
      %dma_wait3A_125 = tpu.memref_squeeze %dma_wait3A_124 : memref<1x10112x64xf32, #tpu.memory_space<hbm>> -> memref<10112x64xf32, #tpu.memory_space<hbm>>
      %dma_wait3A_126 = arith.constant 0 : i32
      %dma_wait3A_127 = tpu.memref_slice %dma_wait3A_125[%add3A_89, %dma_wait3A_126] : memref<10112x64xf32, #tpu.memory_space<hbm>> -> memref<128x64xf32, #tpu.memory_space<hbm>>
      %dma_wait3A_128 = arith.constant 0 : i32
      %dma_wait3A_129 = arith.constant 0 : i32
      %dma_wait3A_130 = tpu.memref_slice %arg7[%dma_wait3A_128, %dma_wait3A_129] : memref<128x64xf32, #tpu.memory_space<vmem>> -> memref<128x64xf32, #tpu.memory_space<vmem>>
      tpu.wait_dma2 semaphore(%run_scoped3A : memref<!tpu.dma_semaphore, #tpu.memory_space<semaphore_mem>>) src(%dma_wait3A_130 : memref<128x64xf32, #tpu.memory_space<vmem>>) dst(%dma_wait3A_127 : memref<128x64xf32, #tpu.memory_space<hbm>>)
      tpu.yield
    }) : () -> ()
    %add3A_90 = arith.constant 256 : i32
    %add3A_91 = arith.addi %mul3A_0, %add3A_90 : i32
    "tpu.region"() ({
      %run_scoped3A = tpu.sem_alloc : memref<!tpu.dma_semaphore, #tpu.memory_space<semaphore_mem>>
      %dma_start3A_96 = arith.constant 0 : i32
      %dma_start3A_97 = arith.constant 0 : i32
      %dma_start3A_98 = tpu.memref_slice %arg7[%dma_start3A_96, %dma_start3A_97] : memref<128x64xf32, #tpu.memory_space<vmem>> -> memref<128x64xf32, #tpu.memory_space<vmem>>
      %dma_start3A_99 = arith.constant 0 : i32
      %dma_start3A_100 = tpu.memref_slice %arg11[%add3A_91, %dma_start3A_99] : memref<10112x64xf32, #tpu.memory_space<vmem_shared>> -> memref<128x64xf32, #tpu.memory_space<vmem_shared>>
      %dma_start3A_101 = arith.constant 0 : i32
      %dma_start3A_102 = arith.constant 0 : i32
      %dma_start3A_103 = tpu.memref_slice %arg7[%dma_start3A_101, %dma_start3A_102] : memref<128x64xf32, #tpu.memory_space<vmem>> -> memref<128x64xf32, #tpu.memory_space<vmem>>
      %dma_start3A_104 = arith.constant 0 : i32
      %dma_start3A_105 = tpu.memref_slice %arg11[%add3A_91, %dma_start3A_104] : memref<10112x64xf32, #tpu.memory_space<vmem_shared>> -> memref<128x64xf32, #tpu.memory_space<vmem_shared>>
      tpu.enqueue_dma source(%dma_start3A_105 : memref<128x64xf32, #tpu.memory_space<vmem_shared>>) target(%dma_start3A_103 : memref<128x64xf32, #tpu.memory_space<vmem>>) target_semaphore(%run_scoped3A : memref<!tpu.dma_semaphore, #tpu.memory_space<semaphore_mem>>)
      %dma_wait3A = arith.constant 0 : i32
      %dma_wait3A_106 = arith.constant 0 : i32
      %dma_wait3A_107 = tpu.memref_slice %arg7[%dma_wait3A, %dma_wait3A_106] : memref<128x64xf32, #tpu.memory_space<vmem>> -> memref<128x64xf32, #tpu.memory_space<vmem>>
      %dma_wait3A_108 = arith.constant 0 : i32
      %dma_wait3A_109 = tpu.memref_slice %arg11[%add3A_91, %dma_wait3A_108] : memref<10112x64xf32, #tpu.memory_space<vmem_shared>> -> memref<128x64xf32, #tpu.memory_space<vmem_shared>>
      %dma_wait3A_110 = arith.constant 0 : i32
      %dma_wait3A_111 = arith.constant 0 : i32
      %dma_wait3A_112 = tpu.memref_slice %arg7[%dma_wait3A_110, %dma_wait3A_111] : memref<128x64xf32, #tpu.memory_space<vmem>> -> memref<128x64xf32, #tpu.memory_space<vmem>>
      %dma_wait3A_113 = arith.constant 0 : i32
      %dma_wait3A_114 = tpu.memref_slice %arg11[%add3A_91, %dma_wait3A_113] : memref<10112x64xf32, #tpu.memory_space<vmem_shared>> -> memref<128x64xf32, #tpu.memory_space<vmem_shared>>
      tpu.wait_dma2 semaphore(%run_scoped3A : memref<!tpu.dma_semaphore, #tpu.memory_space<semaphore_mem>>) src(%dma_wait3A_114 : memref<128x64xf32, #tpu.memory_space<vmem_shared>>) dst(%dma_wait3A_112 : memref<128x64xf32, #tpu.memory_space<vmem>>)
      tpu.yield
    }) : () -> ()
    "tpu.region"() ({
      %run_scoped3A = tpu.sem_alloc : memref<!tpu.dma_semaphore, #tpu.memory_space<semaphore_mem>>
      %dma_start3A_96 = arith.constant 0 : i32
      %dma_start3A_97 = arith.constant 0 : i32
      %dma_start3A_98 = tpu.memref_slice %arg7[%dma_start3A_96, %dma_start3A_97] : memref<128x64xf32, #tpu.memory_space<vmem>> -> memref<128x64xf32, #tpu.memory_space<vmem>>
      %dma_start3A_99 = arith.constant 0 : i32
      %dma_start3A_100 = arith.constant 0 : i32
      %dma_start3A_101 = tpu.memref_slice %arg5[%arg0, %dma_start3A_99, %dma_start3A_100] : memref<2x10112x64xf32, #tpu.memory_space<hbm>> -> memref<1x10112x64xf32, #tpu.memory_space<hbm>>
      %dma_start3A_102 = tpu.memref_squeeze %dma_start3A_101 : memref<1x10112x64xf32, #tpu.memory_space<hbm>> -> memref<10112x64xf32, #tpu.memory_space<hbm>>
      %dma_start3A_103 = arith.constant 0 : i32
      %dma_start3A_104 = tpu.memref_slice %dma_start3A_102[%add3A_91, %dma_start3A_103] : memref<10112x64xf32, #tpu.memory_space<hbm>> -> memref<128x64xf32, #tpu.memory_space<hbm>>
      %dma_start3A_105 = arith.constant 0 : i32
      %dma_start3A_106 = arith.constant 0 : i32
      %dma_start3A_107 = tpu.memref_slice %arg5[%arg0, %dma_start3A_105, %dma_start3A_106] : memref<2x10112x64xf32, #tpu.memory_space<hbm>> -> memref<1x10112x64xf32, #tpu.memory_space<hbm>>
      %dma_start3A_108 = tpu.memref_squeeze %dma_start3A_107 : memref<1x10112x64xf32, #tpu.memory_space<hbm>> -> memref<10112x64xf32, #tpu.memory_space<hbm>>
      %dma_start3A_109 = arith.constant 0 : i32
      %dma_start3A_110 = tpu.memref_slice %dma_start3A_108[%add3A_91, %dma_start3A_109] : memref<10112x64xf32, #tpu.memory_space<hbm>> -> memref<128x64xf32, #tpu.memory_space<hbm>>
      %dma_start3A_111 = arith.constant 0 : i32
      %dma_start3A_112 = arith.constant 0 : i32
      %dma_start3A_113 = tpu.memref_slice %arg7[%dma_start3A_111, %dma_start3A_112] : memref<128x64xf32, #tpu.memory_space<vmem>> -> memref<128x64xf32, #tpu.memory_space<vmem>>
      tpu.enqueue_dma source(%dma_start3A_113 : memref<128x64xf32, #tpu.memory_space<vmem>>) target(%dma_start3A_110 : memref<128x64xf32, #tpu.memory_space<hbm>>) target_semaphore(%run_scoped3A : memref<!tpu.dma_semaphore, #tpu.memory_space<semaphore_mem>>)
      %dma_wait3A = arith.constant 0 : i32
      %dma_wait3A_114 = arith.constant 0 : i32
      %dma_wait3A_115 = tpu.memref_slice %arg7[%dma_wait3A, %dma_wait3A_114] : memref<128x64xf32, #tpu.memory_space<vmem>> -> memref<128x64xf32, #tpu.memory_space<vmem>>
      %dma_wait3A_116 = arith.constant 0 : i32
      %dma_wait3A_117 = arith.constant 0 : i32
      %dma_wait3A_118 = tpu.memref_slice %arg5[%arg0, %dma_wait3A_116, %dma_wait3A_117] : memref<2x10112x64xf32, #tpu.memory_space<hbm>> -> memref<1x10112x64xf32, #tpu.memory_space<hbm>>
      %dma_wait3A_119 = tpu.memref_squeeze %dma_wait3A_118 : memref<1x10112x64xf32, #tpu.memory_space<hbm>> -> memref<10112x64xf32, #tpu.memory_space<hbm>>
      %dma_wait3A_120 = arith.constant 0 : i32
      %dma_wait3A_121 = tpu.memref_slice %dma_wait3A_119[%add3A_91, %dma_wait3A_120] : memref<10112x64xf32, #tpu.memory_space<hbm>> -> memref<128x64xf32, #tpu.memory_space<hbm>>
      %dma_wait3A_122 = arith.constant 0 : i32
      %dma_wait3A_123 = arith.constant 0 : i32
      %dma_wait3A_124 = tpu.memref_slice %arg5[%arg0, %dma_wait3A_122, %dma_wait3A_123] : memref<2x10112x64xf32, #tpu.memory_space<hbm>> -> memref<1x10112x64xf32, #tpu.memory_space<hbm>>
      %dma_wait3A_125 = tpu.memref_squeeze %dma_wait3A_124 : memref<1x10112x64xf32, #tpu.memory_space<hbm>> -> memref<10112x64xf32, #tpu.memory_space<hbm>>
      %dma_wait3A_126 = arith.constant 0 : i32
      %dma_wait3A_127 = tpu.memref_slice %dma_wait3A_125[%add3A_91, %dma_wait3A_126] : memref<10112x64xf32, #tpu.memory_space<hbm>> -> memref<128x64xf32, #tpu.memory_space<hbm>>
      %dma_wait3A_128 = arith.constant 0 : i32
      %dma_wait3A_129 = arith.constant 0 : i32
      %dma_wait3A_130 = tpu.memref_slice %arg7[%dma_wait3A_128, %dma_wait3A_129] : memref<128x64xf32, #tpu.memory_space<vmem>> -> memref<128x64xf32, #tpu.memory_space<vmem>>
      tpu.wait_dma2 semaphore(%run_scoped3A : memref<!tpu.dma_semaphore, #tpu.memory_space<semaphore_mem>>) src(%dma_wait3A_130 : memref<128x64xf32, #tpu.memory_space<vmem>>) dst(%dma_wait3A_127 : memref<128x64xf32, #tpu.memory_space<hbm>>)
      tpu.yield
    }) : () -> ()
    %add3A_92 = arith.constant 384 : i32
    %add3A_93 = arith.addi %mul3A_0, %add3A_92 : i32
    "tpu.region"() ({
      %run_scoped3A = tpu.sem_alloc : memref<!tpu.dma_semaphore, #tpu.memory_space<semaphore_mem>>
      %dma_start3A_96 = arith.constant 0 : i32
      %dma_start3A_97 = arith.constant 0 : i32
      %dma_start3A_98 = tpu.memref_slice %arg7[%dma_start3A_96, %dma_start3A_97] : memref<128x64xf32, #tpu.memory_space<vmem>> -> memref<128x64xf32, #tpu.memory_space<vmem>>
      %dma_start3A_99 = arith.constant 0 : i32
      %dma_start3A_100 = tpu.memref_slice %arg11[%add3A_93, %dma_start3A_99] : memref<10112x64xf32, #tpu.memory_space<vmem_shared>> -> memref<128x64xf32, #tpu.memory_space<vmem_shared>>
      %dma_start3A_101 = arith.constant 0 : i32
      %dma_start3A_102 = arith.constant 0 : i32
      %dma_start3A_103 = tpu.memref_slice %arg7[%dma_start3A_101, %dma_start3A_102] : memref<128x64xf32, #tpu.memory_space<vmem>> -> memref<128x64xf32, #tpu.memory_space<vmem>>
      %dma_start3A_104 = arith.constant 0 : i32
      %dma_start3A_105 = tpu.memref_slice %arg11[%add3A_93, %dma_start3A_104] : memref<10112x64xf32, #tpu.memory_space<vmem_shared>> -> memref<128x64xf32, #tpu.memory_space<vmem_shared>>
      tpu.enqueue_dma source(%dma_start3A_105 : memref<128x64xf32, #tpu.memory_space<vmem_shared>>) target(%dma_start3A_103 : memref<128x64xf32, #tpu.memory_space<vmem>>) target_semaphore(%run_scoped3A : memref<!tpu.dma_semaphore, #tpu.memory_space<semaphore_mem>>)
      %dma_wait3A = arith.constant 0 : i32
      %dma_wait3A_106 = arith.constant 0 : i32
      %dma_wait3A_107 = tpu.memref_slice %arg7[%dma_wait3A, %dma_wait3A_106] : memref<128x64xf32, #tpu.memory_space<vmem>> -> memref<128x64xf32, #tpu.memory_space<vmem>>
      %dma_wait3A_108 = arith.constant 0 : i32
      %dma_wait3A_109 = tpu.memref_slice %arg11[%add3A_93, %dma_wait3A_108] : memref<10112x64xf32, #tpu.memory_space<vmem_shared>> -> memref<128x64xf32, #tpu.memory_space<vmem_shared>>
      %dma_wait3A_110 = arith.constant 0 : i32
      %dma_wait3A_111 = arith.constant 0 : i32
      %dma_wait3A_112 = tpu.memref_slice %arg7[%dma_wait3A_110, %dma_wait3A_111] : memref<128x64xf32, #tpu.memory_space<vmem>> -> memref<128x64xf32, #tpu.memory_space<vmem>>
      %dma_wait3A_113 = arith.constant 0 : i32
      %dma_wait3A_114 = tpu.memref_slice %arg11[%add3A_93, %dma_wait3A_113] : memref<10112x64xf32, #tpu.memory_space<vmem_shared>> -> memref<128x64xf32, #tpu.memory_space<vmem_shared>>
      tpu.wait_dma2 semaphore(%run_scoped3A : memref<!tpu.dma_semaphore, #tpu.memory_space<semaphore_mem>>) src(%dma_wait3A_114 : memref<128x64xf32, #tpu.memory_space<vmem_shared>>) dst(%dma_wait3A_112 : memref<128x64xf32, #tpu.memory_space<vmem>>)
      tpu.yield
    }) : () -> ()
    "tpu.region"() ({
      %run_scoped3A = tpu.sem_alloc : memref<!tpu.dma_semaphore, #tpu.memory_space<semaphore_mem>>
      %dma_start3A_96 = arith.constant 0 : i32
      %dma_start3A_97 = arith.constant 0 : i32
      %dma_start3A_98 = tpu.memref_slice %arg7[%dma_start3A_96, %dma_start3A_97] : memref<128x64xf32, #tpu.memory_space<vmem>> -> memref<128x64xf32, #tpu.memory_space<vmem>>
      %dma_start3A_99 = arith.constant 0 : i32
      %dma_start3A_100 = arith.constant 0 : i32
      %dma_start3A_101 = tpu.memref_slice %arg5[%arg0, %dma_start3A_99, %dma_start3A_100] : memref<2x10112x64xf32, #tpu.memory_space<hbm>> -> memref<1x10112x64xf32, #tpu.memory_space<hbm>>
      %dma_start3A_102 = tpu.memref_squeeze %dma_start3A_101 : memref<1x10112x64xf32, #tpu.memory_space<hbm>> -> memref<10112x64xf32, #tpu.memory_space<hbm>>
      %dma_start3A_103 = arith.constant 0 : i32
      %dma_start3A_104 = tpu.memref_slice %dma_start3A_102[%add3A_93, %dma_start3A_103] : memref<10112x64xf32, #tpu.memory_space<hbm>> -> memref<128x64xf32, #tpu.memory_space<hbm>>
      %dma_start3A_105 = arith.constant 0 : i32
      %dma_start3A_106 = arith.constant 0 : i32
      %dma_start3A_107 = tpu.memref_slice %arg5[%arg0, %dma_start3A_105, %dma_start3A_106] : memref<2x10112x64xf32, #tpu.memory_space<hbm>> -> memref<1x10112x64xf32, #tpu.memory_space<hbm>>
      %dma_start3A_108 = tpu.memref_squeeze %dma_start3A_107 : memref<1x10112x64xf32, #tpu.memory_space<hbm>> -> memref<10112x64xf32, #tpu.memory_space<hbm>>
      %dma_start3A_109 = arith.constant 0 : i32
      %dma_start3A_110 = tpu.memref_slice %dma_start3A_108[%add3A_93, %dma_start3A_109] : memref<10112x64xf32, #tpu.memory_space<hbm>> -> memref<128x64xf32, #tpu.memory_space<hbm>>
      %dma_start3A_111 = arith.constant 0 : i32
      %dma_start3A_112 = arith.constant 0 : i32
      %dma_start3A_113 = tpu.memref_slice %arg7[%dma_start3A_111, %dma_start3A_112] : memref<128x64xf32, #tpu.memory_space<vmem>> -> memref<128x64xf32, #tpu.memory_space<vmem>>
      tpu.enqueue_dma source(%dma_start3A_113 : memref<128x64xf32, #tpu.memory_space<vmem>>) target(%dma_start3A_110 : memref<128x64xf32, #tpu.memory_space<hbm>>) target_semaphore(%run_scoped3A : memref<!tpu.dma_semaphore, #tpu.memory_space<semaphore_mem>>)
      %dma_wait3A = arith.constant 0 : i32
      %dma_wait3A_114 = arith.constant 0 : i32
      %dma_wait3A_115 = tpu.memref_slice %arg7[%dma_wait3A, %dma_wait3A_114] : memref<128x64xf32, #tpu.memory_space<vmem>> -> memref<128x64xf32, #tpu.memory_space<vmem>>
      %dma_wait3A_116 = arith.constant 0 : i32
      %dma_wait3A_117 = arith.constant 0 : i32
      %dma_wait3A_118 = tpu.memref_slice %arg5[%arg0, %dma_wait3A_116, %dma_wait3A_117] : memref<2x10112x64xf32, #tpu.memory_space<hbm>> -> memref<1x10112x64xf32, #tpu.memory_space<hbm>>
      %dma_wait3A_119 = tpu.memref_squeeze %dma_wait3A_118 : memref<1x10112x64xf32, #tpu.memory_space<hbm>> -> memref<10112x64xf32, #tpu.memory_space<hbm>>
      %dma_wait3A_120 = arith.constant 0 : i32
      %dma_wait3A_121 = tpu.memref_slice %dma_wait3A_119[%add3A_93, %dma_wait3A_120] : memref<10112x64xf32, #tpu.memory_space<hbm>> -> memref<128x64xf32, #tpu.memory_space<hbm>>
      %dma_wait3A_122 = arith.constant 0 : i32
      %dma_wait3A_123 = arith.constant 0 : i32
      %dma_wait3A_124 = tpu.memref_slice %arg5[%arg0, %dma_wait3A_122, %dma_wait3A_123] : memref<2x10112x64xf32, #tpu.memory_space<hbm>> -> memref<1x10112x64xf32, #tpu.memory_space<hbm>>
      %dma_wait3A_125 = tpu.memref_squeeze %dma_wait3A_124 : memref<1x10112x64xf32, #tpu.memory_space<hbm>> -> memref<10112x64xf32, #tpu.memory_space<hbm>>
      %dma_wait3A_126 = arith.constant 0 : i32
      %dma_wait3A_127 = tpu.memref_slice %dma_wait3A_125[%add3A_93, %dma_wait3A_126] : memref<10112x64xf32, #tpu.memory_space<hbm>> -> memref<128x64xf32, #tpu.memory_space<hbm>>
      %dma_wait3A_128 = arith.constant 0 : i32
      %dma_wait3A_129 = arith.constant 0 : i32
      %dma_wait3A_130 = tpu.memref_slice %arg7[%dma_wait3A_128, %dma_wait3A_129] : memref<128x64xf32, #tpu.memory_space<vmem>> -> memref<128x64xf32, #tpu.memory_space<vmem>>
      tpu.wait_dma2 semaphore(%run_scoped3A : memref<!tpu.dma_semaphore, #tpu.memory_space<semaphore_mem>>) src(%dma_wait3A_130 : memref<128x64xf32, #tpu.memory_space<vmem>>) dst(%dma_wait3A_127 : memref<128x64xf32, #tpu.memory_space<hbm>>)
      tpu.yield
    }) : () -> ()
    %add3A_94 = arith.constant 512 : i32
    %add3A_95 = arith.addi %mul3A_0, %add3A_94 : i32
    "tpu.region"() ({
      %run_scoped3A = tpu.sem_alloc : memref<!tpu.dma_semaphore, #tpu.memory_space<semaphore_mem>>
      %dma_start3A_96 = arith.constant 0 : i32
      %dma_start3A_97 = arith.constant 0 : i32
      %dma_start3A_98 = tpu.memref_slice %arg7[%dma_start3A_96, %dma_start3A_97] : memref<128x64xf32, #tpu.memory_space<vmem>> -> memref<120x64xf32, #tpu.memory_space<vmem>>
      %dma_start3A_99 = arith.constant 0 : i32
      %dma_start3A_100 = tpu.memref_slice %arg11[%add3A_95, %dma_start3A_99] : memref<10112x64xf32, #tpu.memory_space<vmem_shared>> -> memref<120x64xf32, #tpu.memory_space<vmem_shared>>
      %dma_start3A_101 = arith.constant 0 : i32
      %dma_start3A_102 = arith.constant 0 : i32
      %dma_start3A_103 = tpu.memref_slice %arg7[%dma_start3A_101, %dma_start3A_102] : memref<128x64xf32, #tpu.memory_space<vmem>> -> memref<120x64xf32, #tpu.memory_space<vmem>>
      %dma_start3A_104 = arith.constant 0 : i32
      %dma_start3A_105 = tpu.memref_slice %arg11[%add3A_95, %dma_start3A_104] : memref<10112x64xf32, #tpu.memory_space<vmem_shared>> -> memref<120x64xf32, #tpu.memory_space<vmem_shared>>
      tpu.enqueue_dma source(%dma_start3A_105 : memref<120x64xf32, #tpu.memory_space<vmem_shared>>) target(%dma_start3A_103 : memref<120x64xf32, #tpu.memory_space<vmem>>) target_semaphore(%run_scoped3A : memref<!tpu.dma_semaphore, #tpu.memory_space<semaphore_mem>>)
      %dma_wait3A = arith.constant 0 : i32
      %dma_wait3A_106 = arith.constant 0 : i32
      %dma_wait3A_107 = tpu.memref_slice %arg7[%dma_wait3A, %dma_wait3A_106] : memref<128x64xf32, #tpu.memory_space<vmem>> -> memref<120x64xf32, #tpu.memory_space<vmem>>
      %dma_wait3A_108 = arith.constant 0 : i32
      %dma_wait3A_109 = tpu.memref_slice %arg11[%add3A_95, %dma_wait3A_108] : memref<10112x64xf32, #tpu.memory_space<vmem_shared>> -> memref<120x64xf32, #tpu.memory_space<vmem_shared>>
      %dma_wait3A_110 = arith.constant 0 : i32
      %dma_wait3A_111 = arith.constant 0 : i32
      %dma_wait3A_112 = tpu.memref_slice %arg7[%dma_wait3A_110, %dma_wait3A_111] : memref<128x64xf32, #tpu.memory_space<vmem>> -> memref<120x64xf32, #tpu.memory_space<vmem>>
      %dma_wait3A_113 = arith.constant 0 : i32
      %dma_wait3A_114 = tpu.memref_slice %arg11[%add3A_95, %dma_wait3A_113] : memref<10112x64xf32, #tpu.memory_space<vmem_shared>> -> memref<120x64xf32, #tpu.memory_space<vmem_shared>>
      tpu.wait_dma2 semaphore(%run_scoped3A : memref<!tpu.dma_semaphore, #tpu.memory_space<semaphore_mem>>) src(%dma_wait3A_114 : memref<120x64xf32, #tpu.memory_space<vmem_shared>>) dst(%dma_wait3A_112 : memref<120x64xf32, #tpu.memory_space<vmem>>)
      tpu.yield
    }) : () -> ()
    "tpu.region"() ({
      %run_scoped3A = tpu.sem_alloc : memref<!tpu.dma_semaphore, #tpu.memory_space<semaphore_mem>>
      %dma_start3A_96 = arith.constant 0 : i32
      %dma_start3A_97 = arith.constant 0 : i32
      %dma_start3A_98 = tpu.memref_slice %arg7[%dma_start3A_96, %dma_start3A_97] : memref<128x64xf32, #tpu.memory_space<vmem>> -> memref<120x64xf32, #tpu.memory_space<vmem>>
      %dma_start3A_99 = arith.constant 0 : i32
      %dma_start3A_100 = arith.constant 0 : i32
      %dma_start3A_101 = tpu.memref_slice %arg5[%arg0, %dma_start3A_99, %dma_start3A_100] : memref<2x10112x64xf32, #tpu.memory_space<hbm>> -> memref<1x10112x64xf32, #tpu.memory_space<hbm>>
      %dma_start3A_102 = tpu.memref_squeeze %dma_start3A_101 : memref<1x10112x64xf32, #tpu.memory_space<hbm>> -> memref<10112x64xf32, #tpu.memory_space<hbm>>
      %dma_start3A_103 = arith.constant 0 : i32
      %dma_start3A_104 = tpu.memref_slice %dma_start3A_102[%add3A_95, %dma_start3A_103] : memref<10112x64xf32, #tpu.memory_space<hbm>> -> memref<120x64xf32, #tpu.memory_space<hbm>>
      %dma_start3A_105 = arith.constant 0 : i32
      %dma_start3A_106 = arith.constant 0 : i32
      %dma_start3A_107 = tpu.memref_slice %arg5[%arg0, %dma_start3A_105, %dma_start3A_106] : memref<2x10112x64xf32, #tpu.memory_space<hbm>> -> memref<1x10112x64xf32, #tpu.memory_space<hbm>>
      %dma_start3A_108 = tpu.memref_squeeze %dma_start3A_107 : memref<1x10112x64xf32, #tpu.memory_space<hbm>> -> memref<10112x64xf32, #tpu.memory_space<hbm>>
      %dma_start3A_109 = arith.constant 0 : i32
      %dma_start3A_110 = tpu.memref_slice %dma_start3A_108[%add3A_95, %dma_start3A_109] : memref<10112x64xf32, #tpu.memory_space<hbm>> -> memref<120x64xf32, #tpu.memory_space<hbm>>
      %dma_start3A_111 = arith.constant 0 : i32
      %dma_start3A_112 = arith.constant 0 : i32
      %dma_start3A_113 = tpu.memref_slice %arg7[%dma_start3A_111, %dma_start3A_112] : memref<128x64xf32, #tpu.memory_space<vmem>> -> memref<120x64xf32, #tpu.memory_space<vmem>>
      tpu.enqueue_dma source(%dma_start3A_113 : memref<120x64xf32, #tpu.memory_space<vmem>>) target(%dma_start3A_110 : memref<120x64xf32, #tpu.memory_space<hbm>>) target_semaphore(%run_scoped3A : memref<!tpu.dma_semaphore, #tpu.memory_space<semaphore_mem>>)
      %dma_wait3A = arith.constant 0 : i32
      %dma_wait3A_114 = arith.constant 0 : i32
      %dma_wait3A_115 = tpu.memref_slice %arg7[%dma_wait3A, %dma_wait3A_114] : memref<128x64xf32, #tpu.memory_space<vmem>> -> memref<120x64xf32, #tpu.memory_space<vmem>>
      %dma_wait3A_116 = arith.constant 0 : i32
      %dma_wait3A_117 = arith.constant 0 : i32
      %dma_wait3A_118 = tpu.memref_slice %arg5[%arg0, %dma_wait3A_116, %dma_wait3A_117] : memref<2x10112x64xf32, #tpu.memory_space<hbm>> -> memref<1x10112x64xf32, #tpu.memory_space<hbm>>
      %dma_wait3A_119 = tpu.memref_squeeze %dma_wait3A_118 : memref<1x10112x64xf32, #tpu.memory_space<hbm>> -> memref<10112x64xf32, #tpu.memory_space<hbm>>
      %dma_wait3A_120 = arith.constant 0 : i32
      %dma_wait3A_121 = tpu.memref_slice %dma_wait3A_119[%add3A_95, %dma_wait3A_120] : memref<10112x64xf32, #tpu.memory_space<hbm>> -> memref<120x64xf32, #tpu.memory_space<hbm>>
      %dma_wait3A_122 = arith.constant 0 : i32
      %dma_wait3A_123 = arith.constant 0 : i32
      %dma_wait3A_124 = tpu.memref_slice %arg5[%arg0, %dma_wait3A_122, %dma_wait3A_123] : memref<2x10112x64xf32, #tpu.memory_space<hbm>> -> memref<1x10112x64xf32, #tpu.memory_space<hbm>>
      %dma_wait3A_125 = tpu.memref_squeeze %dma_wait3A_124 : memref<1x10112x64xf32, #tpu.memory_space<hbm>> -> memref<10112x64xf32, #tpu.memory_space<hbm>>
      %dma_wait3A_126 = arith.constant 0 : i32
      %dma_wait3A_127 = tpu.memref_slice %dma_wait3A_125[%add3A_95, %dma_wait3A_126] : memref<10112x64xf32, #tpu.memory_space<hbm>> -> memref<120x64xf32, #tpu.memory_space<hbm>>
      %dma_wait3A_128 = arith.constant 0 : i32
      %dma_wait3A_129 = arith.constant 0 : i32
      %dma_wait3A_130 = tpu.memref_slice %arg7[%dma_wait3A_128, %dma_wait3A_129] : memref<128x64xf32, #tpu.memory_space<vmem>> -> memref<120x64xf32, #tpu.memory_space<vmem>>
      tpu.wait_dma2 semaphore(%run_scoped3A : memref<!tpu.dma_semaphore, #tpu.memory_space<semaphore_mem>>) src(%dma_wait3A_130 : memref<120x64xf32, #tpu.memory_space<vmem>>) dst(%dma_wait3A_127 : memref<120x64xf32, #tpu.memory_space<hbm>>)
      tpu.yield
    }) : () -> ()
    "tpu.trace_stop"() : () -> ()
    return
  }
}

#map = affine_map<(d0, d1) -> (0, 0)>
#map1 = affine_map<(d0, d1) -> (0, 0, 0)>
module attributes {stable_mosaic.version = 14 : i64} {
  func.func @agg(%arg0: i32, %arg1: i32, %arg2: memref<10112x32xf32, #tpu.memory_space<hbm>>, %arg3: memref<2500x2x128xi32, #tpu.memory_space<hbm>>, %arg4: memref<128x32xf32, #tpu.memory_space<hbm>>, %arg5: memref<2x10112x32xf32, #tpu.memory_space<hbm>>, %arg6: memref<80x2x128xi32, #tpu.memory_space<vmem>>, %arg7: memref<128x32xf32, #tpu.memory_space<vmem>>, %arg8: memref<128x32xf32, #tpu.memory_space<vmem>>, %arg9: memref<128x32xf32, #tpu.memory_space<vmem>>, %arg10: memref<128x32xf32, #tpu.memory_space<vmem>>, %arg11: memref<10112x32xf32, #tpu.memory_space<vmem_shared>>, %arg12: memref<!tpu.dma_semaphore, #tpu.memory_space<semaphore_mem>>, %arg13: memref<!tpu.dma_semaphore, #tpu.memory_space<semaphore_mem>>, %arg14: memref<!tpu.dma_semaphore, #tpu.memory_space<semaphore_mem>>, %arg15: memref<!tpu.dma_semaphore, #tpu.memory_space<semaphore_mem>>) attributes {dimension_semantics = [#tpu.dimension_semantics<core_parallel>, #tpu.dimension_semantics<subcore_parallel>], iteration_bounds = array<i64: 2, 16>, scalar_prefetch = 0 : i64, scratch_operands = 10 : i64, tpu.core_type = #tpu.core_type<sc_vector_subcore>, window_params = [{transform_indices = #map}, {transform_indices = #map1}, {transform_indices = #map}, {transform_indices = #map1}]} {
    %mul3A = arith.constant 632 : i32
    %mul3A_0 = arith.muli %arg1, %mul3A : i32
    "tpu.trace_start"() <{level = 10 : i32, message = "agg_init"}> : () -> ()
    "tpu.region"() ({
      %run_scoped3A = tpu.sem_alloc : memref<!tpu.dma_semaphore, #tpu.memory_space<semaphore_mem>>
      tpu.enqueue_dma source(%arg4 : memref<128x32xf32, #tpu.memory_space<hbm>>) target(%arg7 : memref<128x32xf32, #tpu.memory_space<vmem>>) target_semaphore(%run_scoped3A : memref<!tpu.dma_semaphore, #tpu.memory_space<semaphore_mem>>)
      tpu.wait_dma2 semaphore(%run_scoped3A : memref<!tpu.dma_semaphore, #tpu.memory_space<semaphore_mem>>) src(%arg4 : memref<128x32xf32, #tpu.memory_space<hbm>>) dst(%arg7 : memref<128x32xf32, #tpu.memory_space<vmem>>)
      tpu.yield
    }) : () -> ()
    %add3A = arith.constant 0 : i32
    %add3A_1 = arith.addi %mul3A_0, %add3A : i32
    "tpu.region"() ({
      %run_scoped3A = tpu.sem_alloc : memref<!tpu.dma_semaphore, #tpu.memory_space<semaphore_mem>>
      %dma_start3A_96 = arith.constant 0 : i32
      %dma_start3A_97 = arith.constant 0 : i32
      %dma_start3A_98 = tpu.memref_slice %arg7[%dma_start3A_96, %dma_start3A_97] : memref<128x32xf32, #tpu.memory_space<vmem>> -> memref<128x32xf32, #tpu.memory_space<vmem>>
      %dma_start3A_99 = arith.constant 0 : i32
      %dma_start3A_100 = tpu.memref_slice %arg11[%add3A_1, %dma_start3A_99] : memref<10112x32xf32, #tpu.memory_space<vmem_shared>> -> memref<128x32xf32, #tpu.memory_space<vmem_shared>>
      %dma_start3A_101 = arith.constant 0 : i32
      %dma_start3A_102 = tpu.memref_slice %arg11[%add3A_1, %dma_start3A_101] : memref<10112x32xf32, #tpu.memory_space<vmem_shared>> -> memref<128x32xf32, #tpu.memory_space<vmem_shared>>
      %dma_start3A_103 = arith.constant 0 : i32
      %dma_start3A_104 = arith.constant 0 : i32
      %dma_start3A_105 = tpu.memref_slice %arg7[%dma_start3A_103, %dma_start3A_104] : memref<128x32xf32, #tpu.memory_space<vmem>> -> memref<128x32xf32, #tpu.memory_space<vmem>>
      tpu.enqueue_dma source(%dma_start3A_105 : memref<128x32xf32, #tpu.memory_space<vmem>>) target(%dma_start3A_102 : memref<128x32xf32, #tpu.memory_space<vmem_shared>>) target_semaphore(%run_scoped3A : memref<!tpu.dma_semaphore, #tpu.memory_space<semaphore_mem>>)
      %dma_wait3A = arith.constant 0 : i32
      %dma_wait3A_106 = arith.constant 0 : i32
      %dma_wait3A_107 = tpu.memref_slice %arg7[%dma_wait3A, %dma_wait3A_106] : memref<128x32xf32, #tpu.memory_space<vmem>> -> memref<128x32xf32, #tpu.memory_space<vmem>>
      %dma_wait3A_108 = arith.constant 0 : i32
      %dma_wait3A_109 = tpu.memref_slice %arg11[%add3A_1, %dma_wait3A_108] : memref<10112x32xf32, #tpu.memory_space<vmem_shared>> -> memref<128x32xf32, #tpu.memory_space<vmem_shared>>
      %dma_wait3A_110 = arith.constant 0 : i32
      %dma_wait3A_111 = tpu.memref_slice %arg11[%add3A_1, %dma_wait3A_110] : memref<10112x32xf32, #tpu.memory_space<vmem_shared>> -> memref<128x32xf32, #tpu.memory_space<vmem_shared>>
      %dma_wait3A_112 = arith.constant 0 : i32
      %dma_wait3A_113 = arith.constant 0 : i32
      %dma_wait3A_114 = tpu.memref_slice %arg7[%dma_wait3A_112, %dma_wait3A_113] : memref<128x32xf32, #tpu.memory_space<vmem>> -> memref<128x32xf32, #tpu.memory_space<vmem>>
      tpu.wait_dma2 semaphore(%run_scoped3A : memref<!tpu.dma_semaphore, #tpu.memory_space<semaphore_mem>>) src(%dma_wait3A_114 : memref<128x32xf32, #tpu.memory_space<vmem>>) dst(%dma_wait3A_111 : memref<128x32xf32, #tpu.memory_space<vmem_shared>>)
      tpu.yield
    }) : () -> ()
    %add3A_2 = arith.constant 128 : i32
    %add3A_3 = arith.addi %mul3A_0, %add3A_2 : i32
    "tpu.region"() ({
      %run_scoped3A = tpu.sem_alloc : memref<!tpu.dma_semaphore, #tpu.memory_space<semaphore_mem>>
      %dma_start3A_96 = arith.constant 0 : i32
      %dma_start3A_97 = arith.constant 0 : i32
      %dma_start3A_98 = tpu.memref_slice %arg7[%dma_start3A_96, %dma_start3A_97] : memref<128x32xf32, #tpu.memory_space<vmem>> -> memref<128x32xf32, #tpu.memory_space<vmem>>
      %dma_start3A_99 = arith.constant 0 : i32
      %dma_start3A_100 = tpu.memref_slice %arg11[%add3A_3, %dma_start3A_99] : memref<10112x32xf32, #tpu.memory_space<vmem_shared>> -> memref<128x32xf32, #tpu.memory_space<vmem_shared>>
      %dma_start3A_101 = arith.constant 0 : i32
      %dma_start3A_102 = tpu.memref_slice %arg11[%add3A_3, %dma_start3A_101] : memref<10112x32xf32, #tpu.memory_space<vmem_shared>> -> memref<128x32xf32, #tpu.memory_space<vmem_shared>>
      %dma_start3A_103 = arith.constant 0 : i32
      %dma_start3A_104 = arith.constant 0 : i32
      %dma_start3A_105 = tpu.memref_slice %arg7[%dma_start3A_103, %dma_start3A_104] : memref<128x32xf32, #tpu.memory_space<vmem>> -> memref<128x32xf32, #tpu.memory_space<vmem>>
      tpu.enqueue_dma source(%dma_start3A_105 : memref<128x32xf32, #tpu.memory_space<vmem>>) target(%dma_start3A_102 : memref<128x32xf32, #tpu.memory_space<vmem_shared>>) target_semaphore(%run_scoped3A : memref<!tpu.dma_semaphore, #tpu.memory_space<semaphore_mem>>)
      %dma_wait3A = arith.constant 0 : i32
      %dma_wait3A_106 = arith.constant 0 : i32
      %dma_wait3A_107 = tpu.memref_slice %arg7[%dma_wait3A, %dma_wait3A_106] : memref<128x32xf32, #tpu.memory_space<vmem>> -> memref<128x32xf32, #tpu.memory_space<vmem>>
      %dma_wait3A_108 = arith.constant 0 : i32
      %dma_wait3A_109 = tpu.memref_slice %arg11[%add3A_3, %dma_wait3A_108] : memref<10112x32xf32, #tpu.memory_space<vmem_shared>> -> memref<128x32xf32, #tpu.memory_space<vmem_shared>>
      %dma_wait3A_110 = arith.constant 0 : i32
      %dma_wait3A_111 = tpu.memref_slice %arg11[%add3A_3, %dma_wait3A_110] : memref<10112x32xf32, #tpu.memory_space<vmem_shared>> -> memref<128x32xf32, #tpu.memory_space<vmem_shared>>
      %dma_wait3A_112 = arith.constant 0 : i32
      %dma_wait3A_113 = arith.constant 0 : i32
      %dma_wait3A_114 = tpu.memref_slice %arg7[%dma_wait3A_112, %dma_wait3A_113] : memref<128x32xf32, #tpu.memory_space<vmem>> -> memref<128x32xf32, #tpu.memory_space<vmem>>
      tpu.wait_dma2 semaphore(%run_scoped3A : memref<!tpu.dma_semaphore, #tpu.memory_space<semaphore_mem>>) src(%dma_wait3A_114 : memref<128x32xf32, #tpu.memory_space<vmem>>) dst(%dma_wait3A_111 : memref<128x32xf32, #tpu.memory_space<vmem_shared>>)
      tpu.yield
    }) : () -> ()
    %add3A_4 = arith.constant 256 : i32
    %add3A_5 = arith.addi %mul3A_0, %add3A_4 : i32
    "tpu.region"() ({
      %run_scoped3A = tpu.sem_alloc : memref<!tpu.dma_semaphore, #tpu.memory_space<semaphore_mem>>
      %dma_start3A_96 = arith.constant 0 : i32
      %dma_start3A_97 = arith.constant 0 : i32
      %dma_start3A_98 = tpu.memref_slice %arg7[%dma_start3A_96, %dma_start3A_97] : memref<128x32xf32, #tpu.memory_space<vmem>> -> memref<128x32xf32, #tpu.memory_space<vmem>>
      %dma_start3A_99 = arith.constant 0 : i32
      %dma_start3A_100 = tpu.memref_slice %arg11[%add3A_5, %dma_start3A_99] : memref<10112x32xf32, #tpu.memory_space<vmem_shared>> -> memref<128x32xf32, #tpu.memory_space<vmem_shared>>
      %dma_start3A_101 = arith.constant 0 : i32
      %dma_start3A_102 = tpu.memref_slice %arg11[%add3A_5, %dma_start3A_101] : memref<10112x32xf32, #tpu.memory_space<vmem_shared>> -> memref<128x32xf32, #tpu.memory_space<vmem_shared>>
      %dma_start3A_103 = arith.constant 0 : i32
      %dma_start3A_104 = arith.constant 0 : i32
      %dma_start3A_105 = tpu.memref_slice %arg7[%dma_start3A_103, %dma_start3A_104] : memref<128x32xf32, #tpu.memory_space<vmem>> -> memref<128x32xf32, #tpu.memory_space<vmem>>
      tpu.enqueue_dma source(%dma_start3A_105 : memref<128x32xf32, #tpu.memory_space<vmem>>) target(%dma_start3A_102 : memref<128x32xf32, #tpu.memory_space<vmem_shared>>) target_semaphore(%run_scoped3A : memref<!tpu.dma_semaphore, #tpu.memory_space<semaphore_mem>>)
      %dma_wait3A = arith.constant 0 : i32
      %dma_wait3A_106 = arith.constant 0 : i32
      %dma_wait3A_107 = tpu.memref_slice %arg7[%dma_wait3A, %dma_wait3A_106] : memref<128x32xf32, #tpu.memory_space<vmem>> -> memref<128x32xf32, #tpu.memory_space<vmem>>
      %dma_wait3A_108 = arith.constant 0 : i32
      %dma_wait3A_109 = tpu.memref_slice %arg11[%add3A_5, %dma_wait3A_108] : memref<10112x32xf32, #tpu.memory_space<vmem_shared>> -> memref<128x32xf32, #tpu.memory_space<vmem_shared>>
      %dma_wait3A_110 = arith.constant 0 : i32
      %dma_wait3A_111 = tpu.memref_slice %arg11[%add3A_5, %dma_wait3A_110] : memref<10112x32xf32, #tpu.memory_space<vmem_shared>> -> memref<128x32xf32, #tpu.memory_space<vmem_shared>>
      %dma_wait3A_112 = arith.constant 0 : i32
      %dma_wait3A_113 = arith.constant 0 : i32
      %dma_wait3A_114 = tpu.memref_slice %arg7[%dma_wait3A_112, %dma_wait3A_113] : memref<128x32xf32, #tpu.memory_space<vmem>> -> memref<128x32xf32, #tpu.memory_space<vmem>>
      tpu.wait_dma2 semaphore(%run_scoped3A : memref<!tpu.dma_semaphore, #tpu.memory_space<semaphore_mem>>) src(%dma_wait3A_114 : memref<128x32xf32, #tpu.memory_space<vmem>>) dst(%dma_wait3A_111 : memref<128x32xf32, #tpu.memory_space<vmem_shared>>)
      tpu.yield
    }) : () -> ()
    %add3A_6 = arith.constant 384 : i32
    %add3A_7 = arith.addi %mul3A_0, %add3A_6 : i32
    "tpu.region"() ({
      %run_scoped3A = tpu.sem_alloc : memref<!tpu.dma_semaphore, #tpu.memory_space<semaphore_mem>>
      %dma_start3A_96 = arith.constant 0 : i32
      %dma_start3A_97 = arith.constant 0 : i32
      %dma_start3A_98 = tpu.memref_slice %arg7[%dma_start3A_96, %dma_start3A_97] : memref<128x32xf32, #tpu.memory_space<vmem>> -> memref<128x32xf32, #tpu.memory_space<vmem>>
      %dma_start3A_99 = arith.constant 0 : i32
      %dma_start3A_100 = tpu.memref_slice %arg11[%add3A_7, %dma_start3A_99] : memref<10112x32xf32, #tpu.memory_space<vmem_shared>> -> memref<128x32xf32, #tpu.memory_space<vmem_shared>>
      %dma_start3A_101 = arith.constant 0 : i32
      %dma_start3A_102 = tpu.memref_slice %arg11[%add3A_7, %dma_start3A_101] : memref<10112x32xf32, #tpu.memory_space<vmem_shared>> -> memref<128x32xf32, #tpu.memory_space<vmem_shared>>
      %dma_start3A_103 = arith.constant 0 : i32
      %dma_start3A_104 = arith.constant 0 : i32
      %dma_start3A_105 = tpu.memref_slice %arg7[%dma_start3A_103, %dma_start3A_104] : memref<128x32xf32, #tpu.memory_space<vmem>> -> memref<128x32xf32, #tpu.memory_space<vmem>>
      tpu.enqueue_dma source(%dma_start3A_105 : memref<128x32xf32, #tpu.memory_space<vmem>>) target(%dma_start3A_102 : memref<128x32xf32, #tpu.memory_space<vmem_shared>>) target_semaphore(%run_scoped3A : memref<!tpu.dma_semaphore, #tpu.memory_space<semaphore_mem>>)
      %dma_wait3A = arith.constant 0 : i32
      %dma_wait3A_106 = arith.constant 0 : i32
      %dma_wait3A_107 = tpu.memref_slice %arg7[%dma_wait3A, %dma_wait3A_106] : memref<128x32xf32, #tpu.memory_space<vmem>> -> memref<128x32xf32, #tpu.memory_space<vmem>>
      %dma_wait3A_108 = arith.constant 0 : i32
      %dma_wait3A_109 = tpu.memref_slice %arg11[%add3A_7, %dma_wait3A_108] : memref<10112x32xf32, #tpu.memory_space<vmem_shared>> -> memref<128x32xf32, #tpu.memory_space<vmem_shared>>
      %dma_wait3A_110 = arith.constant 0 : i32
      %dma_wait3A_111 = tpu.memref_slice %arg11[%add3A_7, %dma_wait3A_110] : memref<10112x32xf32, #tpu.memory_space<vmem_shared>> -> memref<128x32xf32, #tpu.memory_space<vmem_shared>>
      %dma_wait3A_112 = arith.constant 0 : i32
      %dma_wait3A_113 = arith.constant 0 : i32
      %dma_wait3A_114 = tpu.memref_slice %arg7[%dma_wait3A_112, %dma_wait3A_113] : memref<128x32xf32, #tpu.memory_space<vmem>> -> memref<128x32xf32, #tpu.memory_space<vmem>>
      tpu.wait_dma2 semaphore(%run_scoped3A : memref<!tpu.dma_semaphore, #tpu.memory_space<semaphore_mem>>) src(%dma_wait3A_114 : memref<128x32xf32, #tpu.memory_space<vmem>>) dst(%dma_wait3A_111 : memref<128x32xf32, #tpu.memory_space<vmem_shared>>)
      tpu.yield
    }) : () -> ()
    %add3A_8 = arith.constant 512 : i32
    %add3A_9 = arith.addi %mul3A_0, %add3A_8 : i32
    "tpu.region"() ({
      %run_scoped3A = tpu.sem_alloc : memref<!tpu.dma_semaphore, #tpu.memory_space<semaphore_mem>>
      %dma_start3A_96 = arith.constant 0 : i32
      %dma_start3A_97 = arith.constant 0 : i32
      %dma_start3A_98 = tpu.memref_slice %arg7[%dma_start3A_96, %dma_start3A_97] : memref<128x32xf32, #tpu.memory_space<vmem>> -> memref<120x32xf32, #tpu.memory_space<vmem>>
      %dma_start3A_99 = arith.constant 0 : i32
      %dma_start3A_100 = tpu.memref_slice %arg11[%add3A_9, %dma_start3A_99] : memref<10112x32xf32, #tpu.memory_space<vmem_shared>> -> memref<120x32xf32, #tpu.memory_space<vmem_shared>>
      %dma_start3A_101 = arith.constant 0 : i32
      %dma_start3A_102 = tpu.memref_slice %arg11[%add3A_9, %dma_start3A_101] : memref<10112x32xf32, #tpu.memory_space<vmem_shared>> -> memref<120x32xf32, #tpu.memory_space<vmem_shared>>
      %dma_start3A_103 = arith.constant 0 : i32
      %dma_start3A_104 = arith.constant 0 : i32
      %dma_start3A_105 = tpu.memref_slice %arg7[%dma_start3A_103, %dma_start3A_104] : memref<128x32xf32, #tpu.memory_space<vmem>> -> memref<120x32xf32, #tpu.memory_space<vmem>>
      tpu.enqueue_dma source(%dma_start3A_105 : memref<120x32xf32, #tpu.memory_space<vmem>>) target(%dma_start3A_102 : memref<120x32xf32, #tpu.memory_space<vmem_shared>>) target_semaphore(%run_scoped3A : memref<!tpu.dma_semaphore, #tpu.memory_space<semaphore_mem>>)
      %dma_wait3A = arith.constant 0 : i32
      %dma_wait3A_106 = arith.constant 0 : i32
      %dma_wait3A_107 = tpu.memref_slice %arg7[%dma_wait3A, %dma_wait3A_106] : memref<128x32xf32, #tpu.memory_space<vmem>> -> memref<120x32xf32, #tpu.memory_space<vmem>>
      %dma_wait3A_108 = arith.constant 0 : i32
      %dma_wait3A_109 = tpu.memref_slice %arg11[%add3A_9, %dma_wait3A_108] : memref<10112x32xf32, #tpu.memory_space<vmem_shared>> -> memref<120x32xf32, #tpu.memory_space<vmem_shared>>
      %dma_wait3A_110 = arith.constant 0 : i32
      %dma_wait3A_111 = tpu.memref_slice %arg11[%add3A_9, %dma_wait3A_110] : memref<10112x32xf32, #tpu.memory_space<vmem_shared>> -> memref<120x32xf32, #tpu.memory_space<vmem_shared>>
      %dma_wait3A_112 = arith.constant 0 : i32
      %dma_wait3A_113 = arith.constant 0 : i32
      %dma_wait3A_114 = tpu.memref_slice %arg7[%dma_wait3A_112, %dma_wait3A_113] : memref<128x32xf32, #tpu.memory_space<vmem>> -> memref<120x32xf32, #tpu.memory_space<vmem>>
      tpu.wait_dma2 semaphore(%run_scoped3A : memref<!tpu.dma_semaphore, #tpu.memory_space<semaphore_mem>>) src(%dma_wait3A_114 : memref<120x32xf32, #tpu.memory_space<vmem>>) dst(%dma_wait3A_111 : memref<120x32xf32, #tpu.memory_space<vmem_shared>>)
      tpu.yield
    }) : () -> ()
    %eq3A = arith.constant 0 : i32
    %eq3A_10 = arith.cmpi eq, %arg0, %eq3A : i32
    %lt3A = arith.constant 8 : i32
    %lt3A_11 = arith.cmpi slt, %arg1, %lt3A : i32
    %convert_element_type3A = arith.extui %lt3A_11 : i1 to i32
    %add3A_12 = arith.constant 19 : i32
    %add3A_13 = arith.addi %add3A_12, %convert_element_type3A : i32
    %lt3A_14 = arith.constant 9 : i32
    %lt3A_15 = arith.cmpi slt, %arg1, %lt3A_14 : i32
    %convert_element_type3A_16 = arith.extui %lt3A_15 : i1 to i32
    %add3A_17 = arith.constant 19 : i32
    %add3A_18 = arith.addi %add3A_17, %convert_element_type3A_16 : i32
    %select_n3A = arith.select %eq3A_10, %add3A_13, %add3A_18 : i32
    %eq3A_19 = arith.constant 0 : i32
    %eq3A_20 = arith.cmpi eq, %arg0, %eq3A_19 : i32
    %mul3A_21 = arith.constant 19 : i32
    %mul3A_22 = arith.muli %arg1, %mul3A_21 : i32
    %min3A = arith.constant 8 : i32
    %min3A_23 = arith.minsi %arg1, %min3A : i32
    %add3A_24 = arith.addi %mul3A_22, %min3A_23 : i32
    %mul3A_25 = arith.constant 19 : i32
    %mul3A_26 = arith.muli %arg1, %mul3A_25 : i32
    %add3A_27 = arith.constant 312 : i32
    %add3A_28 = arith.addi %add3A_27, %mul3A_26 : i32
    %min3A_29 = arith.constant 9 : i32
    %min3A_30 = arith.minsi %arg1, %min3A_29 : i32
    %add3A_31 = arith.addi %add3A_28, %min3A_30 : i32
    %select_n3A_32 = arith.select %eq3A_20, %add3A_24, %add3A_31 : i32
    %mul3A_33 = arith.constant 4 : i32
    %mul3A_34 = arith.muli %select_n3A, %mul3A_33 : i32
    %mul3A_35 = arith.constant 4 : i32
    %mul3A_36 = arith.muli %select_n3A_32, %mul3A_35 : i32
    %min3A_37 = arith.constant 2420 : i32
    %min3A_38 = arith.minsi %mul3A_36, %min3A_37 : i32
    %mul3A_39 = arith.constant 4 : i32
    %mul3A_40 = arith.muli %select_n3A_32, %mul3A_39 : i32
    %sub3A = arith.subi %mul3A_40, %min3A_38 : i32
    "tpu.region"() ({
      %run_scoped3A = tpu.sem_alloc : memref<!tpu.dma_semaphore, #tpu.memory_space<semaphore_mem>>
      %dma_start3A_96 = arith.constant 0 : i32
      %dma_start3A_97 = arith.constant 0 : i32
      %dma_start3A_98 = tpu.memref_slice %arg3[%min3A_38, %dma_start3A_96, %dma_start3A_97] : memref<2500x2x128xi32, #tpu.memory_space<hbm>> -> memref<80x2x128xi32, #tpu.memory_space<hbm>>
      %dma_start3A_99 = arith.constant 0 : i32
      %dma_start3A_100 = arith.constant 0 : i32
      %dma_start3A_101 = tpu.memref_slice %arg3[%min3A_38, %dma_start3A_99, %dma_start3A_100] : memref<2500x2x128xi32, #tpu.memory_space<hbm>> -> memref<80x2x128xi32, #tpu.memory_space<hbm>>
      tpu.enqueue_dma source(%dma_start3A_101 : memref<80x2x128xi32, #tpu.memory_space<hbm>>) target(%arg6 : memref<80x2x128xi32, #tpu.memory_space<vmem>>) target_semaphore(%run_scoped3A : memref<!tpu.dma_semaphore, #tpu.memory_space<semaphore_mem>>)
      %dma_wait3A = arith.constant 0 : i32
      %dma_wait3A_102 = arith.constant 0 : i32
      %dma_wait3A_103 = tpu.memref_slice %arg3[%min3A_38, %dma_wait3A, %dma_wait3A_102] : memref<2500x2x128xi32, #tpu.memory_space<hbm>> -> memref<80x2x128xi32, #tpu.memory_space<hbm>>
      %dma_wait3A_104 = arith.constant 0 : i32
      %dma_wait3A_105 = arith.constant 0 : i32
      %dma_wait3A_106 = tpu.memref_slice %arg3[%min3A_38, %dma_wait3A_104, %dma_wait3A_105] : memref<2500x2x128xi32, #tpu.memory_space<hbm>> -> memref<80x2x128xi32, #tpu.memory_space<hbm>>
      tpu.wait_dma2 semaphore(%run_scoped3A : memref<!tpu.dma_semaphore, #tpu.memory_space<semaphore_mem>>) src(%dma_wait3A_106 : memref<80x2x128xi32, #tpu.memory_space<hbm>>) dst(%arg6 : memref<80x2x128xi32, #tpu.memory_space<vmem>>)
      tpu.yield
    }) : () -> ()
    %barrier3A = arith.constant 0 : index
    tpu.barrier barrier_id(%barrier3A)
    "tpu.trace_stop"() : () -> ()
    "tpu.trace_start"() <{level = 10 : i32, message = "agg_loop"}> : () -> ()
    %add3A_41 = arith.constant 0 : i32
    %add3A_42 = arith.addi %sub3A, %add3A_41 : i32
    %dma_start3A = arith.constant 0 : i32
    %dma_start3A_43 = arith.constant 0 : i32
    %dma_start3A_44 = tpu.memref_slice %arg6[%add3A_42, %dma_start3A, %dma_start3A_43] : memref<80x2x128xi32, #tpu.memory_space<vmem>> -> memref<1x1x128xi32, #tpu.memory_space<vmem>>
    %dma_start3A_45 = tpu.memref_squeeze %dma_start3A_44 : memref<1x1x128xi32, #tpu.memory_space<vmem>> -> memref<128xi32, #tpu.memory_space<vmem>>
    %dma_start3A_46 = arith.constant 0 : i32
    %dma_start3A_47 = arith.constant 0 : i32
    %dma_start3A_48 = tpu.memref_slice %arg2[%dma_start3A_46, %dma_start3A_47] : memref<10112x32xf32, #tpu.memory_space<hbm>> -> memref<10112x32xf32, #tpu.memory_space<hbm>>
    tpu.enqueue_indirect_dma source(%dma_start3A_48 : memref<10112x32xf32, #tpu.memory_space<hbm>>) target(%arg7 : memref<128x32xf32, #tpu.memory_space<vmem>>) offsets(%dma_start3A_45 : memref<128xi32, #tpu.memory_space<vmem>>) semaphore(%arg12 : memref<!tpu.dma_semaphore, #tpu.memory_space<semaphore_mem>>)
    %add3A_49 = arith.constant 1 : i32
    %add3A_50 = arith.addi %sub3A, %add3A_49 : i32
    %dma_start3A_51 = arith.constant 0 : i32
    %dma_start3A_52 = arith.constant 0 : i32
    %dma_start3A_53 = tpu.memref_slice %arg6[%add3A_50, %dma_start3A_51, %dma_start3A_52] : memref<80x2x128xi32, #tpu.memory_space<vmem>> -> memref<1x1x128xi32, #tpu.memory_space<vmem>>
    %dma_start3A_54 = tpu.memref_squeeze %dma_start3A_53 : memref<1x1x128xi32, #tpu.memory_space<vmem>> -> memref<128xi32, #tpu.memory_space<vmem>>
    %dma_start3A_55 = arith.constant 0 : i32
    %dma_start3A_56 = arith.constant 0 : i32
    %dma_start3A_57 = tpu.memref_slice %arg2[%dma_start3A_55, %dma_start3A_56] : memref<10112x32xf32, #tpu.memory_space<hbm>> -> memref<10112x32xf32, #tpu.memory_space<hbm>>
    tpu.enqueue_indirect_dma source(%dma_start3A_57 : memref<10112x32xf32, #tpu.memory_space<hbm>>) target(%arg8 : memref<128x32xf32, #tpu.memory_space<vmem>>) offsets(%dma_start3A_54 : memref<128xi32, #tpu.memory_space<vmem>>) semaphore(%arg13 : memref<!tpu.dma_semaphore, #tpu.memory_space<semaphore_mem>>)
    %add3A_58 = arith.constant 2 : i32
    %add3A_59 = arith.addi %sub3A, %add3A_58 : i32
    %dma_start3A_60 = arith.constant 0 : i32
    %dma_start3A_61 = arith.constant 0 : i32
    %dma_start3A_62 = tpu.memref_slice %arg6[%add3A_59, %dma_start3A_60, %dma_start3A_61] : memref<80x2x128xi32, #tpu.memory_space<vmem>> -> memref<1x1x128xi32, #tpu.memory_space<vmem>>
    %dma_start3A_63 = tpu.memref_squeeze %dma_start3A_62 : memref<1x1x128xi32, #tpu.memory_space<vmem>> -> memref<128xi32, #tpu.memory_space<vmem>>
    %dma_start3A_64 = arith.constant 0 : i32
    %dma_start3A_65 = arith.constant 0 : i32
    %dma_start3A_66 = tpu.memref_slice %arg2[%dma_start3A_64, %dma_start3A_65] : memref<10112x32xf32, #tpu.memory_space<hbm>> -> memref<10112x32xf32, #tpu.memory_space<hbm>>
    tpu.enqueue_indirect_dma source(%dma_start3A_66 : memref<10112x32xf32, #tpu.memory_space<hbm>>) target(%arg9 : memref<128x32xf32, #tpu.memory_space<vmem>>) offsets(%dma_start3A_63 : memref<128xi32, #tpu.memory_space<vmem>>) semaphore(%arg14 : memref<!tpu.dma_semaphore, #tpu.memory_space<semaphore_mem>>)
    %add3A_67 = arith.constant 3 : i32
    %add3A_68 = arith.addi %sub3A, %add3A_67 : i32
    %dma_start3A_69 = arith.constant 0 : i32
    %dma_start3A_70 = arith.constant 0 : i32
    %dma_start3A_71 = tpu.memref_slice %arg6[%add3A_68, %dma_start3A_69, %dma_start3A_70] : memref<80x2x128xi32, #tpu.memory_space<vmem>> -> memref<1x1x128xi32, #tpu.memory_space<vmem>>
    %dma_start3A_72 = tpu.memref_squeeze %dma_start3A_71 : memref<1x1x128xi32, #tpu.memory_space<vmem>> -> memref<128xi32, #tpu.memory_space<vmem>>
    %dma_start3A_73 = arith.constant 0 : i32
    %dma_start3A_74 = arith.constant 0 : i32
    %dma_start3A_75 = tpu.memref_slice %arg2[%dma_start3A_73, %dma_start3A_74] : memref<10112x32xf32, #tpu.memory_space<hbm>> -> memref<10112x32xf32, #tpu.memory_space<hbm>>
    tpu.enqueue_indirect_dma source(%dma_start3A_75 : memref<10112x32xf32, #tpu.memory_space<hbm>>) target(%arg10 : memref<128x32xf32, #tpu.memory_space<vmem>>) offsets(%dma_start3A_72 : memref<128xi32, #tpu.memory_space<vmem>>) semaphore(%arg15 : memref<!tpu.dma_semaphore, #tpu.memory_space<semaphore_mem>>)
    %while3A = arith.constant 0 : i32
    %while3A_76 = arith.constant 0 : i32
    %while3A_77 = arith.subi %select_n3A, %while3A_76 : i32
    %while3A_78 = arith.addi %while3A_76, %while3A_77 : i32
    %while3A_79 = arith.constant 1 : i32
    %while3A_80 = arith.divsi %while3A_77, %while3A_79 : i32
    %while3A_81 = arith.muli %while3A_80, %while3A_79 : i32
    %while3A_82 = arith.addi %while3A_76, %while3A_81 : i32
    %while3A_83 = arith.constant 1 : i32
    scf.for %while3A_96 = %while3A_76 to %while3A_82 step %while3A_83  : i32 {
      %mul3A_97 = arith.constant 4 : i32
      %mul3A_98 = arith.muli %while3A_96, %mul3A_97 : i32
      %add3A_99 = arith.addi %sub3A, %mul3A_98 : i32
      %add3A_100 = arith.constant 0 : i32
      %add3A_101 = arith.addi %add3A_99, %add3A_100 : i32
      %dma_wait3A = arith.constant 0 : i32
      %dma_wait3A_102 = arith.constant 0 : i32
      %dma_wait3A_103 = tpu.memref_slice %arg6[%add3A_101, %dma_wait3A, %dma_wait3A_102] : memref<80x2x128xi32, #tpu.memory_space<vmem>> -> memref<1x1x128xi32, #tpu.memory_space<vmem>>
      %dma_wait3A_104 = tpu.memref_squeeze %dma_wait3A_103 : memref<1x1x128xi32, #tpu.memory_space<vmem>> -> memref<128xi32, #tpu.memory_space<vmem>>
      %dma_wait3A_105 = arith.constant 0 : i32
      %dma_wait3A_106 = arith.constant 0 : i32
      %dma_wait3A_107 = tpu.memref_slice %arg2[%dma_wait3A_105, %dma_wait3A_106] : memref<10112x32xf32, #tpu.memory_space<hbm>> -> memref<10112x32xf32, #tpu.memory_space<hbm>>
      tpu.wait_indirect_dma semaphore(%arg12 : memref<!tpu.dma_semaphore, #tpu.memory_space<semaphore_mem>>) src(%dma_wait3A_107 : memref<10112x32xf32, #tpu.memory_space<hbm>>) dst(%arg7 : memref<128x32xf32, #tpu.memory_space<vmem>>)
      %add3A_108 = arith.constant 0 : i32
      %add3A_109 = arith.addi %add3A_99, %add3A_108 : i32
      %run_scoped3A = arith.constant 1 : i32
      "tpu.region"() ({
        %run_scoped3A_185 = tpu.sem_alloc : memref<!tpu.dma_semaphore, #tpu.memory_space<semaphore_mem>>
        %dma_start3A_186 = arith.constant 0 : i32
        %dma_start3A_187 = tpu.memref_slice %arg6[%add3A_109, %run_scoped3A, %dma_start3A_186] : memref<80x2x128xi32, #tpu.memory_space<vmem>> -> memref<1x1x128xi32, #tpu.memory_space<vmem>>
        %dma_start3A_188 = tpu.memref_squeeze %dma_start3A_187 : memref<1x1x128xi32, #tpu.memory_space<vmem>> -> memref<128xi32, #tpu.memory_space<vmem>>
        %dma_start3A_189 = arith.constant 0 : i32
        %dma_start3A_190 = arith.constant 0 : i32
        %dma_start3A_191 = tpu.memref_slice %arg11[%dma_start3A_189, %dma_start3A_190] : memref<10112x32xf32, #tpu.memory_space<vmem_shared>> -> memref<10112x32xf32, #tpu.memory_space<vmem_shared>>
        tpu.enqueue_indirect_dma source(%arg7 : memref<128x32xf32, #tpu.memory_space<vmem>>) target(%dma_start3A_191 : memref<10112x32xf32, #tpu.memory_space<vmem_shared>>) offsets(%dma_start3A_188 : memref<128xi32, #tpu.memory_space<vmem>>) semaphore(%run_scoped3A_185 : memref<!tpu.dma_semaphore, #tpu.memory_space<semaphore_mem>>) {add = true}
        %dma_wait3A_192 = arith.constant 0 : i32
        %dma_wait3A_193 = tpu.memref_slice %arg6[%add3A_109, %run_scoped3A, %dma_wait3A_192] : memref<80x2x128xi32, #tpu.memory_space<vmem>> -> memref<1x1x128xi32, #tpu.memory_space<vmem>>
        %dma_wait3A_194 = tpu.memref_squeeze %dma_wait3A_193 : memref<1x1x128xi32, #tpu.memory_space<vmem>> -> memref<128xi32, #tpu.memory_space<vmem>>
        %dma_wait3A_195 = arith.constant 0 : i32
        %dma_wait3A_196 = arith.constant 0 : i32
        %dma_wait3A_197 = tpu.memref_slice %arg11[%dma_wait3A_195, %dma_wait3A_196] : memref<10112x32xf32, #tpu.memory_space<vmem_shared>> -> memref<10112x32xf32, #tpu.memory_space<vmem_shared>>
        tpu.wait_indirect_dma semaphore(%run_scoped3A_185 : memref<!tpu.dma_semaphore, #tpu.memory_space<semaphore_mem>>) src(%arg7 : memref<128x32xf32, #tpu.memory_space<vmem>>) dst(%dma_wait3A_197 : memref<10112x32xf32, #tpu.memory_space<vmem_shared>>)
        tpu.yield
      }) : () -> ()
      %mul3A_110 = arith.constant 4 : i32
      %mul3A_111 = arith.muli %while3A_96, %mul3A_110 : i32
      %add3A_112 = arith.constant 0 : i32
      %add3A_113 = arith.addi %mul3A_111, %add3A_112 : i32
      %add3A_114 = arith.constant 4 : i32
      %add3A_115 = arith.addi %add3A_113, %add3A_114 : i32
      %lt3A_116 = arith.cmpi slt, %add3A_115, %mul3A_34 : i32
      %convert_element_type3A_117 = arith.extui %lt3A_116 : i1 to i32
      %cond3A = arith.constant 0 : i32
      %cond3A_118 = arith.cmpi ne, %convert_element_type3A_117, %cond3A : i32
      scf.if %cond3A_118 {
        %add3A_185 = arith.constant 0 : i32
        %add3A_186 = arith.addi %add3A_99, %add3A_185 : i32
        %add3A_187 = arith.constant 4 : i32
        %add3A_188 = arith.addi %add3A_186, %add3A_187 : i32
        %dma_start3A_189 = arith.constant 0 : i32
        %dma_start3A_190 = arith.constant 0 : i32
        %dma_start3A_191 = tpu.memref_slice %arg6[%add3A_188, %dma_start3A_189, %dma_start3A_190] : memref<80x2x128xi32, #tpu.memory_space<vmem>> -> memref<1x1x128xi32, #tpu.memory_space<vmem>>
        %dma_start3A_192 = tpu.memref_squeeze %dma_start3A_191 : memref<1x1x128xi32, #tpu.memory_space<vmem>> -> memref<128xi32, #tpu.memory_space<vmem>>
        %dma_start3A_193 = arith.constant 0 : i32
        %dma_start3A_194 = arith.constant 0 : i32
        %dma_start3A_195 = tpu.memref_slice %arg2[%dma_start3A_193, %dma_start3A_194] : memref<10112x32xf32, #tpu.memory_space<hbm>> -> memref<10112x32xf32, #tpu.memory_space<hbm>>
        tpu.enqueue_indirect_dma source(%dma_start3A_195 : memref<10112x32xf32, #tpu.memory_space<hbm>>) target(%arg7 : memref<128x32xf32, #tpu.memory_space<vmem>>) offsets(%dma_start3A_192 : memref<128xi32, #tpu.memory_space<vmem>>) semaphore(%arg12 : memref<!tpu.dma_semaphore, #tpu.memory_space<semaphore_mem>>)
      } else {
      }
      %add3A_119 = arith.constant 1 : i32
      %add3A_120 = arith.addi %add3A_99, %add3A_119 : i32
      %dma_wait3A_121 = arith.constant 0 : i32
      %dma_wait3A_122 = arith.constant 0 : i32
      %dma_wait3A_123 = tpu.memref_slice %arg6[%add3A_120, %dma_wait3A_121, %dma_wait3A_122] : memref<80x2x128xi32, #tpu.memory_space<vmem>> -> memref<1x1x128xi32, #tpu.memory_space<vmem>>
      %dma_wait3A_124 = tpu.memref_squeeze %dma_wait3A_123 : memref<1x1x128xi32, #tpu.memory_space<vmem>> -> memref<128xi32, #tpu.memory_space<vmem>>
      %dma_wait3A_125 = arith.constant 0 : i32
      %dma_wait3A_126 = arith.constant 0 : i32
      %dma_wait3A_127 = tpu.memref_slice %arg2[%dma_wait3A_125, %dma_wait3A_126] : memref<10112x32xf32, #tpu.memory_space<hbm>> -> memref<10112x32xf32, #tpu.memory_space<hbm>>
      tpu.wait_indirect_dma semaphore(%arg13 : memref<!tpu.dma_semaphore, #tpu.memory_space<semaphore_mem>>) src(%dma_wait3A_127 : memref<10112x32xf32, #tpu.memory_space<hbm>>) dst(%arg8 : memref<128x32xf32, #tpu.memory_space<vmem>>)
      %add3A_128 = arith.constant 1 : i32
      %add3A_129 = arith.addi %add3A_99, %add3A_128 : i32
      %run_scoped3A_130 = arith.constant 1 : i32
      "tpu.region"() ({
        %run_scoped3A_185 = tpu.sem_alloc : memref<!tpu.dma_semaphore, #tpu.memory_space<semaphore_mem>>
        %dma_start3A_186 = arith.constant 0 : i32
        %dma_start3A_187 = tpu.memref_slice %arg6[%add3A_129, %run_scoped3A_130, %dma_start3A_186] : memref<80x2x128xi32, #tpu.memory_space<vmem>> -> memref<1x1x128xi32, #tpu.memory_space<vmem>>
        %dma_start3A_188 = tpu.memref_squeeze %dma_start3A_187 : memref<1x1x128xi32, #tpu.memory_space<vmem>> -> memref<128xi32, #tpu.memory_space<vmem>>
        %dma_start3A_189 = arith.constant 0 : i32
        %dma_start3A_190 = arith.constant 0 : i32
        %dma_start3A_191 = tpu.memref_slice %arg11[%dma_start3A_189, %dma_start3A_190] : memref<10112x32xf32, #tpu.memory_space<vmem_shared>> -> memref<10112x32xf32, #tpu.memory_space<vmem_shared>>
        tpu.enqueue_indirect_dma source(%arg8 : memref<128x32xf32, #tpu.memory_space<vmem>>) target(%dma_start3A_191 : memref<10112x32xf32, #tpu.memory_space<vmem_shared>>) offsets(%dma_start3A_188 : memref<128xi32, #tpu.memory_space<vmem>>) semaphore(%run_scoped3A_185 : memref<!tpu.dma_semaphore, #tpu.memory_space<semaphore_mem>>) {add = true}
        %dma_wait3A_192 = arith.constant 0 : i32
        %dma_wait3A_193 = tpu.memref_slice %arg6[%add3A_129, %run_scoped3A_130, %dma_wait3A_192] : memref<80x2x128xi32, #tpu.memory_space<vmem>> -> memref<1x1x128xi32, #tpu.memory_space<vmem>>
        %dma_wait3A_194 = tpu.memref_squeeze %dma_wait3A_193 : memref<1x1x128xi32, #tpu.memory_space<vmem>> -> memref<128xi32, #tpu.memory_space<vmem>>
        %dma_wait3A_195 = arith.constant 0 : i32
        %dma_wait3A_196 = arith.constant 0 : i32
        %dma_wait3A_197 = tpu.memref_slice %arg11[%dma_wait3A_195, %dma_wait3A_196] : memref<10112x32xf32, #tpu.memory_space<vmem_shared>> -> memref<10112x32xf32, #tpu.memory_space<vmem_shared>>
        tpu.wait_indirect_dma semaphore(%run_scoped3A_185 : memref<!tpu.dma_semaphore, #tpu.memory_space<semaphore_mem>>) src(%arg8 : memref<128x32xf32, #tpu.memory_space<vmem>>) dst(%dma_wait3A_197 : memref<10112x32xf32, #tpu.memory_space<vmem_shared>>)
        tpu.yield
      }) : () -> ()
      %mul3A_131 = arith.constant 4 : i32
      %mul3A_132 = arith.muli %while3A_96, %mul3A_131 : i32
      %add3A_133 = arith.constant 1 : i32
      %add3A_134 = arith.addi %mul3A_132, %add3A_133 : i32
      %add3A_135 = arith.constant 4 : i32
      %add3A_136 = arith.addi %add3A_134, %add3A_135 : i32
      %lt3A_137 = arith.cmpi slt, %add3A_136, %mul3A_34 : i32
      %convert_element_type3A_138 = arith.extui %lt3A_137 : i1 to i32
      %cond3A_139 = arith.constant 0 : i32
      %cond3A_140 = arith.cmpi ne, %convert_element_type3A_138, %cond3A_139 : i32
      scf.if %cond3A_140 {
        %add3A_185 = arith.constant 1 : i32
        %add3A_186 = arith.addi %add3A_99, %add3A_185 : i32
        %add3A_187 = arith.constant 4 : i32
        %add3A_188 = arith.addi %add3A_186, %add3A_187 : i32
        %dma_start3A_189 = arith.constant 0 : i32
        %dma_start3A_190 = arith.constant 0 : i32
        %dma_start3A_191 = tpu.memref_slice %arg6[%add3A_188, %dma_start3A_189, %dma_start3A_190] : memref<80x2x128xi32, #tpu.memory_space<vmem>> -> memref<1x1x128xi32, #tpu.memory_space<vmem>>
        %dma_start3A_192 = tpu.memref_squeeze %dma_start3A_191 : memref<1x1x128xi32, #tpu.memory_space<vmem>> -> memref<128xi32, #tpu.memory_space<vmem>>
        %dma_start3A_193 = arith.constant 0 : i32
        %dma_start3A_194 = arith.constant 0 : i32
        %dma_start3A_195 = tpu.memref_slice %arg2[%dma_start3A_193, %dma_start3A_194] : memref<10112x32xf32, #tpu.memory_space<hbm>> -> memref<10112x32xf32, #tpu.memory_space<hbm>>
        tpu.enqueue_indirect_dma source(%dma_start3A_195 : memref<10112x32xf32, #tpu.memory_space<hbm>>) target(%arg8 : memref<128x32xf32, #tpu.memory_space<vmem>>) offsets(%dma_start3A_192 : memref<128xi32, #tpu.memory_space<vmem>>) semaphore(%arg13 : memref<!tpu.dma_semaphore, #tpu.memory_space<semaphore_mem>>)
      } else {
      }
      %add3A_141 = arith.constant 2 : i32
      %add3A_142 = arith.addi %add3A_99, %add3A_141 : i32
      %dma_wait3A_143 = arith.constant 0 : i32
      %dma_wait3A_144 = arith.constant 0 : i32
      %dma_wait3A_145 = tpu.memref_slice %arg6[%add3A_142, %dma_wait3A_143, %dma_wait3A_144] : memref<80x2x128xi32, #tpu.memory_space<vmem>> -> memref<1x1x128xi32, #tpu.memory_space<vmem>>
      %dma_wait3A_146 = tpu.memref_squeeze %dma_wait3A_145 : memref<1x1x128xi32, #tpu.memory_space<vmem>> -> memref<128xi32, #tpu.memory_space<vmem>>
      %dma_wait3A_147 = arith.constant 0 : i32
      %dma_wait3A_148 = arith.constant 0 : i32
      %dma_wait3A_149 = tpu.memref_slice %arg2[%dma_wait3A_147, %dma_wait3A_148] : memref<10112x32xf32, #tpu.memory_space<hbm>> -> memref<10112x32xf32, #tpu.memory_space<hbm>>
      tpu.wait_indirect_dma semaphore(%arg14 : memref<!tpu.dma_semaphore, #tpu.memory_space<semaphore_mem>>) src(%dma_wait3A_149 : memref<10112x32xf32, #tpu.memory_space<hbm>>) dst(%arg9 : memref<128x32xf32, #tpu.memory_space<vmem>>)
      %add3A_150 = arith.constant 2 : i32
      %add3A_151 = arith.addi %add3A_99, %add3A_150 : i32
      %run_scoped3A_152 = arith.constant 1 : i32
      "tpu.region"() ({
        %run_scoped3A_185 = tpu.sem_alloc : memref<!tpu.dma_semaphore, #tpu.memory_space<semaphore_mem>>
        %dma_start3A_186 = arith.constant 0 : i32
        %dma_start3A_187 = tpu.memref_slice %arg6[%add3A_151, %run_scoped3A_152, %dma_start3A_186] : memref<80x2x128xi32, #tpu.memory_space<vmem>> -> memref<1x1x128xi32, #tpu.memory_space<vmem>>
        %dma_start3A_188 = tpu.memref_squeeze %dma_start3A_187 : memref<1x1x128xi32, #tpu.memory_space<vmem>> -> memref<128xi32, #tpu.memory_space<vmem>>
        %dma_start3A_189 = arith.constant 0 : i32
        %dma_start3A_190 = arith.constant 0 : i32
        %dma_start3A_191 = tpu.memref_slice %arg11[%dma_start3A_189, %dma_start3A_190] : memref<10112x32xf32, #tpu.memory_space<vmem_shared>> -> memref<10112x32xf32, #tpu.memory_space<vmem_shared>>
        tpu.enqueue_indirect_dma source(%arg9 : memref<128x32xf32, #tpu.memory_space<vmem>>) target(%dma_start3A_191 : memref<10112x32xf32, #tpu.memory_space<vmem_shared>>) offsets(%dma_start3A_188 : memref<128xi32, #tpu.memory_space<vmem>>) semaphore(%run_scoped3A_185 : memref<!tpu.dma_semaphore, #tpu.memory_space<semaphore_mem>>) {add = true}
        %dma_wait3A_192 = arith.constant 0 : i32
        %dma_wait3A_193 = tpu.memref_slice %arg6[%add3A_151, %run_scoped3A_152, %dma_wait3A_192] : memref<80x2x128xi32, #tpu.memory_space<vmem>> -> memref<1x1x128xi32, #tpu.memory_space<vmem>>
        %dma_wait3A_194 = tpu.memref_squeeze %dma_wait3A_193 : memref<1x1x128xi32, #tpu.memory_space<vmem>> -> memref<128xi32, #tpu.memory_space<vmem>>
        %dma_wait3A_195 = arith.constant 0 : i32
        %dma_wait3A_196 = arith.constant 0 : i32
        %dma_wait3A_197 = tpu.memref_slice %arg11[%dma_wait3A_195, %dma_wait3A_196] : memref<10112x32xf32, #tpu.memory_space<vmem_shared>> -> memref<10112x32xf32, #tpu.memory_space<vmem_shared>>
        tpu.wait_indirect_dma semaphore(%run_scoped3A_185 : memref<!tpu.dma_semaphore, #tpu.memory_space<semaphore_mem>>) src(%arg9 : memref<128x32xf32, #tpu.memory_space<vmem>>) dst(%dma_wait3A_197 : memref<10112x32xf32, #tpu.memory_space<vmem_shared>>)
        tpu.yield
      }) : () -> ()
      %mul3A_153 = arith.constant 4 : i32
      %mul3A_154 = arith.muli %while3A_96, %mul3A_153 : i32
      %add3A_155 = arith.constant 2 : i32
      %add3A_156 = arith.addi %mul3A_154, %add3A_155 : i32
      %add3A_157 = arith.constant 4 : i32
      %add3A_158 = arith.addi %add3A_156, %add3A_157 : i32
      %lt3A_159 = arith.cmpi slt, %add3A_158, %mul3A_34 : i32
      %convert_element_type3A_160 = arith.extui %lt3A_159 : i1 to i32
      %cond3A_161 = arith.constant 0 : i32
      %cond3A_162 = arith.cmpi ne, %convert_element_type3A_160, %cond3A_161 : i32
      scf.if %cond3A_162 {
        %add3A_185 = arith.constant 2 : i32
        %add3A_186 = arith.addi %add3A_99, %add3A_185 : i32
        %add3A_187 = arith.constant 4 : i32
        %add3A_188 = arith.addi %add3A_186, %add3A_187 : i32
        %dma_start3A_189 = arith.constant 0 : i32
        %dma_start3A_190 = arith.constant 0 : i32
        %dma_start3A_191 = tpu.memref_slice %arg6[%add3A_188, %dma_start3A_189, %dma_start3A_190] : memref<80x2x128xi32, #tpu.memory_space<vmem>> -> memref<1x1x128xi32, #tpu.memory_space<vmem>>
        %dma_start3A_192 = tpu.memref_squeeze %dma_start3A_191 : memref<1x1x128xi32, #tpu.memory_space<vmem>> -> memref<128xi32, #tpu.memory_space<vmem>>
        %dma_start3A_193 = arith.constant 0 : i32
        %dma_start3A_194 = arith.constant 0 : i32
        %dma_start3A_195 = tpu.memref_slice %arg2[%dma_start3A_193, %dma_start3A_194] : memref<10112x32xf32, #tpu.memory_space<hbm>> -> memref<10112x32xf32, #tpu.memory_space<hbm>>
        tpu.enqueue_indirect_dma source(%dma_start3A_195 : memref<10112x32xf32, #tpu.memory_space<hbm>>) target(%arg9 : memref<128x32xf32, #tpu.memory_space<vmem>>) offsets(%dma_start3A_192 : memref<128xi32, #tpu.memory_space<vmem>>) semaphore(%arg14 : memref<!tpu.dma_semaphore, #tpu.memory_space<semaphore_mem>>)
      } else {
      }
      %add3A_163 = arith.constant 3 : i32
      %add3A_164 = arith.addi %add3A_99, %add3A_163 : i32
      %dma_wait3A_165 = arith.constant 0 : i32
      %dma_wait3A_166 = arith.constant 0 : i32
      %dma_wait3A_167 = tpu.memref_slice %arg6[%add3A_164, %dma_wait3A_165, %dma_wait3A_166] : memref<80x2x128xi32, #tpu.memory_space<vmem>> -> memref<1x1x128xi32, #tpu.memory_space<vmem>>
      %dma_wait3A_168 = tpu.memref_squeeze %dma_wait3A_167 : memref<1x1x128xi32, #tpu.memory_space<vmem>> -> memref<128xi32, #tpu.memory_space<vmem>>
      %dma_wait3A_169 = arith.constant 0 : i32
      %dma_wait3A_170 = arith.constant 0 : i32
      %dma_wait3A_171 = tpu.memref_slice %arg2[%dma_wait3A_169, %dma_wait3A_170] : memref<10112x32xf32, #tpu.memory_space<hbm>> -> memref<10112x32xf32, #tpu.memory_space<hbm>>
      tpu.wait_indirect_dma semaphore(%arg15 : memref<!tpu.dma_semaphore, #tpu.memory_space<semaphore_mem>>) src(%dma_wait3A_171 : memref<10112x32xf32, #tpu.memory_space<hbm>>) dst(%arg10 : memref<128x32xf32, #tpu.memory_space<vmem>>)
      %add3A_172 = arith.constant 3 : i32
      %add3A_173 = arith.addi %add3A_99, %add3A_172 : i32
      %run_scoped3A_174 = arith.constant 1 : i32
      "tpu.region"() ({
        %run_scoped3A_185 = tpu.sem_alloc : memref<!tpu.dma_semaphore, #tpu.memory_space<semaphore_mem>>
        %dma_start3A_186 = arith.constant 0 : i32
        %dma_start3A_187 = tpu.memref_slice %arg6[%add3A_173, %run_scoped3A_174, %dma_start3A_186] : memref<80x2x128xi32, #tpu.memory_space<vmem>> -> memref<1x1x128xi32, #tpu.memory_space<vmem>>
        %dma_start3A_188 = tpu.memref_squeeze %dma_start3A_187 : memref<1x1x128xi32, #tpu.memory_space<vmem>> -> memref<128xi32, #tpu.memory_space<vmem>>
        %dma_start3A_189 = arith.constant 0 : i32
        %dma_start3A_190 = arith.constant 0 : i32
        %dma_start3A_191 = tpu.memref_slice %arg11[%dma_start3A_189, %dma_start3A_190] : memref<10112x32xf32, #tpu.memory_space<vmem_shared>> -> memref<10112x32xf32, #tpu.memory_space<vmem_shared>>
        tpu.enqueue_indirect_dma source(%arg10 : memref<128x32xf32, #tpu.memory_space<vmem>>) target(%dma_start3A_191 : memref<10112x32xf32, #tpu.memory_space<vmem_shared>>) offsets(%dma_start3A_188 : memref<128xi32, #tpu.memory_space<vmem>>) semaphore(%run_scoped3A_185 : memref<!tpu.dma_semaphore, #tpu.memory_space<semaphore_mem>>) {add = true}
        %dma_wait3A_192 = arith.constant 0 : i32
        %dma_wait3A_193 = tpu.memref_slice %arg6[%add3A_173, %run_scoped3A_174, %dma_wait3A_192] : memref<80x2x128xi32, #tpu.memory_space<vmem>> -> memref<1x1x128xi32, #tpu.memory_space<vmem>>
        %dma_wait3A_194 = tpu.memref_squeeze %dma_wait3A_193 : memref<1x1x128xi32, #tpu.memory_space<vmem>> -> memref<128xi32, #tpu.memory_space<vmem>>
        %dma_wait3A_195 = arith.constant 0 : i32
        %dma_wait3A_196 = arith.constant 0 : i32
        %dma_wait3A_197 = tpu.memref_slice %arg11[%dma_wait3A_195, %dma_wait3A_196] : memref<10112x32xf32, #tpu.memory_space<vmem_shared>> -> memref<10112x32xf32, #tpu.memory_space<vmem_shared>>
        tpu.wait_indirect_dma semaphore(%run_scoped3A_185 : memref<!tpu.dma_semaphore, #tpu.memory_space<semaphore_mem>>) src(%arg10 : memref<128x32xf32, #tpu.memory_space<vmem>>) dst(%dma_wait3A_197 : memref<10112x32xf32, #tpu.memory_space<vmem_shared>>)
        tpu.yield
      }) : () -> ()
      %mul3A_175 = arith.constant 4 : i32
      %mul3A_176 = arith.muli %while3A_96, %mul3A_175 : i32
      %add3A_177 = arith.constant 3 : i32
      %add3A_178 = arith.addi %mul3A_176, %add3A_177 : i32
      %add3A_179 = arith.constant 4 : i32
      %add3A_180 = arith.addi %add3A_178, %add3A_179 : i32
      %lt3A_181 = arith.cmpi slt, %add3A_180, %mul3A_34 : i32
      %convert_element_type3A_182 = arith.extui %lt3A_181 : i1 to i32
      %cond3A_183 = arith.constant 0 : i32
      %cond3A_184 = arith.cmpi ne, %convert_element_type3A_182, %cond3A_183 : i32
      scf.if %cond3A_184 {
        %add3A_185 = arith.constant 3 : i32
        %add3A_186 = arith.addi %add3A_99, %add3A_185 : i32
        %add3A_187 = arith.constant 4 : i32
        %add3A_188 = arith.addi %add3A_186, %add3A_187 : i32
        %dma_start3A_189 = arith.constant 0 : i32
        %dma_start3A_190 = arith.constant 0 : i32
        %dma_start3A_191 = tpu.memref_slice %arg6[%add3A_188, %dma_start3A_189, %dma_start3A_190] : memref<80x2x128xi32, #tpu.memory_space<vmem>> -> memref<1x1x128xi32, #tpu.memory_space<vmem>>
        %dma_start3A_192 = tpu.memref_squeeze %dma_start3A_191 : memref<1x1x128xi32, #tpu.memory_space<vmem>> -> memref<128xi32, #tpu.memory_space<vmem>>
        %dma_start3A_193 = arith.constant 0 : i32
        %dma_start3A_194 = arith.constant 0 : i32
        %dma_start3A_195 = tpu.memref_slice %arg2[%dma_start3A_193, %dma_start3A_194] : memref<10112x32xf32, #tpu.memory_space<hbm>> -> memref<10112x32xf32, #tpu.memory_space<hbm>>
        tpu.enqueue_indirect_dma source(%dma_start3A_195 : memref<10112x32xf32, #tpu.memory_space<hbm>>) target(%arg10 : memref<128x32xf32, #tpu.memory_space<vmem>>) offsets(%dma_start3A_192 : memref<128xi32, #tpu.memory_space<vmem>>) semaphore(%arg15 : memref<!tpu.dma_semaphore, #tpu.memory_space<semaphore_mem>>)
      } else {
      }
    }
    %while3A_84 = arith.constant 1 : i32
    scf.for %while3A_96 = %while3A_82 to %while3A_78 step %while3A_84  : i32 {
      %mul3A_97 = arith.constant 4 : i32
      %mul3A_98 = arith.muli %while3A_96, %mul3A_97 : i32
      %add3A_99 = arith.addi %sub3A, %mul3A_98 : i32
      %add3A_100 = arith.constant 0 : i32
      %add3A_101 = arith.addi %add3A_99, %add3A_100 : i32
      %dma_wait3A = arith.constant 0 : i32
      %dma_wait3A_102 = arith.constant 0 : i32
      %dma_wait3A_103 = tpu.memref_slice %arg6[%add3A_101, %dma_wait3A, %dma_wait3A_102] : memref<80x2x128xi32, #tpu.memory_space<vmem>> -> memref<1x1x128xi32, #tpu.memory_space<vmem>>
      %dma_wait3A_104 = tpu.memref_squeeze %dma_wait3A_103 : memref<1x1x128xi32, #tpu.memory_space<vmem>> -> memref<128xi32, #tpu.memory_space<vmem>>
      %dma_wait3A_105 = arith.constant 0 : i32
      %dma_wait3A_106 = arith.constant 0 : i32
      %dma_wait3A_107 = tpu.memref_slice %arg2[%dma_wait3A_105, %dma_wait3A_106] : memref<10112x32xf32, #tpu.memory_space<hbm>> -> memref<10112x32xf32, #tpu.memory_space<hbm>>
      tpu.wait_indirect_dma semaphore(%arg12 : memref<!tpu.dma_semaphore, #tpu.memory_space<semaphore_mem>>) src(%dma_wait3A_107 : memref<10112x32xf32, #tpu.memory_space<hbm>>) dst(%arg7 : memref<128x32xf32, #tpu.memory_space<vmem>>)
      %add3A_108 = arith.constant 0 : i32
      %add3A_109 = arith.addi %add3A_99, %add3A_108 : i32
      %run_scoped3A = arith.constant 1 : i32
      "tpu.region"() ({
        %run_scoped3A_185 = tpu.sem_alloc : memref<!tpu.dma_semaphore, #tpu.memory_space<semaphore_mem>>
        %dma_start3A_186 = arith.constant 0 : i32
        %dma_start3A_187 = tpu.memref_slice %arg6[%add3A_109, %run_scoped3A, %dma_start3A_186] : memref<80x2x128xi32, #tpu.memory_space<vmem>> -> memref<1x1x128xi32, #tpu.memory_space<vmem>>
        %dma_start3A_188 = tpu.memref_squeeze %dma_start3A_187 : memref<1x1x128xi32, #tpu.memory_space<vmem>> -> memref<128xi32, #tpu.memory_space<vmem>>
        %dma_start3A_189 = arith.constant 0 : i32
        %dma_start3A_190 = arith.constant 0 : i32
        %dma_start3A_191 = tpu.memref_slice %arg11[%dma_start3A_189, %dma_start3A_190] : memref<10112x32xf32, #tpu.memory_space<vmem_shared>> -> memref<10112x32xf32, #tpu.memory_space<vmem_shared>>
        tpu.enqueue_indirect_dma source(%arg7 : memref<128x32xf32, #tpu.memory_space<vmem>>) target(%dma_start3A_191 : memref<10112x32xf32, #tpu.memory_space<vmem_shared>>) offsets(%dma_start3A_188 : memref<128xi32, #tpu.memory_space<vmem>>) semaphore(%run_scoped3A_185 : memref<!tpu.dma_semaphore, #tpu.memory_space<semaphore_mem>>) {add = true}
        %dma_wait3A_192 = arith.constant 0 : i32
        %dma_wait3A_193 = tpu.memref_slice %arg6[%add3A_109, %run_scoped3A, %dma_wait3A_192] : memref<80x2x128xi32, #tpu.memory_space<vmem>> -> memref<1x1x128xi32, #tpu.memory_space<vmem>>
        %dma_wait3A_194 = tpu.memref_squeeze %dma_wait3A_193 : memref<1x1x128xi32, #tpu.memory_space<vmem>> -> memref<128xi32, #tpu.memory_space<vmem>>
        %dma_wait3A_195 = arith.constant 0 : i32
        %dma_wait3A_196 = arith.constant 0 : i32
        %dma_wait3A_197 = tpu.memref_slice %arg11[%dma_wait3A_195, %dma_wait3A_196] : memref<10112x32xf32, #tpu.memory_space<vmem_shared>> -> memref<10112x32xf32, #tpu.memory_space<vmem_shared>>
        tpu.wait_indirect_dma semaphore(%run_scoped3A_185 : memref<!tpu.dma_semaphore, #tpu.memory_space<semaphore_mem>>) src(%arg7 : memref<128x32xf32, #tpu.memory_space<vmem>>) dst(%dma_wait3A_197 : memref<10112x32xf32, #tpu.memory_space<vmem_shared>>)
        tpu.yield
      }) : () -> ()
      %mul3A_110 = arith.constant 4 : i32
      %mul3A_111 = arith.muli %while3A_96, %mul3A_110 : i32
      %add3A_112 = arith.constant 0 : i32
      %add3A_113 = arith.addi %mul3A_111, %add3A_112 : i32
      %add3A_114 = arith.constant 4 : i32
      %add3A_115 = arith.addi %add3A_113, %add3A_114 : i32
      %lt3A_116 = arith.cmpi slt, %add3A_115, %mul3A_34 : i32
      %convert_element_type3A_117 = arith.extui %lt3A_116 : i1 to i32
      %cond3A = arith.constant 0 : i32
      %cond3A_118 = arith.cmpi ne, %convert_element_type3A_117, %cond3A : i32
      scf.if %cond3A_118 {
        %add3A_185 = arith.constant 0 : i32
        %add3A_186 = arith.addi %add3A_99, %add3A_185 : i32
        %add3A_187 = arith.constant 4 : i32
        %add3A_188 = arith.addi %add3A_186, %add3A_187 : i32
        %dma_start3A_189 = arith.constant 0 : i32
        %dma_start3A_190 = arith.constant 0 : i32
        %dma_start3A_191 = tpu.memref_slice %arg6[%add3A_188, %dma_start3A_189, %dma_start3A_190] : memref<80x2x128xi32, #tpu.memory_space<vmem>> -> memref<1x1x128xi32, #tpu.memory_space<vmem>>
        %dma_start3A_192 = tpu.memref_squeeze %dma_start3A_191 : memref<1x1x128xi32, #tpu.memory_space<vmem>> -> memref<128xi32, #tpu.memory_space<vmem>>
        %dma_start3A_193 = arith.constant 0 : i32
        %dma_start3A_194 = arith.constant 0 : i32
        %dma_start3A_195 = tpu.memref_slice %arg2[%dma_start3A_193, %dma_start3A_194] : memref<10112x32xf32, #tpu.memory_space<hbm>> -> memref<10112x32xf32, #tpu.memory_space<hbm>>
        tpu.enqueue_indirect_dma source(%dma_start3A_195 : memref<10112x32xf32, #tpu.memory_space<hbm>>) target(%arg7 : memref<128x32xf32, #tpu.memory_space<vmem>>) offsets(%dma_start3A_192 : memref<128xi32, #tpu.memory_space<vmem>>) semaphore(%arg12 : memref<!tpu.dma_semaphore, #tpu.memory_space<semaphore_mem>>)
      } else {
      }
      %add3A_119 = arith.constant 1 : i32
      %add3A_120 = arith.addi %add3A_99, %add3A_119 : i32
      %dma_wait3A_121 = arith.constant 0 : i32
      %dma_wait3A_122 = arith.constant 0 : i32
      %dma_wait3A_123 = tpu.memref_slice %arg6[%add3A_120, %dma_wait3A_121, %dma_wait3A_122] : memref<80x2x128xi32, #tpu.memory_space<vmem>> -> memref<1x1x128xi32, #tpu.memory_space<vmem>>
      %dma_wait3A_124 = tpu.memref_squeeze %dma_wait3A_123 : memref<1x1x128xi32, #tpu.memory_space<vmem>> -> memref<128xi32, #tpu.memory_space<vmem>>
      %dma_wait3A_125 = arith.constant 0 : i32
      %dma_wait3A_126 = arith.constant 0 : i32
      %dma_wait3A_127 = tpu.memref_slice %arg2[%dma_wait3A_125, %dma_wait3A_126] : memref<10112x32xf32, #tpu.memory_space<hbm>> -> memref<10112x32xf32, #tpu.memory_space<hbm>>
      tpu.wait_indirect_dma semaphore(%arg13 : memref<!tpu.dma_semaphore, #tpu.memory_space<semaphore_mem>>) src(%dma_wait3A_127 : memref<10112x32xf32, #tpu.memory_space<hbm>>) dst(%arg8 : memref<128x32xf32, #tpu.memory_space<vmem>>)
      %add3A_128 = arith.constant 1 : i32
      %add3A_129 = arith.addi %add3A_99, %add3A_128 : i32
      %run_scoped3A_130 = arith.constant 1 : i32
      "tpu.region"() ({
        %run_scoped3A_185 = tpu.sem_alloc : memref<!tpu.dma_semaphore, #tpu.memory_space<semaphore_mem>>
        %dma_start3A_186 = arith.constant 0 : i32
        %dma_start3A_187 = tpu.memref_slice %arg6[%add3A_129, %run_scoped3A_130, %dma_start3A_186] : memref<80x2x128xi32, #tpu.memory_space<vmem>> -> memref<1x1x128xi32, #tpu.memory_space<vmem>>
        %dma_start3A_188 = tpu.memref_squeeze %dma_start3A_187 : memref<1x1x128xi32, #tpu.memory_space<vmem>> -> memref<128xi32, #tpu.memory_space<vmem>>
        %dma_start3A_189 = arith.constant 0 : i32
        %dma_start3A_190 = arith.constant 0 : i32
        %dma_start3A_191 = tpu.memref_slice %arg11[%dma_start3A_189, %dma_start3A_190] : memref<10112x32xf32, #tpu.memory_space<vmem_shared>> -> memref<10112x32xf32, #tpu.memory_space<vmem_shared>>
        tpu.enqueue_indirect_dma source(%arg8 : memref<128x32xf32, #tpu.memory_space<vmem>>) target(%dma_start3A_191 : memref<10112x32xf32, #tpu.memory_space<vmem_shared>>) offsets(%dma_start3A_188 : memref<128xi32, #tpu.memory_space<vmem>>) semaphore(%run_scoped3A_185 : memref<!tpu.dma_semaphore, #tpu.memory_space<semaphore_mem>>) {add = true}
        %dma_wait3A_192 = arith.constant 0 : i32
        %dma_wait3A_193 = tpu.memref_slice %arg6[%add3A_129, %run_scoped3A_130, %dma_wait3A_192] : memref<80x2x128xi32, #tpu.memory_space<vmem>> -> memref<1x1x128xi32, #tpu.memory_space<vmem>>
        %dma_wait3A_194 = tpu.memref_squeeze %dma_wait3A_193 : memref<1x1x128xi32, #tpu.memory_space<vmem>> -> memref<128xi32, #tpu.memory_space<vmem>>
        %dma_wait3A_195 = arith.constant 0 : i32
        %dma_wait3A_196 = arith.constant 0 : i32
        %dma_wait3A_197 = tpu.memref_slice %arg11[%dma_wait3A_195, %dma_wait3A_196] : memref<10112x32xf32, #tpu.memory_space<vmem_shared>> -> memref<10112x32xf32, #tpu.memory_space<vmem_shared>>
        tpu.wait_indirect_dma semaphore(%run_scoped3A_185 : memref<!tpu.dma_semaphore, #tpu.memory_space<semaphore_mem>>) src(%arg8 : memref<128x32xf32, #tpu.memory_space<vmem>>) dst(%dma_wait3A_197 : memref<10112x32xf32, #tpu.memory_space<vmem_shared>>)
        tpu.yield
      }) : () -> ()
      %mul3A_131 = arith.constant 4 : i32
      %mul3A_132 = arith.muli %while3A_96, %mul3A_131 : i32
      %add3A_133 = arith.constant 1 : i32
      %add3A_134 = arith.addi %mul3A_132, %add3A_133 : i32
      %add3A_135 = arith.constant 4 : i32
      %add3A_136 = arith.addi %add3A_134, %add3A_135 : i32
      %lt3A_137 = arith.cmpi slt, %add3A_136, %mul3A_34 : i32
      %convert_element_type3A_138 = arith.extui %lt3A_137 : i1 to i32
      %cond3A_139 = arith.constant 0 : i32
      %cond3A_140 = arith.cmpi ne, %convert_element_type3A_138, %cond3A_139 : i32
      scf.if %cond3A_140 {
        %add3A_185 = arith.constant 1 : i32
        %add3A_186 = arith.addi %add3A_99, %add3A_185 : i32
        %add3A_187 = arith.constant 4 : i32
        %add3A_188 = arith.addi %add3A_186, %add3A_187 : i32
        %dma_start3A_189 = arith.constant 0 : i32
        %dma_start3A_190 = arith.constant 0 : i32
        %dma_start3A_191 = tpu.memref_slice %arg6[%add3A_188, %dma_start3A_189, %dma_start3A_190] : memref<80x2x128xi32, #tpu.memory_space<vmem>> -> memref<1x1x128xi32, #tpu.memory_space<vmem>>
        %dma_start3A_192 = tpu.memref_squeeze %dma_start3A_191 : memref<1x1x128xi32, #tpu.memory_space<vmem>> -> memref<128xi32, #tpu.memory_space<vmem>>
        %dma_start3A_193 = arith.constant 0 : i32
        %dma_start3A_194 = arith.constant 0 : i32
        %dma_start3A_195 = tpu.memref_slice %arg2[%dma_start3A_193, %dma_start3A_194] : memref<10112x32xf32, #tpu.memory_space<hbm>> -> memref<10112x32xf32, #tpu.memory_space<hbm>>
        tpu.enqueue_indirect_dma source(%dma_start3A_195 : memref<10112x32xf32, #tpu.memory_space<hbm>>) target(%arg8 : memref<128x32xf32, #tpu.memory_space<vmem>>) offsets(%dma_start3A_192 : memref<128xi32, #tpu.memory_space<vmem>>) semaphore(%arg13 : memref<!tpu.dma_semaphore, #tpu.memory_space<semaphore_mem>>)
      } else {
      }
      %add3A_141 = arith.constant 2 : i32
      %add3A_142 = arith.addi %add3A_99, %add3A_141 : i32
      %dma_wait3A_143 = arith.constant 0 : i32
      %dma_wait3A_144 = arith.constant 0 : i32
      %dma_wait3A_145 = tpu.memref_slice %arg6[%add3A_142, %dma_wait3A_143, %dma_wait3A_144] : memref<80x2x128xi32, #tpu.memory_space<vmem>> -> memref<1x1x128xi32, #tpu.memory_space<vmem>>
      %dma_wait3A_146 = tpu.memref_squeeze %dma_wait3A_145 : memref<1x1x128xi32, #tpu.memory_space<vmem>> -> memref<128xi32, #tpu.memory_space<vmem>>
      %dma_wait3A_147 = arith.constant 0 : i32
      %dma_wait3A_148 = arith.constant 0 : i32
      %dma_wait3A_149 = tpu.memref_slice %arg2[%dma_wait3A_147, %dma_wait3A_148] : memref<10112x32xf32, #tpu.memory_space<hbm>> -> memref<10112x32xf32, #tpu.memory_space<hbm>>
      tpu.wait_indirect_dma semaphore(%arg14 : memref<!tpu.dma_semaphore, #tpu.memory_space<semaphore_mem>>) src(%dma_wait3A_149 : memref<10112x32xf32, #tpu.memory_space<hbm>>) dst(%arg9 : memref<128x32xf32, #tpu.memory_space<vmem>>)
      %add3A_150 = arith.constant 2 : i32
      %add3A_151 = arith.addi %add3A_99, %add3A_150 : i32
      %run_scoped3A_152 = arith.constant 1 : i32
      "tpu.region"() ({
        %run_scoped3A_185 = tpu.sem_alloc : memref<!tpu.dma_semaphore, #tpu.memory_space<semaphore_mem>>
        %dma_start3A_186 = arith.constant 0 : i32
        %dma_start3A_187 = tpu.memref_slice %arg6[%add3A_151, %run_scoped3A_152, %dma_start3A_186] : memref<80x2x128xi32, #tpu.memory_space<vmem>> -> memref<1x1x128xi32, #tpu.memory_space<vmem>>
        %dma_start3A_188 = tpu.memref_squeeze %dma_start3A_187 : memref<1x1x128xi32, #tpu.memory_space<vmem>> -> memref<128xi32, #tpu.memory_space<vmem>>
        %dma_start3A_189 = arith.constant 0 : i32
        %dma_start3A_190 = arith.constant 0 : i32
        %dma_start3A_191 = tpu.memref_slice %arg11[%dma_start3A_189, %dma_start3A_190] : memref<10112x32xf32, #tpu.memory_space<vmem_shared>> -> memref<10112x32xf32, #tpu.memory_space<vmem_shared>>
        tpu.enqueue_indirect_dma source(%arg9 : memref<128x32xf32, #tpu.memory_space<vmem>>) target(%dma_start3A_191 : memref<10112x32xf32, #tpu.memory_space<vmem_shared>>) offsets(%dma_start3A_188 : memref<128xi32, #tpu.memory_space<vmem>>) semaphore(%run_scoped3A_185 : memref<!tpu.dma_semaphore, #tpu.memory_space<semaphore_mem>>) {add = true}
        %dma_wait3A_192 = arith.constant 0 : i32
        %dma_wait3A_193 = tpu.memref_slice %arg6[%add3A_151, %run_scoped3A_152, %dma_wait3A_192] : memref<80x2x128xi32, #tpu.memory_space<vmem>> -> memref<1x1x128xi32, #tpu.memory_space<vmem>>
        %dma_wait3A_194 = tpu.memref_squeeze %dma_wait3A_193 : memref<1x1x128xi32, #tpu.memory_space<vmem>> -> memref<128xi32, #tpu.memory_space<vmem>>
        %dma_wait3A_195 = arith.constant 0 : i32
        %dma_wait3A_196 = arith.constant 0 : i32
        %dma_wait3A_197 = tpu.memref_slice %arg11[%dma_wait3A_195, %dma_wait3A_196] : memref<10112x32xf32, #tpu.memory_space<vmem_shared>> -> memref<10112x32xf32, #tpu.memory_space<vmem_shared>>
        tpu.wait_indirect_dma semaphore(%run_scoped3A_185 : memref<!tpu.dma_semaphore, #tpu.memory_space<semaphore_mem>>) src(%arg9 : memref<128x32xf32, #tpu.memory_space<vmem>>) dst(%dma_wait3A_197 : memref<10112x32xf32, #tpu.memory_space<vmem_shared>>)
        tpu.yield
      }) : () -> ()
      %mul3A_153 = arith.constant 4 : i32
      %mul3A_154 = arith.muli %while3A_96, %mul3A_153 : i32
      %add3A_155 = arith.constant 2 : i32
      %add3A_156 = arith.addi %mul3A_154, %add3A_155 : i32
      %add3A_157 = arith.constant 4 : i32
      %add3A_158 = arith.addi %add3A_156, %add3A_157 : i32
      %lt3A_159 = arith.cmpi slt, %add3A_158, %mul3A_34 : i32
      %convert_element_type3A_160 = arith.extui %lt3A_159 : i1 to i32
      %cond3A_161 = arith.constant 0 : i32
      %cond3A_162 = arith.cmpi ne, %convert_element_type3A_160, %cond3A_161 : i32
      scf.if %cond3A_162 {
        %add3A_185 = arith.constant 2 : i32
        %add3A_186 = arith.addi %add3A_99, %add3A_185 : i32
        %add3A_187 = arith.constant 4 : i32
        %add3A_188 = arith.addi %add3A_186, %add3A_187 : i32
        %dma_start3A_189 = arith.constant 0 : i32
        %dma_start3A_190 = arith.constant 0 : i32
        %dma_start3A_191 = tpu.memref_slice %arg6[%add3A_188, %dma_start3A_189, %dma_start3A_190] : memref<80x2x128xi32, #tpu.memory_space<vmem>> -> memref<1x1x128xi32, #tpu.memory_space<vmem>>
        %dma_start3A_192 = tpu.memref_squeeze %dma_start3A_191 : memref<1x1x128xi32, #tpu.memory_space<vmem>> -> memref<128xi32, #tpu.memory_space<vmem>>
        %dma_start3A_193 = arith.constant 0 : i32
        %dma_start3A_194 = arith.constant 0 : i32
        %dma_start3A_195 = tpu.memref_slice %arg2[%dma_start3A_193, %dma_start3A_194] : memref<10112x32xf32, #tpu.memory_space<hbm>> -> memref<10112x32xf32, #tpu.memory_space<hbm>>
        tpu.enqueue_indirect_dma source(%dma_start3A_195 : memref<10112x32xf32, #tpu.memory_space<hbm>>) target(%arg9 : memref<128x32xf32, #tpu.memory_space<vmem>>) offsets(%dma_start3A_192 : memref<128xi32, #tpu.memory_space<vmem>>) semaphore(%arg14 : memref<!tpu.dma_semaphore, #tpu.memory_space<semaphore_mem>>)
      } else {
      }
      %add3A_163 = arith.constant 3 : i32
      %add3A_164 = arith.addi %add3A_99, %add3A_163 : i32
      %dma_wait3A_165 = arith.constant 0 : i32
      %dma_wait3A_166 = arith.constant 0 : i32
      %dma_wait3A_167 = tpu.memref_slice %arg6[%add3A_164, %dma_wait3A_165, %dma_wait3A_166] : memref<80x2x128xi32, #tpu.memory_space<vmem>> -> memref<1x1x128xi32, #tpu.memory_space<vmem>>
      %dma_wait3A_168 = tpu.memref_squeeze %dma_wait3A_167 : memref<1x1x128xi32, #tpu.memory_space<vmem>> -> memref<128xi32, #tpu.memory_space<vmem>>
      %dma_wait3A_169 = arith.constant 0 : i32
      %dma_wait3A_170 = arith.constant 0 : i32
      %dma_wait3A_171 = tpu.memref_slice %arg2[%dma_wait3A_169, %dma_wait3A_170] : memref<10112x32xf32, #tpu.memory_space<hbm>> -> memref<10112x32xf32, #tpu.memory_space<hbm>>
      tpu.wait_indirect_dma semaphore(%arg15 : memref<!tpu.dma_semaphore, #tpu.memory_space<semaphore_mem>>) src(%dma_wait3A_171 : memref<10112x32xf32, #tpu.memory_space<hbm>>) dst(%arg10 : memref<128x32xf32, #tpu.memory_space<vmem>>)
      %add3A_172 = arith.constant 3 : i32
      %add3A_173 = arith.addi %add3A_99, %add3A_172 : i32
      %run_scoped3A_174 = arith.constant 1 : i32
      "tpu.region"() ({
        %run_scoped3A_185 = tpu.sem_alloc : memref<!tpu.dma_semaphore, #tpu.memory_space<semaphore_mem>>
        %dma_start3A_186 = arith.constant 0 : i32
        %dma_start3A_187 = tpu.memref_slice %arg6[%add3A_173, %run_scoped3A_174, %dma_start3A_186] : memref<80x2x128xi32, #tpu.memory_space<vmem>> -> memref<1x1x128xi32, #tpu.memory_space<vmem>>
        %dma_start3A_188 = tpu.memref_squeeze %dma_start3A_187 : memref<1x1x128xi32, #tpu.memory_space<vmem>> -> memref<128xi32, #tpu.memory_space<vmem>>
        %dma_start3A_189 = arith.constant 0 : i32
        %dma_start3A_190 = arith.constant 0 : i32
        %dma_start3A_191 = tpu.memref_slice %arg11[%dma_start3A_189, %dma_start3A_190] : memref<10112x32xf32, #tpu.memory_space<vmem_shared>> -> memref<10112x32xf32, #tpu.memory_space<vmem_shared>>
        tpu.enqueue_indirect_dma source(%arg10 : memref<128x32xf32, #tpu.memory_space<vmem>>) target(%dma_start3A_191 : memref<10112x32xf32, #tpu.memory_space<vmem_shared>>) offsets(%dma_start3A_188 : memref<128xi32, #tpu.memory_space<vmem>>) semaphore(%run_scoped3A_185 : memref<!tpu.dma_semaphore, #tpu.memory_space<semaphore_mem>>) {add = true}
        %dma_wait3A_192 = arith.constant 0 : i32
        %dma_wait3A_193 = tpu.memref_slice %arg6[%add3A_173, %run_scoped3A_174, %dma_wait3A_192] : memref<80x2x128xi32, #tpu.memory_space<vmem>> -> memref<1x1x128xi32, #tpu.memory_space<vmem>>
        %dma_wait3A_194 = tpu.memref_squeeze %dma_wait3A_193 : memref<1x1x128xi32, #tpu.memory_space<vmem>> -> memref<128xi32, #tpu.memory_space<vmem>>
        %dma_wait3A_195 = arith.constant 0 : i32
        %dma_wait3A_196 = arith.constant 0 : i32
        %dma_wait3A_197 = tpu.memref_slice %arg11[%dma_wait3A_195, %dma_wait3A_196] : memref<10112x32xf32, #tpu.memory_space<vmem_shared>> -> memref<10112x32xf32, #tpu.memory_space<vmem_shared>>
        tpu.wait_indirect_dma semaphore(%run_scoped3A_185 : memref<!tpu.dma_semaphore, #tpu.memory_space<semaphore_mem>>) src(%arg10 : memref<128x32xf32, #tpu.memory_space<vmem>>) dst(%dma_wait3A_197 : memref<10112x32xf32, #tpu.memory_space<vmem_shared>>)
        tpu.yield
      }) : () -> ()
      %mul3A_175 = arith.constant 4 : i32
      %mul3A_176 = arith.muli %while3A_96, %mul3A_175 : i32
      %add3A_177 = arith.constant 3 : i32
      %add3A_178 = arith.addi %mul3A_176, %add3A_177 : i32
      %add3A_179 = arith.constant 4 : i32
      %add3A_180 = arith.addi %add3A_178, %add3A_179 : i32
      %lt3A_181 = arith.cmpi slt, %add3A_180, %mul3A_34 : i32
      %convert_element_type3A_182 = arith.extui %lt3A_181 : i1 to i32
      %cond3A_183 = arith.constant 0 : i32
      %cond3A_184 = arith.cmpi ne, %convert_element_type3A_182, %cond3A_183 : i32
      scf.if %cond3A_184 {
        %add3A_185 = arith.constant 3 : i32
        %add3A_186 = arith.addi %add3A_99, %add3A_185 : i32
        %add3A_187 = arith.constant 4 : i32
        %add3A_188 = arith.addi %add3A_186, %add3A_187 : i32
        %dma_start3A_189 = arith.constant 0 : i32
        %dma_start3A_190 = arith.constant 0 : i32
        %dma_start3A_191 = tpu.memref_slice %arg6[%add3A_188, %dma_start3A_189, %dma_start3A_190] : memref<80x2x128xi32, #tpu.memory_space<vmem>> -> memref<1x1x128xi32, #tpu.memory_space<vmem>>
        %dma_start3A_192 = tpu.memref_squeeze %dma_start3A_191 : memref<1x1x128xi32, #tpu.memory_space<vmem>> -> memref<128xi32, #tpu.memory_space<vmem>>
        %dma_start3A_193 = arith.constant 0 : i32
        %dma_start3A_194 = arith.constant 0 : i32
        %dma_start3A_195 = tpu.memref_slice %arg2[%dma_start3A_193, %dma_start3A_194] : memref<10112x32xf32, #tpu.memory_space<hbm>> -> memref<10112x32xf32, #tpu.memory_space<hbm>>
        tpu.enqueue_indirect_dma source(%dma_start3A_195 : memref<10112x32xf32, #tpu.memory_space<hbm>>) target(%arg10 : memref<128x32xf32, #tpu.memory_space<vmem>>) offsets(%dma_start3A_192 : memref<128xi32, #tpu.memory_space<vmem>>) semaphore(%arg15 : memref<!tpu.dma_semaphore, #tpu.memory_space<semaphore_mem>>)
      } else {
      }
    }
    %barrier3A_85 = arith.constant 0 : index
    tpu.barrier barrier_id(%barrier3A_85)
    "tpu.trace_stop"() : () -> ()
    "tpu.trace_start"() <{level = 10 : i32, message = "agg_out"}> : () -> ()
    %add3A_86 = arith.constant 0 : i32
    %add3A_87 = arith.addi %mul3A_0, %add3A_86 : i32
    "tpu.region"() ({
      %run_scoped3A = tpu.sem_alloc : memref<!tpu.dma_semaphore, #tpu.memory_space<semaphore_mem>>
      %dma_start3A_96 = arith.constant 0 : i32
      %dma_start3A_97 = arith.constant 0 : i32
      %dma_start3A_98 = tpu.memref_slice %arg7[%dma_start3A_96, %dma_start3A_97] : memref<128x32xf32, #tpu.memory_space<vmem>> -> memref<128x32xf32, #tpu.memory_space<vmem>>
      %dma_start3A_99 = arith.constant 0 : i32
      %dma_start3A_100 = tpu.memref_slice %arg11[%add3A_87, %dma_start3A_99] : memref<10112x32xf32, #tpu.memory_space<vmem_shared>> -> memref<128x32xf32, #tpu.memory_space<vmem_shared>>
      %dma_start3A_101 = arith.constant 0 : i32
      %dma_start3A_102 = arith.constant 0 : i32
      %dma_start3A_103 = tpu.memref_slice %arg7[%dma_start3A_101, %dma_start3A_102] : memref<128x32xf32, #tpu.memory_space<vmem>> -> memref<128x32xf32, #tpu.memory_space<vmem>>
      %dma_start3A_104 = arith.constant 0 : i32
      %dma_start3A_105 = tpu.memref_slice %arg11[%add3A_87, %dma_start3A_104] : memref<10112x32xf32, #tpu.memory_space<vmem_shared>> -> memref<128x32xf32, #tpu.memory_space<vmem_shared>>
      tpu.enqueue_dma source(%dma_start3A_105 : memref<128x32xf32, #tpu.memory_space<vmem_shared>>) target(%dma_start3A_103 : memref<128x32xf32, #tpu.memory_space<vmem>>) target_semaphore(%run_scoped3A : memref<!tpu.dma_semaphore, #tpu.memory_space<semaphore_mem>>)
      %dma_wait3A = arith.constant 0 : i32
      %dma_wait3A_106 = arith.constant 0 : i32
      %dma_wait3A_107 = tpu.memref_slice %arg7[%dma_wait3A, %dma_wait3A_106] : memref<128x32xf32, #tpu.memory_space<vmem>> -> memref<128x32xf32, #tpu.memory_space<vmem>>
      %dma_wait3A_108 = arith.constant 0 : i32
      %dma_wait3A_109 = tpu.memref_slice %arg11[%add3A_87, %dma_wait3A_108] : memref<10112x32xf32, #tpu.memory_space<vmem_shared>> -> memref<128x32xf32, #tpu.memory_space<vmem_shared>>
      %dma_wait3A_110 = arith.constant 0 : i32
      %dma_wait3A_111 = arith.constant 0 : i32
      %dma_wait3A_112 = tpu.memref_slice %arg7[%dma_wait3A_110, %dma_wait3A_111] : memref<128x32xf32, #tpu.memory_space<vmem>> -> memref<128x32xf32, #tpu.memory_space<vmem>>
      %dma_wait3A_113 = arith.constant 0 : i32
      %dma_wait3A_114 = tpu.memref_slice %arg11[%add3A_87, %dma_wait3A_113] : memref<10112x32xf32, #tpu.memory_space<vmem_shared>> -> memref<128x32xf32, #tpu.memory_space<vmem_shared>>
      tpu.wait_dma2 semaphore(%run_scoped3A : memref<!tpu.dma_semaphore, #tpu.memory_space<semaphore_mem>>) src(%dma_wait3A_114 : memref<128x32xf32, #tpu.memory_space<vmem_shared>>) dst(%dma_wait3A_112 : memref<128x32xf32, #tpu.memory_space<vmem>>)
      tpu.yield
    }) : () -> ()
    "tpu.region"() ({
      %run_scoped3A = tpu.sem_alloc : memref<!tpu.dma_semaphore, #tpu.memory_space<semaphore_mem>>
      %dma_start3A_96 = arith.constant 0 : i32
      %dma_start3A_97 = arith.constant 0 : i32
      %dma_start3A_98 = tpu.memref_slice %arg7[%dma_start3A_96, %dma_start3A_97] : memref<128x32xf32, #tpu.memory_space<vmem>> -> memref<128x32xf32, #tpu.memory_space<vmem>>
      %dma_start3A_99 = arith.constant 0 : i32
      %dma_start3A_100 = arith.constant 0 : i32
      %dma_start3A_101 = tpu.memref_slice %arg5[%arg0, %dma_start3A_99, %dma_start3A_100] : memref<2x10112x32xf32, #tpu.memory_space<hbm>> -> memref<1x10112x32xf32, #tpu.memory_space<hbm>>
      %dma_start3A_102 = tpu.memref_squeeze %dma_start3A_101 : memref<1x10112x32xf32, #tpu.memory_space<hbm>> -> memref<10112x32xf32, #tpu.memory_space<hbm>>
      %dma_start3A_103 = arith.constant 0 : i32
      %dma_start3A_104 = tpu.memref_slice %dma_start3A_102[%add3A_87, %dma_start3A_103] : memref<10112x32xf32, #tpu.memory_space<hbm>> -> memref<128x32xf32, #tpu.memory_space<hbm>>
      %dma_start3A_105 = arith.constant 0 : i32
      %dma_start3A_106 = arith.constant 0 : i32
      %dma_start3A_107 = tpu.memref_slice %arg5[%arg0, %dma_start3A_105, %dma_start3A_106] : memref<2x10112x32xf32, #tpu.memory_space<hbm>> -> memref<1x10112x32xf32, #tpu.memory_space<hbm>>
      %dma_start3A_108 = tpu.memref_squeeze %dma_start3A_107 : memref<1x10112x32xf32, #tpu.memory_space<hbm>> -> memref<10112x32xf32, #tpu.memory_space<hbm>>
      %dma_start3A_109 = arith.constant 0 : i32
      %dma_start3A_110 = tpu.memref_slice %dma_start3A_108[%add3A_87, %dma_start3A_109] : memref<10112x32xf32, #tpu.memory_space<hbm>> -> memref<128x32xf32, #tpu.memory_space<hbm>>
      %dma_start3A_111 = arith.constant 0 : i32
      %dma_start3A_112 = arith.constant 0 : i32
      %dma_start3A_113 = tpu.memref_slice %arg7[%dma_start3A_111, %dma_start3A_112] : memref<128x32xf32, #tpu.memory_space<vmem>> -> memref<128x32xf32, #tpu.memory_space<vmem>>
      tpu.enqueue_dma source(%dma_start3A_113 : memref<128x32xf32, #tpu.memory_space<vmem>>) target(%dma_start3A_110 : memref<128x32xf32, #tpu.memory_space<hbm>>) target_semaphore(%run_scoped3A : memref<!tpu.dma_semaphore, #tpu.memory_space<semaphore_mem>>)
      %dma_wait3A = arith.constant 0 : i32
      %dma_wait3A_114 = arith.constant 0 : i32
      %dma_wait3A_115 = tpu.memref_slice %arg7[%dma_wait3A, %dma_wait3A_114] : memref<128x32xf32, #tpu.memory_space<vmem>> -> memref<128x32xf32, #tpu.memory_space<vmem>>
      %dma_wait3A_116 = arith.constant 0 : i32
      %dma_wait3A_117 = arith.constant 0 : i32
      %dma_wait3A_118 = tpu.memref_slice %arg5[%arg0, %dma_wait3A_116, %dma_wait3A_117] : memref<2x10112x32xf32, #tpu.memory_space<hbm>> -> memref<1x10112x32xf32, #tpu.memory_space<hbm>>
      %dma_wait3A_119 = tpu.memref_squeeze %dma_wait3A_118 : memref<1x10112x32xf32, #tpu.memory_space<hbm>> -> memref<10112x32xf32, #tpu.memory_space<hbm>>
      %dma_wait3A_120 = arith.constant 0 : i32
      %dma_wait3A_121 = tpu.memref_slice %dma_wait3A_119[%add3A_87, %dma_wait3A_120] : memref<10112x32xf32, #tpu.memory_space<hbm>> -> memref<128x32xf32, #tpu.memory_space<hbm>>
      %dma_wait3A_122 = arith.constant 0 : i32
      %dma_wait3A_123 = arith.constant 0 : i32
      %dma_wait3A_124 = tpu.memref_slice %arg5[%arg0, %dma_wait3A_122, %dma_wait3A_123] : memref<2x10112x32xf32, #tpu.memory_space<hbm>> -> memref<1x10112x32xf32, #tpu.memory_space<hbm>>
      %dma_wait3A_125 = tpu.memref_squeeze %dma_wait3A_124 : memref<1x10112x32xf32, #tpu.memory_space<hbm>> -> memref<10112x32xf32, #tpu.memory_space<hbm>>
      %dma_wait3A_126 = arith.constant 0 : i32
      %dma_wait3A_127 = tpu.memref_slice %dma_wait3A_125[%add3A_87, %dma_wait3A_126] : memref<10112x32xf32, #tpu.memory_space<hbm>> -> memref<128x32xf32, #tpu.memory_space<hbm>>
      %dma_wait3A_128 = arith.constant 0 : i32
      %dma_wait3A_129 = arith.constant 0 : i32
      %dma_wait3A_130 = tpu.memref_slice %arg7[%dma_wait3A_128, %dma_wait3A_129] : memref<128x32xf32, #tpu.memory_space<vmem>> -> memref<128x32xf32, #tpu.memory_space<vmem>>
      tpu.wait_dma2 semaphore(%run_scoped3A : memref<!tpu.dma_semaphore, #tpu.memory_space<semaphore_mem>>) src(%dma_wait3A_130 : memref<128x32xf32, #tpu.memory_space<vmem>>) dst(%dma_wait3A_127 : memref<128x32xf32, #tpu.memory_space<hbm>>)
      tpu.yield
    }) : () -> ()
    %add3A_88 = arith.constant 128 : i32
    %add3A_89 = arith.addi %mul3A_0, %add3A_88 : i32
    "tpu.region"() ({
      %run_scoped3A = tpu.sem_alloc : memref<!tpu.dma_semaphore, #tpu.memory_space<semaphore_mem>>
      %dma_start3A_96 = arith.constant 0 : i32
      %dma_start3A_97 = arith.constant 0 : i32
      %dma_start3A_98 = tpu.memref_slice %arg7[%dma_start3A_96, %dma_start3A_97] : memref<128x32xf32, #tpu.memory_space<vmem>> -> memref<128x32xf32, #tpu.memory_space<vmem>>
      %dma_start3A_99 = arith.constant 0 : i32
      %dma_start3A_100 = tpu.memref_slice %arg11[%add3A_89, %dma_start3A_99] : memref<10112x32xf32, #tpu.memory_space<vmem_shared>> -> memref<128x32xf32, #tpu.memory_space<vmem_shared>>
      %dma_start3A_101 = arith.constant 0 : i32
      %dma_start3A_102 = arith.constant 0 : i32
      %dma_start3A_103 = tpu.memref_slice %arg7[%dma_start3A_101, %dma_start3A_102] : memref<128x32xf32, #tpu.memory_space<vmem>> -> memref<128x32xf32, #tpu.memory_space<vmem>>
      %dma_start3A_104 = arith.constant 0 : i32
      %dma_start3A_105 = tpu.memref_slice %arg11[%add3A_89, %dma_start3A_104] : memref<10112x32xf32, #tpu.memory_space<vmem_shared>> -> memref<128x32xf32, #tpu.memory_space<vmem_shared>>
      tpu.enqueue_dma source(%dma_start3A_105 : memref<128x32xf32, #tpu.memory_space<vmem_shared>>) target(%dma_start3A_103 : memref<128x32xf32, #tpu.memory_space<vmem>>) target_semaphore(%run_scoped3A : memref<!tpu.dma_semaphore, #tpu.memory_space<semaphore_mem>>)
      %dma_wait3A = arith.constant 0 : i32
      %dma_wait3A_106 = arith.constant 0 : i32
      %dma_wait3A_107 = tpu.memref_slice %arg7[%dma_wait3A, %dma_wait3A_106] : memref<128x32xf32, #tpu.memory_space<vmem>> -> memref<128x32xf32, #tpu.memory_space<vmem>>
      %dma_wait3A_108 = arith.constant 0 : i32
      %dma_wait3A_109 = tpu.memref_slice %arg11[%add3A_89, %dma_wait3A_108] : memref<10112x32xf32, #tpu.memory_space<vmem_shared>> -> memref<128x32xf32, #tpu.memory_space<vmem_shared>>
      %dma_wait3A_110 = arith.constant 0 : i32
      %dma_wait3A_111 = arith.constant 0 : i32
      %dma_wait3A_112 = tpu.memref_slice %arg7[%dma_wait3A_110, %dma_wait3A_111] : memref<128x32xf32, #tpu.memory_space<vmem>> -> memref<128x32xf32, #tpu.memory_space<vmem>>
      %dma_wait3A_113 = arith.constant 0 : i32
      %dma_wait3A_114 = tpu.memref_slice %arg11[%add3A_89, %dma_wait3A_113] : memref<10112x32xf32, #tpu.memory_space<vmem_shared>> -> memref<128x32xf32, #tpu.memory_space<vmem_shared>>
      tpu.wait_dma2 semaphore(%run_scoped3A : memref<!tpu.dma_semaphore, #tpu.memory_space<semaphore_mem>>) src(%dma_wait3A_114 : memref<128x32xf32, #tpu.memory_space<vmem_shared>>) dst(%dma_wait3A_112 : memref<128x32xf32, #tpu.memory_space<vmem>>)
      tpu.yield
    }) : () -> ()
    "tpu.region"() ({
      %run_scoped3A = tpu.sem_alloc : memref<!tpu.dma_semaphore, #tpu.memory_space<semaphore_mem>>
      %dma_start3A_96 = arith.constant 0 : i32
      %dma_start3A_97 = arith.constant 0 : i32
      %dma_start3A_98 = tpu.memref_slice %arg7[%dma_start3A_96, %dma_start3A_97] : memref<128x32xf32, #tpu.memory_space<vmem>> -> memref<128x32xf32, #tpu.memory_space<vmem>>
      %dma_start3A_99 = arith.constant 0 : i32
      %dma_start3A_100 = arith.constant 0 : i32
      %dma_start3A_101 = tpu.memref_slice %arg5[%arg0, %dma_start3A_99, %dma_start3A_100] : memref<2x10112x32xf32, #tpu.memory_space<hbm>> -> memref<1x10112x32xf32, #tpu.memory_space<hbm>>
      %dma_start3A_102 = tpu.memref_squeeze %dma_start3A_101 : memref<1x10112x32xf32, #tpu.memory_space<hbm>> -> memref<10112x32xf32, #tpu.memory_space<hbm>>
      %dma_start3A_103 = arith.constant 0 : i32
      %dma_start3A_104 = tpu.memref_slice %dma_start3A_102[%add3A_89, %dma_start3A_103] : memref<10112x32xf32, #tpu.memory_space<hbm>> -> memref<128x32xf32, #tpu.memory_space<hbm>>
      %dma_start3A_105 = arith.constant 0 : i32
      %dma_start3A_106 = arith.constant 0 : i32
      %dma_start3A_107 = tpu.memref_slice %arg5[%arg0, %dma_start3A_105, %dma_start3A_106] : memref<2x10112x32xf32, #tpu.memory_space<hbm>> -> memref<1x10112x32xf32, #tpu.memory_space<hbm>>
      %dma_start3A_108 = tpu.memref_squeeze %dma_start3A_107 : memref<1x10112x32xf32, #tpu.memory_space<hbm>> -> memref<10112x32xf32, #tpu.memory_space<hbm>>
      %dma_start3A_109 = arith.constant 0 : i32
      %dma_start3A_110 = tpu.memref_slice %dma_start3A_108[%add3A_89, %dma_start3A_109] : memref<10112x32xf32, #tpu.memory_space<hbm>> -> memref<128x32xf32, #tpu.memory_space<hbm>>
      %dma_start3A_111 = arith.constant 0 : i32
      %dma_start3A_112 = arith.constant 0 : i32
      %dma_start3A_113 = tpu.memref_slice %arg7[%dma_start3A_111, %dma_start3A_112] : memref<128x32xf32, #tpu.memory_space<vmem>> -> memref<128x32xf32, #tpu.memory_space<vmem>>
      tpu.enqueue_dma source(%dma_start3A_113 : memref<128x32xf32, #tpu.memory_space<vmem>>) target(%dma_start3A_110 : memref<128x32xf32, #tpu.memory_space<hbm>>) target_semaphore(%run_scoped3A : memref<!tpu.dma_semaphore, #tpu.memory_space<semaphore_mem>>)
      %dma_wait3A = arith.constant 0 : i32
      %dma_wait3A_114 = arith.constant 0 : i32
      %dma_wait3A_115 = tpu.memref_slice %arg7[%dma_wait3A, %dma_wait3A_114] : memref<128x32xf32, #tpu.memory_space<vmem>> -> memref<128x32xf32, #tpu.memory_space<vmem>>
      %dma_wait3A_116 = arith.constant 0 : i32
      %dma_wait3A_117 = arith.constant 0 : i32
      %dma_wait3A_118 = tpu.memref_slice %arg5[%arg0, %dma_wait3A_116, %dma_wait3A_117] : memref<2x10112x32xf32, #tpu.memory_space<hbm>> -> memref<1x10112x32xf32, #tpu.memory_space<hbm>>
      %dma_wait3A_119 = tpu.memref_squeeze %dma_wait3A_118 : memref<1x10112x32xf32, #tpu.memory_space<hbm>> -> memref<10112x32xf32, #tpu.memory_space<hbm>>
      %dma_wait3A_120 = arith.constant 0 : i32
      %dma_wait3A_121 = tpu.memref_slice %dma_wait3A_119[%add3A_89, %dma_wait3A_120] : memref<10112x32xf32, #tpu.memory_space<hbm>> -> memref<128x32xf32, #tpu.memory_space<hbm>>
      %dma_wait3A_122 = arith.constant 0 : i32
      %dma_wait3A_123 = arith.constant 0 : i32
      %dma_wait3A_124 = tpu.memref_slice %arg5[%arg0, %dma_wait3A_122, %dma_wait3A_123] : memref<2x10112x32xf32, #tpu.memory_space<hbm>> -> memref<1x10112x32xf32, #tpu.memory_space<hbm>>
      %dma_wait3A_125 = tpu.memref_squeeze %dma_wait3A_124 : memref<1x10112x32xf32, #tpu.memory_space<hbm>> -> memref<10112x32xf32, #tpu.memory_space<hbm>>
      %dma_wait3A_126 = arith.constant 0 : i32
      %dma_wait3A_127 = tpu.memref_slice %dma_wait3A_125[%add3A_89, %dma_wait3A_126] : memref<10112x32xf32, #tpu.memory_space<hbm>> -> memref<128x32xf32, #tpu.memory_space<hbm>>
      %dma_wait3A_128 = arith.constant 0 : i32
      %dma_wait3A_129 = arith.constant 0 : i32
      %dma_wait3A_130 = tpu.memref_slice %arg7[%dma_wait3A_128, %dma_wait3A_129] : memref<128x32xf32, #tpu.memory_space<vmem>> -> memref<128x32xf32, #tpu.memory_space<vmem>>
      tpu.wait_dma2 semaphore(%run_scoped3A : memref<!tpu.dma_semaphore, #tpu.memory_space<semaphore_mem>>) src(%dma_wait3A_130 : memref<128x32xf32, #tpu.memory_space<vmem>>) dst(%dma_wait3A_127 : memref<128x32xf32, #tpu.memory_space<hbm>>)
      tpu.yield
    }) : () -> ()
    %add3A_90 = arith.constant 256 : i32
    %add3A_91 = arith.addi %mul3A_0, %add3A_90 : i32
    "tpu.region"() ({
      %run_scoped3A = tpu.sem_alloc : memref<!tpu.dma_semaphore, #tpu.memory_space<semaphore_mem>>
      %dma_start3A_96 = arith.constant 0 : i32
      %dma_start3A_97 = arith.constant 0 : i32
      %dma_start3A_98 = tpu.memref_slice %arg7[%dma_start3A_96, %dma_start3A_97] : memref<128x32xf32, #tpu.memory_space<vmem>> -> memref<128x32xf32, #tpu.memory_space<vmem>>
      %dma_start3A_99 = arith.constant 0 : i32
      %dma_start3A_100 = tpu.memref_slice %arg11[%add3A_91, %dma_start3A_99] : memref<10112x32xf32, #tpu.memory_space<vmem_shared>> -> memref<128x32xf32, #tpu.memory_space<vmem_shared>>
      %dma_start3A_101 = arith.constant 0 : i32
      %dma_start3A_102 = arith.constant 0 : i32
      %dma_start3A_103 = tpu.memref_slice %arg7[%dma_start3A_101, %dma_start3A_102] : memref<128x32xf32, #tpu.memory_space<vmem>> -> memref<128x32xf32, #tpu.memory_space<vmem>>
      %dma_start3A_104 = arith.constant 0 : i32
      %dma_start3A_105 = tpu.memref_slice %arg11[%add3A_91, %dma_start3A_104] : memref<10112x32xf32, #tpu.memory_space<vmem_shared>> -> memref<128x32xf32, #tpu.memory_space<vmem_shared>>
      tpu.enqueue_dma source(%dma_start3A_105 : memref<128x32xf32, #tpu.memory_space<vmem_shared>>) target(%dma_start3A_103 : memref<128x32xf32, #tpu.memory_space<vmem>>) target_semaphore(%run_scoped3A : memref<!tpu.dma_semaphore, #tpu.memory_space<semaphore_mem>>)
      %dma_wait3A = arith.constant 0 : i32
      %dma_wait3A_106 = arith.constant 0 : i32
      %dma_wait3A_107 = tpu.memref_slice %arg7[%dma_wait3A, %dma_wait3A_106] : memref<128x32xf32, #tpu.memory_space<vmem>> -> memref<128x32xf32, #tpu.memory_space<vmem>>
      %dma_wait3A_108 = arith.constant 0 : i32
      %dma_wait3A_109 = tpu.memref_slice %arg11[%add3A_91, %dma_wait3A_108] : memref<10112x32xf32, #tpu.memory_space<vmem_shared>> -> memref<128x32xf32, #tpu.memory_space<vmem_shared>>
      %dma_wait3A_110 = arith.constant 0 : i32
      %dma_wait3A_111 = arith.constant 0 : i32
      %dma_wait3A_112 = tpu.memref_slice %arg7[%dma_wait3A_110, %dma_wait3A_111] : memref<128x32xf32, #tpu.memory_space<vmem>> -> memref<128x32xf32, #tpu.memory_space<vmem>>
      %dma_wait3A_113 = arith.constant 0 : i32
      %dma_wait3A_114 = tpu.memref_slice %arg11[%add3A_91, %dma_wait3A_113] : memref<10112x32xf32, #tpu.memory_space<vmem_shared>> -> memref<128x32xf32, #tpu.memory_space<vmem_shared>>
      tpu.wait_dma2 semaphore(%run_scoped3A : memref<!tpu.dma_semaphore, #tpu.memory_space<semaphore_mem>>) src(%dma_wait3A_114 : memref<128x32xf32, #tpu.memory_space<vmem_shared>>) dst(%dma_wait3A_112 : memref<128x32xf32, #tpu.memory_space<vmem>>)
      tpu.yield
    }) : () -> ()
    "tpu.region"() ({
      %run_scoped3A = tpu.sem_alloc : memref<!tpu.dma_semaphore, #tpu.memory_space<semaphore_mem>>
      %dma_start3A_96 = arith.constant 0 : i32
      %dma_start3A_97 = arith.constant 0 : i32
      %dma_start3A_98 = tpu.memref_slice %arg7[%dma_start3A_96, %dma_start3A_97] : memref<128x32xf32, #tpu.memory_space<vmem>> -> memref<128x32xf32, #tpu.memory_space<vmem>>
      %dma_start3A_99 = arith.constant 0 : i32
      %dma_start3A_100 = arith.constant 0 : i32
      %dma_start3A_101 = tpu.memref_slice %arg5[%arg0, %dma_start3A_99, %dma_start3A_100] : memref<2x10112x32xf32, #tpu.memory_space<hbm>> -> memref<1x10112x32xf32, #tpu.memory_space<hbm>>
      %dma_start3A_102 = tpu.memref_squeeze %dma_start3A_101 : memref<1x10112x32xf32, #tpu.memory_space<hbm>> -> memref<10112x32xf32, #tpu.memory_space<hbm>>
      %dma_start3A_103 = arith.constant 0 : i32
      %dma_start3A_104 = tpu.memref_slice %dma_start3A_102[%add3A_91, %dma_start3A_103] : memref<10112x32xf32, #tpu.memory_space<hbm>> -> memref<128x32xf32, #tpu.memory_space<hbm>>
      %dma_start3A_105 = arith.constant 0 : i32
      %dma_start3A_106 = arith.constant 0 : i32
      %dma_start3A_107 = tpu.memref_slice %arg5[%arg0, %dma_start3A_105, %dma_start3A_106] : memref<2x10112x32xf32, #tpu.memory_space<hbm>> -> memref<1x10112x32xf32, #tpu.memory_space<hbm>>
      %dma_start3A_108 = tpu.memref_squeeze %dma_start3A_107 : memref<1x10112x32xf32, #tpu.memory_space<hbm>> -> memref<10112x32xf32, #tpu.memory_space<hbm>>
      %dma_start3A_109 = arith.constant 0 : i32
      %dma_start3A_110 = tpu.memref_slice %dma_start3A_108[%add3A_91, %dma_start3A_109] : memref<10112x32xf32, #tpu.memory_space<hbm>> -> memref<128x32xf32, #tpu.memory_space<hbm>>
      %dma_start3A_111 = arith.constant 0 : i32
      %dma_start3A_112 = arith.constant 0 : i32
      %dma_start3A_113 = tpu.memref_slice %arg7[%dma_start3A_111, %dma_start3A_112] : memref<128x32xf32, #tpu.memory_space<vmem>> -> memref<128x32xf32, #tpu.memory_space<vmem>>
      tpu.enqueue_dma source(%dma_start3A_113 : memref<128x32xf32, #tpu.memory_space<vmem>>) target(%dma_start3A_110 : memref<128x32xf32, #tpu.memory_space<hbm>>) target_semaphore(%run_scoped3A : memref<!tpu.dma_semaphore, #tpu.memory_space<semaphore_mem>>)
      %dma_wait3A = arith.constant 0 : i32
      %dma_wait3A_114 = arith.constant 0 : i32
      %dma_wait3A_115 = tpu.memref_slice %arg7[%dma_wait3A, %dma_wait3A_114] : memref<128x32xf32, #tpu.memory_space<vmem>> -> memref<128x32xf32, #tpu.memory_space<vmem>>
      %dma_wait3A_116 = arith.constant 0 : i32
      %dma_wait3A_117 = arith.constant 0 : i32
      %dma_wait3A_118 = tpu.memref_slice %arg5[%arg0, %dma_wait3A_116, %dma_wait3A_117] : memref<2x10112x32xf32, #tpu.memory_space<hbm>> -> memref<1x10112x32xf32, #tpu.memory_space<hbm>>
      %dma_wait3A_119 = tpu.memref_squeeze %dma_wait3A_118 : memref<1x10112x32xf32, #tpu.memory_space<hbm>> -> memref<10112x32xf32, #tpu.memory_space<hbm>>
      %dma_wait3A_120 = arith.constant 0 : i32
      %dma_wait3A_121 = tpu.memref_slice %dma_wait3A_119[%add3A_91, %dma_wait3A_120] : memref<10112x32xf32, #tpu.memory_space<hbm>> -> memref<128x32xf32, #tpu.memory_space<hbm>>
      %dma_wait3A_122 = arith.constant 0 : i32
      %dma_wait3A_123 = arith.constant 0 : i32
      %dma_wait3A_124 = tpu.memref_slice %arg5[%arg0, %dma_wait3A_122, %dma_wait3A_123] : memref<2x10112x32xf32, #tpu.memory_space<hbm>> -> memref<1x10112x32xf32, #tpu.memory_space<hbm>>
      %dma_wait3A_125 = tpu.memref_squeeze %dma_wait3A_124 : memref<1x10112x32xf32, #tpu.memory_space<hbm>> -> memref<10112x32xf32, #tpu.memory_space<hbm>>
      %dma_wait3A_126 = arith.constant 0 : i32
      %dma_wait3A_127 = tpu.memref_slice %dma_wait3A_125[%add3A_91, %dma_wait3A_126] : memref<10112x32xf32, #tpu.memory_space<hbm>> -> memref<128x32xf32, #tpu.memory_space<hbm>>
      %dma_wait3A_128 = arith.constant 0 : i32
      %dma_wait3A_129 = arith.constant 0 : i32
      %dma_wait3A_130 = tpu.memref_slice %arg7[%dma_wait3A_128, %dma_wait3A_129] : memref<128x32xf32, #tpu.memory_space<vmem>> -> memref<128x32xf32, #tpu.memory_space<vmem>>
      tpu.wait_dma2 semaphore(%run_scoped3A : memref<!tpu.dma_semaphore, #tpu.memory_space<semaphore_mem>>) src(%dma_wait3A_130 : memref<128x32xf32, #tpu.memory_space<vmem>>) dst(%dma_wait3A_127 : memref<128x32xf32, #tpu.memory_space<hbm>>)
      tpu.yield
    }) : () -> ()
    %add3A_92 = arith.constant 384 : i32
    %add3A_93 = arith.addi %mul3A_0, %add3A_92 : i32
    "tpu.region"() ({
      %run_scoped3A = tpu.sem_alloc : memref<!tpu.dma_semaphore, #tpu.memory_space<semaphore_mem>>
      %dma_start3A_96 = arith.constant 0 : i32
      %dma_start3A_97 = arith.constant 0 : i32
      %dma_start3A_98 = tpu.memref_slice %arg7[%dma_start3A_96, %dma_start3A_97] : memref<128x32xf32, #tpu.memory_space<vmem>> -> memref<128x32xf32, #tpu.memory_space<vmem>>
      %dma_start3A_99 = arith.constant 0 : i32
      %dma_start3A_100 = tpu.memref_slice %arg11[%add3A_93, %dma_start3A_99] : memref<10112x32xf32, #tpu.memory_space<vmem_shared>> -> memref<128x32xf32, #tpu.memory_space<vmem_shared>>
      %dma_start3A_101 = arith.constant 0 : i32
      %dma_start3A_102 = arith.constant 0 : i32
      %dma_start3A_103 = tpu.memref_slice %arg7[%dma_start3A_101, %dma_start3A_102] : memref<128x32xf32, #tpu.memory_space<vmem>> -> memref<128x32xf32, #tpu.memory_space<vmem>>
      %dma_start3A_104 = arith.constant 0 : i32
      %dma_start3A_105 = tpu.memref_slice %arg11[%add3A_93, %dma_start3A_104] : memref<10112x32xf32, #tpu.memory_space<vmem_shared>> -> memref<128x32xf32, #tpu.memory_space<vmem_shared>>
      tpu.enqueue_dma source(%dma_start3A_105 : memref<128x32xf32, #tpu.memory_space<vmem_shared>>) target(%dma_start3A_103 : memref<128x32xf32, #tpu.memory_space<vmem>>) target_semaphore(%run_scoped3A : memref<!tpu.dma_semaphore, #tpu.memory_space<semaphore_mem>>)
      %dma_wait3A = arith.constant 0 : i32
      %dma_wait3A_106 = arith.constant 0 : i32
      %dma_wait3A_107 = tpu.memref_slice %arg7[%dma_wait3A, %dma_wait3A_106] : memref<128x32xf32, #tpu.memory_space<vmem>> -> memref<128x32xf32, #tpu.memory_space<vmem>>
      %dma_wait3A_108 = arith.constant 0 : i32
      %dma_wait3A_109 = tpu.memref_slice %arg11[%add3A_93, %dma_wait3A_108] : memref<10112x32xf32, #tpu.memory_space<vmem_shared>> -> memref<128x32xf32, #tpu.memory_space<vmem_shared>>
      %dma_wait3A_110 = arith.constant 0 : i32
      %dma_wait3A_111 = arith.constant 0 : i32
      %dma_wait3A_112 = tpu.memref_slice %arg7[%dma_wait3A_110, %dma_wait3A_111] : memref<128x32xf32, #tpu.memory_space<vmem>> -> memref<128x32xf32, #tpu.memory_space<vmem>>
      %dma_wait3A_113 = arith.constant 0 : i32
      %dma_wait3A_114 = tpu.memref_slice %arg11[%add3A_93, %dma_wait3A_113] : memref<10112x32xf32, #tpu.memory_space<vmem_shared>> -> memref<128x32xf32, #tpu.memory_space<vmem_shared>>
      tpu.wait_dma2 semaphore(%run_scoped3A : memref<!tpu.dma_semaphore, #tpu.memory_space<semaphore_mem>>) src(%dma_wait3A_114 : memref<128x32xf32, #tpu.memory_space<vmem_shared>>) dst(%dma_wait3A_112 : memref<128x32xf32, #tpu.memory_space<vmem>>)
      tpu.yield
    }) : () -> ()
    "tpu.region"() ({
      %run_scoped3A = tpu.sem_alloc : memref<!tpu.dma_semaphore, #tpu.memory_space<semaphore_mem>>
      %dma_start3A_96 = arith.constant 0 : i32
      %dma_start3A_97 = arith.constant 0 : i32
      %dma_start3A_98 = tpu.memref_slice %arg7[%dma_start3A_96, %dma_start3A_97] : memref<128x32xf32, #tpu.memory_space<vmem>> -> memref<128x32xf32, #tpu.memory_space<vmem>>
      %dma_start3A_99 = arith.constant 0 : i32
      %dma_start3A_100 = arith.constant 0 : i32
      %dma_start3A_101 = tpu.memref_slice %arg5[%arg0, %dma_start3A_99, %dma_start3A_100] : memref<2x10112x32xf32, #tpu.memory_space<hbm>> -> memref<1x10112x32xf32, #tpu.memory_space<hbm>>
      %dma_start3A_102 = tpu.memref_squeeze %dma_start3A_101 : memref<1x10112x32xf32, #tpu.memory_space<hbm>> -> memref<10112x32xf32, #tpu.memory_space<hbm>>
      %dma_start3A_103 = arith.constant 0 : i32
      %dma_start3A_104 = tpu.memref_slice %dma_start3A_102[%add3A_93, %dma_start3A_103] : memref<10112x32xf32, #tpu.memory_space<hbm>> -> memref<128x32xf32, #tpu.memory_space<hbm>>
      %dma_start3A_105 = arith.constant 0 : i32
      %dma_start3A_106 = arith.constant 0 : i32
      %dma_start3A_107 = tpu.memref_slice %arg5[%arg0, %dma_start3A_105, %dma_start3A_106] : memref<2x10112x32xf32, #tpu.memory_space<hbm>> -> memref<1x10112x32xf32, #tpu.memory_space<hbm>>
      %dma_start3A_108 = tpu.memref_squeeze %dma_start3A_107 : memref<1x10112x32xf32, #tpu.memory_space<hbm>> -> memref<10112x32xf32, #tpu.memory_space<hbm>>
      %dma_start3A_109 = arith.constant 0 : i32
      %dma_start3A_110 = tpu.memref_slice %dma_start3A_108[%add3A_93, %dma_start3A_109] : memref<10112x32xf32, #tpu.memory_space<hbm>> -> memref<128x32xf32, #tpu.memory_space<hbm>>
      %dma_start3A_111 = arith.constant 0 : i32
      %dma_start3A_112 = arith.constant 0 : i32
      %dma_start3A_113 = tpu.memref_slice %arg7[%dma_start3A_111, %dma_start3A_112] : memref<128x32xf32, #tpu.memory_space<vmem>> -> memref<128x32xf32, #tpu.memory_space<vmem>>
      tpu.enqueue_dma source(%dma_start3A_113 : memref<128x32xf32, #tpu.memory_space<vmem>>) target(%dma_start3A_110 : memref<128x32xf32, #tpu.memory_space<hbm>>) target_semaphore(%run_scoped3A : memref<!tpu.dma_semaphore, #tpu.memory_space<semaphore_mem>>)
      %dma_wait3A = arith.constant 0 : i32
      %dma_wait3A_114 = arith.constant 0 : i32
      %dma_wait3A_115 = tpu.memref_slice %arg7[%dma_wait3A, %dma_wait3A_114] : memref<128x32xf32, #tpu.memory_space<vmem>> -> memref<128x32xf32, #tpu.memory_space<vmem>>
      %dma_wait3A_116 = arith.constant 0 : i32
      %dma_wait3A_117 = arith.constant 0 : i32
      %dma_wait3A_118 = tpu.memref_slice %arg5[%arg0, %dma_wait3A_116, %dma_wait3A_117] : memref<2x10112x32xf32, #tpu.memory_space<hbm>> -> memref<1x10112x32xf32, #tpu.memory_space<hbm>>
      %dma_wait3A_119 = tpu.memref_squeeze %dma_wait3A_118 : memref<1x10112x32xf32, #tpu.memory_space<hbm>> -> memref<10112x32xf32, #tpu.memory_space<hbm>>
      %dma_wait3A_120 = arith.constant 0 : i32
      %dma_wait3A_121 = tpu.memref_slice %dma_wait3A_119[%add3A_93, %dma_wait3A_120] : memref<10112x32xf32, #tpu.memory_space<hbm>> -> memref<128x32xf32, #tpu.memory_space<hbm>>
      %dma_wait3A_122 = arith.constant 0 : i32
      %dma_wait3A_123 = arith.constant 0 : i32
      %dma_wait3A_124 = tpu.memref_slice %arg5[%arg0, %dma_wait3A_122, %dma_wait3A_123] : memref<2x10112x32xf32, #tpu.memory_space<hbm>> -> memref<1x10112x32xf32, #tpu.memory_space<hbm>>
      %dma_wait3A_125 = tpu.memref_squeeze %dma_wait3A_124 : memref<1x10112x32xf32, #tpu.memory_space<hbm>> -> memref<10112x32xf32, #tpu.memory_space<hbm>>
      %dma_wait3A_126 = arith.constant 0 : i32
      %dma_wait3A_127 = tpu.memref_slice %dma_wait3A_125[%add3A_93, %dma_wait3A_126] : memref<10112x32xf32, #tpu.memory_space<hbm>> -> memref<128x32xf32, #tpu.memory_space<hbm>>
      %dma_wait3A_128 = arith.constant 0 : i32
      %dma_wait3A_129 = arith.constant 0 : i32
      %dma_wait3A_130 = tpu.memref_slice %arg7[%dma_wait3A_128, %dma_wait3A_129] : memref<128x32xf32, #tpu.memory_space<vmem>> -> memref<128x32xf32, #tpu.memory_space<vmem>>
      tpu.wait_dma2 semaphore(%run_scoped3A : memref<!tpu.dma_semaphore, #tpu.memory_space<semaphore_mem>>) src(%dma_wait3A_130 : memref<128x32xf32, #tpu.memory_space<vmem>>) dst(%dma_wait3A_127 : memref<128x32xf32, #tpu.memory_space<hbm>>)
      tpu.yield
    }) : () -> ()
    %add3A_94 = arith.constant 512 : i32
    %add3A_95 = arith.addi %mul3A_0, %add3A_94 : i32
    "tpu.region"() ({
      %run_scoped3A = tpu.sem_alloc : memref<!tpu.dma_semaphore, #tpu.memory_space<semaphore_mem>>
      %dma_start3A_96 = arith.constant 0 : i32
      %dma_start3A_97 = arith.constant 0 : i32
      %dma_start3A_98 = tpu.memref_slice %arg7[%dma_start3A_96, %dma_start3A_97] : memref<128x32xf32, #tpu.memory_space<vmem>> -> memref<120x32xf32, #tpu.memory_space<vmem>>
      %dma_start3A_99 = arith.constant 0 : i32
      %dma_start3A_100 = tpu.memref_slice %arg11[%add3A_95, %dma_start3A_99] : memref<10112x32xf32, #tpu.memory_space<vmem_shared>> -> memref<120x32xf32, #tpu.memory_space<vmem_shared>>
      %dma_start3A_101 = arith.constant 0 : i32
      %dma_start3A_102 = arith.constant 0 : i32
      %dma_start3A_103 = tpu.memref_slice %arg7[%dma_start3A_101, %dma_start3A_102] : memref<128x32xf32, #tpu.memory_space<vmem>> -> memref<120x32xf32, #tpu.memory_space<vmem>>
      %dma_start3A_104 = arith.constant 0 : i32
      %dma_start3A_105 = tpu.memref_slice %arg11[%add3A_95, %dma_start3A_104] : memref<10112x32xf32, #tpu.memory_space<vmem_shared>> -> memref<120x32xf32, #tpu.memory_space<vmem_shared>>
      tpu.enqueue_dma source(%dma_start3A_105 : memref<120x32xf32, #tpu.memory_space<vmem_shared>>) target(%dma_start3A_103 : memref<120x32xf32, #tpu.memory_space<vmem>>) target_semaphore(%run_scoped3A : memref<!tpu.dma_semaphore, #tpu.memory_space<semaphore_mem>>)
      %dma_wait3A = arith.constant 0 : i32
      %dma_wait3A_106 = arith.constant 0 : i32
      %dma_wait3A_107 = tpu.memref_slice %arg7[%dma_wait3A, %dma_wait3A_106] : memref<128x32xf32, #tpu.memory_space<vmem>> -> memref<120x32xf32, #tpu.memory_space<vmem>>
      %dma_wait3A_108 = arith.constant 0 : i32
      %dma_wait3A_109 = tpu.memref_slice %arg11[%add3A_95, %dma_wait3A_108] : memref<10112x32xf32, #tpu.memory_space<vmem_shared>> -> memref<120x32xf32, #tpu.memory_space<vmem_shared>>
      %dma_wait3A_110 = arith.constant 0 : i32
      %dma_wait3A_111 = arith.constant 0 : i32
      %dma_wait3A_112 = tpu.memref_slice %arg7[%dma_wait3A_110, %dma_wait3A_111] : memref<128x32xf32, #tpu.memory_space<vmem>> -> memref<120x32xf32, #tpu.memory_space<vmem>>
      %dma_wait3A_113 = arith.constant 0 : i32
      %dma_wait3A_114 = tpu.memref_slice %arg11[%add3A_95, %dma_wait3A_113] : memref<10112x32xf32, #tpu.memory_space<vmem_shared>> -> memref<120x32xf32, #tpu.memory_space<vmem_shared>>
      tpu.wait_dma2 semaphore(%run_scoped3A : memref<!tpu.dma_semaphore, #tpu.memory_space<semaphore_mem>>) src(%dma_wait3A_114 : memref<120x32xf32, #tpu.memory_space<vmem_shared>>) dst(%dma_wait3A_112 : memref<120x32xf32, #tpu.memory_space<vmem>>)
      tpu.yield
    }) : () -> ()
    "tpu.region"() ({
      %run_scoped3A = tpu.sem_alloc : memref<!tpu.dma_semaphore, #tpu.memory_space<semaphore_mem>>
      %dma_start3A_96 = arith.constant 0 : i32
      %dma_start3A_97 = arith.constant 0 : i32
      %dma_start3A_98 = tpu.memref_slice %arg7[%dma_start3A_96, %dma_start3A_97] : memref<128x32xf32, #tpu.memory_space<vmem>> -> memref<120x32xf32, #tpu.memory_space<vmem>>
      %dma_start3A_99 = arith.constant 0 : i32
      %dma_start3A_100 = arith.constant 0 : i32
      %dma_start3A_101 = tpu.memref_slice %arg5[%arg0, %dma_start3A_99, %dma_start3A_100] : memref<2x10112x32xf32, #tpu.memory_space<hbm>> -> memref<1x10112x32xf32, #tpu.memory_space<hbm>>
      %dma_start3A_102 = tpu.memref_squeeze %dma_start3A_101 : memref<1x10112x32xf32, #tpu.memory_space<hbm>> -> memref<10112x32xf32, #tpu.memory_space<hbm>>
      %dma_start3A_103 = arith.constant 0 : i32
      %dma_start3A_104 = tpu.memref_slice %dma_start3A_102[%add3A_95, %dma_start3A_103] : memref<10112x32xf32, #tpu.memory_space<hbm>> -> memref<120x32xf32, #tpu.memory_space<hbm>>
      %dma_start3A_105 = arith.constant 0 : i32
      %dma_start3A_106 = arith.constant 0 : i32
      %dma_start3A_107 = tpu.memref_slice %arg5[%arg0, %dma_start3A_105, %dma_start3A_106] : memref<2x10112x32xf32, #tpu.memory_space<hbm>> -> memref<1x10112x32xf32, #tpu.memory_space<hbm>>
      %dma_start3A_108 = tpu.memref_squeeze %dma_start3A_107 : memref<1x10112x32xf32, #tpu.memory_space<hbm>> -> memref<10112x32xf32, #tpu.memory_space<hbm>>
      %dma_start3A_109 = arith.constant 0 : i32
      %dma_start3A_110 = tpu.memref_slice %dma_start3A_108[%add3A_95, %dma_start3A_109] : memref<10112x32xf32, #tpu.memory_space<hbm>> -> memref<120x32xf32, #tpu.memory_space<hbm>>
      %dma_start3A_111 = arith.constant 0 : i32
      %dma_start3A_112 = arith.constant 0 : i32
      %dma_start3A_113 = tpu.memref_slice %arg7[%dma_start3A_111, %dma_start3A_112] : memref<128x32xf32, #tpu.memory_space<vmem>> -> memref<120x32xf32, #tpu.memory_space<vmem>>
      tpu.enqueue_dma source(%dma_start3A_113 : memref<120x32xf32, #tpu.memory_space<vmem>>) target(%dma_start3A_110 : memref<120x32xf32, #tpu.memory_space<hbm>>) target_semaphore(%run_scoped3A : memref<!tpu.dma_semaphore, #tpu.memory_space<semaphore_mem>>)
      %dma_wait3A = arith.constant 0 : i32
      %dma_wait3A_114 = arith.constant 0 : i32
      %dma_wait3A_115 = tpu.memref_slice %arg7[%dma_wait3A, %dma_wait3A_114] : memref<128x32xf32, #tpu.memory_space<vmem>> -> memref<120x32xf32, #tpu.memory_space<vmem>>
      %dma_wait3A_116 = arith.constant 0 : i32
      %dma_wait3A_117 = arith.constant 0 : i32
      %dma_wait3A_118 = tpu.memref_slice %arg5[%arg0, %dma_wait3A_116, %dma_wait3A_117] : memref<2x10112x32xf32, #tpu.memory_space<hbm>> -> memref<1x10112x32xf32, #tpu.memory_space<hbm>>
      %dma_wait3A_119 = tpu.memref_squeeze %dma_wait3A_118 : memref<1x10112x32xf32, #tpu.memory_space<hbm>> -> memref<10112x32xf32, #tpu.memory_space<hbm>>
      %dma_wait3A_120 = arith.constant 0 : i32
      %dma_wait3A_121 = tpu.memref_slice %dma_wait3A_119[%add3A_95, %dma_wait3A_120] : memref<10112x32xf32, #tpu.memory_space<hbm>> -> memref<120x32xf32, #tpu.memory_space<hbm>>
      %dma_wait3A_122 = arith.constant 0 : i32
      %dma_wait3A_123 = arith.constant 0 : i32
      %dma_wait3A_124 = tpu.memref_slice %arg5[%arg0, %dma_wait3A_122, %dma_wait3A_123] : memref<2x10112x32xf32, #tpu.memory_space<hbm>> -> memref<1x10112x32xf32, #tpu.memory_space<hbm>>
      %dma_wait3A_125 = tpu.memref_squeeze %dma_wait3A_124 : memref<1x10112x32xf32, #tpu.memory_space<hbm>> -> memref<10112x32xf32, #tpu.memory_space<hbm>>
      %dma_wait3A_126 = arith.constant 0 : i32
      %dma_wait3A_127 = tpu.memref_slice %dma_wait3A_125[%add3A_95, %dma_wait3A_126] : memref<10112x32xf32, #tpu.memory_space<hbm>> -> memref<120x32xf32, #tpu.memory_space<hbm>>
      %dma_wait3A_128 = arith.constant 0 : i32
      %dma_wait3A_129 = arith.constant 0 : i32
      %dma_wait3A_130 = tpu.memref_slice %arg7[%dma_wait3A_128, %dma_wait3A_129] : memref<128x32xf32, #tpu.memory_space<vmem>> -> memref<120x32xf32, #tpu.memory_space<vmem>>
      tpu.wait_dma2 semaphore(%run_scoped3A : memref<!tpu.dma_semaphore, #tpu.memory_space<semaphore_mem>>) src(%dma_wait3A_130 : memref<120x32xf32, #tpu.memory_space<vmem>>) dst(%dma_wait3A_127 : memref<120x32xf32, #tpu.memory_space<hbm>>)
      tpu.yield
    }) : () -> ()
    "tpu.trace_stop"() : () -> ()
    return
  }
}

module attributes {stable_mosaic.version = 14 : i64} {
  func.func @_tc1_body(%arg0: memref<10112x128xf32, #tpu.memory_space<vmem>>, %arg1: memref<128x64xf32, #tpu.memory_space<vmem>>, %arg2: memref<2x10112x8xf32, #tpu.memory_space<vmem>>, %arg3: memref<10112x64xf32, #tpu.memory_space<vmem>>, %arg4: memref<10112x1xf32, #tpu.memory_space<vmem>>) attributes {dimension_semantics = [], scalar_prefetch = 0 : i64, scratch_operands = 0 : i64, tpu.core_type = #tpu.core_type<tc>} {
    %get3A = arith.constant 0 : index
    %get3A_0 = arith.constant 0 : index
    %get3A_1 = arith.constant 0 : index
    %get3A_2 = vector.load %arg2[%get3A, %get3A_0, %get3A_1] : memref<2x10112x8xf32, #tpu.memory_space<vmem>>, vector<1x10112x1xf32>
    %get3A_3 = vector.shape_cast %get3A_2 : vector<1x10112x1xf32> to vector<10112x1xf32>
    %get3A_4 = arith.constant 1 : index
    %get3A_5 = arith.constant 0 : index
    %get3A_6 = arith.constant 0 : index
    %get3A_7 = vector.load %arg2[%get3A_4, %get3A_5, %get3A_6] : memref<2x10112x8xf32, #tpu.memory_space<vmem>>, vector<1x10112x1xf32>
    %get3A_8 = vector.shape_cast %get3A_7 : vector<1x10112x1xf32> to vector<10112x1xf32>
    %add3A = arith.addf %get3A_3, %get3A_8 : vector<10112x1xf32>
    %add3A_9 = arith.constant 1.000000e+00 : f32
    %add3A_10 = vector.broadcast %add3A_9 : f32 to vector<10112x1xf32>
    %add3A_11 = arith.addf %add3A, %add3A_10 : vector<10112x1xf32>
    %iota3A = tpu.iota {dimensions = array<i32: 0>} : vector<10112x1xi32>
    %lt3A = arith.constant 10000 : i32
    %lt3A_12 = vector.broadcast %lt3A : i32 to vector<10112x1xi32>
    %lt3A_13 = arith.cmpi slt, %iota3A, %lt3A_12 : vector<10112x1xi32>
    %max3A = arith.constant 9.99999996E-13 : f32
    %max3A_14 = vector.broadcast %max3A : f32 to vector<10112x1xf32>
    %max3A_15 = arith.maximumf %add3A_11, %max3A_14 : vector<10112x1xf32>
    %rsqrt3A = math.rsqrt %max3A_15 : vector<10112x1xf32>
    %jit3A = arith.constant 0.000000e+00 : f32
    %broadcast_in_dim3A = vector.broadcast %jit3A : f32 to vector<10112x1xf32>
    %select_n3A = arith.select %lt3A_13, %rsqrt3A, %broadcast_in_dim3A : vector<10112x1xi1>, vector<10112x1xf32>
    %get3A_16 = arith.constant 0 : index
    %get3A_17 = arith.constant 0 : index
    %get3A_18 = vector.load %arg0[%get3A_16, %get3A_17] : memref<10112x128xf32, #tpu.memory_space<vmem>>, vector<10112x128xf32>
    %get3A_19 = arith.constant 0 : index
    %get3A_20 = arith.constant 0 : index
    %get3A_21 = vector.load %arg1[%get3A_19, %get3A_20] : memref<128x64xf32, #tpu.memory_space<vmem>>, vector<128x64xf32>
    %dot_general3A = arith.constant dense<0.000000e+00> : vector<10112x64xf32>
    %dot_general3A_22 = tpu.matmul %get3A_18, %get3A_21, %dot_general3A {dimension_numbers = #tpu.dot_dimension_numbers<[1], [0], [0], [1], [0, 0, 1, 1], [], []>, transpose_lhs_hint = false} : vector<10112x128xf32>, vector<128x64xf32>, vector<10112x64xf32> -> vector<10112x64xf32>
    %mul3A = vector.broadcast %select_n3A : vector<10112x1xf32> to vector<10112x64xf32>
    %mul3A_23 = arith.mulf %dot_general3A_22, %mul3A : vector<10112x64xf32>
    %swap3A = arith.constant 0 : index
    %swap3A_24 = arith.constant 0 : index
    %swap3A_25 = vector.load %arg3[%swap3A, %swap3A_24] : memref<10112x64xf32, #tpu.memory_space<vmem>>, vector<10112x64xf32>
    tpu.vector_store %arg3[%swap3A, %swap3A_24], %mul3A_23 {strides = array<i32>} : memref<10112x64xf32, #tpu.memory_space<vmem>>, vector<10112x64xf32>,
    %swap3A_26 = arith.constant 0 : index
    %swap3A_27 = arith.constant 0 : index
    %swap3A_28 = vector.load %arg4[%swap3A_26, %swap3A_27] : memref<10112x1xf32, #tpu.memory_space<vmem>>, vector<10112x1xf32>
    tpu.vector_store %arg4[%swap3A_26, %swap3A_27], %select_n3A {strides = array<i32>} : memref<10112x1xf32, #tpu.memory_space<vmem>>, vector<10112x1xf32>,
    return
  }
}

module attributes {stable_mosaic.version = 14 : i64} {
  func.func @_tc2_body(%arg0: memref<2x10112x64xf32, #tpu.memory_space<vmem>>, %arg1: memref<10112x64xf32, #tpu.memory_space<vmem>>, %arg2: memref<10112x1xf32, #tpu.memory_space<vmem>>, %arg3: memref<1x64xf32, #tpu.memory_space<vmem>>, %arg4: memref<1x64xf32, #tpu.memory_space<vmem>>, %arg5: memref<1x64xf32, #tpu.memory_space<vmem>>, %arg6: memref<64x32xf32, #tpu.memory_space<vmem>>, %arg7: memref<10112x32xf32, #tpu.memory_space<vmem>>) attributes {dimension_semantics = [], scalar_prefetch = 0 : i64, scratch_operands = 0 : i64, tpu.core_type = #tpu.core_type<tc>} {
    %get3A = arith.constant 0 : index
    %get3A_0 = arith.constant 0 : index
    %get3A_1 = vector.load %arg2[%get3A, %get3A_0] : memref<10112x1xf32, #tpu.memory_space<vmem>>, vector<10112x1xf32>
    %get3A_2 = arith.constant 0 : index
    %get3A_3 = arith.constant 0 : index
    %get3A_4 = arith.constant 0 : index
    %get3A_5 = vector.load %arg0[%get3A_2, %get3A_3, %get3A_4] : memref<2x10112x64xf32, #tpu.memory_space<vmem>>, vector<1x10112x64xf32>
    %get3A_6 = vector.shape_cast %get3A_5 : vector<1x10112x64xf32> to vector<10112x64xf32>
    %get3A_7 = arith.constant 1 : index
    %get3A_8 = arith.constant 0 : index
    %get3A_9 = arith.constant 0 : index
    %get3A_10 = vector.load %arg0[%get3A_7, %get3A_8, %get3A_9] : memref<2x10112x64xf32, #tpu.memory_space<vmem>>, vector<1x10112x64xf32>
    %get3A_11 = vector.shape_cast %get3A_10 : vector<1x10112x64xf32> to vector<10112x64xf32>
    %add3A = arith.addf %get3A_6, %get3A_11 : vector<10112x64xf32>
    %get3A_12 = arith.constant 0 : index
    %get3A_13 = arith.constant 0 : index
    %get3A_14 = vector.load %arg1[%get3A_12, %get3A_13] : memref<10112x64xf32, #tpu.memory_space<vmem>>, vector<10112x64xf32>
    %add3A_15 = arith.addf %add3A, %get3A_14 : vector<10112x64xf32>
    %mul3A = vector.broadcast %get3A_1 : vector<10112x1xf32> to vector<10112x64xf32>
    %mul3A_16 = arith.mulf %add3A_15, %mul3A : vector<10112x64xf32>
    %get3A_17 = arith.constant 0 : index
    %get3A_18 = arith.constant 0 : index
    %get3A_19 = vector.load %arg3[%get3A_17, %get3A_18] : memref<1x64xf32, #tpu.memory_space<vmem>>, vector<1x64xf32>
    %add3A_20 = vector.broadcast %get3A_19 : vector<1x64xf32> to vector<10112x64xf32>
    %add3A_21 = arith.addf %mul3A_16, %add3A_20 : vector<10112x64xf32>
    %get3A_22 = arith.constant 0 : index
    %get3A_23 = arith.constant 0 : index
    %get3A_24 = vector.load %arg4[%get3A_22, %get3A_23] : memref<1x64xf32, #tpu.memory_space<vmem>>, vector<1x64xf32>
    %get3A_25 = arith.constant 0 : index
    %get3A_26 = arith.constant 0 : index
    %get3A_27 = vector.load %arg5[%get3A_25, %get3A_26] : memref<1x64xf32, #tpu.memory_space<vmem>>, vector<1x64xf32>
    %iota3A = tpu.iota {dimensions = array<i32: 0>} : vector<10112x64xi32>
    %lt3A = arith.constant 10000 : i32
    %lt3A_28 = vector.broadcast %lt3A : i32 to vector<10112x64xi32>
    %lt3A_29 = arith.cmpi slt, %iota3A, %lt3A_28 : vector<10112x64xi32>
    %jit3A = arith.constant 0.000000e+00 : f32
    %broadcast_in_dim3A = vector.broadcast %jit3A : f32 to vector<10112x64xf32>
    %select_n3A = arith.select %lt3A_29, %add3A_21, %broadcast_in_dim3A : vector<10112x64xi1>, vector<10112x64xf32>
    %reduce_sum3A = arith.constant dense<0.000000e+00> : vector<64xf32>
    %reduce_sum3A_30 = vector.multi_reduction <add>, %select_n3A, %reduce_sum3A [0] : vector<10112x64xf32> to vector<64xf32>
    %broadcast_in_dim3A_31 = vector.shape_cast %reduce_sum3A_30 : vector<64xf32> to vector<1x64xf32>
    %div3A = arith.constant 1.000000e+04 : f32
    %div3A_32 = vector.broadcast %div3A : f32 to vector<1x64xf32>
    %div3A_33 = arith.divf %broadcast_in_dim3A_31, %div3A_32 : vector<1x64xf32>
    %sub3A = vector.broadcast %div3A_33 : vector<1x64xf32> to vector<10112x64xf32>
    %sub3A_34 = arith.subf %add3A_21, %sub3A : vector<10112x64xf32>
    %jit3A_35 = arith.constant 0.000000e+00 : f32
    %broadcast_in_dim3A_36 = vector.broadcast %jit3A_35 : f32 to vector<10112x64xf32>
    %select_n3A_37 = arith.select %lt3A_29, %sub3A_34, %broadcast_in_dim3A_36 : vector<10112x64xi1>, vector<10112x64xf32>
    %mul3A_38 = arith.mulf %select_n3A_37, %select_n3A_37 : vector<10112x64xf32>
    %reduce_sum3A_39 = arith.constant dense<0.000000e+00> : vector<64xf32>
    %reduce_sum3A_40 = vector.multi_reduction <add>, %mul3A_38, %reduce_sum3A_39 [0] : vector<10112x64xf32> to vector<64xf32>
    %broadcast_in_dim3A_41 = vector.shape_cast %reduce_sum3A_40 : vector<64xf32> to vector<1x64xf32>
    %div3A_42 = arith.constant 1.000000e+04 : f32
    %div3A_43 = vector.broadcast %div3A_42 : f32 to vector<1x64xf32>
    %div3A_44 = arith.divf %broadcast_in_dim3A_41, %div3A_43 : vector<1x64xf32>
    %sub3A_45 = vector.broadcast %div3A_33 : vector<1x64xf32> to vector<10112x64xf32>
    %sub3A_46 = arith.subf %add3A_21, %sub3A_45 : vector<10112x64xf32>
    %add3A_47 = arith.constant 9.99999974E-6 : f32
    %add3A_48 = vector.broadcast %add3A_47 : f32 to vector<1x64xf32>
    %add3A_49 = arith.addf %div3A_44, %add3A_48 : vector<1x64xf32>
    %rsqrt3A = math.rsqrt %add3A_49 : vector<1x64xf32>
    %mul3A_50 = vector.broadcast %rsqrt3A : vector<1x64xf32> to vector<10112x64xf32>
    %mul3A_51 = arith.mulf %sub3A_46, %mul3A_50 : vector<10112x64xf32>
    %mul3A_52 = vector.broadcast %get3A_24 : vector<1x64xf32> to vector<10112x64xf32>
    %mul3A_53 = arith.mulf %mul3A_51, %mul3A_52 : vector<10112x64xf32>
    %add3A_54 = vector.broadcast %get3A_27 : vector<1x64xf32> to vector<10112x64xf32>
    %add3A_55 = arith.addf %mul3A_53, %add3A_54 : vector<10112x64xf32>
    %max3A = arith.constant 0.000000e+00 : f32
    %max3A_56 = vector.broadcast %max3A : f32 to vector<10112x64xf32>
    %max3A_57 = arith.maximumf %add3A_55, %max3A_56 : vector<10112x64xf32>
    %jit3A_58 = arith.constant 0.000000e+00 : f32
    %broadcast_in_dim3A_59 = vector.broadcast %jit3A_58 : f32 to vector<10112x64xf32>
    %select_n3A_60 = arith.select %lt3A_29, %max3A_57, %broadcast_in_dim3A_59 : vector<10112x64xi1>, vector<10112x64xf32>
    %get3A_61 = arith.constant 0 : index
    %get3A_62 = arith.constant 0 : index
    %get3A_63 = vector.load %arg6[%get3A_61, %get3A_62] : memref<64x32xf32, #tpu.memory_space<vmem>>, vector<64x32xf32>
    %dot_general3A = arith.constant dense<0.000000e+00> : vector<10112x32xf32>
    %dot_general3A_64 = tpu.matmul %select_n3A_60, %get3A_63, %dot_general3A {dimension_numbers = #tpu.dot_dimension_numbers<[1], [0], [0], [1], [0, 0, 1, 1], [], []>, transpose_lhs_hint = false} : vector<10112x64xf32>, vector<64x32xf32>, vector<10112x32xf32> -> vector<10112x32xf32>
    %mul3A_65 = vector.broadcast %get3A_1 : vector<10112x1xf32> to vector<10112x32xf32>
    %mul3A_66 = arith.mulf %dot_general3A_64, %mul3A_65 : vector<10112x32xf32>
    %swap3A = arith.constant 0 : index
    %swap3A_67 = arith.constant 0 : index
    %swap3A_68 = vector.load %arg7[%swap3A, %swap3A_67] : memref<10112x32xf32, #tpu.memory_space<vmem>>, vector<10112x32xf32>
    tpu.vector_store %arg7[%swap3A, %swap3A_67], %mul3A_66 {strides = array<i32>} : memref<10112x32xf32, #tpu.memory_space<vmem>>, vector<10112x32xf32>,
    return
  }
}

module attributes {stable_mosaic.version = 14 : i64} {
  func.func @_tc3_body(%arg0: memref<2x10112x32xf32, #tpu.memory_space<vmem>>, %arg1: memref<10112x32xf32, #tpu.memory_space<vmem>>, %arg2: memref<10112x1xf32, #tpu.memory_space<vmem>>, %arg3: memref<1x32xf32, #tpu.memory_space<vmem>>, %arg4: memref<1x32xf32, #tpu.memory_space<vmem>>, %arg5: memref<1x32xf32, #tpu.memory_space<vmem>>, %arg6: memref<32x2xf32, #tpu.memory_space<vmem>>, %arg7: memref<1x2xf32, #tpu.memory_space<vmem>>, %arg8: memref<10112x2xf32, #tpu.memory_space<vmem>>) attributes {dimension_semantics = [], scalar_prefetch = 0 : i64, scratch_operands = 0 : i64, tpu.core_type = #tpu.core_type<tc>} {
    %get3A = arith.constant 0 : index
    %get3A_0 = arith.constant 0 : index
    %get3A_1 = vector.load %arg2[%get3A, %get3A_0] : memref<10112x1xf32, #tpu.memory_space<vmem>>, vector<10112x1xf32>
    %get3A_2 = arith.constant 0 : index
    %get3A_3 = arith.constant 0 : index
    %get3A_4 = arith.constant 0 : index
    %get3A_5 = vector.load %arg0[%get3A_2, %get3A_3, %get3A_4] : memref<2x10112x32xf32, #tpu.memory_space<vmem>>, vector<1x10112x32xf32>
    %get3A_6 = vector.shape_cast %get3A_5 : vector<1x10112x32xf32> to vector<10112x32xf32>
    %get3A_7 = arith.constant 1 : index
    %get3A_8 = arith.constant 0 : index
    %get3A_9 = arith.constant 0 : index
    %get3A_10 = vector.load %arg0[%get3A_7, %get3A_8, %get3A_9] : memref<2x10112x32xf32, #tpu.memory_space<vmem>>, vector<1x10112x32xf32>
    %get3A_11 = vector.shape_cast %get3A_10 : vector<1x10112x32xf32> to vector<10112x32xf32>
    %add3A = arith.addf %get3A_6, %get3A_11 : vector<10112x32xf32>
    %get3A_12 = arith.constant 0 : index
    %get3A_13 = arith.constant 0 : index
    %get3A_14 = vector.load %arg1[%get3A_12, %get3A_13] : memref<10112x32xf32, #tpu.memory_space<vmem>>, vector<10112x32xf32>
    %add3A_15 = arith.addf %add3A, %get3A_14 : vector<10112x32xf32>
    %mul3A = vector.broadcast %get3A_1 : vector<10112x1xf32> to vector<10112x32xf32>
    %mul3A_16 = arith.mulf %add3A_15, %mul3A : vector<10112x32xf32>
    %get3A_17 = arith.constant 0 : index
    %get3A_18 = arith.constant 0 : index
    %get3A_19 = vector.load %arg3[%get3A_17, %get3A_18] : memref<1x32xf32, #tpu.memory_space<vmem>>, vector<1x32xf32>
    %add3A_20 = vector.broadcast %get3A_19 : vector<1x32xf32> to vector<10112x32xf32>
    %add3A_21 = arith.addf %mul3A_16, %add3A_20 : vector<10112x32xf32>
    %get3A_22 = arith.constant 0 : index
    %get3A_23 = arith.constant 0 : index
    %get3A_24 = vector.load %arg4[%get3A_22, %get3A_23] : memref<1x32xf32, #tpu.memory_space<vmem>>, vector<1x32xf32>
    %get3A_25 = arith.constant 0 : index
    %get3A_26 = arith.constant 0 : index
    %get3A_27 = vector.load %arg5[%get3A_25, %get3A_26] : memref<1x32xf32, #tpu.memory_space<vmem>>, vector<1x32xf32>
    %iota3A = tpu.iota {dimensions = array<i32: 0>} : vector<10112x32xi32>
    %lt3A = arith.constant 10000 : i32
    %lt3A_28 = vector.broadcast %lt3A : i32 to vector<10112x32xi32>
    %lt3A_29 = arith.cmpi slt, %iota3A, %lt3A_28 : vector<10112x32xi32>
    %jit3A = arith.constant 0.000000e+00 : f32
    %broadcast_in_dim3A = vector.broadcast %jit3A : f32 to vector<10112x32xf32>
    %select_n3A = arith.select %lt3A_29, %add3A_21, %broadcast_in_dim3A : vector<10112x32xi1>, vector<10112x32xf32>
    %reduce_sum3A = arith.constant dense<0.000000e+00> : vector<32xf32>
    %reduce_sum3A_30 = vector.multi_reduction <add>, %select_n3A, %reduce_sum3A [0] : vector<10112x32xf32> to vector<32xf32>
    %broadcast_in_dim3A_31 = vector.shape_cast %reduce_sum3A_30 : vector<32xf32> to vector<1x32xf32>
    %div3A = arith.constant 1.000000e+04 : f32
    %div3A_32 = vector.broadcast %div3A : f32 to vector<1x32xf32>
    %div3A_33 = arith.divf %broadcast_in_dim3A_31, %div3A_32 : vector<1x32xf32>
    %sub3A = vector.broadcast %div3A_33 : vector<1x32xf32> to vector<10112x32xf32>
    %sub3A_34 = arith.subf %add3A_21, %sub3A : vector<10112x32xf32>
    %jit3A_35 = arith.constant 0.000000e+00 : f32
    %broadcast_in_dim3A_36 = vector.broadcast %jit3A_35 : f32 to vector<10112x32xf32>
    %select_n3A_37 = arith.select %lt3A_29, %sub3A_34, %broadcast_in_dim3A_36 : vector<10112x32xi1>, vector<10112x32xf32>
    %mul3A_38 = arith.mulf %select_n3A_37, %select_n3A_37 : vector<10112x32xf32>
    %reduce_sum3A_39 = arith.constant dense<0.000000e+00> : vector<32xf32>
    %reduce_sum3A_40 = vector.multi_reduction <add>, %mul3A_38, %reduce_sum3A_39 [0] : vector<10112x32xf32> to vector<32xf32>
    %broadcast_in_dim3A_41 = vector.shape_cast %reduce_sum3A_40 : vector<32xf32> to vector<1x32xf32>
    %div3A_42 = arith.constant 1.000000e+04 : f32
    %div3A_43 = vector.broadcast %div3A_42 : f32 to vector<1x32xf32>
    %div3A_44 = arith.divf %broadcast_in_dim3A_41, %div3A_43 : vector<1x32xf32>
    %sub3A_45 = vector.broadcast %div3A_33 : vector<1x32xf32> to vector<10112x32xf32>
    %sub3A_46 = arith.subf %add3A_21, %sub3A_45 : vector<10112x32xf32>
    %add3A_47 = arith.constant 9.99999974E-6 : f32
    %add3A_48 = vector.broadcast %add3A_47 : f32 to vector<1x32xf32>
    %add3A_49 = arith.addf %div3A_44, %add3A_48 : vector<1x32xf32>
    %rsqrt3A = math.rsqrt %add3A_49 : vector<1x32xf32>
    %mul3A_50 = vector.broadcast %rsqrt3A : vector<1x32xf32> to vector<10112x32xf32>
    %mul3A_51 = arith.mulf %sub3A_46, %mul3A_50 : vector<10112x32xf32>
    %mul3A_52 = vector.broadcast %get3A_24 : vector<1x32xf32> to vector<10112x32xf32>
    %mul3A_53 = arith.mulf %mul3A_51, %mul3A_52 : vector<10112x32xf32>
    %add3A_54 = vector.broadcast %get3A_27 : vector<1x32xf32> to vector<10112x32xf32>
    %add3A_55 = arith.addf %mul3A_53, %add3A_54 : vector<10112x32xf32>
    %max3A = arith.constant 0.000000e+00 : f32
    %max3A_56 = vector.broadcast %max3A : f32 to vector<10112x32xf32>
    %max3A_57 = arith.maximumf %add3A_55, %max3A_56 : vector<10112x32xf32>
    %jit3A_58 = arith.constant 0.000000e+00 : f32
    %broadcast_in_dim3A_59 = vector.broadcast %jit3A_58 : f32 to vector<10112x32xf32>
    %select_n3A_60 = arith.select %lt3A_29, %max3A_57, %broadcast_in_dim3A_59 : vector<10112x32xi1>, vector<10112x32xf32>
    %get3A_61 = arith.constant 0 : index
    %get3A_62 = arith.constant 0 : index
    %get3A_63 = vector.load %arg6[%get3A_61, %get3A_62] : memref<32x2xf32, #tpu.memory_space<vmem>>, vector<32x2xf32>
    %dot_general3A = arith.constant dense<0.000000e+00> : vector<10112x2xf32>
    %dot_general3A_64 = tpu.matmul %select_n3A_60, %get3A_63, %dot_general3A {dimension_numbers = #tpu.dot_dimension_numbers<[1], [0], [0], [1], [0, 0, 1, 1], [], []>, transpose_lhs_hint = false} : vector<10112x32xf32>, vector<32x2xf32>, vector<10112x2xf32> -> vector<10112x2xf32>
    %get3A_65 = arith.constant 0 : index
    %get3A_66 = arith.constant 0 : index
    %get3A_67 = vector.load %arg7[%get3A_65, %get3A_66] : memref<1x2xf32, #tpu.memory_space<vmem>>, vector<1x2xf32>
    %add3A_68 = vector.broadcast %get3A_67 : vector<1x2xf32> to vector<10112x2xf32>
    %add3A_69 = arith.addf %dot_general3A_64, %add3A_68 : vector<10112x2xf32>
    %reduce_max3A = arith.constant dense<0xFF800000> : vector<10112xf32>
    %reduce_max3A_70 = vector.multi_reduction <maximumf>, %add3A_69, %reduce_max3A [1] : vector<10112x2xf32> to vector<10112xf32>
    %broadcast_in_dim3A_71 = vector.shape_cast %reduce_max3A_70 : vector<10112xf32> to vector<10112x1xf32>
    %sub3A_72 = vector.broadcast %broadcast_in_dim3A_71 : vector<10112x1xf32> to vector<10112x2xf32>
    %sub3A_73 = arith.subf %add3A_69, %sub3A_72 : vector<10112x2xf32>
    %exp3A = math.exp %sub3A_73 : vector<10112x2xf32>
    %reduce_sum3A_74 = arith.constant dense<0.000000e+00> : vector<10112xf32>
    %reduce_sum3A_75 = vector.multi_reduction <add>, %exp3A, %reduce_sum3A_74 [1] : vector<10112x2xf32> to vector<10112xf32>
    %broadcast_in_dim3A_76 = vector.shape_cast %reduce_sum3A_75 : vector<10112xf32> to vector<10112x1xf32>
    %log3A = math.log %broadcast_in_dim3A_76 : vector<10112x1xf32>
    %add3A_77 = arith.addf %log3A, %broadcast_in_dim3A_71 : vector<10112x1xf32>
    %sub3A_78 = vector.broadcast %add3A_77 : vector<10112x1xf32> to vector<10112x2xf32>
    %sub3A_79 = arith.subf %add3A_69, %sub3A_78 : vector<10112x2xf32>
    %swap3A = arith.constant 0 : index
    %swap3A_80 = arith.constant 0 : index
    %swap3A_81 = vector.load %arg8[%swap3A, %swap3A_80] : memref<10112x2xf32, #tpu.memory_space<vmem>>, vector<10112x2xf32>
    tpu.vector_store %arg8[%swap3A, %swap3A_80], %sub3A_79 {strides = array<i32>} : memref<10112x2xf32, #tpu.memory_space<vmem>>, vector<10112x2xf32>,
    return
  }
}

</mosaic_0001>

<sc_bundles>
// kernel: kernel.11.cloned.1.call-start
scs
__scs_entry_jumppad:
0x0: {  	(pc) =	sbr.rel $0x88, $3  }
0x1: {  	(tag) =	ssettag $0x0;
	lr =	simm.s32 $0x1  }
0x2: {  	[smem:$0x3F95] =	sst lr;
	_ =	strace $0xD0000000  }
0x3: {  	_ = 	snop  }
0x4: {  	_ = 	snop  }
0x5: {  	_ = 	snop  }
0x6: {  	_ = 	snop  }
0x7: {  	_ = 	snop  }
__scs_overlays_trampoline_lowered:
0x8: {  	[smem:$0x3FA4] =	sst s0  }
0x9: {  	[smem:$0x3FA5] =	sst s1  }
0xa: {  	[smem:$0x3FA6] =	sst s2  }
0xb: {  	[smem:$0x3FA7] =	sst s3  }
0xc: {  	[smem:$0x3FA8] =	sst s4  }
0xd: {  	[smem:$0x3FA9] =	sst s5  }
0xe: {  	[smem:$0x3FAA] =	sst s6  }
0xf: {  	[smem:$0x3FAB] =	sst s7  }
0x10: {  	[smem:$0x3FAC] =	sst s8  }
0x11: {  	[smem:$0x3FAD] =	sst s9;
	s0 =	simm.s32 @!p0 $0x0  }
0x12: {  	s1 =	sld [smem:$0x3F93];
	s0 =	simm.s32 @p0 $0x1  }
0x13: {  	[smem:$0x3FAE] =	sst s0;
	s0 =	simm.s32 @!p1 $0x0  }
0x14: {  	s2 =	sld [smem:$0x3F92];
	s0 =	simm.s32 @p1 $0x1  }
0x15: {  	[smem:$0x3FAF] =	sst s0;
	s0 =	simm.s32 @!p2 $0x0  }
0x16: {  	s3 =	sld [smem:$0x3FDB];
	s0 =	simm.s32 @p2 $0x1  }
0x17: {  	s4 =	simm.s32 $0x1BF5;
	[smem:$0x3FB1] =	sst s0  }
0x18: {  	s0 =	sld [smem:$0x3F94];
	_ =	swait.ge [sflag:s4], $0x0  }
0x19: {  	s7 =	sld [smem:$0x3F95]  }
0x1a: {  	s8 =	sadd.s32 $0xFFFFE003, lr  }
0x1b: {  	s9 =	sadd.s32 $0xFFFFFEF7, lr;
	s5 =	simm.s32 $0xFFFFFFFF;
	p2 =	slt.u32 s8, $0xFFFFF086  }
0x1c: {  	p1 =	slt.u32 s9, $0xF7A;
	s5 =	simm.s32 @!p2 $0x0  }
0x1d: {  	s5 =	simm.s32 @p1 $0x1;
	p0 =	seq.s32 s7, s2  }
0x1e: {  	s7 =	smul.u32 @!p0 $0xF7A, s2;
	p2 =	seq.s32 @!p0 s5, $0x0  }
0x1f: {  	s9 =	smul.u32 $0xF7A, s1;
	s8 =	simm.s32 @!p0 $0x1BF5;
	p2 =	por !p2, p0  }
0x20: {  	[sflag:s8] =	ssyncset.s32 @!p0 $0xFFFFF086;
	s6 =	sadd.s32 @!p0 s3, s7;
	s7 =	simm.s32 @!p0 $0x108  }
0x21: {  	s3 =	sadd.s32 s3, s9;
	s6 =	sadd.s32 @!p0 $0x88, s6;
	s7 =	simm.s32 @p2 $0x1082  }
0x22: {  	[simem:s7], [sflag:s8] =	dma.local @!p0 [hbm:s6], $0xF7A  }
0x23: {  	s9 =	sor.u32 $0xD0000000, s2;
	s6 =	simm.s32 $0x108;
	_ =	swait.ge @!p0 [sflag:s8], $0x0  }
0x24: {  	s3 =	sadd.s32 $0x88, s3;
	s6 =	simm.s32 @!p1 $0x1082;
	[sflag:s4] =	ssyncset.s32 $0xFFFFF086  }
0x25: {  	[simem:s6], [sflag:s4] =	dma.local [hbm:s3], $0xF7A  }
0x26: {  	[smem:$0x3F95] =	sst s1;
	(tag) =	ssettag s2;
	_ =	strace s9  }
0x27: {  	s1 =	sld [smem:$0x3FA5]  }
0x28: {  	s2 =	sld [smem:$0x3FA6]  }
0x29: {  	s4 =	sld [smem:$0x3FA8]  }
0x2a: {  	p0 =	seq.s32 s5, $0x0;
	s5 =	sld [smem:$0x3FA9]  }
0x2b: {  	s6 =	sld [smem:$0x3FAA]  }
0x2c: {  	s7 =	sld [smem:$0x3FAB]  }
0x2d: {  	s3 =	simm.s32 $0x108;
	s8 =	sld [smem:$0x3FAC]  }
0x2e: {  	s3 =	simm.s32 @!p0 $0x1082;
	s9 =	sld [smem:$0x3FAD]  }
0x2f: {  	lr =	sadd.s32 s0, s3;
	s0 =	sld [smem:$0x3FA4]  }
0x30: {  	s3 =	sld [smem:$0x3FA7]  }
0x31: {  	[smem:$0x3FB0] =	sst s10  }
0x32: {  	s10 =	sld [smem:$0x3FAE];
	_ =	sdelay $0x3  }
0x33: {  	p0 =	seq.s32 s10, $0x1;
	s10 =	sld [smem:$0x3FB0];
	_ =	sdelay $0x3  }
0x34: {  	[smem:$0x3FB0] =	sst s10  }
0x35: {  	s10 =	sld [smem:$0x3FAF];
	_ =	sdelay $0x3  }
0x36: {  	p1 =	seq.s32 s10, $0x1;
	s10 =	sld [smem:$0x3FB0];
	_ =	sdelay $0x3  }
0x37: {  	[smem:$0x3FB0] =	sst s10  }
0x38: {  	s10 =	sld [smem:$0x3FB1]  }
0x39: {  	_ = 	snop;
	(pc) =	sbr.ind lr, $3  }
0x3a: {  	_ = 	snop  }
0x3b: {  	_ = 	snop  }
0x3c: {  	p2 =	seq.s32 s10, $0x1;
	s10 =	sld [smem:$0x3FB0]  }
0x3d: {  	_ =	shalt  }
0x3e: {  	_ =	shalt  }
0x3f: {  	_ =	shalt  }
0x40: {  	_ =	shalt  }
0x41: {  	_ =	shalt  }
0x42: {  	_ =	shalt  }
0x43: {  	_ =	shalt  }
0x44: {  	_ =	shalt  }
0x45: {  	_ =	shalt  }
0x46: {  	_ =	shalt  }
0x47: {  	_ =	shalt  }
0x48: {  	_ =	shalt  }
0x49: {  	_ =	shalt  }
0x4a: {  	_ =	shalt  }
0x4b: {  	_ =	shalt  }
0x4c: {  	_ =	shalt  }
0x4d: {  	_ =	shalt  }
0x4e: {  	_ =	shalt  }
0x4f: {  	_ =	shalt  }
0x50: {  	_ =	shalt  }
0x51: {  	_ =	shalt  }
0x52: {  	_ =	shalt  }
0x53: {  	_ =	shalt  }
0x54: {  	_ =	shalt  }
0x55: {  	_ =	shalt  }
0x56: {  	_ =	shalt  }
0x57: {  	_ =	shalt  }
0x58: {  	_ =	shalt  }
0x59: {  	_ =	shalt  }
0x5a: {  	_ =	shalt  }
0x5b: {  	_ =	shalt  }
0x5c: {  	_ =	shalt  }
0x5d: {  	_ =	shalt  }
0x5e: {  	_ =	shalt  }
0x5f: {  	_ =	shalt  }
0x60: {  	_ =	shalt  }
0x61: {  	_ =	shalt  }
0x62: {  	_ =	shalt  }
0x63: {  	_ =	shalt  }
0x64: {  	_ =	shalt  }
0x65: {  	_ =	shalt  }
0x66: {  	_ =	shalt  }
0x67: {  	_ =	shalt  }
0x68: {  	_ =	shalt  }
0x69: {  	_ =	shalt  }
0x6a: {  	_ =	shalt  }
0x6b: {  	_ =	shalt  }
0x6c: {  	_ =	shalt  }
0x6d: {  	_ =	shalt  }
0x6e: {  	_ =	shalt  }
0x6f: {  	_ =	shalt  }
0x70: {  	_ =	shalt  }
0x71: {  	_ =	shalt  }
0x72: {  	_ =	shalt  }
0x73: {  	_ =	shalt  }
0x74: {  	_ =	shalt  }
0x75: {  	_ =	shalt  }
0x76: {  	_ =	shalt  }
0x77: {  	_ =	shalt  }
0x78: {  	_ =	shalt  }
0x79: {  	_ =	shalt  }
0x7a: {  	_ =	shalt  }
0x7b: {  	_ =	shalt  }
0x7c: {  	_ =	shalt  }
0x7d: {  	_ =	shalt  }
0x7e: {  	_ =	shalt  }
0x7f: {  	_ =	shalt  }
0x80: {  	_ =	shalt  }
0x81: {  	_ =	shalt  }
0x82: {  	_ =	shalt  }
0x83: {  	_ =	shalt  }
0x84: {  	_ =	shalt  }
0x85: {  	_ =	shalt  }
0x86: {  	_ =	shalt  }
0x87: {  	_ =	shalt  }
.Lfunc_end0:
.L_simem_size_0:
called_computation.1_lowered:
.L_overlay_start_0:
0x88: {  	s2 =	sld [smem:$0x3FD9]  }
0x89: {  	s3 =	sld [smem:$0x3FFE];
	_ =	sdelay $0x1  }
0x8a: {  	s1 =	srdreg.scid  }
0x8b: {  	s0 =	sand.u32 $0x1, s1  }
0x8c: {  	s17 =	sshll.u32 s0, $0xA;
	s2 =	sadd.s32 s3, s2  }
0x8d: {  	s2 =	sadd.s32 s2, s17  }
0x8e: {  	[smem:$0x3FBC] =	sst s2  }
0x8f: {  	_ = 	snop  }
0x90: {  	s2 =	sld [smem:$0x3FC8]  }
0x91: {  	s18 =	sld [smem:$0x3FD0];
	(tm) =	ssettm $0x1  }
0x92: {  	s4 =	sld [smem:$0x3FFB];
	_ =	sdelay $0x3  }
0x93: {  	_ =	strace s4  }
0x94: {  	s4 =	sld [smem:$0x3FFC];
	_ =	sdelay $0x3  }
0x95: {  	_ =	strace s4  }
0x96: {  	s4 =	sld [smem:$0x3FFD];
	_ =	sdelay $0x3  }
0x97: {  	_ =	strace s4  }
0x98: {  	_ =	strace $0x8FFFFFFF  }
0x99: {  	s19 =	sld [smem:$0x3FDB];
	_ =	sdelay $0x1  }
0x9a: {  	s5 =	simm.s32 $_scs_section_size  }
0x9b: {  	s6 =	simm.s32 $_size__tile_overlayer_lowered;
	s7 =	simm.s32 $_tile_overlayer_lowered  }
0x9c: {  	s22 =	simm.s32 $0x1BFF;
	s21 =	sshll.u32 s7, $0x1;
	s4 =	sadd.s32 s5, s19  }
0x9d: {  	s8 =	simm.s32 $0x0;
	s20 =	sshll.u32 s6, $0x1;
	s6 =	sadd.s32 s21, s4  }
0x9e: {  	[timem:s8], [sflag:s22] =	dma.local [hbm:s6], s20  }
0x9f: {  	_ =	swait.ge [sflag:s22], s20  }
0xa0: {  	s5 =	ssub.s32 $0x0, s20;
	[sflag:s22] =	ssyncset.done $0x0  }
0xa1: {  	[sflag:s22] =	ssyncadd.s32 s5;
	_ =	sdelay $0x1  }
0xa2: {  	s23 =	simm.s32 $0x1B8B  }
0xa3: {  	_ =	swait.ge [sflag:s23], $0x1  }
0xa4: {  	[sflag:s23] =	ssyncset.done $0x0  }
0xa5: {  	s25 =	simm.s32 $0x1B8E;
	s24 =	sld [smem:$0x3FFE];
	[sflag:s23] =	ssyncadd.s32 $0xFFFFFFFF  }
0xa6: {  	s26 =	simm.s32 $execute0_lowered;
	[smem:$0x3FD2] =	sst s25  }
0xa7: {  	s6 =	sshll.u32 s26, $0x1;
	_ =	strace $0x80000049;
	[dreg:$0x1] =	wrdreg $0xFFFFFFFF  }
0xa8: {  	s28 =	simm.s32 $_size_execute0_lowered;
	s4 =	sadd.s32 s4, s6;
	[dreg:$0x0] =	wrdreg $0x0  }
0xa9: {  	s6 =	sshll.u32 s28, $0x1;
	[dreg:$0x2] =	wrdreg s4  }
0xaa: {  	[dreg:$0x3] =	wrdreg s6  }
0xab: {  	[dreg:$0x4] =	wrdreg $0xC0  }
0xac: {  	_ =	task [dreg:s8], $0x5FFFF  }
0xad: {  	[dreg:$0x1] =	wrdreg $0xFFFFFFFF  }
0xae: {  	[dreg:$0x0] =	wrdreg $0x60  }
0xaf: {  	[dreg:$0x2] =	wrdreg s24  }
0xb0: {  	[dreg:$0x3] =	wrdreg s2  }
0xb1: {  	[dreg:$0x4] =	wrdreg s18  }
0xb2: {  	[dreg:$0x5] =	wrdreg $0xD0000  }
0xb3: {  	[dreg:$0x6] =	wrdreg $0x9  }
0xb4: {  	_ =	task.clear_ibuf [dreg:s8], $0x7FFFF;
	_ =	strace $0x90000049  }
0xb5: {  	s29 =	simm.s32 $0x9;
	_ =	strace $0x8000004E  }
0xb6: {  	_ =	swait.ge [sflag:s29], $0x1  }
0xb7: {  	[sflag:s29] =	ssyncadd.s32 $0xFFFFFFFF  }
0xb8: {  	_ =	strace $0x9000004E  }
0xb9: {  	_ =	sfence  }
0xba: {  	s30 =	sld [smem:$0x0];
	_ =	sdelay $0x2  }
0xbb: {  	s31 =	sshll.u32 s1, $0xD;
	s1 =	sshrl.u32 s1, $0x2  }
0xbc: {  	s3 =	sand.u32 $0x4000, s31;
	s1 =	sadd.s32 s1, s30  }
0xbd: {  	s0 =	sor.u32 s3, s0;
	s1 =	sshll.u32 s1, $0x11  }
0xbe: {  	s0 =	sor.u32 s1, s0  }
0xbf: {  	s0 =	sadd.s32 $0x8F2B, s0  }
0xc0: {  	[sflag:s0] =	ssyncadd.remote.s32 $0x1  }
0xc1: {  	_ =	sfence.sel $0xFFFF  }
0xc2: {  	[dreg:$0x0] =	wrdreg $0xFFFFFFFF;
	(pc) =	sbr.abs _section_cstart, $3  }
0xc3: {  	[dreg:$0x1] =	wrdreg $0xFFFFFFFF  }
0xc4: {  	_ =	task.clear_ibuf [dreg:s8], $0x2FFFF;
	_ =	strace $0x9FFFFFFF  }
0xc5: {  	(tm) =	ssettm $0x7FFFFFFF  }
tec
execute0_lowered:
.L_overlay_start_1:
0x0: {  	(tag) =	ssettag $0x1  }
0x1: {  	s0 =	rddreg [dreg:$0x0]  }
0x2: {  	s1 =	rddreg [dreg:$0x1]  }
0x3: {  	s2 =	rddreg [dreg:$0x3]  }
0x4: {  	s3 =	simm.s32 $0x0;
	s4 =	srdreg.scid;
	s20 =	stileid.u32  }
0x5: {  	s18 =	simm.s32 $0x14;
	s11 =	simm.s32 $0x14;
	s28 =	simm.s32 $0x5000  }
0x6: {  	s29 =	simm.s32 $0x5;
	s30 =	simm.s32 $0x80;
	s31 =	simm.s32 $0x7000  }
0x7: {  	[smem:$0x7FF] =	sst s3;
	s4 =	sand.u32 $0x1, s4;
	s12 =	smul.u32 $0x9E00, s20  }
0x8: {  	s5 =	sadd.s32 $0x2A00, s0;
	s22 =	smul.u32 $0x13, s20;
	s9 =	smin.u32 s20, $0x9  }
0x9: {  	s10 =	smin.u32 s20, $0x8;
	p1 =	slt.u32 s20, $0x8;
	s6 =	smul.u32 $0x13C00, s4  }
0xa: {  	s7 =	ssub.s32 $0x2, s4;
	_ =	strace $0x8000004A;
	p0 =	seq.s32 s4, $0x0  }
0xb: {  	s11 =	simm.s32 @!p1 $0x13;
	p1 =	slt.u32 s20, $0x9;
	s8 =	sshrl.u32 s7, $0x1  }
0xc: {  	s14 =	sadd.s32 $0x2000, s12;
	s15 =	sadd.s32 $0x4000, s12;
	s16 =	sadd.s32 $0x6000, s12  }
0xd: {  	s9 =	sadd.s32 s9, s22;
	s4 =	sadd.s32 s10, s22;
	s18 =	simm.s32 @!p1 $0x13  }
0xe: {  	s0 =	sadd.s32 s6, s0;
	s13 =	ssub.s32 s7, s8;
	s6 =	sadd.s32 s12, s2  }
0xf: {  	s7 =	sadd.s32 s14, s2;
	s17 =	sadd.s32 $0x138, s9;
	s8 =	sadd.s32 s15, s2  }
0x10: {  	s9 =	sadd.s32 s16, s2;
	s18 =	smov.u32 @p0 s11;
	s22 =	sshrl.u32 s15, $0x3  }
0x11: {  	s15 =	simm.s32 $0x0;
	s17 =	smov.u32 @p0 s4;
	s4 =	sadd.s32 $0x8000, s12  }
0x12: {  	s0 =	sadd.s32 $0x16600, s0;
	s13 =	smax.u32 s13, $0x1;
	s23 =	sshll.u32 s17, $0x2  }
0x13: {  	s10 =	sadd.s32 s4, s2;
	s4 =	sshrl.u32 s4, $0x3;
	s19 =	smin.u32 s23, $0x974  }
0x14: {  	[dreg:$0x9] =	wrdreg s13;
	s17 =	sshll.u32 s17, $0xC;
	s24 =	ssub.s32 s23, s19  }
0x15: {  	s21 =	sshll.u32 s19, $0x5;
	s23 =	sshrl.u32 s16, $0x3;
	s20 =	sshll.u32 s24, $0xA  }
0x16: {  	s24 =	sshll.u32 s18, $0x2;
	s1 =	sadd.s32 s1, s21;
	s21 =	sshrl.u32 s14, $0x3  }
0x17: {  	s14 =	simm.s32 $0x4;
	s11 =	sshra.s32 s20, $0x2;
	[dreg:$0x6] =	wrdreg s1  }
0x18: {  	s20 =	sshrl.u32 s12, $0x3;
	s16 =	sadd.s32 $0xFFFFFFFC, s24;
	s25 =	sor.u32 $0x100, s11  }
0x19: {  	s12 =	simm.s32 $0x2;
	s26 =	sor.u32 $0x200, s11;
	[dreg:$0x7] =	wrdreg s25  }
0x1a: {  	s1 =	sadd.s32 s20, s0;
	s20 =	sadd.s32 s22, s0;
	[dreg:$0x8] =	wrdreg s26  }
0x1b: {  	s22 =	sor.u32 $0x300, s11;
	s25 =	sshll.u32 s18, $0xC;
	[dreg:$0xa] =	wrdreg s1  }
0x1c: {  	s26 =	sshll.u32 s19, $0xA;
	s19 =	sadd.s32 s21, s0;
	[dreg:$0xc] =	wrdreg s20  }
0x1d: {  	s21 =	sadd.s32 s23, s0;
	s0 =	sadd.s32 s4, s0;
	[dreg:$0xf] =	wrdreg s22  }
0x1e: {  	s23 =	sadd.s32 $0xFFFFFFFA, s24;
	s4 =	simm.s32 $0xB000;
	[dreg:$0xb] =	wrdreg s19  }
0x1f: {  	s1 =	simm.s32 $0x1;
	s13 =	sadd.s32 $0xFFFFF000, s25;
	[dreg:$0xd] =	wrdreg s21  }
0x20: {  	s18 =	ssub.s32 s17, s26;
	s17 =	sadd.s32 $0xFFFFFFFB, s24;
	[dreg:$0xe] =	wrdreg s0  }
0x21: {  	s24 =	sadd.s32 $0xFFFFFFF9, s24;
	s26 =	smov.u32 s11;
	s0 =	simm.s32 $0x9000  }
0x22: {  	[dreg:$0x5] =	wrdreg s13;
	s25 =	sshra.s32 s18, $0x2;
	s13 =	simm.s32 $0x3  }
.LBB2_1:
0x23: {  	_ =	strace $0x8000004B  }
0x24: {  	s11 =	rddreg [dreg:$0x2]  }
0x25: {  	[tilespmem:s28], [sflag:$0x5] =	stream.linear.gather [hbm4b:s11+s3], $0x2000, $0x200038;
	[tilespmem:$0x16E00] =	vst v63  }
0x26: {  	_ =	swait.ge [sflag:s29], $0x2000  }
0x27: {  	[sflag:s29] =	ssyncset.done $0x0  }
0x28: {  	[sflag:s29] =	ssyncadd.s32 $0xFFFFE000  }
0x29: {  	[spmem:s6] =	stream.linear.scatter [tilespmem:s28], [sflag:$0x5], $0x2000, $0x200038;
	[tilespmem:$0x16E00] =	vst v63  }
0x2a: {  	_ =	swait.ge [sflag:s29], $0x2000  }
0x2b: {  	[sflag:s29] =	ssyncset.done $0x0  }
0x2c: {  	[sflag:s29] =	ssyncadd.s32 $0xFFFFE000  }
0x2d: {  	[spmem:s7] =	stream.linear.scatter [tilespmem:s28], [sflag:$0x5], $0x2000, $0x200038;
	[tilespmem:$0x16E00] =	vst v63  }
0x2e: {  	_ =	swait.ge [sflag:s29], $0x2000  }
0x2f: {  	[sflag:s29] =	ssyncset.done $0x0  }
0x30: {  	[sflag:s29] =	ssyncadd.s32 $0xFFFFE000  }
0x31: {  	[spmem:s8] =	stream.linear.scatter [tilespmem:s28], [sflag:$0x5], $0x2000, $0x200038;
	[tilespmem:$0x16E00] =	vst v63  }
0x32: {  	_ =	swait.ge [sflag:s29], $0x2000  }
0x33: {  	[sflag:s29] =	ssyncset.done $0x0  }
0x34: {  	[sflag:s29] =	ssyncadd.s32 $0xFFFFE000  }
0x35: {  	[spmem:s9] =	stream.linear.scatter [tilespmem:s28], [sflag:$0x5], $0x2000, $0x200038;
	[tilespmem:$0x16E00] =	vst v63  }
0x36: {  	_ =	swait.ge [sflag:s29], $0x2000  }
0x37: {  	[sflag:s29] =	ssyncset.done $0x0  }
0x38: {  	[sflag:s29] =	ssyncadd.s32 $0xFFFFE000  }
0x39: {  	[spmem:s10] =	stream.linear.scatter [tilespmem:s28], [sflag:$0x5], $0x1E00, $0x200038;
	[tilespmem:$0x16E00] =	vst v63  }
0x3a: {  	_ =	swait.ge [sflag:s29], $0x1E00  }
0x3b: {  	[sflag:s29] =	ssyncset.done $0x0  }
0x3c: {  	s19 =	rddreg [dreg:$0x6];
	[sflag:s29] =	ssyncadd.s32 $0xFFFFE200  }
0x3d: {  	[tilespmem:s3], [sflag:$0x5] =	stream.linear.gather [hbm4b:s19+s3], $0x5000, $0x200038;
	[tilespmem:$0x16E00] =	vst v63  }
0x3e: {  	_ =	swait.ge [sflag:s29], $0x5000  }
0x3f: {  	[sflag:s29] =	ssyncset.done $0x0  }
0x40: {  	[sflag:s29] =	ssyncadd.s32 $0xFFFFB000  }
0x41: {  	[bflag:$0x0] =	sbarrier.arrive $0xFFFF  }
0x42: {  	_ =	strace $0x9000004B  }
0x43: {  	_ =	strace $0x8000004C  }
0x44: {  	[tilespmem:s28], [sflag:$0x1] =	stream.indirect.gather [hbm4b:s5+s30], $0x40, s26, s30, $0x2000b8;
	[tilespmem:$0x16E00] =	vst v63  }
0x45: {  	s20 =	rddreg [dreg:$0x7]  }
0x46: {  	[tilespmem:s31], [sflag:$0x2] =	stream.indirect.gather [hbm4b:s5+s30], $0x40, s20, s30, $0x2000b8;
	[tilespmem:$0x16E00] =	vst v63  }
0x47: {  	s21 =	rddreg [dreg:$0x8]  }
0x48: {  	[tilespmem:s0], [sflag:$0x3] =	stream.indirect.gather [hbm4b:s5+s30], $0x40, s21, s30, $0x2000b8;
	[tilespmem:$0x16E00] =	vst v63  }
0x49: {  	s18 =	simm.s32 $0x0;
	s19 =	simm.s32 $0x0;
	s22 =	rddreg [dreg:$0xf]  }
0x4a: {  	[tilespmem:s4], [sflag:$0x4] =	stream.indirect.gather [hbm4b:s5+s30], $0x40, s22, s30, $0x2000b8;
	[tilespmem:$0x16E00] =	vst v63  }
.LBB2_2:
0x4b: {  	_ =	swait.ge [sflag:s1], $0x2000;
	s20 =	sshra.s32 s18, $0x2  }
0x4c: {  	[sflag:s1] =	ssyncset.done $0x0;
	s20 =	sadd.s32 s20, s25  }
0x4d: {  	p0 =	sge.u32 s19, s16;
	[sflag:s1] =	ssyncadd.s32 $0xFFFFE000;
	s21 =	sadd.s32 $0x80, s20  }
0x4e: {  	[spmem:s2] =	stream.indirect.scatter.add.f32 [tilespmem:s28], [sflag:$0x5], $0x40, s21, s30, $0x2000b8;
	[tilespmem:$0x16E00] =	vst v63  }
0x4f: {  	s21 =	sshra.s32 @!p0 s18, $0x2;
	_ =	swait.ge [sflag:s29], $0x2000  }
0x50: {  	s11 =	simm.s32 @!p0 $0x80;
	s21 =	sadd.s32 @!p0 s21, s25;
	[sflag:s29] =	ssyncset.done $0x0  }
0x51: {  	s22 =	simm.s32 @!p0 $0x5000;
	s21 =	sadd.s32 @!p0 $0x400, s21;
	[sflag:s29] =	ssyncadd.s32 $0xFFFFE000  }
0x52: {  	[tilespmem:s22], [sflag:$0x1] =	stream.indirect.gather @!p0 [hbm4b:s5+s11], $0x40, s21, s11, $0x2000b8;
	[tilespmem:$0x16E00] =	vst v63  }
0x53: {  	_ =	swait.ge [sflag:s12], $0x2000  }
0x54: {  	[sflag:s12] =	ssyncset.done $0x0  }
0x55: {  	s22 =	sadd.s32 $0x180, s20;
	p0 =	sge.u32 s19, s17;
	[sflag:s12] =	ssyncadd.s32 $0xFFFFE000  }
0x56: {  	[spmem:s2] =	stream.indirect.scatter.add.f32 [tilespmem:s31], [sflag:$0x5], $0x40, s22, s30, $0x2000b8;
	[tilespmem:$0x16E00] =	vst v63  }
0x57: {  	s11 =	sshra.s32 @!p0 s18, $0x2;
	_ =	swait.ge [sflag:s29], $0x2000  }
0x58: {  	s21 =	simm.s32 @!p0 $0x80;
	s11 =	sadd.s32 @!p0 s11, s25;
	[sflag:s29] =	ssyncset.done $0x0  }
0x59: {  	s11 =	sadd.s32 @!p0 $0x500, s11;
	s22 =	simm.s32 @!p0 $0x7000;
	[sflag:s29] =	ssyncadd.s32 $0xFFFFE000  }
0x5a: {  	[tilespmem:s22], [sflag:$0x2] =	stream.indirect.gather @!p0 [hbm4b:s5+s21], $0x40, s11, s21, $0x2000b8;
	[tilespmem:$0x16E00] =	vst v63  }
0x5b: {  	_ =	swait.ge [sflag:s13], $0x2000  }
0x5c: {  	[sflag:s13] =	ssyncset.done $0x0  }
0x5d: {  	s21 =	sadd.s32 $0x280, s20;
	p0 =	sge.u32 s19, s23;
	[sflag:s13] =	ssyncadd.s32 $0xFFFFE000  }
0x5e: {  	[spmem:s2] =	stream.indirect.scatter.add.f32 [tilespmem:s0], [sflag:$0x5], $0x40, s21, s30, $0x2000b8;
	[tilespmem:$0x16E00] =	vst v63  }
0x5f: {  	s11 =	sshra.s32 @!p0 s18, $0x2;
	_ =	swait.ge [sflag:s29], $0x2000  }
0x60: {  	s22 =	simm.s32 @!p0 $0x9000;
	s11 =	sadd.s32 @!p0 s11, s25;
	[sflag:s29] =	ssyncset.done $0x0  }
0x61: {  	s11 =	sadd.s32 @!p0 $0x600, s11;
	s21 =	simm.s32 @!p0 $0x80;
	[sflag:s29] =	ssyncadd.s32 $0xFFFFE000  }
0x62: {  	[tilespmem:s22], [sflag:$0x3] =	stream.indirect.gather @!p0 [hbm4b:s5+s21], $0x40, s11, s21, $0x2000b8;
	[tilespmem:$0x16E00] =	vst v63  }
0x63: {  	_ =	swait.ge [sflag:s14], $0x2000  }
0x64: {  	p0 =	sge.u32 s19, s24;
	[sflag:s14] =	ssyncset.done $0x0  }
0x65: {  	s22 =	sadd.s32 $0x380, s20;
	s11 =	sshra.s32 @!p0 s18, $0x2;
	[sflag:s14] =	ssyncadd.s32 $0xFFFFE000  }
0x66: {  	[spmem:s2] =	stream.indirect.scatter.add.f32 [tilespmem:s4], [sflag:$0x5], $0x40, s22, s30, $0x2000b8;
	[tilespmem:$0x16E00] =	vst v63  }
0x67: {  	s20 =	simm.s32 @!p0 $0x80;
	s21 =	simm.s32 @!p0 $0xB000;
	_ =	swait.ge [sflag:s29], $0x2000  }
0x68: {  	s18 =	sadd.s32 $0x1000, s18;
	s11 =	sadd.s32 @!p0 s11, s25;
	[sflag:s29] =	ssyncset.done $0x0  }
0x69: {  	s11 =	sadd.s32 @!p0 $0x700, s11;
	s22 =	rddreg [dreg:$0x5];
	[sflag:s29] =	ssyncadd.s32 $0xFFFFE000  }
0x6a: {  	[tilespmem:s21], [sflag:$0x4] =	stream.indirect.gather @!p0 [hbm4b:s5+s20], $0x40, s11, s20, $0x2000b8;
	[tilespmem:$0x16E00] =	vst v63  }
0x6b: {  	p0 =	sne.s32 s22, s18  }
.Ltmp0:
0x6c: {  	_ = 	snop;
	(pc) =	sbr.rel @p0 .LBB2_2-.Ltmp0, $2  }
0x6d: {  	_ =	sdelay $0x2  }
0x6e: {  	s19 =	sadd.s32 $0x4, s19  }
0x6f: {  	_ =	swait.ge [sflag:s1], $0x2000;
	s11 =	sshra.s32 s18, $0x2  }
0x70: {  	[sflag:s1] =	ssyncset.done $0x0;
	s11 =	sadd.s32 s11, s25  }
0x71: {  	p0 =	sge.u32 s19, s16;
	[sflag:s1] =	ssyncadd.s32 $0xFFFFE000;
	s20 =	sadd.s32 $0x80, s11  }
0x72: {  	[spmem:s2] =	stream.indirect.scatter.add.f32 [tilespmem:s28], [sflag:$0x5], $0x40, s20, s30, $0x2000b8;
	[tilespmem:$0x16E00] =	vst v63  }
0x73: {  	s20 =	sshra.s32 @!p0 s18, $0x2;
	_ =	swait.ge [sflag:s29], $0x2000  }
0x74: {  	s21 =	simm.s32 @!p0 $0x80;
	s20 =	sadd.s32 @!p0 s20, s25;
	[sflag:s29] =	ssyncset.done $0x0  }
0x75: {  	s22 =	simm.s32 @!p0 $0x5000;
	s20 =	sadd.s32 @!p0 $0x400, s20;
	[sflag:s29] =	ssyncadd.s32 $0xFFFFE000  }
0x76: {  	[tilespmem:s22], [sflag:$0x1] =	stream.indirect.gather @!p0 [hbm4b:s5+s21], $0x40, s20, s21, $0x2000b8;
	[tilespmem:$0x16E00] =	vst v63  }
0x77: {  	_ =	swait.ge [sflag:s12], $0x2000  }
0x78: {  	[sflag:s12] =	ssyncset.done $0x0  }
0x79: {  	s22 =	sadd.s32 $0x180, s11;
	p0 =	sge.u32 s19, s17;
	[sflag:s12] =	ssyncadd.s32 $0xFFFFE000  }
0x7a: {  	[spmem:s2] =	stream.indirect.scatter.add.f32 [tilespmem:s31], [sflag:$0x5], $0x40, s22, s30, $0x2000b8;
	[tilespmem:$0x16E00] =	vst v63  }
0x7b: {  	s20 =	sshra.s32 @!p0 s18, $0x2;
	_ =	swait.ge [sflag:s29], $0x2000  }
0x7c: {  	s21 =	simm.s32 @!p0 $0x80;
	s20 =	sadd.s32 @!p0 s20, s25;
	[sflag:s29] =	ssyncset.done $0x0  }
0x7d: {  	s20 =	sadd.s32 @!p0 $0x500, s20;
	s22 =	simm.s32 @!p0 $0x7000;
	[sflag:s29] =	ssyncadd.s32 $0xFFFFE000  }
0x7e: {  	[tilespmem:s22], [sflag:$0x2] =	stream.indirect.gather @!p0 [hbm4b:s5+s21], $0x40, s20, s21, $0x2000b8;
	[tilespmem:$0x16E00] =	vst v63  }
0x7f: {  	_ =	swait.ge [sflag:s13], $0x2000  }
0x80: {  	[sflag:s13] =	ssyncset.done $0x0  }
0x81: {  	s21 =	sadd.s32 $0x280, s11;
	p0 =	sge.u32 s19, s23;
	[sflag:s13] =	ssyncadd.s32 $0xFFFFE000  }
0x82: {  	[spmem:s2] =	stream.indirect.scatter.add.f32 [tilespmem:s0], [sflag:$0x5], $0x40, s21, s30, $0x2000b8;
	[tilespmem:$0x16E00] =	vst v63  }
0x83: {  	s20 =	sshra.s32 @!p0 s18, $0x2;
	_ =	swait.ge [sflag:s29], $0x2000  }
0x84: {  	s22 =	simm.s32 @!p0 $0x9000;
	s20 =	sadd.s32 @!p0 s20, s25;
	[sflag:s29] =	ssyncset.done $0x0  }
0x85: {  	s20 =	sadd.s32 @!p0 $0x600, s20;
	s21 =	simm.s32 @!p0 $0x80;
	[sflag:s29] =	ssyncadd.s32 $0xFFFFE000  }
0x86: {  	[tilespmem:s22], [sflag:$0x3] =	stream.indirect.gather @!p0 [hbm4b:s5+s21], $0x40, s20, s21, $0x2000b8;
	[tilespmem:$0x16E00] =	vst v63  }
0x87: {  	_ =	swait.ge [sflag:s14], $0x2000  }
0x88: {  	[sflag:s14] =	ssyncset.done $0x0  }
0x89: {  	s11 =	sadd.s32 $0x380, s11;
	p0 =	sge.u32 s19, s24;
	[sflag:s14] =	ssyncadd.s32 $0xFFFFE000  }
0x8a: {  	[spmem:s2] =	stream.indirect.scatter.add.f32 [tilespmem:s4], [sflag:$0x5], $0x40, s11, s30, $0x2000b8;
	[tilespmem:$0x16E00] =	vst v63  }
0x8b: {  	s11 =	sshra.s32 @!p0 s18, $0x2;
	_ =	swait.ge [sflag:s29], $0x2000  }
0x8c: {  	s19 =	simm.s32 @!p0 $0xB000;
	s11 =	sadd.s32 @!p0 s11, s25;
	[sflag:s29] =	ssyncset.done $0x0  }
0x8d: {  	s18 =	simm.s32 @!p0 $0x80;
	s11 =	sadd.s32 @!p0 $0x700, s11;
	[sflag:s29] =	ssyncadd.s32 $0xFFFFE000  }
0x8e: {  	[tilespmem:s19], [sflag:$0x4] =	stream.indirect.gather @!p0 [hbm4b:s5+s18], $0x40, s11, s18, $0x2000b8;
	[tilespmem:$0x16E00] =	vst v63  }
0x8f: {  	[bflag:$0x0] =	sbarrier.arrive $0xFFFF  }
0x90: {  	_ =	strace $0x9000004C  }
0x91: {  	_ =	strace $0x8000004D  }
0x92: {  	[tilespmem:s28], [sflag:$0x5] =	stream.linear.gather [spmem:s6], $0x2000, $0x200038;
	[tilespmem:$0x16E00] =	vst v63  }
0x93: {  	_ =	swait.ge [sflag:s29], $0x2000  }
0x94: {  	[sflag:s29] =	ssyncset.done $0x0  }
0x95: {  	s22 =	rddreg [dreg:$0xa];
	[sflag:s29] =	ssyncadd.s32 $0xFFFFE000  }
0x96: {  	[hbm4b:s22+s3] =	stream.linear.scatter [tilespmem:s28], [sflag:$0x5], $0x2000, $0x200038;
	[tilespmem:$0x16E00] =	vst v63  }
0x97: {  	_ =	swait.ge [sflag:s29], $0x2000  }
0x98: {  	[sflag:s29] =	ssyncset.done $0x0  }
0x99: {  	[sflag:s29] =	ssyncadd.s32 $0xFFFFE000  }
0x9a: {  	[tilespmem:s28], [sflag:$0x5] =	stream.linear.gather [spmem:s7], $0x2000, $0x200038;
	[tilespmem:$0x16E00] =	vst v63  }
0x9b: {  	_ =	swait.ge [sflag:s29], $0x2000  }
0x9c: {  	[sflag:s29] =	ssyncset.done $0x0  }
0x9d: {  	s18 =	rddreg [dreg:$0xb];
	[sflag:s29] =	ssyncadd.s32 $0xFFFFE000  }
0x9e: {  	[hbm4b:s18+s3] =	stream.linear.scatter [tilespmem:s28], [sflag:$0x5], $0x2000, $0x200038;
	[tilespmem:$0x16E00] =	vst v63  }
0x9f: {  	_ =	swait.ge [sflag:s29], $0x2000  }
0xa0: {  	[sflag:s29] =	ssyncset.done $0x0  }
0xa1: {  	[sflag:s29] =	ssyncadd.s32 $0xFFFFE000  }
0xa2: {  	[tilespmem:s28], [sflag:$0x5] =	stream.linear.gather [spmem:s8], $0x2000, $0x200038;
	[tilespmem:$0x16E00] =	vst v63  }
0xa3: {  	_ =	swait.ge [sflag:s29], $0x2000  }
0xa4: {  	[sflag:s29] =	ssyncset.done $0x0  }
0xa5: {  	s19 =	rddreg [dreg:$0xc];
	[sflag:s29] =	ssyncadd.s32 $0xFFFFE000  }
0xa6: {  	[hbm4b:s19+s3] =	stream.linear.scatter [tilespmem:s28], [sflag:$0x5], $0x2000, $0x200038;
	[tilespmem:$0x16E00] =	vst v63  }
0xa7: {  	_ =	swait.ge [sflag:s29], $0x2000  }
0xa8: {  	[sflag:s29] =	ssyncset.done $0x0  }
0xa9: {  	[sflag:s29] =	ssyncadd.s32 $0xFFFFE000  }
0xaa: {  	[tilespmem:s28], [sflag:$0x5] =	stream.linear.gather [spmem:s9], $0x2000, $0x200038;
	[tilespmem:$0x16E00] =	vst v63  }
0xab: {  	_ =	swait.ge [sflag:s29], $0x2000  }
0xac: {  	[sflag:s29] =	ssyncset.done $0x0  }
0xad: {  	s20 =	rddreg [dreg:$0xd];
	[sflag:s29] =	ssyncadd.s32 $0xFFFFE000  }
0xae: {  	[hbm4b:s20+s3] =	stream.linear.scatter [tilespmem:s28], [sflag:$0x5], $0x2000, $0x200038;
	[tilespmem:$0x16E00] =	vst v63  }
0xaf: {  	_ =	swait.ge [sflag:s29], $0x2000  }
0xb0: {  	[sflag:s29] =	ssyncset.done $0x0  }
0xb1: {  	[sflag:s29] =	ssyncadd.s32 $0xFFFFE000  }
0xb2: {  	[tilespmem:s28], [sflag:$0x5] =	stream.linear.gather [spmem:s10], $0x1E00, $0x200038;
	[tilespmem:$0x16E00] =	vst v63  }
0xb3: {  	_ =	swait.ge [sflag:s29], $0x1E00  }
0xb4: {  	[sflag:s29] =	ssyncset.done $0x0  }
0xb5: {  	s21 =	rddreg [dreg:$0xe];
	[sflag:s29] =	ssyncadd.s32 $0xFFFFE200  }
0xb6: {  	[hbm4b:s21+s3] =	stream.linear.scatter [tilespmem:s28], [sflag:$0x5], $0x1E00, $0x200038;
	[tilespmem:$0x16E00] =	vst v63  }
0xb7: {  	_ =	swait.ge [sflag:s29], $0x1E00  }
0xb8: {  	s15 =	sadd.s32 $0x1, s15;
	s22 =	rddreg [dreg:$0x9]  }
0xb9: {  	p0 =	sne.s32 s15, s22  }
.Ltmp1:
0xba: {  	_ = 	snop;
	(pc) =	sbr.rel @p0 .LBB2_1-.Ltmp1, $4  }
0xbb: {  	_ = 	snop  }
0xbc: {  	[sflag:s29] =	ssyncset.done $0x0  }
0xbd: {  	[sflag:s29] =	ssyncadd.s32 $0xFFFFE200  }
0xbe: {  	_ =	strace $0x9000004D  }
0xbf: {  	_ =	sfence.sel $0x180000  }
0xc0: {  	[bflag:$0x0] =	sbarrier.arrive $0xFFFF  }
0xc1: {  	_ =	strace $0x9000004A  }
0xc2: {  	s0 =	stileid.u32;
	[bflag:$0x2] =	sbarrier.arrive $0xFFFF  }
0xc3: {  	p0 =	sne.s32 s0, $0x0;
	s0 =	rddreg [dreg:$0x4]  }
0xc4: {  	s0 =	sadd.s32 @!p0 $0x100000, s0  }
0xc5: {  	[sflag:s0] =	ssyncadd.tile.s32 @!p0 $0x1;
	_ =	shalt  }
.Lfunc_end2:
_tile_overlayer_lowered:
.L_overlay_start_2:
0xc6: {  	(tag) =	ssettag $0x2  }
0xc7: {  	s0 =	rddreg [dreg:$0x0];
	s2 =	stileid.u32  }
0xc8: {  	s1 =	rddreg [dreg:$0x1];
	p0 =	sne.s32 s2, $0x0  }
0xc9: {  	s3 =	rddreg [dreg:$0x2];
	[bflag:$0x3] =	sbarrier.arrive $0xFFFF;
	s2 =	simm.s32 @!p0 $0x1C05  }
0xca: {  	[timem:s3], [sflag:s2] =	dma.local @!p0 [hbm:s0], s1  }
0xcb: {  	s0 =	simm.s32 @!p0 $0x5  }
0xcc: {  	_ =	swait.ge @!p0 [sflag:s0], s1  }
0xcd: {  	s1 =	ssub.s32 @!p0 $0x0, s1;
	[sflag:s0] =	ssyncset.done @!p0 $0x0  }
0xce: {  	[sflag:s0] =	ssyncadd.s32 @!p0 s1  }
0xcf: {  	[bflag:$0x3] =	sbarrier.arrive $0xFFFF  }
0xd0: {  	_ =	shalt  }

// kernel: kernel.14.cloned.1.call-start
scs
__scs_entry_jumppad:
0x0: {  	(pc) =	sbr.rel $0x88, $3  }
0x1: {  	(tag) =	ssettag $0x0;
	lr =	simm.s32 $0x1  }
0x2: {  	[smem:$0x3F95] =	sst lr;
	_ =	strace $0xD0000000  }
0x3: {  	_ = 	snop  }
0x4: {  	_ = 	snop  }
0x5: {  	_ = 	snop  }
0x6: {  	_ = 	snop  }
0x7: {  	_ = 	snop  }
__scs_overlays_trampoline_lowered:
0x8: {  	[smem:$0x3FA4] =	sst s0  }
0x9: {  	[smem:$0x3FA5] =	sst s1  }
0xa: {  	[smem:$0x3FA6] =	sst s2  }
0xb: {  	[smem:$0x3FA7] =	sst s3  }
0xc: {  	[smem:$0x3FA8] =	sst s4  }
0xd: {  	[smem:$0x3FA9] =	sst s5  }
0xe: {  	[smem:$0x3FAA] =	sst s6  }
0xf: {  	[smem:$0x3FAB] =	sst s7  }
0x10: {  	[smem:$0x3FAC] =	sst s8  }
0x11: {  	[smem:$0x3FAD] =	sst s9;
	s0 =	simm.s32 @!p0 $0x0  }
0x12: {  	s1 =	sld [smem:$0x3F93];
	s0 =	simm.s32 @p0 $0x1  }
0x13: {  	[smem:$0x3FAE] =	sst s0;
	s0 =	simm.s32 @!p1 $0x0  }
0x14: {  	s2 =	sld [smem:$0x3F92];
	s0 =	simm.s32 @p1 $0x1  }
0x15: {  	[smem:$0x3FAF] =	sst s0;
	s0 =	simm.s32 @!p2 $0x0  }
0x16: {  	s3 =	sld [smem:$0x3FDB];
	s0 =	simm.s32 @p2 $0x1  }
0x17: {  	s4 =	simm.s32 $0x1BF5;
	[smem:$0x3FB1] =	sst s0  }
0x18: {  	s0 =	sld [smem:$0x3F94];
	_ =	swait.ge [sflag:s4], $0x0  }
0x19: {  	s7 =	sld [smem:$0x3F95]  }
0x1a: {  	s8 =	sadd.s32 $0xFFFFE003, lr  }
0x1b: {  	s9 =	sadd.s32 $0xFFFFFEF7, lr;
	s5 =	simm.s32 $0xFFFFFFFF;
	p2 =	slt.u32 s8, $0xFFFFF086  }
0x1c: {  	p1 =	slt.u32 s9, $0xF7A;
	s5 =	simm.s32 @!p2 $0x0  }
0x1d: {  	s5 =	simm.s32 @p1 $0x1;
	p0 =	seq.s32 s7, s2  }
0x1e: {  	s7 =	smul.u32 @!p0 $0xF7A, s2;
	p2 =	seq.s32 @!p0 s5, $0x0  }
0x1f: {  	s9 =	smul.u32 $0xF7A, s1;
	s8 =	simm.s32 @!p0 $0x1BF5;
	p2 =	por !p2, p0  }
0x20: {  	[sflag:s8] =	ssyncset.s32 @!p0 $0xFFFFF086;
	s6 =	sadd.s32 @!p0 s3, s7;
	s7 =	simm.s32 @!p0 $0x108  }
0x21: {  	s3 =	sadd.s32 s3, s9;
	s6 =	sadd.s32 @!p0 $0x88, s6;
	s7 =	simm.s32 @p2 $0x1082  }
0x22: {  	[simem:s7], [sflag:s8] =	dma.local @!p0 [hbm:s6], $0xF7A  }
0x23: {  	s9 =	sor.u32 $0xD0000000, s2;
	s6 =	simm.s32 $0x108;
	_ =	swait.ge @!p0 [sflag:s8], $0x0  }
0x24: {  	s3 =	sadd.s32 $0x88, s3;
	s6 =	simm.s32 @!p1 $0x1082;
	[sflag:s4] =	ssyncset.s32 $0xFFFFF086  }
0x25: {  	[simem:s6], [sflag:s4] =	dma.local [hbm:s3], $0xF7A  }
0x26: {  	[smem:$0x3F95] =	sst s1;
	(tag) =	ssettag s2;
	_ =	strace s9  }
0x27: {  	s1 =	sld [smem:$0x3FA5]  }
0x28: {  	s2 =	sld [smem:$0x3FA6]  }
0x29: {  	s4 =	sld [smem:$0x3FA8]  }
0x2a: {  	p0 =	seq.s32 s5, $0x0;
	s5 =	sld [smem:$0x3FA9]  }
0x2b: {  	s6 =	sld [smem:$0x3FAA]  }
0x2c: {  	s7 =	sld [smem:$0x3FAB]  }
0x2d: {  	s3 =	simm.s32 $0x108;
	s8 =	sld [smem:$0x3FAC]  }
0x2e: {  	s3 =	simm.s32 @!p0 $0x1082;
	s9 =	sld [smem:$0x3FAD]  }
0x2f: {  	lr =	sadd.s32 s0, s3;
	s0 =	sld [smem:$0x3FA4]  }
0x30: {  	s3 =	sld [smem:$0x3FA7]  }
0x31: {  	[smem:$0x3FB0] =	sst s10  }
0x32: {  	s10 =	sld [smem:$0x3FAE];
	_ =	sdelay $0x3  }
0x33: {  	p0 =	seq.s32 s10, $0x1;
	s10 =	sld [smem:$0x3FB0];
	_ =	sdelay $0x3  }
0x34: {  	[smem:$0x3FB0] =	sst s10  }
0x35: {  	s10 =	sld [smem:$0x3FAF];
	_ =	sdelay $0x3  }
0x36: {  	p1 =	seq.s32 s10, $0x1;
	s10 =	sld [smem:$0x3FB0];
	_ =	sdelay $0x3  }
0x37: {  	[smem:$0x3FB0] =	sst s10  }
0x38: {  	s10 =	sld [smem:$0x3FB1]  }
0x39: {  	_ = 	snop;
	(pc) =	sbr.ind lr, $3  }
0x3a: {  	_ = 	snop  }
0x3b: {  	_ = 	snop  }
0x3c: {  	p2 =	seq.s32 s10, $0x1;
	s10 =	sld [smem:$0x3FB0]  }
0x3d: {  	_ =	shalt  }
0x3e: {  	_ =	shalt  }
0x3f: {  	_ =	shalt  }
0x40: {  	_ =	shalt  }
0x41: {  	_ =	shalt  }
0x42: {  	_ =	shalt  }
0x43: {  	_ =	shalt  }
0x44: {  	_ =	shalt  }
0x45: {  	_ =	shalt  }
0x46: {  	_ =	shalt  }
0x47: {  	_ =	shalt  }
0x48: {  	_ =	shalt  }
0x49: {  	_ =	shalt  }
0x4a: {  	_ =	shalt  }
0x4b: {  	_ =	shalt  }
0x4c: {  	_ =	shalt  }
0x4d: {  	_ =	shalt  }
0x4e: {  	_ =	shalt  }
0x4f: {  	_ =	shalt  }
0x50: {  	_ =	shalt  }
0x51: {  	_ =	shalt  }
0x52: {  	_ =	shalt  }
0x53: {  	_ =	shalt  }
0x54: {  	_ =	shalt  }
0x55: {  	_ =	shalt  }
0x56: {  	_ =	shalt  }
0x57: {  	_ =	shalt  }
0x58: {  	_ =	shalt  }
0x59: {  	_ =	shalt  }
0x5a: {  	_ =	shalt  }
0x5b: {  	_ =	shalt  }
0x5c: {  	_ =	shalt  }
0x5d: {  	_ =	shalt  }
0x5e: {  	_ =	shalt  }
0x5f: {  	_ =	shalt  }
0x60: {  	_ =	shalt  }
0x61: {  	_ =	shalt  }
0x62: {  	_ =	shalt  }
0x63: {  	_ =	shalt  }
0x64: {  	_ =	shalt  }
0x65: {  	_ =	shalt  }
0x66: {  	_ =	shalt  }
0x67: {  	_ =	shalt  }
0x68: {  	_ =	shalt  }
0x69: {  	_ =	shalt  }
0x6a: {  	_ =	shalt  }
0x6b: {  	_ =	shalt  }
0x6c: {  	_ =	shalt  }
0x6d: {  	_ =	shalt  }
0x6e: {  	_ =	shalt  }
0x6f: {  	_ =	shalt  }
0x70: {  	_ =	shalt  }
0x71: {  	_ =	shalt  }
0x72: {  	_ =	shalt  }
0x73: {  	_ =	shalt  }
0x74: {  	_ =	shalt  }
0x75: {  	_ =	shalt  }
0x76: {  	_ =	shalt  }
0x77: {  	_ =	shalt  }
0x78: {  	_ =	shalt  }
0x79: {  	_ =	shalt  }
0x7a: {  	_ =	shalt  }
0x7b: {  	_ =	shalt  }
0x7c: {  	_ =	shalt  }
0x7d: {  	_ =	shalt  }
0x7e: {  	_ =	shalt  }
0x7f: {  	_ =	shalt  }
0x80: {  	_ =	shalt  }
0x81: {  	_ =	shalt  }
0x82: {  	_ =	shalt  }
0x83: {  	_ =	shalt  }
0x84: {  	_ =	shalt  }
0x85: {  	_ =	shalt  }
0x86: {  	_ =	shalt  }
0x87: {  	_ =	shalt  }
.Lfunc_end0:
.L_simem_size_0:
called_computation.2_lowered:
.L_overlay_start_0:
0x88: {  	s2 =	sld [smem:$0x3FD9]  }
0x89: {  	s3 =	sld [smem:$0x3FFE];
	_ =	sdelay $0x1  }
0x8a: {  	s1 =	srdreg.scid  }
0x8b: {  	s0 =	sand.u32 $0x1, s1  }
0x8c: {  	s17 =	sshll.u32 s0, $0xA;
	s2 =	sadd.s32 s3, s2  }
0x8d: {  	s2 =	sadd.s32 s2, s17  }
0x8e: {  	[smem:$0x3FBC] =	sst s2  }
0x8f: {  	_ = 	snop  }
0x90: {  	s2 =	sld [smem:$0x3FC8]  }
0x91: {  	s18 =	sld [smem:$0x3FD0];
	(tm) =	ssettm $0x1  }
0x92: {  	s4 =	sld [smem:$0x3FFB];
	_ =	sdelay $0x3  }
0x93: {  	_ =	strace s4  }
0x94: {  	s4 =	sld [smem:$0x3FFC];
	_ =	sdelay $0x3  }
0x95: {  	_ =	strace s4  }
0x96: {  	s4 =	sld [smem:$0x3FFD];
	_ =	sdelay $0x3  }
0x97: {  	_ =	strace s4  }
0x98: {  	_ =	strace $0x8FFFFFFF  }
0x99: {  	s19 =	sld [smem:$0x3FDB];
	_ =	sdelay $0x1  }
0x9a: {  	s5 =	simm.s32 $_scs_section_size  }
0x9b: {  	s6 =	simm.s32 $_size__tile_overlayer_lowered;
	s7 =	simm.s32 $_tile_overlayer_lowered  }
0x9c: {  	s22 =	simm.s32 $0x1BFF;
	s21 =	sshll.u32 s7, $0x1;
	s4 =	sadd.s32 s5, s19  }
0x9d: {  	s8 =	simm.s32 $0x0;
	s20 =	sshll.u32 s6, $0x1;
	s6 =	sadd.s32 s21, s4  }
0x9e: {  	[timem:s8], [sflag:s22] =	dma.local [hbm:s6], s20  }
0x9f: {  	_ =	swait.ge [sflag:s22], s20  }
0xa0: {  	s5 =	ssub.s32 $0x0, s20;
	[sflag:s22] =	ssyncset.done $0x0  }
0xa1: {  	[sflag:s22] =	ssyncadd.s32 s5;
	_ =	sdelay $0x1  }
0xa2: {  	s23 =	simm.s32 $0x1B8B  }
0xa3: {  	_ =	swait.ge [sflag:s23], $0x1  }
0xa4: {  	[sflag:s23] =	ssyncset.done $0x0  }
0xa5: {  	s25 =	simm.s32 $0x1B8E;
	s24 =	sld [smem:$0x3FFE];
	[sflag:s23] =	ssyncadd.s32 $0xFFFFFFFF  }
0xa6: {  	s26 =	simm.s32 $execute0_lowered;
	[smem:$0x3FD2] =	sst s25  }
0xa7: {  	s6 =	sshll.u32 s26, $0x1;
	_ =	strace $0x8000004F;
	[dreg:$0x1] =	wrdreg $0xFFFFFFFF  }
0xa8: {  	s28 =	simm.s32 $_size_execute0_lowered;
	s4 =	sadd.s32 s4, s6;
	[dreg:$0x0] =	wrdreg $0x0  }
0xa9: {  	s6 =	sshll.u32 s28, $0x1;
	[dreg:$0x2] =	wrdreg s4  }
0xaa: {  	[dreg:$0x3] =	wrdreg s6  }
0xab: {  	[dreg:$0x4] =	wrdreg $0xC0  }
0xac: {  	_ =	task [dreg:s8], $0x5FFFF  }
0xad: {  	[dreg:$0x1] =	wrdreg $0xFFFFFFFF  }
0xae: {  	[dreg:$0x0] =	wrdreg $0x60  }
0xaf: {  	[dreg:$0x2] =	wrdreg s24  }
0xb0: {  	[dreg:$0x3] =	wrdreg s2  }
0xb1: {  	[dreg:$0x4] =	wrdreg s18  }
0xb2: {  	[dreg:$0x5] =	wrdreg $0x90000  }
0xb3: {  	[dreg:$0x6] =	wrdreg $0x9  }
0xb4: {  	_ =	task.clear_ibuf [dreg:s8], $0x7FFFF;
	_ =	strace $0x9000004F  }
0xb5: {  	s29 =	simm.s32 $0x9;
	_ =	strace $0x80000054  }
0xb6: {  	_ =	swait.ge [sflag:s29], $0x1  }
0xb7: {  	[sflag:s29] =	ssyncadd.s32 $0xFFFFFFFF  }
0xb8: {  	_ =	strace $0x90000054  }
0xb9: {  	_ =	sfence  }
0xba: {  	s30 =	sld [smem:$0x0];
	_ =	sdelay $0x2  }
0xbb: {  	s31 =	sshll.u32 s1, $0xD;
	s1 =	sshrl.u32 s1, $0x2  }
0xbc: {  	s3 =	sand.u32 $0x4000, s31;
	s1 =	sadd.s32 s1, s30  }
0xbd: {  	s0 =	sor.u32 s3, s0;
	s1 =	sshll.u32 s1, $0x11  }
0xbe: {  	s0 =	sor.u32 s1, s0  }
0xbf: {  	s0 =	sadd.s32 $0x8F2B, s0  }
0xc0: {  	[sflag:s0] =	ssyncadd.remote.s32 $0x1  }
0xc1: {  	_ =	sfence.sel $0xFFFF  }
0xc2: {  	[dreg:$0x0] =	wrdreg $0xFFFFFFFF;
	(pc) =	sbr.abs _section_cstart, $3  }
0xc3: {  	[dreg:$0x1] =	wrdreg $0xFFFFFFFF  }
0xc4: {  	_ =	task.clear_ibuf [dreg:s8], $0x2FFFF;
	_ =	strace $0x9FFFFFFF  }
0xc5: {  	(tm) =	ssettm $0x7FFFFFFF  }
tec
execute0_lowered:
.L_overlay_start_1:
0x0: {  	(tag) =	ssettag $0x1  }
0x1: {  	s0 =	rddreg [dreg:$0x0]  }
0x2: {  	s1 =	rddreg [dreg:$0x1]  }
0x3: {  	s2 =	rddreg [dreg:$0x3]  }
0x4: {  	s3 =	simm.s32 $0x0;
	s4 =	srdreg.scid;
	s20 =	stileid.u32  }
0x5: {  	s18 =	simm.s32 $0x14;
	s11 =	simm.s32 $0x14;
	s28 =	simm.s32 $0x5000  }
0x6: {  	s29 =	simm.s32 $0x5;
	s30 =	simm.s32 $0x80;
	s31 =	simm.s32 $0x6000  }
0x7: {  	[smem:$0x7FF] =	sst s3;
	s4 =	sand.u32 $0x1, s4;
	s12 =	smul.u32 $0x4F00, s20  }
0x8: {  	s5 =	sadd.s32 $0x2A00, s0;
	s22 =	smul.u32 $0x13, s20;
	s9 =	smin.u32 s20, $0x9  }
0x9: {  	s10 =	smin.u32 s20, $0x8;
	p1 =	slt.u32 s20, $0x8;
	s6 =	smul.u32 $0x9E00, s4  }
0xa: {  	s7 =	ssub.s32 $0x2, s4;
	_ =	strace $0x80000050;
	p0 =	seq.s32 s4, $0x0  }
0xb: {  	s11 =	simm.s32 @!p1 $0x13;
	p1 =	slt.u32 s20, $0x9;
	s8 =	sshrl.u32 s7, $0x1  }
0xc: {  	s14 =	sadd.s32 $0x1000, s12;
	s15 =	sadd.s32 $0x2000, s12;
	s16 =	sadd.s32 $0x3000, s12  }
0xd: {  	s9 =	sadd.s32 s9, s22;
	s4 =	sadd.s32 s10, s22;
	s18 =	simm.s32 @!p1 $0x13  }
0xe: {  	s0 =	sadd.s32 s6, s0;
	s13 =	ssub.s32 s7, s8;
	s6 =	sadd.s32 s12, s2  }
0xf: {  	s7 =	sadd.s32 s14, s2;
	s17 =	sadd.s32 $0x138, s9;
	s8 =	sadd.s32 s15, s2  }
0x10: {  	s9 =	sadd.s32 s16, s2;
	s18 =	smov.u32 @p0 s11;
	s22 =	sshrl.u32 s15, $0x3  }
0x11: {  	s15 =	simm.s32 $0x0;
	s17 =	smov.u32 @p0 s4;
	s4 =	sadd.s32 $0x4000, s12  }
0x12: {  	s0 =	sadd.s32 $0xC800, s0;
	s13 =	smax.u32 s13, $0x1;
	s23 =	sshll.u32 s17, $0x2  }
0x13: {  	s10 =	sadd.s32 s4, s2;
	s4 =	sshrl.u32 s4, $0x3;
	s19 =	smin.u32 s23, $0x974  }
0x14: {  	[dreg:$0x9] =	wrdreg s13;
	s17 =	sshll.u32 s17, $0xC;
	s24 =	ssub.s32 s23, s19  }
0x15: {  	s21 =	sshll.u32 s19, $0x5;
	s23 =	sshrl.u32 s16, $0x3;
	s20 =	sshll.u32 s24, $0xA  }
0x16: {  	s24 =	sshll.u32 s18, $0x2;
	s1 =	sadd.s32 s1, s21;
	s21 =	sshrl.u32 s14, $0x3  }
0x17: {  	s14 =	simm.s32 $0x4;
	s11 =	sshra.s32 s20, $0x2;
	[dreg:$0x6] =	wrdreg s1  }
0x18: {  	s20 =	sshrl.u32 s12, $0x3;
	s16 =	sadd.s32 $0xFFFFFFFC, s24;
	s25 =	sor.u32 $0x100, s11  }
0x19: {  	s12 =	simm.s32 $0x2;
	s26 =	sor.u32 $0x200, s11;
	[dreg:$0x7] =	wrdreg s25  }
0x1a: {  	s1 =	sadd.s32 s20, s0;
	s20 =	sadd.s32 s22, s0;
	[dreg:$0x8] =	wrdreg s26  }
0x1b: {  	s22 =	sor.u32 $0x300, s11;
	s25 =	sshll.u32 s18, $0xC;
	[dreg:$0xa] =	wrdreg s1  }
0x1c: {  	s26 =	sshll.u32 s19, $0xA;
	s19 =	sadd.s32 s21, s0;
	[dreg:$0xc] =	wrdreg s20  }
0x1d: {  	s21 =	sadd.s32 s23, s0;
	s0 =	sadd.s32 s4, s0;
	[dreg:$0xf] =	wrdreg s22  }
0x1e: {  	s23 =	sadd.s32 $0xFFFFFFFA, s24;
	s4 =	simm.s32 $0x8000;
	[dreg:$0xb] =	wrdreg s19  }
0x1f: {  	s1 =	simm.s32 $0x1;
	s13 =	sadd.s32 $0xFFFFF000, s25;
	[dreg:$0xd] =	wrdreg s21  }
0x20: {  	s18 =	ssub.s32 s17, s26;
	s17 =	sadd.s32 $0xFFFFFFFB, s24;
	[dreg:$0xe] =	wrdreg s0  }
0x21: {  	s24 =	sadd.s32 $0xFFFFFFF9, s24;
	s26 =	smov.u32 s11;
	s0 =	simm.s32 $0x7000  }
0x22: {  	[dreg:$0x5] =	wrdreg s13;
	s25 =	sshra.s32 s18, $0x2;
	s13 =	simm.s32 $0x3  }
.LBB2_1:
0x23: {  	_ =	strace $0x80000051  }
0x24: {  	s11 =	rddreg [dreg:$0x2]  }
0x25: {  	[tilespmem:s28], [sflag:$0x5] =	stream.linear.gather [hbm4b:s11+s3], $0x1000, $0x200038;
	[tilespmem:$0xDF00] =	vst v63  }
0x26: {  	_ =	swait.ge [sflag:s29], $0x1000  }
0x27: {  	[sflag:s29] =	ssyncset.done $0x0  }
0x28: {  	[sflag:s29] =	ssyncadd.s32 $0xFFFFF000  }
0x29: {  	[spmem:s6] =	stream.linear.scatter [tilespmem:s28], [sflag:$0x5], $0x1000, $0x200038;
	[tilespmem:$0xDF00] =	vst v63  }
0x2a: {  	_ =	swait.ge [sflag:s29], $0x1000  }
0x2b: {  	[sflag:s29] =	ssyncset.done $0x0  }
0x2c: {  	[sflag:s29] =	ssyncadd.s32 $0xFFFFF000  }
0x2d: {  	[spmem:s7] =	stream.linear.scatter [tilespmem:s28], [sflag:$0x5], $0x1000, $0x200038;
	[tilespmem:$0xDF00] =	vst v63  }
0x2e: {  	_ =	swait.ge [sflag:s29], $0x1000  }
0x2f: {  	[sflag:s29] =	ssyncset.done $0x0  }
0x30: {  	[sflag:s29] =	ssyncadd.s32 $0xFFFFF000  }
0x31: {  	[spmem:s8] =	stream.linear.scatter [tilespmem:s28], [sflag:$0x5], $0x1000, $0x200038;
	[tilespmem:$0xDF00] =	vst v63  }
0x32: {  	_ =	swait.ge [sflag:s29], $0x1000  }
0x33: {  	[sflag:s29] =	ssyncset.done $0x0  }
0x34: {  	[sflag:s29] =	ssyncadd.s32 $0xFFFFF000  }
0x35: {  	[spmem:s9] =	stream.linear.scatter [tilespmem:s28], [sflag:$0x5], $0x1000, $0x200038;
	[tilespmem:$0xDF00] =	vst v63  }
0x36: {  	_ =	swait.ge [sflag:s29], $0x1000  }
0x37: {  	[sflag:s29] =	ssyncset.done $0x0  }
0x38: {  	[sflag:s29] =	ssyncadd.s32 $0xFFFFF000  }
0x39: {  	[spmem:s10] =	stream.linear.scatter [tilespmem:s28], [sflag:$0x5], $0xF00, $0x200038;
	[tilespmem:$0xDF00] =	vst v63  }
0x3a: {  	_ =	swait.ge [sflag:s29], $0xF00  }
0x3b: {  	[sflag:s29] =	ssyncset.done $0x0  }
0x3c: {  	s19 =	rddreg [dreg:$0x6];
	[sflag:s29] =	ssyncadd.s32 $0xFFFFF100  }
0x3d: {  	[tilespmem:s3], [sflag:$0x5] =	stream.linear.gather [hbm4b:s19+s3], $0x5000, $0x200038;
	[tilespmem:$0xDF00] =	vst v63  }
0x3e: {  	_ =	swait.ge [sflag:s29], $0x5000  }
0x3f: {  	[sflag:s29] =	ssyncset.done $0x0  }
0x40: {  	[sflag:s29] =	ssyncadd.s32 $0xFFFFB000  }
0x41: {  	[bflag:$0x0] =	sbarrier.arrive $0xFFFF  }
0x42: {  	_ =	strace $0x90000051  }
0x43: {  	_ =	strace $0x80000052  }
0x44: {  	[tilespmem:s28], [sflag:$0x1] =	stream.indirect.gather [hbm4b:s5+s30], $0x20, s26, s30, $0x2000b8;
	[tilespmem:$0xDF00] =	vst v63  }
0x45: {  	s20 =	rddreg [dreg:$0x7]  }
0x46: {  	[tilespmem:s31], [sflag:$0x2] =	stream.indirect.gather [hbm4b:s5+s30], $0x20, s20, s30, $0x2000b8;
	[tilespmem:$0xDF00] =	vst v63  }
0x47: {  	s21 =	rddreg [dreg:$0x8]  }
0x48: {  	[tilespmem:s0], [sflag:$0x3] =	stream.indirect.gather [hbm4b:s5+s30], $0x20, s21, s30, $0x2000b8;
	[tilespmem:$0xDF00] =	vst v63  }
0x49: {  	s18 =	simm.s32 $0x0;
	s19 =	simm.s32 $0x0;
	s22 =	rddreg [dreg:$0xf]  }
0x4a: {  	[tilespmem:s4], [sflag:$0x4] =	stream.indirect.gather [hbm4b:s5+s30], $0x20, s22, s30, $0x2000b8;
	[tilespmem:$0xDF00] =	vst v63  }
.LBB2_2:
0x4b: {  	_ =	swait.ge [sflag:s1], $0x1000;
	s20 =	sshra.s32 s18, $0x2  }
0x4c: {  	[sflag:s1] =	ssyncset.done $0x0;
	s20 =	sadd.s32 s20, s25  }
0x4d: {  	p0 =	sge.u32 s19, s16;
	[sflag:s1] =	ssyncadd.s32 $0xFFFFF000;
	s21 =	sadd.s32 $0x80, s20  }
0x4e: {  	[spmem:s2] =	stream.indirect.scatter.add.f32 [tilespmem:s28], [sflag:$0x5], $0x20, s21, s30, $0x2000b8;
	[tilespmem:$0xDF00] =	vst v63  }
0x4f: {  	s21 =	sshra.s32 @!p0 s18, $0x2;
	_ =	swait.ge [sflag:s29], $0x1000  }
0x50: {  	s11 =	simm.s32 @!p0 $0x80;
	s21 =	sadd.s32 @!p0 s21, s25;
	[sflag:s29] =	ssyncset.done $0x0  }
0x51: {  	s22 =	simm.s32 @!p0 $0x5000;
	s21 =	sadd.s32 @!p0 $0x400, s21;
	[sflag:s29] =	ssyncadd.s32 $0xFFFFF000  }
0x52: {  	[tilespmem:s22], [sflag:$0x1] =	stream.indirect.gather @!p0 [hbm4b:s5+s11], $0x20, s21, s11, $0x2000b8;
	[tilespmem:$0xDF00] =	vst v63  }
0x53: {  	_ =	swait.ge [sflag:s12], $0x1000  }
0x54: {  	[sflag:s12] =	ssyncset.done $0x0  }
0x55: {  	s22 =	sadd.s32 $0x180, s20;
	p0 =	sge.u32 s19, s17;
	[sflag:s12] =	ssyncadd.s32 $0xFFFFF000  }
0x56: {  	[spmem:s2] =	stream.indirect.scatter.add.f32 [tilespmem:s31], [sflag:$0x5], $0x20, s22, s30, $0x2000b8;
	[tilespmem:$0xDF00] =	vst v63  }
0x57: {  	s11 =	sshra.s32 @!p0 s18, $0x2;
	_ =	swait.ge [sflag:s29], $0x1000  }
0x58: {  	s21 =	simm.s32 @!p0 $0x80;
	s11 =	sadd.s32 @!p0 s11, s25;
	[sflag:s29] =	ssyncset.done $0x0  }
0x59: {  	s11 =	sadd.s32 @!p0 $0x500, s11;
	s22 =	simm.s32 @!p0 $0x6000;
	[sflag:s29] =	ssyncadd.s32 $0xFFFFF000  }
0x5a: {  	[tilespmem:s22], [sflag:$0x2] =	stream.indirect.gather @!p0 [hbm4b:s5+s21], $0x20, s11, s21, $0x2000b8;
	[tilespmem:$0xDF00] =	vst v63  }
0x5b: {  	_ =	swait.ge [sflag:s13], $0x1000  }
0x5c: {  	[sflag:s13] =	ssyncset.done $0x0  }
0x5d: {  	s21 =	sadd.s32 $0x280, s20;
	p0 =	sge.u32 s19, s23;
	[sflag:s13] =	ssyncadd.s32 $0xFFFFF000  }
0x5e: {  	[spmem:s2] =	stream.indirect.scatter.add.f32 [tilespmem:s0], [sflag:$0x5], $0x20, s21, s30, $0x2000b8;
	[tilespmem:$0xDF00] =	vst v63  }
0x5f: {  	s11 =	sshra.s32 @!p0 s18, $0x2;
	_ =	swait.ge [sflag:s29], $0x1000  }
0x60: {  	s22 =	simm.s32 @!p0 $0x7000;
	s11 =	sadd.s32 @!p0 s11, s25;
	[sflag:s29] =	ssyncset.done $0x0  }
0x61: {  	s11 =	sadd.s32 @!p0 $0x600, s11;
	s21 =	simm.s32 @!p0 $0x80;
	[sflag:s29] =	ssyncadd.s32 $0xFFFFF000  }
0x62: {  	[tilespmem:s22], [sflag:$0x3] =	stream.indirect.gather @!p0 [hbm4b:s5+s21], $0x20, s11, s21, $0x2000b8;
	[tilespmem:$0xDF00] =	vst v63  }
0x63: {  	_ =	swait.ge [sflag:s14], $0x1000  }
0x64: {  	p0 =	sge.u32 s19, s24;
	[sflag:s14] =	ssyncset.done $0x0  }
0x65: {  	s22 =	sadd.s32 $0x380, s20;
	s11 =	sshra.s32 @!p0 s18, $0x2;
	[sflag:s14] =	ssyncadd.s32 $0xFFFFF000  }
0x66: {  	[spmem:s2] =	stream.indirect.scatter.add.f32 [tilespmem:s4], [sflag:$0x5], $0x20, s22, s30, $0x2000b8;
	[tilespmem:$0xDF00] =	vst v63  }
0x67: {  	s20 =	simm.s32 @!p0 $0x80;
	s21 =	simm.s32 @!p0 $0x8000;
	_ =	swait.ge [sflag:s29], $0x1000  }
0x68: {  	s18 =	sadd.s32 $0x1000, s18;
	s11 =	sadd.s32 @!p0 s11, s25;
	[sflag:s29] =	ssyncset.done $0x0  }
0x69: {  	s11 =	sadd.s32 @!p0 $0x700, s11;
	s22 =	rddreg [dreg:$0x5];
	[sflag:s29] =	ssyncadd.s32 $0xFFFFF000  }
0x6a: {  	[tilespmem:s21], [sflag:$0x4] =	stream.indirect.gather @!p0 [hbm4b:s5+s20], $0x20, s11, s20, $0x2000b8;
	[tilespmem:$0xDF00] =	vst v63  }
0x6b: {  	p0 =	sne.s32 s22, s18  }
.Ltmp0:
0x6c: {  	_ = 	snop;
	(pc) =	sbr.rel @p0 .LBB2_2-.Ltmp0, $2  }
0x6d: {  	_ =	sdelay $0x2  }
0x6e: {  	s19 =	sadd.s32 $0x4, s19  }
0x6f: {  	_ =	swait.ge [sflag:s1], $0x1000;
	s11 =	sshra.s32 s18, $0x2  }
0x70: {  	[sflag:s1] =	ssyncset.done $0x0;
	s11 =	sadd.s32 s11, s25  }
0x71: {  	p0 =	sge.u32 s19, s16;
	[sflag:s1] =	ssyncadd.s32 $0xFFFFF000;
	s20 =	sadd.s32 $0x80, s11  }
0x72: {  	[spmem:s2] =	stream.indirect.scatter.add.f32 [tilespmem:s28], [sflag:$0x5], $0x20, s20, s30, $0x2000b8;
	[tilespmem:$0xDF00] =	vst v63  }
0x73: {  	s20 =	sshra.s32 @!p0 s18, $0x2;
	_ =	swait.ge [sflag:s29], $0x1000  }
0x74: {  	s21 =	simm.s32 @!p0 $0x80;
	s20 =	sadd.s32 @!p0 s20, s25;
	[sflag:s29] =	ssyncset.done $0x0  }
0x75: {  	s22 =	simm.s32 @!p0 $0x5000;
	s20 =	sadd.s32 @!p0 $0x400, s20;
	[sflag:s29] =	ssyncadd.s32 $0xFFFFF000  }
0x76: {  	[tilespmem:s22], [sflag:$0x1] =	stream.indirect.gather @!p0 [hbm4b:s5+s21], $0x20, s20, s21, $0x2000b8;
	[tilespmem:$0xDF00] =	vst v63  }
0x77: {  	_ =	swait.ge [sflag:s12], $0x1000  }
0x78: {  	[sflag:s12] =	ssyncset.done $0x0  }
0x79: {  	s22 =	sadd.s32 $0x180, s11;
	p0 =	sge.u32 s19, s17;
	[sflag:s12] =	ssyncadd.s32 $0xFFFFF000  }
0x7a: {  	[spmem:s2] =	stream.indirect.scatter.add.f32 [tilespmem:s31], [sflag:$0x5], $0x20, s22, s30, $0x2000b8;
	[tilespmem:$0xDF00] =	vst v63  }
0x7b: {  	s20 =	sshra.s32 @!p0 s18, $0x2;
	_ =	swait.ge [sflag:s29], $0x1000  }
0x7c: {  	s21 =	simm.s32 @!p0 $0x80;
	s20 =	sadd.s32 @!p0 s20, s25;
	[sflag:s29] =	ssyncset.done $0x0  }
0x7d: {  	s20 =	sadd.s32 @!p0 $0x500, s20;
	s22 =	simm.s32 @!p0 $0x6000;
	[sflag:s29] =	ssyncadd.s32 $0xFFFFF000  }
0x7e: {  	[tilespmem:s22], [sflag:$0x2] =	stream.indirect.gather @!p0 [hbm4b:s5+s21], $0x20, s20, s21, $0x2000b8;
	[tilespmem:$0xDF00] =	vst v63  }
0x7f: {  	_ =	swait.ge [sflag:s13], $0x1000  }
0x80: {  	[sflag:s13] =	ssyncset.done $0x0  }
0x81: {  	s21 =	sadd.s32 $0x280, s11;
	p0 =	sge.u32 s19, s23;
	[sflag:s13] =	ssyncadd.s32 $0xFFFFF000  }
0x82: {  	[spmem:s2] =	stream.indirect.scatter.add.f32 [tilespmem:s0], [sflag:$0x5], $0x20, s21, s30, $0x2000b8;
	[tilespmem:$0xDF00] =	vst v63  }
0x83: {  	s20 =	sshra.s32 @!p0 s18, $0x2;
	_ =	swait.ge [sflag:s29], $0x1000  }
0x84: {  	s22 =	simm.s32 @!p0 $0x7000;
	s20 =	sadd.s32 @!p0 s20, s25;
	[sflag:s29] =	ssyncset.done $0x0  }
0x85: {  	s20 =	sadd.s32 @!p0 $0x600, s20;
	s21 =	simm.s32 @!p0 $0x80;
	[sflag:s29] =	ssyncadd.s32 $0xFFFFF000  }
0x86: {  	[tilespmem:s22], [sflag:$0x3] =	stream.indirect.gather @!p0 [hbm4b:s5+s21], $0x20, s20, s21, $0x2000b8;
	[tilespmem:$0xDF00] =	vst v63  }
0x87: {  	_ =	swait.ge [sflag:s14], $0x1000  }
0x88: {  	[sflag:s14] =	ssyncset.done $0x0  }
0x89: {  	s11 =	sadd.s32 $0x380, s11;
	p0 =	sge.u32 s19, s24;
	[sflag:s14] =	ssyncadd.s32 $0xFFFFF000  }
0x8a: {  	[spmem:s2] =	stream.indirect.scatter.add.f32 [tilespmem:s4], [sflag:$0x5], $0x20, s11, s30, $0x2000b8;
	[tilespmem:$0xDF00] =	vst v63  }
0x8b: {  	s11 =	sshra.s32 @!p0 s18, $0x2;
	_ =	swait.ge [sflag:s29], $0x1000  }
0x8c: {  	s19 =	simm.s32 @!p0 $0x8000;
	s11 =	sadd.s32 @!p0 s11, s25;
	[sflag:s29] =	ssyncset.done $0x0  }
0x8d: {  	s18 =	simm.s32 @!p0 $0x80;
	s11 =	sadd.s32 @!p0 $0x700, s11;
	[sflag:s29] =	ssyncadd.s32 $0xFFFFF000  }
0x8e: {  	[tilespmem:s19], [sflag:$0x4] =	stream.indirect.gather @!p0 [hbm4b:s5+s18], $0x20, s11, s18, $0x2000b8;
	[tilespmem:$0xDF00] =	vst v63  }
0x8f: {  	[bflag:$0x0] =	sbarrier.arrive $0xFFFF  }
0x90: {  	_ =	strace $0x90000052  }
0x91: {  	_ =	strace $0x80000053  }
0x92: {  	[tilespmem:s28], [sflag:$0x5] =	stream.linear.gather [spmem:s6], $0x1000, $0x200038;
	[tilespmem:$0xDF00] =	vst v63  }
0x93: {  	_ =	swait.ge [sflag:s29], $0x1000  }
0x94: {  	[sflag:s29] =	ssyncset.done $0x0  }
0x95: {  	s22 =	rddreg [dreg:$0xa];
	[sflag:s29] =	ssyncadd.s32 $0xFFFFF000  }
0x96: {  	[hbm4b:s22+s3] =	stream.linear.scatter [tilespmem:s28], [sflag:$0x5], $0x1000, $0x200038;
	[tilespmem:$0xDF00] =	vst v63  }
0x97: {  	_ =	swait.ge [sflag:s29], $0x1000  }
0x98: {  	[sflag:s29] =	ssyncset.done $0x0  }
0x99: {  	[sflag:s29] =	ssyncadd.s32 $0xFFFFF000  }
0x9a: {  	[tilespmem:s28], [sflag:$0x5] =	stream.linear.gather [spmem:s7], $0x1000, $0x200038;
	[tilespmem:$0xDF00] =	vst v63  }
0x9b: {  	_ =	swait.ge [sflag:s29], $0x1000  }
0x9c: {  	[sflag:s29] =	ssyncset.done $0x0  }
0x9d: {  	s18 =	rddreg [dreg:$0xb];
	[sflag:s29] =	ssyncadd.s32 $0xFFFFF000  }
0x9e: {  	[hbm4b:s18+s3] =	stream.linear.scatter [tilespmem:s28], [sflag:$0x5], $0x1000, $0x200038;
	[tilespmem:$0xDF00] =	vst v63  }
0x9f: {  	_ =	swait.ge [sflag:s29], $0x1000  }
0xa0: {  	[sflag:s29] =	ssyncset.done $0x0  }
0xa1: {  	[sflag:s29] =	ssyncadd.s32 $0xFFFFF000  }
0xa2: {  	[tilespmem:s28], [sflag:$0x5] =	stream.linear.gather [spmem:s8], $0x1000, $0x200038;
	[tilespmem:$0xDF00] =	vst v63  }
0xa3: {  	_ =	swait.ge [sflag:s29], $0x1000  }
0xa4: {  	[sflag:s29] =	ssyncset.done $0x0  }
0xa5: {  	s19 =	rddreg [dreg:$0xc];
	[sflag:s29] =	ssyncadd.s32 $0xFFFFF000  }
0xa6: {  	[hbm4b:s19+s3] =	stream.linear.scatter [tilespmem:s28], [sflag:$0x5], $0x1000, $0x200038;
	[tilespmem:$0xDF00] =	vst v63  }
0xa7: {  	_ =	swait.ge [sflag:s29], $0x1000  }
0xa8: {  	[sflag:s29] =	ssyncset.done $0x0  }
0xa9: {  	[sflag:s29] =	ssyncadd.s32 $0xFFFFF000  }
0xaa: {  	[tilespmem:s28], [sflag:$0x5] =	stream.linear.gather [spmem:s9], $0x1000, $0x200038;
	[tilespmem:$0xDF00] =	vst v63  }
0xab: {  	_ =	swait.ge [sflag:s29], $0x1000  }
0xac: {  	[sflag:s29] =	ssyncset.done $0x0  }
0xad: {  	s20 =	rddreg [dreg:$0xd];
	[sflag:s29] =	ssyncadd.s32 $0xFFFFF000  }
0xae: {  	[hbm4b:s20+s3] =	stream.linear.scatter [tilespmem:s28], [sflag:$0x5], $0x1000, $0x200038;
	[tilespmem:$0xDF00] =	vst v63  }
0xaf: {  	_ =	swait.ge [sflag:s29], $0x1000  }
0xb0: {  	[sflag:s29] =	ssyncset.done $0x0  }
0xb1: {  	[sflag:s29] =	ssyncadd.s32 $0xFFFFF000  }
0xb2: {  	[tilespmem:s28], [sflag:$0x5] =	stream.linear.gather [spmem:s10], $0xF00, $0x200038;
	[tilespmem:$0xDF00] =	vst v63  }
0xb3: {  	_ =	swait.ge [sflag:s29], $0xF00  }
0xb4: {  	[sflag:s29] =	ssyncset.done $0x0  }
0xb5: {  	s21 =	rddreg [dreg:$0xe];
	[sflag:s29] =	ssyncadd.s32 $0xFFFFF100  }
0xb6: {  	[hbm4b:s21+s3] =	stream.linear.scatter [tilespmem:s28], [sflag:$0x5], $0xF00, $0x200038;
	[tilespmem:$0xDF00] =	vst v63  }
0xb7: {  	_ =	swait.ge [sflag:s29], $0xF00  }
0xb8: {  	s15 =	sadd.s32 $0x1, s15;
	s22 =	rddreg [dreg:$0x9]  }
0xb9: {  	p0 =	sne.s32 s15, s22  }
.Ltmp1:
0xba: {  	_ = 	snop;
	(pc) =	sbr.rel @p0 .LBB2_1-.Ltmp1, $4  }
0xbb: {  	_ = 	snop  }
0xbc: {  	[sflag:s29] =	ssyncset.done $0x0  }
0xbd: {  	[sflag:s29] =	ssyncadd.s32 $0xFFFFF100  }
0xbe: {  	_ =	strace $0x90000053  }
0xbf: {  	_ =	sfence.sel $0x180000  }
0xc0: {  	[bflag:$0x0] =	sbarrier.arrive $0xFFFF  }
0xc1: {  	_ =	strace $0x90000050  }
0xc2: {  	s0 =	stileid.u32;
	[bflag:$0x2] =	sbarrier.arrive $0xFFFF  }
0xc3: {  	p0 =	sne.s32 s0, $0x0;
	s0 =	rddreg [dreg:$0x4]  }
0xc4: {  	s0 =	sadd.s32 @!p0 $0x100000, s0  }
0xc5: {  	[sflag:s0] =	ssyncadd.tile.s32 @!p0 $0x1;
	_ =	shalt  }
.Lfunc_end2:
_tile_overlayer_lowered:
.L_overlay_start_2:
0xc6: {  	(tag) =	ssettag $0x2  }
0xc7: {  	s0 =	rddreg [dreg:$0x0];
	s2 =	stileid.u32  }
0xc8: {  	s1 =	rddreg [dreg:$0x1];
	p0 =	sne.s32 s2, $0x0  }
0xc9: {  	s3 =	rddreg [dreg:$0x2];
	[bflag:$0x3] =	sbarrier.arrive $0xFFFF;
	s2 =	simm.s32 @!p0 $0x1C05  }
0xca: {  	[timem:s3], [sflag:s2] =	dma.local @!p0 [hbm:s0], s1  }
0xcb: {  	s0 =	simm.s32 @!p0 $0x5  }
0xcc: {  	_ =	swait.ge @!p0 [sflag:s0], s1  }
0xcd: {  	s1 =	ssub.s32 @!p0 $0x0, s1;
	[sflag:s0] =	ssyncset.done @!p0 $0x0  }
0xce: {  	[sflag:s0] =	ssyncadd.s32 @!p0 s1  }
0xcf: {  	[bflag:$0x3] =	sbarrier.arrive $0xFFFF  }
0xd0: {  	_ =	shalt  }

// kernel: kernel.8.cloned.1.call-start
scs
__scs_entry_jumppad:
0x0: {  	(pc) =	sbr.rel $0x88, $3  }
0x1: {  	(tag) =	ssettag $0x0;
	lr =	simm.s32 $0x1  }
0x2: {  	[smem:$0x3F95] =	sst lr;
	_ =	strace $0xD0000000  }
0x3: {  	_ = 	snop  }
0x4: {  	_ = 	snop  }
0x5: {  	_ = 	snop  }
0x6: {  	_ = 	snop  }
0x7: {  	_ = 	snop  }
__scs_overlays_trampoline_lowered:
0x8: {  	[smem:$0x3FA4] =	sst s0  }
0x9: {  	[smem:$0x3FA5] =	sst s1  }
0xa: {  	[smem:$0x3FA6] =	sst s2  }
0xb: {  	[smem:$0x3FA7] =	sst s3  }
0xc: {  	[smem:$0x3FA8] =	sst s4  }
0xd: {  	[smem:$0x3FA9] =	sst s5  }
0xe: {  	[smem:$0x3FAA] =	sst s6  }
0xf: {  	[smem:$0x3FAB] =	sst s7  }
0x10: {  	[smem:$0x3FAC] =	sst s8  }
0x11: {  	[smem:$0x3FAD] =	sst s9;
	s0 =	simm.s32 @!p0 $0x0  }
0x12: {  	s1 =	sld [smem:$0x3F93];
	s0 =	simm.s32 @p0 $0x1  }
0x13: {  	[smem:$0x3FAE] =	sst s0;
	s0 =	simm.s32 @!p1 $0x0  }
0x14: {  	s2 =	sld [smem:$0x3F92];
	s0 =	simm.s32 @p1 $0x1  }
0x15: {  	[smem:$0x3FAF] =	sst s0;
	s0 =	simm.s32 @!p2 $0x0  }
0x16: {  	s3 =	sld [smem:$0x3FDB];
	s0 =	simm.s32 @p2 $0x1  }
0x17: {  	s4 =	simm.s32 $0x1BF5;
	[smem:$0x3FB1] =	sst s0  }
0x18: {  	s0 =	sld [smem:$0x3F94];
	_ =	swait.ge [sflag:s4], $0x0  }
0x19: {  	s7 =	sld [smem:$0x3F95]  }
0x1a: {  	s8 =	sadd.s32 $0xFFFFE003, lr  }
0x1b: {  	s9 =	sadd.s32 $0xFFFFFEF7, lr;
	s5 =	simm.s32 $0xFFFFFFFF;
	p2 =	slt.u32 s8, $0xFFFFF086  }
0x1c: {  	p1 =	slt.u32 s9, $0xF7A;
	s5 =	simm.s32 @!p2 $0x0  }
0x1d: {  	s5 =	simm.s32 @p1 $0x1;
	p0 =	seq.s32 s7, s2  }
0x1e: {  	s7 =	smul.u32 @!p0 $0xF7A, s2;
	p2 =	seq.s32 @!p0 s5, $0x0  }
0x1f: {  	s9 =	smul.u32 $0xF7A, s1;
	s8 =	simm.s32 @!p0 $0x1BF5;
	p2 =	por !p2, p0  }
0x20: {  	[sflag:s8] =	ssyncset.s32 @!p0 $0xFFFFF086;
	s6 =	sadd.s32 @!p0 s3, s7;
	s7 =	simm.s32 @!p0 $0x108  }
0x21: {  	s3 =	sadd.s32 s3, s9;
	s6 =	sadd.s32 @!p0 $0x88, s6;
	s7 =	simm.s32 @p2 $0x1082  }
0x22: {  	[simem:s7], [sflag:s8] =	dma.local @!p0 [hbm:s6], $0xF7A  }
0x23: {  	s9 =	sor.u32 $0xD0000000, s2;
	s6 =	simm.s32 $0x108;
	_ =	swait.ge @!p0 [sflag:s8], $0x0  }
0x24: {  	s3 =	sadd.s32 $0x88, s3;
	s6 =	simm.s32 @!p1 $0x1082;
	[sflag:s4] =	ssyncset.s32 $0xFFFFF086  }
0x25: {  	[simem:s6], [sflag:s4] =	dma.local [hbm:s3], $0xF7A  }
0x26: {  	[smem:$0x3F95] =	sst s1;
	(tag) =	ssettag s2;
	_ =	strace s9  }
0x27: {  	s1 =	sld [smem:$0x3FA5]  }
0x28: {  	s2 =	sld [smem:$0x3FA6]  }
0x29: {  	s4 =	sld [smem:$0x3FA8]  }
0x2a: {  	p0 =	seq.s32 s5, $0x0;
	s5 =	sld [smem:$0x3FA9]  }
0x2b: {  	s6 =	sld [smem:$0x3FAA]  }
0x2c: {  	s7 =	sld [smem:$0x3FAB]  }
0x2d: {  	s3 =	simm.s32 $0x108;
	s8 =	sld [smem:$0x3FAC]  }
0x2e: {  	s3 =	simm.s32 @!p0 $0x1082;
	s9 =	sld [smem:$0x3FAD]  }
0x2f: {  	lr =	sadd.s32 s0, s3;
	s0 =	sld [smem:$0x3FA4]  }
0x30: {  	s3 =	sld [smem:$0x3FA7]  }
0x31: {  	[smem:$0x3FB0] =	sst s10  }
0x32: {  	s10 =	sld [smem:$0x3FAE];
	_ =	sdelay $0x3  }
0x33: {  	p0 =	seq.s32 s10, $0x1;
	s10 =	sld [smem:$0x3FB0];
	_ =	sdelay $0x3  }
0x34: {  	[smem:$0x3FB0] =	sst s10  }
0x35: {  	s10 =	sld [smem:$0x3FAF];
	_ =	sdelay $0x3  }
0x36: {  	p1 =	seq.s32 s10, $0x1;
	s10 =	sld [smem:$0x3FB0];
	_ =	sdelay $0x3  }
0x37: {  	[smem:$0x3FB0] =	sst s10  }
0x38: {  	s10 =	sld [smem:$0x3FB1]  }
0x39: {  	_ = 	snop;
	(pc) =	sbr.ind lr, $3  }
0x3a: {  	_ = 	snop  }
0x3b: {  	_ = 	snop  }
0x3c: {  	p2 =	seq.s32 s10, $0x1;
	s10 =	sld [smem:$0x3FB0]  }
0x3d: {  	_ =	shalt  }
0x3e: {  	_ =	shalt  }
0x3f: {  	_ =	shalt  }
0x40: {  	_ =	shalt  }
0x41: {  	_ =	shalt  }
0x42: {  	_ =	shalt  }
0x43: {  	_ =	shalt  }
0x44: {  	_ =	shalt  }
0x45: {  	_ =	shalt  }
0x46: {  	_ =	shalt  }
0x47: {  	_ =	shalt  }
0x48: {  	_ =	shalt  }
0x49: {  	_ =	shalt  }
0x4a: {  	_ =	shalt  }
0x4b: {  	_ =	shalt  }
0x4c: {  	_ =	shalt  }
0x4d: {  	_ =	shalt  }
0x4e: {  	_ =	shalt  }
0x4f: {  	_ =	shalt  }
0x50: {  	_ =	shalt  }
0x51: {  	_ =	shalt  }
0x52: {  	_ =	shalt  }
0x53: {  	_ =	shalt  }
0x54: {  	_ =	shalt  }
0x55: {  	_ =	shalt  }
0x56: {  	_ =	shalt  }
0x57: {  	_ =	shalt  }
0x58: {  	_ =	shalt  }
0x59: {  	_ =	shalt  }
0x5a: {  	_ =	shalt  }
0x5b: {  	_ =	shalt  }
0x5c: {  	_ =	shalt  }
0x5d: {  	_ =	shalt  }
0x5e: {  	_ =	shalt  }
0x5f: {  	_ =	shalt  }
0x60: {  	_ =	shalt  }
0x61: {  	_ =	shalt  }
0x62: {  	_ =	shalt  }
0x63: {  	_ =	shalt  }
0x64: {  	_ =	shalt  }
0x65: {  	_ =	shalt  }
0x66: {  	_ =	shalt  }
0x67: {  	_ =	shalt  }
0x68: {  	_ =	shalt  }
0x69: {  	_ =	shalt  }
0x6a: {  	_ =	shalt  }
0x6b: {  	_ =	shalt  }
0x6c: {  	_ =	shalt  }
0x6d: {  	_ =	shalt  }
0x6e: {  	_ =	shalt  }
0x6f: {  	_ =	shalt  }
0x70: {  	_ =	shalt  }
0x71: {  	_ =	shalt  }
0x72: {  	_ =	shalt  }
0x73: {  	_ =	shalt  }
0x74: {  	_ =	shalt  }
0x75: {  	_ =	shalt  }
0x76: {  	_ =	shalt  }
0x77: {  	_ =	shalt  }
0x78: {  	_ =	shalt  }
0x79: {  	_ =	shalt  }
0x7a: {  	_ =	shalt  }
0x7b: {  	_ =	shalt  }
0x7c: {  	_ =	shalt  }
0x7d: {  	_ =	shalt  }
0x7e: {  	_ =	shalt  }
0x7f: {  	_ =	shalt  }
0x80: {  	_ =	shalt  }
0x81: {  	_ =	shalt  }
0x82: {  	_ =	shalt  }
0x83: {  	_ =	shalt  }
0x84: {  	_ =	shalt  }
0x85: {  	_ =	shalt  }
0x86: {  	_ =	shalt  }
0x87: {  	_ =	shalt  }
.Lfunc_end0:
.L_simem_size_0:
called_computation_lowered:
.L_overlay_start_0:
0x88: {  	s2 =	sld [smem:$0x3FD9]  }
0x89: {  	s3 =	sld [smem:$0x3FFE];
	_ =	sdelay $0x1  }
0x8a: {  	s1 =	srdreg.scid  }
0x8b: {  	s0 =	sand.u32 $0x1, s1  }
0x8c: {  	s17 =	sshll.u32 s0, $0xA;
	s2 =	sadd.s32 s3, s2  }
0x8d: {  	s2 =	sadd.s32 s2, s17  }
0x8e: {  	[smem:$0x3FBC] =	sst s2  }
0x8f: {  	_ = 	snop  }
0x90: {  	s2 =	sld [smem:$0x3FC8]  }
0x91: {  	s18 =	sld [smem:$0x3FD0];
	(tm) =	ssettm $0x1  }
0x92: {  	s4 =	sld [smem:$0x3FFB];
	_ =	sdelay $0x3  }
0x93: {  	_ =	strace s4  }
0x94: {  	s4 =	sld [smem:$0x3FFC];
	_ =	sdelay $0x3  }
0x95: {  	_ =	strace s4  }
0x96: {  	s4 =	sld [smem:$0x3FFD];
	_ =	sdelay $0x3  }
0x97: {  	_ =	strace s4  }
0x98: {  	_ =	strace $0x8FFFFFFF  }
0x99: {  	s19 =	sld [smem:$0x3FDB];
	_ =	sdelay $0x1  }
0x9a: {  	s5 =	simm.s32 $_scs_section_size  }
0x9b: {  	s6 =	simm.s32 $_size__tile_overlayer_lowered;
	s7 =	simm.s32 $_tile_overlayer_lowered  }
0x9c: {  	s22 =	simm.s32 $0x1BFF;
	s21 =	sshll.u32 s7, $0x1;
	s4 =	sadd.s32 s5, s19  }
0x9d: {  	s8 =	simm.s32 $0x0;
	s20 =	sshll.u32 s6, $0x1;
	s6 =	sadd.s32 s21, s4  }
0x9e: {  	[timem:s8], [sflag:s22] =	dma.local [hbm:s6], s20  }
0x9f: {  	_ =	swait.ge [sflag:s22], s20  }
0xa0: {  	s5 =	ssub.s32 $0x0, s20;
	[sflag:s22] =	ssyncset.done $0x0  }
0xa1: {  	[sflag:s22] =	ssyncadd.s32 s5;
	_ =	sdelay $0x1  }
0xa2: {  	s23 =	simm.s32 $0x1B8B  }
0xa3: {  	_ =	swait.ge [sflag:s23], $0x1  }
0xa4: {  	[sflag:s23] =	ssyncset.done $0x0  }
0xa5: {  	s25 =	simm.s32 $0x1B8E;
	s24 =	sld [smem:$0x3FFE];
	[sflag:s23] =	ssyncadd.s32 $0xFFFFFFFF  }
0xa6: {  	s26 =	simm.s32 $execute0_lowered;
	[smem:$0x3FD2] =	sst s25  }
0xa7: {  	s6 =	sshll.u32 s26, $0x1;
	_ =	strace $0x80000046;
	[dreg:$0x1] =	wrdreg $0xFFFFFFFF  }
0xa8: {  	s28 =	simm.s32 $_size_execute0_lowered;
	s4 =	sadd.s32 s4, s6;
	[dreg:$0x0] =	wrdreg $0x0  }
0xa9: {  	s6 =	sshll.u32 s28, $0x1;
	[dreg:$0x2] =	wrdreg s4  }
0xaa: {  	[dreg:$0x3] =	wrdreg s6  }
0xab: {  	[dreg:$0x4] =	wrdreg $0xC0  }
0xac: {  	_ =	task [dreg:s8], $0x5FFFF  }
0xad: {  	[dreg:$0x1] =	wrdreg $0xFFFFFFFF  }
0xae: {  	[dreg:$0x0] =	wrdreg $0x60  }
0xaf: {  	[dreg:$0x2] =	wrdreg s2  }
0xb0: {  	[dreg:$0x3] =	wrdreg s18  }
0xb1: {  	[dreg:$0x4] =	wrdreg s24  }
0xb2: {  	[dreg:$0x5] =	wrdreg $0x58000  }
0xb3: {  	[dreg:$0x6] =	wrdreg $0x9  }
0xb4: {  	_ =	task.clear_ibuf [dreg:s8], $0x7FFFF;
	_ =	strace $0x90000046  }
0xb5: {  	s29 =	simm.s32 $0x9;
	_ =	strace $0x80000048  }
0xb6: {  	_ =	swait.ge [sflag:s29], $0x1  }
0xb7: {  	[sflag:s29] =	ssyncadd.s32 $0xFFFFFFFF  }
0xb8: {  	_ =	strace $0x90000048  }
0xb9: {  	_ =	sfence  }
0xba: {  	s30 =	sld [smem:$0x0];
	_ =	sdelay $0x2  }
0xbb: {  	s31 =	sshll.u32 s1, $0xD;
	s1 =	sshrl.u32 s1, $0x2  }
0xbc: {  	s3 =	sand.u32 $0x4000, s31;
	s1 =	sadd.s32 s1, s30  }
0xbd: {  	s0 =	sor.u32 s3, s0;
	s1 =	sshll.u32 s1, $0x11  }
0xbe: {  	s0 =	sor.u32 s1, s0  }
0xbf: {  	s0 =	sadd.s32 $0x8F2B, s0  }
0xc0: {  	[sflag:s0] =	ssyncadd.remote.s32 $0x1  }
0xc1: {  	_ =	sfence.sel $0xFFFF  }
0xc2: {  	[dreg:$0x0] =	wrdreg $0xFFFFFFFF;
	(pc) =	sbr.abs _section_cstart, $3  }
0xc3: {  	[dreg:$0x1] =	wrdreg $0xFFFFFFFF  }
0xc4: {  	_ =	task.clear_ibuf [dreg:s8], $0x2FFFF;
	_ =	strace $0x9FFFFFFF  }
0xc5: {  	(tm) =	ssettm $0x7FFFFFFF  }
tec
execute0_lowered:
.L_overlay_start_1:
0x0: {  	(tag) =	ssettag $0x1  }
0x1: {  	s12 =	rddreg [dreg:$0x0]  }
0x2: {  	s1 =	rddreg [dreg:$0x1]  }
0x3: {  	s6 =	rddreg [dreg:$0x2]  }
0x4: {  	s2 =	rddreg [dreg:$0x3];
	s4 =	srdreg.scid  }
0x5: {  	s0 =	rddreg [dreg:$0x4];
	s3 =	simm.s32 $0x0;
	s10 =	sand.u32 $0x1, s4  }
0x6: {  	s21 =	simm.s32 $0x50;
	s4 =	stileid.u32;
	s7 =	smul.u32 $0x2780, s10  }
0x7: {  	[smem:$0x7FF] =	sst s3;
	s5 =	sadd.s32 $0x2A00, s6;
	s13 =	smul.u32 $0x13C0, s4  }
0x8: {  	_ =	strace $0x80000047;
	s8 =	ssub.s32 $0x2, s10;
	s11 =	smul.u32 $0x13, s4  }
0x9: {  	s19 =	smin.u32 s4, $0x9;
	s20 =	smin.u32 s4, $0x8;
	p1 =	slt.u32 s4, $0x8  }
0xa: {  	p0 =	seq.s32 s10, $0x0;
	s25 =	sshrl.u32 s8, $0x1;
	s21 =	simm.s32 @!p1 $0x4C  }
0xb: {  	p1 =	slt.u32 s4, $0x9;
	s14 =	sadd.s32 s7, s6;
	s15 =	ssub.s32 s8, s25  }
0xc: {  	s6 =	sadd.s32 s13, s2;
	s16 =	sadd.s32 $0x400, s13;
	s17 =	sadd.s32 $0x800, s13  }
0xd: {  	s18 =	sadd.s32 $0xC00, s13;
	s19 =	sadd.s32 s19, s11;
	s10 =	sadd.s32 s20, s11  }
0xe: {  	s20 =	sadd.s32 $0x1000, s13;
	s28 =	sshrl.u32 s13, $0x3;
	s7 =	sadd.s32 s16, s2  }
0xf: {  	s8 =	sadd.s32 s17, s2;
	s9 =	sadd.s32 s18, s2;
	s19 =	sadd.s32 $0x138, s19  }
0x10: {  	s11 =	sadd.s32 s20, s2;
	s31 =	sshrl.u32 s16, $0x3;
	s24 =	sshrl.u32 s17, $0x3  }
0x11: {  	s25 =	sshrl.u32 s18, $0x3;
	s16 =	simm.s32 $0x1;
	s19 =	smov.u32 @p0 s10  }
0x12: {  	s17 =	simm.s32 $0x5000;
	s10 =	simm.s32 $0x50;
	s26 =	sshll.u32 s19, $0x2  }
0x13: {  	s18 =	simm.s32 $0x80;
	s10 =	simm.s32 @!p1 $0x4C;
	s22 =	smin.u32 s26, $0x974  }
0x14: {  	s29 =	sshll.u32 s19, $0xC;
	s10 =	smov.u32 @p0 s21;
	s30 =	sshll.u32 s22, $0xA  }
0x15: {  	s26 =	sshrl.u32 s20, $0x3;
	s23 =	sshll.u32 s22, $0x5;
	s13 =	ssub.s32 s29, s30  }
0x16: {  	s12 =	sadd.s32 s12, s23;
	s23 =	sadd.s32 $0x2C00, s14;
	s14 =	sor.u32 $0x200, s13  }
0x17: {  	s13 =	smax.u32 s15, $0x1;
	s15 =	simm.s32 $0x5400;
	s19 =	sadd.s32 s28, s23  }
0x18: {  	s20 =	sadd.s32 s31, s23;
	s21 =	sadd.s32 s24, s23;
	s22 =	sadd.s32 s25, s23  }
0x19: {  	s23 =	sadd.s32 s26, s23;
	s24 =	simm.s32 $0x0;
	s14 =	sshra.s32 s14, $0x2  }
.LBB2_1:
0x1a: {  	[tilespmem:s15], [sflag:$0x1] =	stream.linear.gather [hbm4b:s5+s3], $0x400, $0x38;
	[tilespmem:$0x6BC0] =	vst v63  }
0x1b: {  	_ =	swait.ge [sflag:s16], $0x400  }
0x1c: {  	[sflag:s16] =	ssyncset.done $0x0  }
0x1d: {  	[sflag:s16] =	ssyncadd.s32 $0xFFFFFC00  }
0x1e: {  	[spmem:s6] =	stream.linear.scatter [tilespmem:s15], [sflag:$0x1], $0x400, $0x38;
	[tilespmem:$0x6BC0] =	vst v63  }
0x1f: {  	_ =	swait.ge [sflag:s16], $0x400  }
0x20: {  	[sflag:s16] =	ssyncset.done $0x0  }
0x21: {  	[sflag:s16] =	ssyncadd.s32 $0xFFFFFC00  }
0x22: {  	[spmem:s7] =	stream.linear.scatter [tilespmem:s15], [sflag:$0x1], $0x400, $0x38;
	[tilespmem:$0x6BC0] =	vst v63  }
0x23: {  	_ =	swait.ge [sflag:s16], $0x400  }
0x24: {  	[sflag:s16] =	ssyncset.done $0x0  }
0x25: {  	[sflag:s16] =	ssyncadd.s32 $0xFFFFFC00  }
0x26: {  	[spmem:s8] =	stream.linear.scatter [tilespmem:s15], [sflag:$0x1], $0x400, $0x38;
	[tilespmem:$0x6BC0] =	vst v63  }
0x27: {  	_ =	swait.ge [sflag:s16], $0x400  }
0x28: {  	[sflag:s16] =	ssyncset.done $0x0  }
0x29: {  	[sflag:s16] =	ssyncadd.s32 $0xFFFFFC00  }
0x2a: {  	[spmem:s9] =	stream.linear.scatter [tilespmem:s15], [sflag:$0x1], $0x400, $0x38;
	[tilespmem:$0x6BC0] =	vst v63  }
0x2b: {  	_ =	swait.ge [sflag:s16], $0x400  }
0x2c: {  	[sflag:s16] =	ssyncset.done $0x0  }
0x2d: {  	[sflag:s16] =	ssyncadd.s32 $0xFFFFFC00  }
0x2e: {  	[spmem:s11] =	stream.linear.scatter [tilespmem:s15], [sflag:$0x1], $0x3C0, $0x38;
	[tilespmem:$0x6BC0] =	vst v63  }
0x2f: {  	_ =	swait.ge [sflag:s16], $0x3C0  }
0x30: {  	[sflag:s16] =	ssyncset.done $0x0  }
0x31: {  	[sflag:s16] =	ssyncadd.s32 $0xFFFFFC40  }
0x32: {  	[tilespmem:s17], [sflag:$0x1] =	stream.linear.gather [hbm4b:s1+s3], $0x400, $0x38;
	[tilespmem:$0x6BC0] =	vst v63  }
0x33: {  	_ =	swait.ge [sflag:s16], $0x400  }
0x34: {  	[sflag:s16] =	ssyncset.done $0x0  }
0x35: {  	[sflag:s16] =	ssyncadd.s32 $0xFFFFFC00  }
0x36: {  	[tilespmem:s3], [sflag:$0x1] =	stream.linear.gather [hbm4b:s12+s3], $0x5000, $0x38;
	[tilespmem:$0x6BC0] =	vst v63  }
0x37: {  	_ =	swait.ge [sflag:s16], $0x5000  }
0x38: {  	p0 =	sne.s32 s10, $0x1;
	[sflag:s16] =	ssyncset.done $0x0  }
.Ltmp0:
0x39: {  	[sflag:s16] =	ssyncadd.s32 $0xFFFFB000;
	(pc) =	sbr.rel @!p0 .LBB2_3-.Ltmp0, $4  }
0x3a: {  	[bflag:$0x0] =	sbarrier.arrive $0xFFFF  }
0x3b: {  	[spmem:s2] =	stream.indirect.scatter.add.f32 [tilespmem:s17], [sflag:$0x1], $0x8, s14, s18, $0xb8;
	[tilespmem:$0x6BC0] =	vst v63  }
0x3c: {  	_ =	swait.ge [sflag:s16], $0x400  }
0x3d: {  	s25 =	sadd.s32 $0xFFFFFFFF, s10;
	s26 =	smov.u32 s14;
	[sflag:s16] =	ssyncset.done $0x0  }
.LBB2_2:
0x3e: {  	p0 =	sne.s32 s25, $0x1;
	[sflag:s16] =	ssyncadd.s32 $0xFFFFFC00;
	s26 =	sadd.s32 $0x100, s26  }
.Ltmp1:
0x3f: {  	s25 =	sadd.s32 $0xFFFFFFFF, s25;
	(pc) =	sbr.rel @p0 .LBB2_2-.Ltmp1, $4  }
0x40: {  	_ = 	snop  }
0x41: {  	[spmem:s2] =	stream.indirect.scatter.add.f32 [tilespmem:s17], [sflag:$0x1], $0x8, s26, s18, $0xb8;
	[tilespmem:$0x6BC0] =	vst v63  }
0x42: {  	_ =	swait.ge [sflag:s16], $0x400  }
0x43: {  	[sflag:s16] =	ssyncset.done $0x0  }
.LBB2_3:
0x44: {  	[sflag:s16] =	ssyncadd.s32 $0xFFFFFC00  }
0x45: {  	[bflag:$0x0] =	sbarrier.arrive $0xFFFF  }
0x46: {  	[tilespmem:s15], [sflag:$0x1] =	stream.linear.gather [spmem:s6], $0x400, $0x38;
	[tilespmem:$0x6BC0] =	vst v63  }
0x47: {  	_ =	swait.ge [sflag:s16], $0x400  }
0x48: {  	[sflag:s16] =	ssyncset.done $0x0  }
0x49: {  	[sflag:s16] =	ssyncadd.s32 $0xFFFFFC00  }
0x4a: {  	[hbm4b:s19+s3] =	stream.linear.scatter [tilespmem:s15], [sflag:$0x1], $0x400, $0x38;
	[tilespmem:$0x6BC0] =	vst v63  }
0x4b: {  	_ =	swait.ge [sflag:s16], $0x400  }
0x4c: {  	[sflag:s16] =	ssyncset.done $0x0  }
0x4d: {  	[sflag:s16] =	ssyncadd.s32 $0xFFFFFC00  }
0x4e: {  	[tilespmem:s15], [sflag:$0x1] =	stream.linear.gather [spmem:s7], $0x400, $0x38;
	[tilespmem:$0x6BC0] =	vst v63  }
0x4f: {  	_ =	swait.ge [sflag:s16], $0x400  }
0x50: {  	[sflag:s16] =	ssyncset.done $0x0  }
0x51: {  	[sflag:s16] =	ssyncadd.s32 $0xFFFFFC00  }
0x52: {  	[hbm4b:s20+s3] =	stream.linear.scatter [tilespmem:s15], [sflag:$0x1], $0x400, $0x38;
	[tilespmem:$0x6BC0] =	vst v63  }
0x53: {  	_ =	swait.ge [sflag:s16], $0x400  }
0x54: {  	[sflag:s16] =	ssyncset.done $0x0  }
0x55: {  	[sflag:s16] =	ssyncadd.s32 $0xFFFFFC00  }
0x56: {  	[tilespmem:s15], [sflag:$0x1] =	stream.linear.gather [spmem:s8], $0x400, $0x38;
	[tilespmem:$0x6BC0] =	vst v63  }
0x57: {  	_ =	swait.ge [sflag:s16], $0x400  }
0x58: {  	[sflag:s16] =	ssyncset.done $0x0  }
0x59: {  	[sflag:s16] =	ssyncadd.s32 $0xFFFFFC00  }
0x5a: {  	[hbm4b:s21+s3] =	stream.linear.scatter [tilespmem:s15], [sflag:$0x1], $0x400, $0x38;
	[tilespmem:$0x6BC0] =	vst v63  }
0x5b: {  	_ =	swait.ge [sflag:s16], $0x400  }
0x5c: {  	[sflag:s16] =	ssyncset.done $0x0  }
0x5d: {  	[sflag:s16] =	ssyncadd.s32 $0xFFFFFC00  }
0x5e: {  	[tilespmem:s15], [sflag:$0x1] =	stream.linear.gather [spmem:s9], $0x400, $0x38;
	[tilespmem:$0x6BC0] =	vst v63  }
0x5f: {  	_ =	swait.ge [sflag:s16], $0x400  }
0x60: {  	[sflag:s16] =	ssyncset.done $0x0  }
0x61: {  	[sflag:s16] =	ssyncadd.s32 $0xFFFFFC00  }
0x62: {  	[hbm4b:s22+s3] =	stream.linear.scatter [tilespmem:s15], [sflag:$0x1], $0x400, $0x38;
	[tilespmem:$0x6BC0] =	vst v63  }
0x63: {  	_ =	swait.ge [sflag:s16], $0x400  }
0x64: {  	[sflag:s16] =	ssyncset.done $0x0  }
0x65: {  	[sflag:s16] =	ssyncadd.s32 $0xFFFFFC00  }
0x66: {  	[tilespmem:s15], [sflag:$0x1] =	stream.linear.gather [spmem:s11], $0x3C0, $0x38;
	[tilespmem:$0x6BC0] =	vst v63  }
0x67: {  	s24 =	sadd.s32 $0x1, s24;
	_ =	swait.ge [sflag:s16], $0x3C0  }
0x68: {  	p0 =	sne.s32 s24, s13;
	[sflag:s16] =	ssyncset.done $0x0  }
.Ltmp2:
0x69: {  	[sflag:s16] =	ssyncadd.s32 $0xFFFFFC40;
	(pc) =	sbr.rel @p0 .LBB2_1-.Ltmp2, $4  }
0x6a: {  	[hbm4b:s23+s3] =	stream.linear.scatter [tilespmem:s15], [sflag:$0x1], $0x3C0, $0x38;
	[tilespmem:$0x6BC0] =	vst v63  }
0x6b: {  	_ =	swait.ge [sflag:s16], $0x3C0  }
0x6c: {  	[sflag:s16] =	ssyncset.done $0x0  }
0x6d: {  	[sflag:s16] =	ssyncadd.s32 $0xFFFFFC40  }
0x6e: {  	_ =	sfence.sel $0x180000  }
0x6f: {  	[bflag:$0x0] =	sbarrier.arrive $0xFFFF  }
0x70: {  	p0 =	sne.s32 s4, $0x0;
	_ =	strace $0x90000047  }
0x71: {  	s0 =	sadd.s32 @!p0 $0x100000, s0;
	[bflag:$0x2] =	sbarrier.arrive $0xFFFF  }
0x72: {  	[sflag:s0] =	ssyncadd.tile.s32 @!p0 $0x1;
	_ =	shalt  }
.Lfunc_end2:
_tile_overlayer_lowered:
.L_overlay_start_2:
0x73: {  	(tag) =	ssettag $0x2  }
0x74: {  	s0 =	rddreg [dreg:$0x0];
	s2 =	stileid.u32  }
0x75: {  	s1 =	rddreg [dreg:$0x1];
	p0 =	sne.s32 s2, $0x0  }
0x76: {  	s3 =	rddreg [dreg:$0x2];
	[bflag:$0x3] =	sbarrier.arrive $0xFFFF;
	s2 =	simm.s32 @!p0 $0x1C01  }
0x77: {  	[timem:s3], [sflag:s2] =	dma.local @!p0 [hbm:s0], s1  }
0x78: {  	s0 =	simm.s32 @!p0 $0x1  }
0x79: {  	_ =	swait.ge @!p0 [sflag:s0], s1  }
0x7a: {  	s1 =	ssub.s32 @!p0 $0x0, s1;
	[sflag:s0] =	ssyncset.done @!p0 $0x0  }
0x7b: {  	[sflag:s0] =	ssyncadd.s32 @!p0 s1  }
0x7c: {  	[bflag:$0x3] =	sbarrier.arrive $0xFFFF  }
0x7d: {  	_ =	shalt  }

</sc_bundles>
